<compile_context>
chip_gen: v7x
topology: tpu7x:2x2x1
jax: 0.10.2.dev20260603
libtpu: 0.0.44.dev20260713+nightly
codegen_flags: <defaults>
</compile_context>

<pallas_src>
import jax
import jax.numpy as jnp
from jax import lax
from jax.experimental import pallas as pl
from jax.experimental.pallas import tpu as pltpu
from jax.experimental.pallas import tpu_sc as plsc

N = 10000
NPAD = 10240
E = 160000
D = 256
H = 128
NS = 16
RPT = NPAD // NS
EPT = E // NS
B = 40
NB = EPT // B
NBUF = 5
CSPLIT = 125


def _agg_body(x0_hbm, x1_hbm, src_hbm, dst_hbm,
              s0_hbm, s1_hbm, cnt0_hbm, cnt1_hbm,
              srcs_v, dstr_v, rows_v, ones_v, zc_v,
              acc_sh, cnt_sh, semg, sems, semc, semd):
    c = lax.axis_index("c")
    s = lax.axis_index("s")
    row0 = s * RPT

    zeros16 = jnp.zeros((16,), jnp.float32)
    ones16 = jnp.ones((16,), jnp.float32)

    ones_v[pl.ds(0, 16)] = ones16
    ones_v[pl.ds(16, 16)] = ones16
    ones_v[pl.ds(B - 16, 16)] = ones16

    def fill_zc(i, _):
        zc_v[pl.ds(i * 16, 16)] = zeros16
        return 0
    lax.fori_loop(0, RPT // 16, fill_zc, 0)

    def fill_zb(i, _):
        for k in range(H // 16):
            rows_v[0, i, pl.ds(k * 16, 16)] = zeros16
        return 0
    lax.fori_loop(0, B, fill_zb, 0)

    for j in range(RPT // B):
        pltpu.sync_copy(rows_v.at[0], acc_sh.at[pl.ds(row0 + j * B, B)])

    pltpu.sync_copy(src_hbm.at[s], srcs_v)
    pltpu.sync_copy(zc_v, cnt_sh.at[pl.ds(row0, RPT)])

    plsc.subcore_barrier()

    def edge_loop(x_hbm, lo, hi):
        def fire(g, b):
            pltpu.async_copy(x_hbm.at[srcs_v.at[pl.ds(g * B, B)]],
                             rows_v.at[b], semg.at[b])
            pltpu.async_copy(dst_hbm.at[s, g], dstr_v.at[b], semd.at[b])

        def step(g, b):
            pltpu.make_async_copy(x_hbm.at[pl.ds(0, B)], rows_v.at[b],
                                  semg.at[b]).wait()
            pltpu.make_async_copy(dst_hbm.at[s, 0], dstr_v.at[b],
                                  semd.at[b]).wait()
            pltpu.async_copy(rows_v.at[b], acc_sh.at[dstr_v.at[b]],
                             sems.at[b], add=True)
            counts_on = jnp.logical_and(g >= lo, g < hi)

            @pl.when(counts_on)
            def _():
                pltpu.async_copy(ones_v, cnt_sh.at[dstr_v.at[b]],
                                 semc.at[b], add=True)

            pltpu.make_async_copy(rows_v.at[b], acc_sh.at[dstr_v.at[b]],
                                  sems.at[b]).wait()

            @pl.when(counts_on)
            def _():
                pltpu.make_async_copy(ones_v, cnt_sh.at[dstr_v.at[b]],
                                      semc.at[b]).wait()

            @pl.when(g + NBUF < NB)
            def _():
                fire(g + NBUF, b)

        for b in range(NBUF):
            fire(b, b)

        def outer(i, _):
            for b in range(NBUF):
                step(i * NBUF + b, b)
            return 0
        lax.fori_loop(0, NB // NBUF, outer, 0)

        for k in range(NB - (NB // NBUF) * NBUF):
            g = (NB // NBUF) * NBUF + k
            step(g, g % NBUF)

    @pl.when(c == 0)
    def _():
        edge_loop(x0_hbm, 0, CSPLIT)

    @pl.when(c == 1)
    def _():
        edge_loop(x1_hbm, CSPLIT, NB)

    plsc.subcore_barrier()

    @pl.when(c == 0)
    def _():
        pltpu.sync_copy(acc_sh.at[pl.ds(row0, RPT)],
                        s0_hbm.at[pl.ds(row0, RPT)])
        pltpu.sync_copy(cnt_sh.at[pl.ds(row0, RPT)],
                        cnt0_hbm.at[pl.ds(row0, RPT)])

    @pl.when(c == 1)
    def _():
        pltpu.sync_copy(acc_sh.at[pl.ds(row0, RPT)],
                        s1_hbm.at[pl.ds(row0, RPT)])
        pltpu.sync_copy(cnt_sh.at[pl.ds(row0, RPT)],
                        cnt1_hbm.at[pl.ds(row0, RPT)])


_aggregate = pl.kernel(
    _agg_body,
    mesh=plsc.VectorSubcoreMesh(core_axis_name="c", subcore_axis_name="s"),
    out_type=[
        jax.ShapeDtypeStruct((NPAD, H), jnp.float32),
        jax.ShapeDtypeStruct((NPAD, H), jnp.float32),
        jax.ShapeDtypeStruct((NPAD,), jnp.float32),
        jax.ShapeDtypeStruct((NPAD,), jnp.float32),
    ],
    scratch_types=[
        pltpu.VMEM((EPT,), jnp.int32),
        pltpu.VMEM((NBUF, B), jnp.int32),
        pltpu.VMEM((NBUF, B, H), jnp.float32),
        pltpu.VMEM((B,), jnp.float32),
        pltpu.VMEM((RPT,), jnp.float32),
        pltpu.VMEM_SHARED((NPAD, H), jnp.float32),
        pltpu.VMEM_SHARED((NPAD,), jnp.float32),
        pltpu.SemaphoreType.DMA((NBUF,)),
        pltpu.SemaphoreType.DMA((NBUF,)),
        pltpu.SemaphoreType.DMA((NBUF,)),
        pltpu.SemaphoreType.DMA((NBUF,)),
    ],
)


BR = 1000


def _lin_body(x_ref, s0_ref, s1_ref, cnt0_ref, cnt1_ref,
              wl0_ref, wl1_ref, wr_ref, b_ref, out_ref):
    cnt = cnt0_ref[...] + cnt1_ref[...]
    r = 1.0 / jnp.maximum(cnt, 1.0)
    m0 = s0_ref[...] * r
    m1 = s1_ref[...] * r
    acc = jnp.dot(m0, wl0_ref[...], preferred_element_type=jnp.float32)
    acc = acc + jnp.dot(m1, wl1_ref[...], preferred_element_type=jnp.float32)
    acc = acc + jnp.dot(x_ref[...], wr_ref[...],
                        preferred_element_type=jnp.float32)
    out_ref[...] = acc + b_ref[...]


_linear = pl.pallas_call(
    _lin_body,
    grid=(N // BR,),
    in_specs=[
        pl.BlockSpec((BR, D), lambda i: (i, 0)),
        pl.BlockSpec((BR, H), lambda i: (i, 0)),
        pl.BlockSpec((BR, H), lambda i: (i, 0)),
        pl.BlockSpec((BR, 1), lambda i: (i, 0)),
        pl.BlockSpec((BR, 1), lambda i: (i, 0)),
        pl.BlockSpec((H, D), lambda i: (0, 0)),
        pl.BlockSpec((H, D), lambda i: (0, 0)),
        pl.BlockSpec((D, D), lambda i: (0, 0)),
        pl.BlockSpec((1, D), lambda i: (0, 0)),
    ],
    out_specs=pl.BlockSpec((BR, D), lambda i: (i, 0)),
    out_shape=jax.ShapeDtypeStruct((N, D), jnp.float32),
)


def kernel(x, W_l, b_l, W_r, edge_index, size):
    x0 = x[:, :H]
    x1 = x[:, H:]
    src = edge_index[0].reshape(NS, EPT)
    dst = edge_index[1].reshape(NS, NB, B)
    s0, s1, cnt0, cnt1 = _aggregate(x0, x1, src, dst)
    wl0 = W_l[:, :H].T
    wl1 = W_l[:, H:].T
    return _linear(x, s0, s1, cnt0.reshape(NPAD, 1), cnt1.reshape(NPAD, 1),
                   wl0, wl1, W_r.T, b_l.reshape(1, D))

# --- scband reference (transcript-rebuilt; emitter-appended) ---
"""Pipeline reference for scband-na-aggregator2-44667659878592 (READ-ONLY COPY).

The authoritative reference and input builder live on the scoring server;
editing this copy changes nothing except your own understanding.
"""

import jax, jax.numpy as jnp
import numpy as np

N, E, D = 10000, 160000, 256

def setup_inputs(seed: int = 0) -> dict:
    key = jax.random.key(seed)
    k1, k2, k3, k4 = jax.random.split(key, 4)
    x = jax.random.normal(k1, (N, D), dtype=jnp.float32)
    edge_index = jax.random.randint(k2, (2, E), 0, N, dtype=jnp.int32)
    W_l = jax.random.normal(k3, (D, D), dtype=jnp.float32) * 0.05
    b_l = jnp.zeros((D,), dtype=jnp.float32)
    W_r = jax.random.normal(k4, (D, D), dtype=jnp.float32) * 0.05
    return {"x": x, "W_l": W_l, "b_l": b_l, "W_r": W_r, "edge_index": edge_index, "size": N}

def reference(x, W_l, b_l, W_r, edge_index, size):
    # NaAggregator2 with aggregator='sage' -> PyG SAGEConv (mean aggregation):
    # out = lin_l(mean_{j in N(i)} x_j) + lin_r(x_i)
    src = edge_index[0]
    dst = edge_index[1]
    num_segments = x.shape[0]
    msgs = jnp.take(x, src, axis=0)                      # gather source node features [E, D]
    summed = jax.ops.segment_sum(msgs, dst, num_segments=num_segments)   # scatter-add by dst [N, D]
    ones = jnp.ones((msgs.shape[0],), dtype=x.dtype)
    counts = jax.ops.segment_sum(ones, dst, num_segments=num_segments)   # in-degree [N]
    mean = summed / jnp.clip(counts, 1.0, None)[:, None]
    out = mean @ W_l.T + b_l + x @ W_r.T
    out = out + jnp.zeros((), dtype=x.dtype) * size
    return out

if __name__ == "__main__":
    import jax
    _d = setup_inputs()
    print(jax.jit(kernel)(*tuple(_d.values())))

</pallas_src>

<mosaic_0001>
#map = affine_map<(d0, d1) -> (0, 0)>
#map1 = affine_map<(d0, d1) -> (0, 0, 0)>
#map2 = affine_map<(d0, d1) -> (0)>
module attributes {stable_mosaic.version = 14 : i64} {
  func.func @_agg_body(%arg0: i32, %arg1: i32, %arg2: memref<10000x128xf32, #tpu.memory_space<hbm>>, %arg3: memref<10000x128xf32, #tpu.memory_space<hbm>>, %arg4: memref<16x10000xi32, #tpu.memory_space<hbm>>, %arg5: memref<16x250x40xi32, #tpu.memory_space<hbm>>, %arg6: memref<10240x128xf32, #tpu.memory_space<hbm>>, %arg7: memref<10240x128xf32, #tpu.memory_space<hbm>>, %arg8: memref<10240xf32, #tpu.memory_space<hbm>>, %arg9: memref<10240xf32, #tpu.memory_space<hbm>>, %arg10: memref<10000xi32, #tpu.memory_space<vmem>>, %arg11: memref<5x40xi32, #tpu.memory_space<vmem>>, %arg12: memref<5x40x128xf32, #tpu.memory_space<vmem>>, %arg13: memref<40xf32, #tpu.memory_space<vmem>>, %arg14: memref<640xf32, #tpu.memory_space<vmem>>, %arg15: memref<10240x128xf32, #tpu.memory_space<vmem_shared>>, %arg16: memref<10240xf32, #tpu.memory_space<vmem_shared>>, %arg17: memref<5x!tpu.dma_semaphore, #tpu.memory_space<semaphore_mem>>, %arg18: memref<5x!tpu.dma_semaphore, #tpu.memory_space<semaphore_mem>>, %arg19: memref<5x!tpu.dma_semaphore, #tpu.memory_space<semaphore_mem>>, %arg20: memref<5x!tpu.dma_semaphore, #tpu.memory_space<semaphore_mem>>) attributes {dimension_semantics = [#tpu.dimension_semantics<core_parallel>, #tpu.dimension_semantics<subcore_parallel>], iteration_bounds = array<i64: 2, 16>, scalar_prefetch = 0 : i64, scratch_operands = 11 : i64, tpu.core_type = #tpu.core_type<sc_vector_subcore>, window_params = [{transform_indices = #map}, {transform_indices = #map}, {transform_indices = #map}, {transform_indices = #map1}, {transform_indices = #map}, {transform_indices = #map}, {transform_indices = #map2}, {transform_indices = #map2}]} {
    %mul3A = arith.constant 640 : i32
    %mul3A_0 = arith.muli %arg1, %mul3A : i32
    %broadcast_in_dim3A = arith.constant 0.000000e+00 : f32
    %broadcast_in_dim3A_1 = vector.broadcast %broadcast_in_dim3A : f32 to vector<16xf32>
    %broadcast_in_dim3A_2 = arith.constant 1.000000e+00 : f32
    %broadcast_in_dim3A_3 = vector.broadcast %broadcast_in_dim3A_2 : f32 to vector<16xf32>
    %swap3A = arith.constant 0 : index
    %swap3A_4 = tpu.vector_load %arg13[%swap3A] {strides = array<i32>} : memref<40xf32, #tpu.memory_space<vmem>>, vector<16xf32>,
    %swap3A_5 = vector.shape_cast %swap3A_4 : vector<16xf32> to vector<16xf32>
    %swap3A_6 = vector.shape_cast %broadcast_in_dim3A_3 : vector<16xf32> to vector<16xf32>
    tpu.vector_store %arg13[%swap3A], %swap3A_6 {strides = array<i32>} : memref<40xf32, #tpu.memory_space<vmem>>, vector<16xf32>,
    %swap3A_7 = arith.constant 16 : index
    %swap3A_8 = tpu.vector_load %arg13[%swap3A_7] {strides = array<i32>} : memref<40xf32, #tpu.memory_space<vmem>>, vector<16xf32>,
    %swap3A_9 = vector.shape_cast %swap3A_8 : vector<16xf32> to vector<16xf32>
    %swap3A_10 = vector.shape_cast %broadcast_in_dim3A_3 : vector<16xf32> to vector<16xf32>
    tpu.vector_store %arg13[%swap3A_7], %swap3A_10 {strides = array<i32>} : memref<40xf32, #tpu.memory_space<vmem>>, vector<16xf32>,
    %swap3A_11 = arith.constant 24 : index
    %swap3A_12 = tpu.vector_load %arg13[%swap3A_11] {strides = array<i32>} : memref<40xf32, #tpu.memory_space<vmem>>, vector<16xf32>,
    %swap3A_13 = vector.shape_cast %swap3A_12 : vector<16xf32> to vector<16xf32>
    %swap3A_14 = vector.shape_cast %broadcast_in_dim3A_3 : vector<16xf32> to vector<16xf32>
    tpu.vector_store %arg13[%swap3A_11], %swap3A_14 {strides = array<i32>} : memref<40xf32, #tpu.memory_space<vmem>>, vector<16xf32>,
    %scan3A = arith.constant 0 : i32
    %scan3A_15 = arith.constant 0 : i32
    %scan3A_16 = arith.constant 40 : i32
    %scan3A_17 = arith.addi %scan3A_15, %scan3A_16 : i32
    %scan3A_18 = arith.constant 1 : i32
    %scan3A_19 = scf.for %scan3A_92 = %scan3A_15 to %scan3A_17 step %scan3A_18 iter_args(%scan3A_93 = %scan3A) -> (i32)  : i32 {
      %mul3A_94 = arith.constant 16 : i32
      %mul3A_95 = arith.muli %scan3A_92, %mul3A_94 : i32
      %swap3A_96 = arith.index_cast %mul3A_95 : i32 to index
      %swap3A_97 = tpu.vector_load %arg14[%swap3A_96] {strides = array<i32>} : memref<640xf32, #tpu.memory_space<vmem>>, vector<16xf32>,
      %swap3A_98 = vector.shape_cast %swap3A_97 : vector<16xf32> to vector<16xf32>
      %swap3A_99 = vector.shape_cast %broadcast_in_dim3A_1 : vector<16xf32> to vector<16xf32>
      tpu.vector_store %arg14[%swap3A_96], %swap3A_99 {strides = array<i32>} : memref<640xf32, #tpu.memory_space<vmem>>, vector<16xf32>,
      %scan3A_100 = arith.constant 0 : i32
      scf.yield %scan3A_100 : i32
    }
    %scan3A_20 = arith.constant 40 : i32
    %scan3A_21 = arith.constant 0 : i32
    %scan3A_22 = arith.constant 0 : i32
    %scan3A_23 = arith.constant 40 : i32
    %scan3A_24 = arith.addi %scan3A_22, %scan3A_23 : i32
    %scan3A_25 = arith.constant 1 : i32
    %scan3A_26 = scf.for %scan3A_92 = %scan3A_22 to %scan3A_24 step %scan3A_25 iter_args(%scan3A_93 = %scan3A_21) -> (i32)  : i32 {
      %swap3A_94 = arith.constant 0 : i32
      %swap3A_95 = arith.index_cast %swap3A_94 : i32 to index
      %swap3A_96 = arith.index_cast %scan3A_92 : i32 to index
      %swap3A_97 = arith.constant 0 : index
      %swap3A_98 = tpu.vector_load %arg12[%swap3A_95, %swap3A_96, %swap3A_97] {strides = array<i32>} : memref<5x40x128xf32, #tpu.memory_space<vmem>>, vector<1x1x16xf32>,
      %swap3A_99 = vector.shape_cast %swap3A_98 : vector<1x1x16xf32> to vector<16xf32>
      %swap3A_100 = vector.shape_cast %broadcast_in_dim3A_1 : vector<16xf32> to vector<1x1x16xf32>
      tpu.vector_store %arg12[%swap3A_95, %swap3A_96, %swap3A_97], %swap3A_100 {strides = array<i32>} : memref<5x40x128xf32, #tpu.memory_space<vmem>>, vector<1x1x16xf32>,
      %swap3A_101 = arith.constant 0 : i32
      %swap3A_102 = arith.index_cast %swap3A_101 : i32 to index
      %swap3A_103 = arith.index_cast %scan3A_92 : i32 to index
      %swap3A_104 = arith.constant 16 : index
      %swap3A_105 = tpu.vector_load %arg12[%swap3A_102, %swap3A_103, %swap3A_104] {strides = array<i32>} : memref<5x40x128xf32, #tpu.memory_space<vmem>>, vector<1x1x16xf32>,
      %swap3A_106 = vector.shape_cast %swap3A_105 : vector<1x1x16xf32> to vector<16xf32>
      %swap3A_107 = vector.shape_cast %broadcast_in_dim3A_1 : vector<16xf32> to vector<1x1x16xf32>
      tpu.vector_store %arg12[%swap3A_102, %swap3A_103, %swap3A_104], %swap3A_107 {strides = array<i32>} : memref<5x40x128xf32, #tpu.memory_space<vmem>>, vector<1x1x16xf32>,
      %swap3A_108 = arith.constant 0 : i32
      %swap3A_109 = arith.index_cast %swap3A_108 : i32 to index
      %swap3A_110 = arith.index_cast %scan3A_92 : i32 to index
      %swap3A_111 = arith.constant 32 : index
      %swap3A_112 = tpu.vector_load %arg12[%swap3A_109, %swap3A_110, %swap3A_111] {strides = array<i32>} : memref<5x40x128xf32, #tpu.memory_space<vmem>>, vector<1x1x16xf32>,
      %swap3A_113 = vector.shape_cast %swap3A_112 : vector<1x1x16xf32> to vector<16xf32>
      %swap3A_114 = vector.shape_cast %broadcast_in_dim3A_1 : vector<16xf32> to vector<1x1x16xf32>
      tpu.vector_store %arg12[%swap3A_109, %swap3A_110, %swap3A_111], %swap3A_114 {strides = array<i32>} : memref<5x40x128xf32, #tpu.memory_space<vmem>>, vector<1x1x16xf32>,
      %swap3A_115 = arith.constant 0 : i32
      %swap3A_116 = arith.index_cast %swap3A_115 : i32 to index
      %swap3A_117 = arith.index_cast %scan3A_92 : i32 to index
      %swap3A_118 = arith.constant 48 : index
      %swap3A_119 = tpu.vector_load %arg12[%swap3A_116, %swap3A_117, %swap3A_118] {strides = array<i32>} : memref<5x40x128xf32, #tpu.memory_space<vmem>>, vector<1x1x16xf32>,
      %swap3A_120 = vector.shape_cast %swap3A_119 : vector<1x1x16xf32> to vector<16xf32>
      %swap3A_121 = vector.shape_cast %broadcast_in_dim3A_1 : vector<16xf32> to vector<1x1x16xf32>
      tpu.vector_store %arg12[%swap3A_116, %swap3A_117, %swap3A_118], %swap3A_121 {strides = array<i32>} : memref<5x40x128xf32, #tpu.memory_space<vmem>>, vector<1x1x16xf32>,
      %swap3A_122 = arith.constant 0 : i32
      %swap3A_123 = arith.index_cast %swap3A_122 : i32 to index
      %swap3A_124 = arith.index_cast %scan3A_92 : i32 to index
      %swap3A_125 = arith.constant 64 : index
      %swap3A_126 = tpu.vector_load %arg12[%swap3A_123, %swap3A_124, %swap3A_125] {strides = array<i32>} : memref<5x40x128xf32, #tpu.memory_space<vmem>>, vector<1x1x16xf32>,
      %swap3A_127 = vector.shape_cast %swap3A_126 : vector<1x1x16xf32> to vector<16xf32>
      %swap3A_128 = vector.shape_cast %broadcast_in_dim3A_1 : vector<16xf32> to vector<1x1x16xf32>
      tpu.vector_store %arg12[%swap3A_123, %swap3A_124, %swap3A_125], %swap3A_128 {strides = array<i32>} : memref<5x40x128xf32, #tpu.memory_space<vmem>>, vector<1x1x16xf32>,
      %swap3A_129 = arith.constant 0 : i32
      %swap3A_130 = arith.index_cast %swap3A_129 : i32 to index
      %swap3A_131 = arith.index_cast %scan3A_92 : i32 to index
      %swap3A_132 = arith.constant 80 : index
      %swap3A_133 = tpu.vector_load %arg12[%swap3A_130, %swap3A_131, %swap3A_132] {strides = array<i32>} : memref<5x40x128xf32, #tpu.memory_space<vmem>>, vector<1x1x16xf32>,
      %swap3A_134 = vector.shape_cast %swap3A_133 : vector<1x1x16xf32> to vector<16xf32>
      %swap3A_135 = vector.shape_cast %broadcast_in_dim3A_1 : vector<16xf32> to vector<1x1x16xf32>
      tpu.vector_store %arg12[%swap3A_130, %swap3A_131, %swap3A_132], %swap3A_135 {strides = array<i32>} : memref<5x40x128xf32, #tpu.memory_space<vmem>>, vector<1x1x16xf32>,
      %swap3A_136 = arith.constant 0 : i32
      %swap3A_137 = arith.index_cast %swap3A_136 : i32 to index
      %swap3A_138 = arith.index_cast %scan3A_92 : i32 to index
      %swap3A_139 = arith.constant 96 : index
      %swap3A_140 = tpu.vector_load %arg12[%swap3A_137, %swap3A_138, %swap3A_139] {strides = array<i32>} : memref<5x40x128xf32, #tpu.memory_space<vmem>>, vector<1x1x16xf32>,
      %swap3A_141 = vector.shape_cast %swap3A_140 : vector<1x1x16xf32> to vector<16xf32>
      %swap3A_142 = vector.shape_cast %broadcast_in_dim3A_1 : vector<16xf32> to vector<1x1x16xf32>
      tpu.vector_store %arg12[%swap3A_137, %swap3A_138, %swap3A_139], %swap3A_142 {strides = array<i32>} : memref<5x40x128xf32, #tpu.memory_space<vmem>>, vector<1x1x16xf32>,
      %swap3A_143 = arith.constant 0 : i32
      %swap3A_144 = arith.index_cast %swap3A_143 : i32 to index
      %swap3A_145 = arith.index_cast %scan3A_92 : i32 to index
      %swap3A_146 = arith.constant 112 : index
      %swap3A_147 = tpu.vector_load %arg12[%swap3A_144, %swap3A_145, %swap3A_146] {strides = array<i32>} : memref<5x40x128xf32, #tpu.memory_space<vmem>>, vector<1x1x16xf32>,
      %swap3A_148 = vector.shape_cast %swap3A_147 : vector<1x1x16xf32> to vector<16xf32>
      %swap3A_149 = vector.shape_cast %broadcast_in_dim3A_1 : vector<16xf32> to vector<1x1x16xf32>
      tpu.vector_store %arg12[%swap3A_144, %swap3A_145, %swap3A_146], %swap3A_149 {strides = array<i32>} : memref<5x40x128xf32, #tpu.memory_space<vmem>>, vector<1x1x16xf32>,
      %scan3A_150 = arith.constant 0 : i32
      scf.yield %scan3A_150 : i32
    }
    %scan3A_27 = arith.constant 40 : i32
    %add3A = arith.constant 0 : i32
    %add3A_28 = arith.addi %mul3A_0, %add3A : i32
    %run_scoped3A = arith.constant 0 : i32
    "tpu.region"() ({
      %run_scoped3A_92 = tpu.sem_alloc : memref<!tpu.dma_semaphore, #tpu.memory_space<semaphore_mem>>
      %dma_start3A = arith.constant 0 : i32
      %dma_start3A_93 = arith.constant 0 : i32
      %dma_start3A_94 = tpu.memref_slice %arg12[%run_scoped3A, %dma_start3A, %dma_start3A_93] : memref<5x40x128xf32, #tpu.memory_space<vmem>> -> memref<1x40x128xf32, #tpu.memory_space<vmem>>
      %dma_start3A_95 = tpu.memref_squeeze %dma_start3A_94 : memref<1x40x128xf32, #tpu.memory_space<vmem>> -> memref<40x128xf32, #tpu.memory_space<vmem>>
      %dma_start3A_96 = arith.constant 0 : i32
      %dma_start3A_97 = tpu.memref_slice %arg15[%add3A_28, %dma_start3A_96] : memref<10240x128xf32, #tpu.memory_space<vmem_shared>> -> memref<40x128xf32, #tpu.memory_space<vmem_shared>>
      %dma_start3A_98 = arith.constant 0 : i32
      %dma_start3A_99 = tpu.memref_slice %arg15[%add3A_28, %dma_start3A_98] : memref<10240x128xf32, #tpu.memory_space<vmem_shared>> -> memref<40x128xf32, #tpu.memory_space<vmem_shared>>
      %dma_start3A_100 = arith.constant 0 : i32
      %dma_start3A_101 = arith.constant 0 : i32
      %dma_start3A_102 = tpu.memref_slice %arg12[%run_scoped3A, %dma_start3A_100, %dma_start3A_101] : memref<5x40x128xf32, #tpu.memory_space<vmem>> -> memref<1x40x128xf32, #tpu.memory_space<vmem>>
      %dma_start3A_103 = tpu.memref_squeeze %dma_start3A_102 : memref<1x40x128xf32, #tpu.memory_space<vmem>> -> memref<40x128xf32, #tpu.memory_space<vmem>>
      tpu.enqueue_dma source(%dma_start3A_103 : memref<40x128xf32, #tpu.memory_space<vmem>>) target(%dma_start3A_99 : memref<40x128xf32, #tpu.memory_space<vmem_shared>>) target_semaphore(%run_scoped3A_92 : memref<!tpu.dma_semaphore, #tpu.memory_space<semaphore_mem>>)
      %dma_wait3A = arith.constant 0 : i32
      %dma_wait3A_104 = arith.constant 0 : i32
      %dma_wait3A_105 = tpu.memref_slice %arg12[%run_scoped3A, %dma_wait3A, %dma_wait3A_104] : memref<5x40x128xf32, #tpu.memory_space<vmem>> -> memref<1x40x128xf32, #tpu.memory_space<vmem>>
      %dma_wait3A_106 = tpu.memref_squeeze %dma_wait3A_105 : memref<1x40x128xf32, #tpu.memory_space<vmem>> -> memref<40x128xf32, #tpu.memory_space<vmem>>
      %dma_wait3A_107 = arith.constant 0 : i32
      %dma_wait3A_108 = tpu.memref_slice %arg15[%add3A_28, %dma_wait3A_107] : memref<10240x128xf32, #tpu.memory_space<vmem_shared>> -> memref<40x128xf32, #tpu.memory_space<vmem_shared>>
      %dma_wait3A_109 = arith.constant 0 : i32
      %dma_wait3A_110 = tpu.memref_slice %arg15[%add3A_28, %dma_wait3A_109] : memref<10240x128xf32, #tpu.memory_space<vmem_shared>> -> memref<40x128xf32, #tpu.memory_space<vmem_shared>>
      %dma_wait3A_111 = arith.constant 0 : i32
      %dma_wait3A_112 = arith.constant 0 : i32
      %dma_wait3A_113 = tpu.memref_slice %arg12[%run_scoped3A, %dma_wait3A_111, %dma_wait3A_112] : memref<5x40x128xf32, #tpu.memory_space<vmem>> -> memref<1x40x128xf32, #tpu.memory_space<vmem>>
      %dma_wait3A_114 = tpu.memref_squeeze %dma_wait3A_113 : memref<1x40x128xf32, #tpu.memory_space<vmem>> -> memref<40x128xf32, #tpu.memory_space<vmem>>
      tpu.wait_dma2 semaphore(%run_scoped3A_92 : memref<!tpu.dma_semaphore, #tpu.memory_space<semaphore_mem>>) src(%dma_wait3A_114 : memref<40x128xf32, #tpu.memory_space<vmem>>) dst(%dma_wait3A_110 : memref<40x128xf32, #tpu.memory_space<vmem_shared>>)
      tpu.yield
    }) : () -> ()
    %add3A_29 = arith.constant 40 : i32
    %add3A_30 = arith.addi %mul3A_0, %add3A_29 : i32
    %run_scoped3A_31 = arith.constant 0 : i32
    "tpu.region"() ({
      %run_scoped3A_92 = tpu.sem_alloc : memref<!tpu.dma_semaphore, #tpu.memory_space<semaphore_mem>>
      %dma_start3A = arith.constant 0 : i32
      %dma_start3A_93 = arith.constant 0 : i32
      %dma_start3A_94 = tpu.memref_slice %arg12[%run_scoped3A_31, %dma_start3A, %dma_start3A_93] : memref<5x40x128xf32, #tpu.memory_space<vmem>> -> memref<1x40x128xf32, #tpu.memory_space<vmem>>
      %dma_start3A_95 = tpu.memref_squeeze %dma_start3A_94 : memref<1x40x128xf32, #tpu.memory_space<vmem>> -> memref<40x128xf32, #tpu.memory_space<vmem>>
      %dma_start3A_96 = arith.constant 0 : i32
      %dma_start3A_97 = tpu.memref_slice %arg15[%add3A_30, %dma_start3A_96] : memref<10240x128xf32, #tpu.memory_space<vmem_shared>> -> memref<40x128xf32, #tpu.memory_space<vmem_shared>>
      %dma_start3A_98 = arith.constant 0 : i32
      %dma_start3A_99 = tpu.memref_slice %arg15[%add3A_30, %dma_start3A_98] : memref<10240x128xf32, #tpu.memory_space<vmem_shared>> -> memref<40x128xf32, #tpu.memory_space<vmem_shared>>
      %dma_start3A_100 = arith.constant 0 : i32
      %dma_start3A_101 = arith.constant 0 : i32
      %dma_start3A_102 = tpu.memref_slice %arg12[%run_scoped3A_31, %dma_start3A_100, %dma_start3A_101] : memref<5x40x128xf32, #tpu.memory_space<vmem>> -> memref<1x40x128xf32, #tpu.memory_space<vmem>>
      %dma_start3A_103 = tpu.memref_squeeze %dma_start3A_102 : memref<1x40x128xf32, #tpu.memory_space<vmem>> -> memref<40x128xf32, #tpu.memory_space<vmem>>
      tpu.enqueue_dma source(%dma_start3A_103 : memref<40x128xf32, #tpu.memory_space<vmem>>) target(%dma_start3A_99 : memref<40x128xf32, #tpu.memory_space<vmem_shared>>) target_semaphore(%run_scoped3A_92 : memref<!tpu.dma_semaphore, #tpu.memory_space<semaphore_mem>>)
      %dma_wait3A = arith.constant 0 : i32
      %dma_wait3A_104 = arith.constant 0 : i32
      %dma_wait3A_105 = tpu.memref_slice %arg12[%run_scoped3A_31, %dma_wait3A, %dma_wait3A_104] : memref<5x40x128xf32, #tpu.memory_space<vmem>> -> memref<1x40x128xf32, #tpu.memory_space<vmem>>
      %dma_wait3A_106 = tpu.memref_squeeze %dma_wait3A_105 : memref<1x40x128xf32, #tpu.memory_space<vmem>> -> memref<40x128xf32, #tpu.memory_space<vmem>>
      %dma_wait3A_107 = arith.constant 0 : i32
      %dma_wait3A_108 = tpu.memref_slice %arg15[%add3A_30, %dma_wait3A_107] : memref<10240x128xf32, #tpu.memory_space<vmem_shared>> -> memref<40x128xf32, #tpu.memory_space<vmem_shared>>
      %dma_wait3A_109 = arith.constant 0 : i32
      %dma_wait3A_110 = tpu.memref_slice %arg15[%add3A_30, %dma_wait3A_109] : memref<10240x128xf32, #tpu.memory_space<vmem_shared>> -> memref<40x128xf32, #tpu.memory_space<vmem_shared>>
      %dma_wait3A_111 = arith.constant 0 : i32
      %dma_wait3A_112 = arith.constant 0 : i32
      %dma_wait3A_113 = tpu.memref_slice %arg12[%run_scoped3A_31, %dma_wait3A_111, %dma_wait3A_112] : memref<5x40x128xf32, #tpu.memory_space<vmem>> -> memref<1x40x128xf32, #tpu.memory_space<vmem>>
      %dma_wait3A_114 = tpu.memref_squeeze %dma_wait3A_113 : memref<1x40x128xf32, #tpu.memory_space<vmem>> -> memref<40x128xf32, #tpu.memory_space<vmem>>
      tpu.wait_dma2 semaphore(%run_scoped3A_92 : memref<!tpu.dma_semaphore, #tpu.memory_space<semaphore_mem>>) src(%dma_wait3A_114 : memref<40x128xf32, #tpu.memory_space<vmem>>) dst(%dma_wait3A_110 : memref<40x128xf32, #tpu.memory_space<vmem_shared>>)
      tpu.yield
    }) : () -> ()
    %add3A_32 = arith.constant 80 : i32
    %add3A_33 = arith.addi %mul3A_0, %add3A_32 : i32
    %run_scoped3A_34 = arith.constant 0 : i32
    "tpu.region"() ({
      %run_scoped3A_92 = tpu.sem_alloc : memref<!tpu.dma_semaphore, #tpu.memory_space<semaphore_mem>>
      %dma_start3A = arith.constant 0 : i32
      %dma_start3A_93 = arith.constant 0 : i32
      %dma_start3A_94 = tpu.memref_slice %arg12[%run_scoped3A_34, %dma_start3A, %dma_start3A_93] : memref<5x40x128xf32, #tpu.memory_space<vmem>> -> memref<1x40x128xf32, #tpu.memory_space<vmem>>
      %dma_start3A_95 = tpu.memref_squeeze %dma_start3A_94 : memref<1x40x128xf32, #tpu.memory_space<vmem>> -> memref<40x128xf32, #tpu.memory_space<vmem>>
      %dma_start3A_96 = arith.constant 0 : i32
      %dma_start3A_97 = tpu.memref_slice %arg15[%add3A_33, %dma_start3A_96] : memref<10240x128xf32, #tpu.memory_space<vmem_shared>> -> memref<40x128xf32, #tpu.memory_space<vmem_shared>>
      %dma_start3A_98 = arith.constant 0 : i32
      %dma_start3A_99 = tpu.memref_slice %arg15[%add3A_33, %dma_start3A_98] : memref<10240x128xf32, #tpu.memory_space<vmem_shared>> -> memref<40x128xf32, #tpu.memory_space<vmem_shared>>
      %dma_start3A_100 = arith.constant 0 : i32
      %dma_start3A_101 = arith.constant 0 : i32
      %dma_start3A_102 = tpu.memref_slice %arg12[%run_scoped3A_34, %dma_start3A_100, %dma_start3A_101] : memref<5x40x128xf32, #tpu.memory_space<vmem>> -> memref<1x40x128xf32, #tpu.memory_space<vmem>>
      %dma_start3A_103 = tpu.memref_squeeze %dma_start3A_102 : memref<1x40x128xf32, #tpu.memory_space<vmem>> -> memref<40x128xf32, #tpu.memory_space<vmem>>
      tpu.enqueue_dma source(%dma_start3A_103 : memref<40x128xf32, #tpu.memory_space<vmem>>) target(%dma_start3A_99 : memref<40x128xf32, #tpu.memory_space<vmem_shared>>) target_semaphore(%run_scoped3A_92 : memref<!tpu.dma_semaphore, #tpu.memory_space<semaphore_mem>>)
      %dma_wait3A = arith.constant 0 : i32
      %dma_wait3A_104 = arith.constant 0 : i32
      %dma_wait3A_105 = tpu.memref_slice %arg12[%run_scoped3A_34, %dma_wait3A, %dma_wait3A_104] : memref<5x40x128xf32, #tpu.memory_space<vmem>> -> memref<1x40x128xf32, #tpu.memory_space<vmem>>
      %dma_wait3A_106 = tpu.memref_squeeze %dma_wait3A_105 : memref<1x40x128xf32, #tpu.memory_space<vmem>> -> memref<40x128xf32, #tpu.memory_space<vmem>>
      %dma_wait3A_107 = arith.constant 0 : i32
      %dma_wait3A_108 = tpu.memref_slice %arg15[%add3A_33, %dma_wait3A_107] : memref<10240x128xf32, #tpu.memory_space<vmem_shared>> -> memref<40x128xf32, #tpu.memory_space<vmem_shared>>
      %dma_wait3A_109 = arith.constant 0 : i32
      %dma_wait3A_110 = tpu.memref_slice %arg15[%add3A_33, %dma_wait3A_109] : memref<10240x128xf32, #tpu.memory_space<vmem_shared>> -> memref<40x128xf32, #tpu.memory_space<vmem_shared>>
      %dma_wait3A_111 = arith.constant 0 : i32
      %dma_wait3A_112 = arith.constant 0 : i32
      %dma_wait3A_113 = tpu.memref_slice %arg12[%run_scoped3A_34, %dma_wait3A_111, %dma_wait3A_112] : memref<5x40x128xf32, #tpu.memory_space<vmem>> -> memref<1x40x128xf32, #tpu.memory_space<vmem>>
      %dma_wait3A_114 = tpu.memref_squeeze %dma_wait3A_113 : memref<1x40x128xf32, #tpu.memory_space<vmem>> -> memref<40x128xf32, #tpu.memory_space<vmem>>
      tpu.wait_dma2 semaphore(%run_scoped3A_92 : memref<!tpu.dma_semaphore, #tpu.memory_space<semaphore_mem>>) src(%dma_wait3A_114 : memref<40x128xf32, #tpu.memory_space<vmem>>) dst(%dma_wait3A_110 : memref<40x128xf32, #tpu.memory_space<vmem_shared>>)
      tpu.yield
    }) : () -> ()
    %add3A_35 = arith.constant 120 : i32
    %add3A_36 = arith.addi %mul3A_0, %add3A_35 : i32
    %run_scoped3A_37 = arith.constant 0 : i32
    "tpu.region"() ({
      %run_scoped3A_92 = tpu.sem_alloc : memref<!tpu.dma_semaphore, #tpu.memory_space<semaphore_mem>>
      %dma_start3A = arith.constant 0 : i32
      %dma_start3A_93 = arith.constant 0 : i32
      %dma_start3A_94 = tpu.memref_slice %arg12[%run_scoped3A_37, %dma_start3A, %dma_start3A_93] : memref<5x40x128xf32, #tpu.memory_space<vmem>> -> memref<1x40x128xf32, #tpu.memory_space<vmem>>
      %dma_start3A_95 = tpu.memref_squeeze %dma_start3A_94 : memref<1x40x128xf32, #tpu.memory_space<vmem>> -> memref<40x128xf32, #tpu.memory_space<vmem>>
      %dma_start3A_96 = arith.constant 0 : i32
      %dma_start3A_97 = tpu.memref_slice %arg15[%add3A_36, %dma_start3A_96] : memref<10240x128xf32, #tpu.memory_space<vmem_shared>> -> memref<40x128xf32, #tpu.memory_space<vmem_shared>>
      %dma_start3A_98 = arith.constant 0 : i32
      %dma_start3A_99 = tpu.memref_slice %arg15[%add3A_36, %dma_start3A_98] : memref<10240x128xf32, #tpu.memory_space<vmem_shared>> -> memref<40x128xf32, #tpu.memory_space<vmem_shared>>
      %dma_start3A_100 = arith.constant 0 : i32
      %dma_start3A_101 = arith.constant 0 : i32
      %dma_start3A_102 = tpu.memref_slice %arg12[%run_scoped3A_37, %dma_start3A_100, %dma_start3A_101] : memref<5x40x128xf32, #tpu.memory_space<vmem>> -> memref<1x40x128xf32, #tpu.memory_space<vmem>>
      %dma_start3A_103 = tpu.memref_squeeze %dma_start3A_102 : memref<1x40x128xf32, #tpu.memory_space<vmem>> -> memref<40x128xf32, #tpu.memory_space<vmem>>
      tpu.enqueue_dma source(%dma_start3A_103 : memref<40x128xf32, #tpu.memory_space<vmem>>) target(%dma_start3A_99 : memref<40x128xf32, #tpu.memory_space<vmem_shared>>) target_semaphore(%run_scoped3A_92 : memref<!tpu.dma_semaphore, #tpu.memory_space<semaphore_mem>>)
      %dma_wait3A = arith.constant 0 : i32
      %dma_wait3A_104 = arith.constant 0 : i32
      %dma_wait3A_105 = tpu.memref_slice %arg12[%run_scoped3A_37, %dma_wait3A, %dma_wait3A_104] : memref<5x40x128xf32, #tpu.memory_space<vmem>> -> memref<1x40x128xf32, #tpu.memory_space<vmem>>
      %dma_wait3A_106 = tpu.memref_squeeze %dma_wait3A_105 : memref<1x40x128xf32, #tpu.memory_space<vmem>> -> memref<40x128xf32, #tpu.memory_space<vmem>>
      %dma_wait3A_107 = arith.constant 0 : i32
      %dma_wait3A_108 = tpu.memref_slice %arg15[%add3A_36, %dma_wait3A_107] : memref<10240x128xf32, #tpu.memory_space<vmem_shared>> -> memref<40x128xf32, #tpu.memory_space<vmem_shared>>
      %dma_wait3A_109 = arith.constant 0 : i32
      %dma_wait3A_110 = tpu.memref_slice %arg15[%add3A_36, %dma_wait3A_109] : memref<10240x128xf32, #tpu.memory_space<vmem_shared>> -> memref<40x128xf32, #tpu.memory_space<vmem_shared>>
      %dma_wait3A_111 = arith.constant 0 : i32
      %dma_wait3A_112 = arith.constant 0 : i32
      %dma_wait3A_113 = tpu.memref_slice %arg12[%run_scoped3A_37, %dma_wait3A_111, %dma_wait3A_112] : memref<5x40x128xf32, #tpu.memory_space<vmem>> -> memref<1x40x128xf32, #tpu.memory_space<vmem>>
      %dma_wait3A_114 = tpu.memref_squeeze %dma_wait3A_113 : memref<1x40x128xf32, #tpu.memory_space<vmem>> -> memref<40x128xf32, #tpu.memory_space<vmem>>
      tpu.wait_dma2 semaphore(%run_scoped3A_92 : memref<!tpu.dma_semaphore, #tpu.memory_space<semaphore_mem>>) src(%dma_wait3A_114 : memref<40x128xf32, #tpu.memory_space<vmem>>) dst(%dma_wait3A_110 : memref<40x128xf32, #tpu.memory_space<vmem_shared>>)
      tpu.yield
    }) : () -> ()
    %add3A_38 = arith.constant 160 : i32
    %add3A_39 = arith.addi %mul3A_0, %add3A_38 : i32
    %run_scoped3A_40 = arith.constant 0 : i32
    "tpu.region"() ({
      %run_scoped3A_92 = tpu.sem_alloc : memref<!tpu.dma_semaphore, #tpu.memory_space<semaphore_mem>>
      %dma_start3A = arith.constant 0 : i32
      %dma_start3A_93 = arith.constant 0 : i32
      %dma_start3A_94 = tpu.memref_slice %arg12[%run_scoped3A_40, %dma_start3A, %dma_start3A_93] : memref<5x40x128xf32, #tpu.memory_space<vmem>> -> memref<1x40x128xf32, #tpu.memory_space<vmem>>
      %dma_start3A_95 = tpu.memref_squeeze %dma_start3A_94 : memref<1x40x128xf32, #tpu.memory_space<vmem>> -> memref<40x128xf32, #tpu.memory_space<vmem>>
      %dma_start3A_96 = arith.constant 0 : i32
      %dma_start3A_97 = tpu.memref_slice %arg15[%add3A_39, %dma_start3A_96] : memref<10240x128xf32, #tpu.memory_space<vmem_shared>> -> memref<40x128xf32, #tpu.memory_space<vmem_shared>>
      %dma_start3A_98 = arith.constant 0 : i32
      %dma_start3A_99 = tpu.memref_slice %arg15[%add3A_39, %dma_start3A_98] : memref<10240x128xf32, #tpu.memory_space<vmem_shared>> -> memref<40x128xf32, #tpu.memory_space<vmem_shared>>
      %dma_start3A_100 = arith.constant 0 : i32
      %dma_start3A_101 = arith.constant 0 : i32
      %dma_start3A_102 = tpu.memref_slice %arg12[%run_scoped3A_40, %dma_start3A_100, %dma_start3A_101] : memref<5x40x128xf32, #tpu.memory_space<vmem>> -> memref<1x40x128xf32, #tpu.memory_space<vmem>>
      %dma_start3A_103 = tpu.memref_squeeze %dma_start3A_102 : memref<1x40x128xf32, #tpu.memory_space<vmem>> -> memref<40x128xf32, #tpu.memory_space<vmem>>
      tpu.enqueue_dma source(%dma_start3A_103 : memref<40x128xf32, #tpu.memory_space<vmem>>) target(%dma_start3A_99 : memref<40x128xf32, #tpu.memory_space<vmem_shared>>) target_semaphore(%run_scoped3A_92 : memref<!tpu.dma_semaphore, #tpu.memory_space<semaphore_mem>>)
      %dma_wait3A = arith.constant 0 : i32
      %dma_wait3A_104 = arith.constant 0 : i32
      %dma_wait3A_105 = tpu.memref_slice %arg12[%run_scoped3A_40, %dma_wait3A, %dma_wait3A_104] : memref<5x40x128xf32, #tpu.memory_space<vmem>> -> memref<1x40x128xf32, #tpu.memory_space<vmem>>
      %dma_wait3A_106 = tpu.memref_squeeze %dma_wait3A_105 : memref<1x40x128xf32, #tpu.memory_space<vmem>> -> memref<40x128xf32, #tpu.memory_space<vmem>>
      %dma_wait3A_107 = arith.constant 0 : i32
      %dma_wait3A_108 = tpu.memref_slice %arg15[%add3A_39, %dma_wait3A_107] : memref<10240x128xf32, #tpu.memory_space<vmem_shared>> -> memref<40x128xf32, #tpu.memory_space<vmem_shared>>
      %dma_wait3A_109 = arith.constant 0 : i32
      %dma_wait3A_110 = tpu.memref_slice %arg15[%add3A_39, %dma_wait3A_109] : memref<10240x128xf32, #tpu.memory_space<vmem_shared>> -> memref<40x128xf32, #tpu.memory_space<vmem_shared>>
      %dma_wait3A_111 = arith.constant 0 : i32
      %dma_wait3A_112 = arith.constant 0 : i32
      %dma_wait3A_113 = tpu.memref_slice %arg12[%run_scoped3A_40, %dma_wait3A_111, %dma_wait3A_112] : memref<5x40x128xf32, #tpu.memory_space<vmem>> -> memref<1x40x128xf32, #tpu.memory_space<vmem>>
      %dma_wait3A_114 = tpu.memref_squeeze %dma_wait3A_113 : memref<1x40x128xf32, #tpu.memory_space<vmem>> -> memref<40x128xf32, #tpu.memory_space<vmem>>
      tpu.wait_dma2 semaphore(%run_scoped3A_92 : memref<!tpu.dma_semaphore, #tpu.memory_space<semaphore_mem>>) src(%dma_wait3A_114 : memref<40x128xf32, #tpu.memory_space<vmem>>) dst(%dma_wait3A_110 : memref<40x128xf32, #tpu.memory_space<vmem_shared>>)
      tpu.yield
    }) : () -> ()
    %add3A_41 = arith.constant 200 : i32
    %add3A_42 = arith.addi %mul3A_0, %add3A_41 : i32
    %run_scoped3A_43 = arith.constant 0 : i32
    "tpu.region"() ({
      %run_scoped3A_92 = tpu.sem_alloc : memref<!tpu.dma_semaphore, #tpu.memory_space<semaphore_mem>>
      %dma_start3A = arith.constant 0 : i32
      %dma_start3A_93 = arith.constant 0 : i32
      %dma_start3A_94 = tpu.memref_slice %arg12[%run_scoped3A_43, %dma_start3A, %dma_start3A_93] : memref<5x40x128xf32, #tpu.memory_space<vmem>> -> memref<1x40x128xf32, #tpu.memory_space<vmem>>
      %dma_start3A_95 = tpu.memref_squeeze %dma_start3A_94 : memref<1x40x128xf32, #tpu.memory_space<vmem>> -> memref<40x128xf32, #tpu.memory_space<vmem>>
      %dma_start3A_96 = arith.constant 0 : i32
      %dma_start3A_97 = tpu.memref_slice %arg15[%add3A_42, %dma_start3A_96] : memref<10240x128xf32, #tpu.memory_space<vmem_shared>> -> memref<40x128xf32, #tpu.memory_space<vmem_shared>>
      %dma_start3A_98 = arith.constant 0 : i32
      %dma_start3A_99 = tpu.memref_slice %arg15[%add3A_42, %dma_start3A_98] : memref<10240x128xf32, #tpu.memory_space<vmem_shared>> -> memref<40x128xf32, #tpu.memory_space<vmem_shared>>
      %dma_start3A_100 = arith.constant 0 : i32
      %dma_start3A_101 = arith.constant 0 : i32
      %dma_start3A_102 = tpu.memref_slice %arg12[%run_scoped3A_43, %dma_start3A_100, %dma_start3A_101] : memref<5x40x128xf32, #tpu.memory_space<vmem>> -> memref<1x40x128xf32, #tpu.memory_space<vmem>>
      %dma_start3A_103 = tpu.memref_squeeze %dma_start3A_102 : memref<1x40x128xf32, #tpu.memory_space<vmem>> -> memref<40x128xf32, #tpu.memory_space<vmem>>
      tpu.enqueue_dma source(%dma_start3A_103 : memref<40x128xf32, #tpu.memory_space<vmem>>) target(%dma_start3A_99 : memref<40x128xf32, #tpu.memory_space<vmem_shared>>) target_semaphore(%run_scoped3A_92 : memref<!tpu.dma_semaphore, #tpu.memory_space<semaphore_mem>>)
      %dma_wait3A = arith.constant 0 : i32
      %dma_wait3A_104 = arith.constant 0 : i32
      %dma_wait3A_105 = tpu.memref_slice %arg12[%run_scoped3A_43, %dma_wait3A, %dma_wait3A_104] : memref<5x40x128xf32, #tpu.memory_space<vmem>> -> memref<1x40x128xf32, #tpu.memory_space<vmem>>
      %dma_wait3A_106 = tpu.memref_squeeze %dma_wait3A_105 : memref<1x40x128xf32, #tpu.memory_space<vmem>> -> memref<40x128xf32, #tpu.memory_space<vmem>>
      %dma_wait3A_107 = arith.constant 0 : i32
      %dma_wait3A_108 = tpu.memref_slice %arg15[%add3A_42, %dma_wait3A_107] : memref<10240x128xf32, #tpu.memory_space<vmem_shared>> -> memref<40x128xf32, #tpu.memory_space<vmem_shared>>
      %dma_wait3A_109 = arith.constant 0 : i32
      %dma_wait3A_110 = tpu.memref_slice %arg15[%add3A_42, %dma_wait3A_109] : memref<10240x128xf32, #tpu.memory_space<vmem_shared>> -> memref<40x128xf32, #tpu.memory_space<vmem_shared>>
      %dma_wait3A_111 = arith.constant 0 : i32
      %dma_wait3A_112 = arith.constant 0 : i32
      %dma_wait3A_113 = tpu.memref_slice %arg12[%run_scoped3A_43, %dma_wait3A_111, %dma_wait3A_112] : memref<5x40x128xf32, #tpu.memory_space<vmem>> -> memref<1x40x128xf32, #tpu.memory_space<vmem>>
      %dma_wait3A_114 = tpu.memref_squeeze %dma_wait3A_113 : memref<1x40x128xf32, #tpu.memory_space<vmem>> -> memref<40x128xf32, #tpu.memory_space<vmem>>
      tpu.wait_dma2 semaphore(%run_scoped3A_92 : memref<!tpu.dma_semaphore, #tpu.memory_space<semaphore_mem>>) src(%dma_wait3A_114 : memref<40x128xf32, #tpu.memory_space<vmem>>) dst(%dma_wait3A_110 : memref<40x128xf32, #tpu.memory_space<vmem_shared>>)
      tpu.yield
    }) : () -> ()
    %add3A_44 = arith.constant 240 : i32
    %add3A_45 = arith.addi %mul3A_0, %add3A_44 : i32
    %run_scoped3A_46 = arith.constant 0 : i32
    "tpu.region"() ({
      %run_scoped3A_92 = tpu.sem_alloc : memref<!tpu.dma_semaphore, #tpu.memory_space<semaphore_mem>>
      %dma_start3A = arith.constant 0 : i32
      %dma_start3A_93 = arith.constant 0 : i32
      %dma_start3A_94 = tpu.memref_slice %arg12[%run_scoped3A_46, %dma_start3A, %dma_start3A_93] : memref<5x40x128xf32, #tpu.memory_space<vmem>> -> memref<1x40x128xf32, #tpu.memory_space<vmem>>
      %dma_start3A_95 = tpu.memref_squeeze %dma_start3A_94 : memref<1x40x128xf32, #tpu.memory_space<vmem>> -> memref<40x128xf32, #tpu.memory_space<vmem>>
      %dma_start3A_96 = arith.constant 0 : i32
      %dma_start3A_97 = tpu.memref_slice %arg15[%add3A_45, %dma_start3A_96] : memref<10240x128xf32, #tpu.memory_space<vmem_shared>> -> memref<40x128xf32, #tpu.memory_space<vmem_shared>>
      %dma_start3A_98 = arith.constant 0 : i32
      %dma_start3A_99 = tpu.memref_slice %arg15[%add3A_45, %dma_start3A_98] : memref<10240x128xf32, #tpu.memory_space<vmem_shared>> -> memref<40x128xf32, #tpu.memory_space<vmem_shared>>
      %dma_start3A_100 = arith.constant 0 : i32
      %dma_start3A_101 = arith.constant 0 : i32
      %dma_start3A_102 = tpu.memref_slice %arg12[%run_scoped3A_46, %dma_start3A_100, %dma_start3A_101] : memref<5x40x128xf32, #tpu.memory_space<vmem>> -> memref<1x40x128xf32, #tpu.memory_space<vmem>>
      %dma_start3A_103 = tpu.memref_squeeze %dma_start3A_102 : memref<1x40x128xf32, #tpu.memory_space<vmem>> -> memref<40x128xf32, #tpu.memory_space<vmem>>
      tpu.enqueue_dma source(%dma_start3A_103 : memref<40x128xf32, #tpu.memory_space<vmem>>) target(%dma_start3A_99 : memref<40x128xf32, #tpu.memory_space<vmem_shared>>) target_semaphore(%run_scoped3A_92 : memref<!tpu.dma_semaphore, #tpu.memory_space<semaphore_mem>>)
      %dma_wait3A = arith.constant 0 : i32
      %dma_wait3A_104 = arith.constant 0 : i32
      %dma_wait3A_105 = tpu.memref_slice %arg12[%run_scoped3A_46, %dma_wait3A, %dma_wait3A_104] : memref<5x40x128xf32, #tpu.memory_space<vmem>> -> memref<1x40x128xf32, #tpu.memory_space<vmem>>
      %dma_wait3A_106 = tpu.memref_squeeze %dma_wait3A_105 : memref<1x40x128xf32, #tpu.memory_space<vmem>> -> memref<40x128xf32, #tpu.memory_space<vmem>>
      %dma_wait3A_107 = arith.constant 0 : i32
      %dma_wait3A_108 = tpu.memref_slice %arg15[%add3A_45, %dma_wait3A_107] : memref<10240x128xf32, #tpu.memory_space<vmem_shared>> -> memref<40x128xf32, #tpu.memory_space<vmem_shared>>
      %dma_wait3A_109 = arith.constant 0 : i32
      %dma_wait3A_110 = tpu.memref_slice %arg15[%add3A_45, %dma_wait3A_109] : memref<10240x128xf32, #tpu.memory_space<vmem_shared>> -> memref<40x128xf32, #tpu.memory_space<vmem_shared>>
      %dma_wait3A_111 = arith.constant 0 : i32
      %dma_wait3A_112 = arith.constant 0 : i32
      %dma_wait3A_113 = tpu.memref_slice %arg12[%run_scoped3A_46, %dma_wait3A_111, %dma_wait3A_112] : memref<5x40x128xf32, #tpu.memory_space<vmem>> -> memref<1x40x128xf32, #tpu.memory_space<vmem>>
      %dma_wait3A_114 = tpu.memref_squeeze %dma_wait3A_113 : memref<1x40x128xf32, #tpu.memory_space<vmem>> -> memref<40x128xf32, #tpu.memory_space<vmem>>
      tpu.wait_dma2 semaphore(%run_scoped3A_92 : memref<!tpu.dma_semaphore, #tpu.memory_space<semaphore_mem>>) src(%dma_wait3A_114 : memref<40x128xf32, #tpu.memory_space<vmem>>) dst(%dma_wait3A_110 : memref<40x128xf32, #tpu.memory_space<vmem_shared>>)
      tpu.yield
    }) : () -> ()
    %add3A_47 = arith.constant 280 : i32
    %add3A_48 = arith.addi %mul3A_0, %add3A_47 : i32
    %run_scoped3A_49 = arith.constant 0 : i32
    "tpu.region"() ({
      %run_scoped3A_92 = tpu.sem_alloc : memref<!tpu.dma_semaphore, #tpu.memory_space<semaphore_mem>>
      %dma_start3A = arith.constant 0 : i32
      %dma_start3A_93 = arith.constant 0 : i32
      %dma_start3A_94 = tpu.memref_slice %arg12[%run_scoped3A_49, %dma_start3A, %dma_start3A_93] : memref<5x40x128xf32, #tpu.memory_space<vmem>> -> memref<1x40x128xf32, #tpu.memory_space<vmem>>
      %dma_start3A_95 = tpu.memref_squeeze %dma_start3A_94 : memref<1x40x128xf32, #tpu.memory_space<vmem>> -> memref<40x128xf32, #tpu.memory_space<vmem>>
      %dma_start3A_96 = arith.constant 0 : i32
      %dma_start3A_97 = tpu.memref_slice %arg15[%add3A_48, %dma_start3A_96] : memref<10240x128xf32, #tpu.memory_space<vmem_shared>> -> memref<40x128xf32, #tpu.memory_space<vmem_shared>>
      %dma_start3A_98 = arith.constant 0 : i32
      %dma_start3A_99 = tpu.memref_slice %arg15[%add3A_48, %dma_start3A_98] : memref<10240x128xf32, #tpu.memory_space<vmem_shared>> -> memref<40x128xf32, #tpu.memory_space<vmem_shared>>
      %dma_start3A_100 = arith.constant 0 : i32
      %dma_start3A_101 = arith.constant 0 : i32
      %dma_start3A_102 = tpu.memref_slice %arg12[%run_scoped3A_49, %dma_start3A_100, %dma_start3A_101] : memref<5x40x128xf32, #tpu.memory_space<vmem>> -> memref<1x40x128xf32, #tpu.memory_space<vmem>>
      %dma_start3A_103 = tpu.memref_squeeze %dma_start3A_102 : memref<1x40x128xf32, #tpu.memory_space<vmem>> -> memref<40x128xf32, #tpu.memory_space<vmem>>
      tpu.enqueue_dma source(%dma_start3A_103 : memref<40x128xf32, #tpu.memory_space<vmem>>) target(%dma_start3A_99 : memref<40x128xf32, #tpu.memory_space<vmem_shared>>) target_semaphore(%run_scoped3A_92 : memref<!tpu.dma_semaphore, #tpu.memory_space<semaphore_mem>>)
      %dma_wait3A = arith.constant 0 : i32
      %dma_wait3A_104 = arith.constant 0 : i32
      %dma_wait3A_105 = tpu.memref_slice %arg12[%run_scoped3A_49, %dma_wait3A, %dma_wait3A_104] : memref<5x40x128xf32, #tpu.memory_space<vmem>> -> memref<1x40x128xf32, #tpu.memory_space<vmem>>
      %dma_wait3A_106 = tpu.memref_squeeze %dma_wait3A_105 : memref<1x40x128xf32, #tpu.memory_space<vmem>> -> memref<40x128xf32, #tpu.memory_space<vmem>>
      %dma_wait3A_107 = arith.constant 0 : i32
      %dma_wait3A_108 = tpu.memref_slice %arg15[%add3A_48, %dma_wait3A_107] : memref<10240x128xf32, #tpu.memory_space<vmem_shared>> -> memref<40x128xf32, #tpu.memory_space<vmem_shared>>
      %dma_wait3A_109 = arith.constant 0 : i32
      %dma_wait3A_110 = tpu.memref_slice %arg15[%add3A_48, %dma_wait3A_109] : memref<10240x128xf32, #tpu.memory_space<vmem_shared>> -> memref<40x128xf32, #tpu.memory_space<vmem_shared>>
      %dma_wait3A_111 = arith.constant 0 : i32
      %dma_wait3A_112 = arith.constant 0 : i32
      %dma_wait3A_113 = tpu.memref_slice %arg12[%run_scoped3A_49, %dma_wait3A_111, %dma_wait3A_112] : memref<5x40x128xf32, #tpu.memory_space<vmem>> -> memref<1x40x128xf32, #tpu.memory_space<vmem>>
      %dma_wait3A_114 = tpu.memref_squeeze %dma_wait3A_113 : memref<1x40x128xf32, #tpu.memory_space<vmem>> -> memref<40x128xf32, #tpu.memory_space<vmem>>
      tpu.wait_dma2 semaphore(%run_scoped3A_92 : memref<!tpu.dma_semaphore, #tpu.memory_space<semaphore_mem>>) src(%dma_wait3A_114 : memref<40x128xf32, #tpu.memory_space<vmem>>) dst(%dma_wait3A_110 : memref<40x128xf32, #tpu.memory_space<vmem_shared>>)
      tpu.yield
    }) : () -> ()
    %add3A_50 = arith.constant 320 : i32
    %add3A_51 = arith.addi %mul3A_0, %add3A_50 : i32
    %run_scoped3A_52 = arith.constant 0 : i32
    "tpu.region"() ({
      %run_scoped3A_92 = tpu.sem_alloc : memref<!tpu.dma_semaphore, #tpu.memory_space<semaphore_mem>>
      %dma_start3A = arith.constant 0 : i32
      %dma_start3A_93 = arith.constant 0 : i32
      %dma_start3A_94 = tpu.memref_slice %arg12[%run_scoped3A_52, %dma_start3A, %dma_start3A_93] : memref<5x40x128xf32, #tpu.memory_space<vmem>> -> memref<1x40x128xf32, #tpu.memory_space<vmem>>
      %dma_start3A_95 = tpu.memref_squeeze %dma_start3A_94 : memref<1x40x128xf32, #tpu.memory_space<vmem>> -> memref<40x128xf32, #tpu.memory_space<vmem>>
      %dma_start3A_96 = arith.constant 0 : i32
      %dma_start3A_97 = tpu.memref_slice %arg15[%add3A_51, %dma_start3A_96] : memref<10240x128xf32, #tpu.memory_space<vmem_shared>> -> memref<40x128xf32, #tpu.memory_space<vmem_shared>>
      %dma_start3A_98 = arith.constant 0 : i32
      %dma_start3A_99 = tpu.memref_slice %arg15[%add3A_51, %dma_start3A_98] : memref<10240x128xf32, #tpu.memory_space<vmem_shared>> -> memref<40x128xf32, #tpu.memory_space<vmem_shared>>
      %dma_start3A_100 = arith.constant 0 : i32
      %dma_start3A_101 = arith.constant 0 : i32
      %dma_start3A_102 = tpu.memref_slice %arg12[%run_scoped3A_52, %dma_start3A_100, %dma_start3A_101] : memref<5x40x128xf32, #tpu.memory_space<vmem>> -> memref<1x40x128xf32, #tpu.memory_space<vmem>>
      %dma_start3A_103 = tpu.memref_squeeze %dma_start3A_102 : memref<1x40x128xf32, #tpu.memory_space<vmem>> -> memref<40x128xf32, #tpu.memory_space<vmem>>
      tpu.enqueue_dma source(%dma_start3A_103 : memref<40x128xf32, #tpu.memory_space<vmem>>) target(%dma_start3A_99 : memref<40x128xf32, #tpu.memory_space<vmem_shared>>) target_semaphore(%run_scoped3A_92 : memref<!tpu.dma_semaphore, #tpu.memory_space<semaphore_mem>>)
      %dma_wait3A = arith.constant 0 : i32
      %dma_wait3A_104 = arith.constant 0 : i32
      %dma_wait3A_105 = tpu.memref_slice %arg12[%run_scoped3A_52, %dma_wait3A, %dma_wait3A_104] : memref<5x40x128xf32, #tpu.memory_space<vmem>> -> memref<1x40x128xf32, #tpu.memory_space<vmem>>
      %dma_wait3A_106 = tpu.memref_squeeze %dma_wait3A_105 : memref<1x40x128xf32, #tpu.memory_space<vmem>> -> memref<40x128xf32, #tpu.memory_space<vmem>>
      %dma_wait3A_107 = arith.constant 0 : i32
      %dma_wait3A_108 = tpu.memref_slice %arg15[%add3A_51, %dma_wait3A_107] : memref<10240x128xf32, #tpu.memory_space<vmem_shared>> -> memref<40x128xf32, #tpu.memory_space<vmem_shared>>
      %dma_wait3A_109 = arith.constant 0 : i32
      %dma_wait3A_110 = tpu.memref_slice %arg15[%add3A_51, %dma_wait3A_109] : memref<10240x128xf32, #tpu.memory_space<vmem_shared>> -> memref<40x128xf32, #tpu.memory_space<vmem_shared>>
      %dma_wait3A_111 = arith.constant 0 : i32
      %dma_wait3A_112 = arith.constant 0 : i32
      %dma_wait3A_113 = tpu.memref_slice %arg12[%run_scoped3A_52, %dma_wait3A_111, %dma_wait3A_112] : memref<5x40x128xf32, #tpu.memory_space<vmem>> -> memref<1x40x128xf32, #tpu.memory_space<vmem>>
      %dma_wait3A_114 = tpu.memref_squeeze %dma_wait3A_113 : memref<1x40x128xf32, #tpu.memory_space<vmem>> -> memref<40x128xf32, #tpu.memory_space<vmem>>
      tpu.wait_dma2 semaphore(%run_scoped3A_92 : memref<!tpu.dma_semaphore, #tpu.memory_space<semaphore_mem>>) src(%dma_wait3A_114 : memref<40x128xf32, #tpu.memory_space<vmem>>) dst(%dma_wait3A_110 : memref<40x128xf32, #tpu.memory_space<vmem_shared>>)
      tpu.yield
    }) : () -> ()
    %add3A_53 = arith.constant 360 : i32
    %add3A_54 = arith.addi %mul3A_0, %add3A_53 : i32
    %run_scoped3A_55 = arith.constant 0 : i32
    "tpu.region"() ({
      %run_scoped3A_92 = tpu.sem_alloc : memref<!tpu.dma_semaphore, #tpu.memory_space<semaphore_mem>>
      %dma_start3A = arith.constant 0 : i32
      %dma_start3A_93 = arith.constant 0 : i32
      %dma_start3A_94 = tpu.memref_slice %arg12[%run_scoped3A_55, %dma_start3A, %dma_start3A_93] : memref<5x40x128xf32, #tpu.memory_space<vmem>> -> memref<1x40x128xf32, #tpu.memory_space<vmem>>
      %dma_start3A_95 = tpu.memref_squeeze %dma_start3A_94 : memref<1x40x128xf32, #tpu.memory_space<vmem>> -> memref<40x128xf32, #tpu.memory_space<vmem>>
      %dma_start3A_96 = arith.constant 0 : i32
      %dma_start3A_97 = tpu.memref_slice %arg15[%add3A_54, %dma_start3A_96] : memref<10240x128xf32, #tpu.memory_space<vmem_shared>> -> memref<40x128xf32, #tpu.memory_space<vmem_shared>>
      %dma_start3A_98 = arith.constant 0 : i32
      %dma_start3A_99 = tpu.memref_slice %arg15[%add3A_54, %dma_start3A_98] : memref<10240x128xf32, #tpu.memory_space<vmem_shared>> -> memref<40x128xf32, #tpu.memory_space<vmem_shared>>
      %dma_start3A_100 = arith.constant 0 : i32
      %dma_start3A_101 = arith.constant 0 : i32
      %dma_start3A_102 = tpu.memref_slice %arg12[%run_scoped3A_55, %dma_start3A_100, %dma_start3A_101] : memref<5x40x128xf32, #tpu.memory_space<vmem>> -> memref<1x40x128xf32, #tpu.memory_space<vmem>>
      %dma_start3A_103 = tpu.memref_squeeze %dma_start3A_102 : memref<1x40x128xf32, #tpu.memory_space<vmem>> -> memref<40x128xf32, #tpu.memory_space<vmem>>
      tpu.enqueue_dma source(%dma_start3A_103 : memref<40x128xf32, #tpu.memory_space<vmem>>) target(%dma_start3A_99 : memref<40x128xf32, #tpu.memory_space<vmem_shared>>) target_semaphore(%run_scoped3A_92 : memref<!tpu.dma_semaphore, #tpu.memory_space<semaphore_mem>>)
      %dma_wait3A = arith.constant 0 : i32
      %dma_wait3A_104 = arith.constant 0 : i32
      %dma_wait3A_105 = tpu.memref_slice %arg12[%run_scoped3A_55, %dma_wait3A, %dma_wait3A_104] : memref<5x40x128xf32, #tpu.memory_space<vmem>> -> memref<1x40x128xf32, #tpu.memory_space<vmem>>
      %dma_wait3A_106 = tpu.memref_squeeze %dma_wait3A_105 : memref<1x40x128xf32, #tpu.memory_space<vmem>> -> memref<40x128xf32, #tpu.memory_space<vmem>>
      %dma_wait3A_107 = arith.constant 0 : i32
      %dma_wait3A_108 = tpu.memref_slice %arg15[%add3A_54, %dma_wait3A_107] : memref<10240x128xf32, #tpu.memory_space<vmem_shared>> -> memref<40x128xf32, #tpu.memory_space<vmem_shared>>
      %dma_wait3A_109 = arith.constant 0 : i32
      %dma_wait3A_110 = tpu.memref_slice %arg15[%add3A_54, %dma_wait3A_109] : memref<10240x128xf32, #tpu.memory_space<vmem_shared>> -> memref<40x128xf32, #tpu.memory_space<vmem_shared>>
      %dma_wait3A_111 = arith.constant 0 : i32
      %dma_wait3A_112 = arith.constant 0 : i32
      %dma_wait3A_113 = tpu.memref_slice %arg12[%run_scoped3A_55, %dma_wait3A_111, %dma_wait3A_112] : memref<5x40x128xf32, #tpu.memory_space<vmem>> -> memref<1x40x128xf32, #tpu.memory_space<vmem>>
      %dma_wait3A_114 = tpu.memref_squeeze %dma_wait3A_113 : memref<1x40x128xf32, #tpu.memory_space<vmem>> -> memref<40x128xf32, #tpu.memory_space<vmem>>
      tpu.wait_dma2 semaphore(%run_scoped3A_92 : memref<!tpu.dma_semaphore, #tpu.memory_space<semaphore_mem>>) src(%dma_wait3A_114 : memref<40x128xf32, #tpu.memory_space<vmem>>) dst(%dma_wait3A_110 : memref<40x128xf32, #tpu.memory_space<vmem_shared>>)
      tpu.yield
    }) : () -> ()
    %add3A_56 = arith.constant 400 : i32
    %add3A_57 = arith.addi %mul3A_0, %add3A_56 : i32
    %run_scoped3A_58 = arith.constant 0 : i32
    "tpu.region"() ({
      %run_scoped3A_92 = tpu.sem_alloc : memref<!tpu.dma_semaphore, #tpu.memory_space<semaphore_mem>>
      %dma_start3A = arith.constant 0 : i32
      %dma_start3A_93 = arith.constant 0 : i32
      %dma_start3A_94 = tpu.memref_slice %arg12[%run_scoped3A_58, %dma_start3A, %dma_start3A_93] : memref<5x40x128xf32, #tpu.memory_space<vmem>> -> memref<1x40x128xf32, #tpu.memory_space<vmem>>
      %dma_start3A_95 = tpu.memref_squeeze %dma_start3A_94 : memref<1x40x128xf32, #tpu.memory_space<vmem>> -> memref<40x128xf32, #tpu.memory_space<vmem>>
      %dma_start3A_96 = arith.constant 0 : i32
      %dma_start3A_97 = tpu.memref_slice %arg15[%add3A_57, %dma_start3A_96] : memref<10240x128xf32, #tpu.memory_space<vmem_shared>> -> memref<40x128xf32, #tpu.memory_space<vmem_shared>>
      %dma_start3A_98 = arith.constant 0 : i32
      %dma_start3A_99 = tpu.memref_slice %arg15[%add3A_57, %dma_start3A_98] : memref<10240x128xf32, #tpu.memory_space<vmem_shared>> -> memref<40x128xf32, #tpu.memory_space<vmem_shared>>
      %dma_start3A_100 = arith.constant 0 : i32
      %dma_start3A_101 = arith.constant 0 : i32
      %dma_start3A_102 = tpu.memref_slice %arg12[%run_scoped3A_58, %dma_start3A_100, %dma_start3A_101] : memref<5x40x128xf32, #tpu.memory_space<vmem>> -> memref<1x40x128xf32, #tpu.memory_space<vmem>>
      %dma_start3A_103 = tpu.memref_squeeze %dma_start3A_102 : memref<1x40x128xf32, #tpu.memory_space<vmem>> -> memref<40x128xf32, #tpu.memory_space<vmem>>
      tpu.enqueue_dma source(%dma_start3A_103 : memref<40x128xf32, #tpu.memory_space<vmem>>) target(%dma_start3A_99 : memref<40x128xf32, #tpu.memory_space<vmem_shared>>) target_semaphore(%run_scoped3A_92 : memref<!tpu.dma_semaphore, #tpu.memory_space<semaphore_mem>>)
      %dma_wait3A = arith.constant 0 : i32
      %dma_wait3A_104 = arith.constant 0 : i32
      %dma_wait3A_105 = tpu.memref_slice %arg12[%run_scoped3A_58, %dma_wait3A, %dma_wait3A_104] : memref<5x40x128xf32, #tpu.memory_space<vmem>> -> memref<1x40x128xf32, #tpu.memory_space<vmem>>
      %dma_wait3A_106 = tpu.memref_squeeze %dma_wait3A_105 : memref<1x40x128xf32, #tpu.memory_space<vmem>> -> memref<40x128xf32, #tpu.memory_space<vmem>>
      %dma_wait3A_107 = arith.constant 0 : i32
      %dma_wait3A_108 = tpu.memref_slice %arg15[%add3A_57, %dma_wait3A_107] : memref<10240x128xf32, #tpu.memory_space<vmem_shared>> -> memref<40x128xf32, #tpu.memory_space<vmem_shared>>
      %dma_wait3A_109 = arith.constant 0 : i32
      %dma_wait3A_110 = tpu.memref_slice %arg15[%add3A_57, %dma_wait3A_109] : memref<10240x128xf32, #tpu.memory_space<vmem_shared>> -> memref<40x128xf32, #tpu.memory_space<vmem_shared>>
      %dma_wait3A_111 = arith.constant 0 : i32
      %dma_wait3A_112 = arith.constant 0 : i32
      %dma_wait3A_113 = tpu.memref_slice %arg12[%run_scoped3A_58, %dma_wait3A_111, %dma_wait3A_112] : memref<5x40x128xf32, #tpu.memory_space<vmem>> -> memref<1x40x128xf32, #tpu.memory_space<vmem>>
      %dma_wait3A_114 = tpu.memref_squeeze %dma_wait3A_113 : memref<1x40x128xf32, #tpu.memory_space<vmem>> -> memref<40x128xf32, #tpu.memory_space<vmem>>
      tpu.wait_dma2 semaphore(%run_scoped3A_92 : memref<!tpu.dma_semaphore, #tpu.memory_space<semaphore_mem>>) src(%dma_wait3A_114 : memref<40x128xf32, #tpu.memory_space<vmem>>) dst(%dma_wait3A_110 : memref<40x128xf32, #tpu.memory_space<vmem_shared>>)
      tpu.yield
    }) : () -> ()
    %add3A_59 = arith.constant 440 : i32
    %add3A_60 = arith.addi %mul3A_0, %add3A_59 : i32
    %run_scoped3A_61 = arith.constant 0 : i32
    "tpu.region"() ({
      %run_scoped3A_92 = tpu.sem_alloc : memref<!tpu.dma_semaphore, #tpu.memory_space<semaphore_mem>>
      %dma_start3A = arith.constant 0 : i32
      %dma_start3A_93 = arith.constant 0 : i32
      %dma_start3A_94 = tpu.memref_slice %arg12[%run_scoped3A_61, %dma_start3A, %dma_start3A_93] : memref<5x40x128xf32, #tpu.memory_space<vmem>> -> memref<1x40x128xf32, #tpu.memory_space<vmem>>
      %dma_start3A_95 = tpu.memref_squeeze %dma_start3A_94 : memref<1x40x128xf32, #tpu.memory_space<vmem>> -> memref<40x128xf32, #tpu.memory_space<vmem>>
      %dma_start3A_96 = arith.constant 0 : i32
      %dma_start3A_97 = tpu.memref_slice %arg15[%add3A_60, %dma_start3A_96] : memref<10240x128xf32, #tpu.memory_space<vmem_shared>> -> memref<40x128xf32, #tpu.memory_space<vmem_shared>>
      %dma_start3A_98 = arith.constant 0 : i32
      %dma_start3A_99 = tpu.memref_slice %arg15[%add3A_60, %dma_start3A_98] : memref<10240x128xf32, #tpu.memory_space<vmem_shared>> -> memref<40x128xf32, #tpu.memory_space<vmem_shared>>
      %dma_start3A_100 = arith.constant 0 : i32
      %dma_start3A_101 = arith.constant 0 : i32
      %dma_start3A_102 = tpu.memref_slice %arg12[%run_scoped3A_61, %dma_start3A_100, %dma_start3A_101] : memref<5x40x128xf32, #tpu.memory_space<vmem>> -> memref<1x40x128xf32, #tpu.memory_space<vmem>>
      %dma_start3A_103 = tpu.memref_squeeze %dma_start3A_102 : memref<1x40x128xf32, #tpu.memory_space<vmem>> -> memref<40x128xf32, #tpu.memory_space<vmem>>
      tpu.enqueue_dma source(%dma_start3A_103 : memref<40x128xf32, #tpu.memory_space<vmem>>) target(%dma_start3A_99 : memref<40x128xf32, #tpu.memory_space<vmem_shared>>) target_semaphore(%run_scoped3A_92 : memref<!tpu.dma_semaphore, #tpu.memory_space<semaphore_mem>>)
      %dma_wait3A = arith.constant 0 : i32
      %dma_wait3A_104 = arith.constant 0 : i32
      %dma_wait3A_105 = tpu.memref_slice %arg12[%run_scoped3A_61, %dma_wait3A, %dma_wait3A_104] : memref<5x40x128xf32, #tpu.memory_space<vmem>> -> memref<1x40x128xf32, #tpu.memory_space<vmem>>
      %dma_wait3A_106 = tpu.memref_squeeze %dma_wait3A_105 : memref<1x40x128xf32, #tpu.memory_space<vmem>> -> memref<40x128xf32, #tpu.memory_space<vmem>>
      %dma_wait3A_107 = arith.constant 0 : i32
      %dma_wait3A_108 = tpu.memref_slice %arg15[%add3A_60, %dma_wait3A_107] : memref<10240x128xf32, #tpu.memory_space<vmem_shared>> -> memref<40x128xf32, #tpu.memory_space<vmem_shared>>
      %dma_wait3A_109 = arith.constant 0 : i32
      %dma_wait3A_110 = tpu.memref_slice %arg15[%add3A_60, %dma_wait3A_109] : memref<10240x128xf32, #tpu.memory_space<vmem_shared>> -> memref<40x128xf32, #tpu.memory_space<vmem_shared>>
      %dma_wait3A_111 = arith.constant 0 : i32
      %dma_wait3A_112 = arith.constant 0 : i32
      %dma_wait3A_113 = tpu.memref_slice %arg12[%run_scoped3A_61, %dma_wait3A_111, %dma_wait3A_112] : memref<5x40x128xf32, #tpu.memory_space<vmem>> -> memref<1x40x128xf32, #tpu.memory_space<vmem>>
      %dma_wait3A_114 = tpu.memref_squeeze %dma_wait3A_113 : memref<1x40x128xf32, #tpu.memory_space<vmem>> -> memref<40x128xf32, #tpu.memory_space<vmem>>
      tpu.wait_dma2 semaphore(%run_scoped3A_92 : memref<!tpu.dma_semaphore, #tpu.memory_space<semaphore_mem>>) src(%dma_wait3A_114 : memref<40x128xf32, #tpu.memory_space<vmem>>) dst(%dma_wait3A_110 : memref<40x128xf32, #tpu.memory_space<vmem_shared>>)
      tpu.yield
    }) : () -> ()
    %add3A_62 = arith.constant 480 : i32
    %add3A_63 = arith.addi %mul3A_0, %add3A_62 : i32
    %run_scoped3A_64 = arith.constant 0 : i32
    "tpu.region"() ({
      %run_scoped3A_92 = tpu.sem_alloc : memref<!tpu.dma_semaphore, #tpu.memory_space<semaphore_mem>>
      %dma_start3A = arith.constant 0 : i32
      %dma_start3A_93 = arith.constant 0 : i32
      %dma_start3A_94 = tpu.memref_slice %arg12[%run_scoped3A_64, %dma_start3A, %dma_start3A_93] : memref<5x40x128xf32, #tpu.memory_space<vmem>> -> memref<1x40x128xf32, #tpu.memory_space<vmem>>
      %dma_start3A_95 = tpu.memref_squeeze %dma_start3A_94 : memref<1x40x128xf32, #tpu.memory_space<vmem>> -> memref<40x128xf32, #tpu.memory_space<vmem>>
      %dma_start3A_96 = arith.constant 0 : i32
      %dma_start3A_97 = tpu.memref_slice %arg15[%add3A_63, %dma_start3A_96] : memref<10240x128xf32, #tpu.memory_space<vmem_shared>> -> memref<40x128xf32, #tpu.memory_space<vmem_shared>>
      %dma_start3A_98 = arith.constant 0 : i32
      %dma_start3A_99 = tpu.memref_slice %arg15[%add3A_63, %dma_start3A_98] : memref<10240x128xf32, #tpu.memory_space<vmem_shared>> -> memref<40x128xf32, #tpu.memory_space<vmem_shared>>
      %dma_start3A_100 = arith.constant 0 : i32
      %dma_start3A_101 = arith.constant 0 : i32
      %dma_start3A_102 = tpu.memref_slice %arg12[%run_scoped3A_64, %dma_start3A_100, %dma_start3A_101] : memref<5x40x128xf32, #tpu.memory_space<vmem>> -> memref<1x40x128xf32, #tpu.memory_space<vmem>>
      %dma_start3A_103 = tpu.memref_squeeze %dma_start3A_102 : memref<1x40x128xf32, #tpu.memory_space<vmem>> -> memref<40x128xf32, #tpu.memory_space<vmem>>
      tpu.enqueue_dma source(%dma_start3A_103 : memref<40x128xf32, #tpu.memory_space<vmem>>) target(%dma_start3A_99 : memref<40x128xf32, #tpu.memory_space<vmem_shared>>) target_semaphore(%run_scoped3A_92 : memref<!tpu.dma_semaphore, #tpu.memory_space<semaphore_mem>>)
      %dma_wait3A = arith.constant 0 : i32
      %dma_wait3A_104 = arith.constant 0 : i32
      %dma_wait3A_105 = tpu.memref_slice %arg12[%run_scoped3A_64, %dma_wait3A, %dma_wait3A_104] : memref<5x40x128xf32, #tpu.memory_space<vmem>> -> memref<1x40x128xf32, #tpu.memory_space<vmem>>
      %dma_wait3A_106 = tpu.memref_squeeze %dma_wait3A_105 : memref<1x40x128xf32, #tpu.memory_space<vmem>> -> memref<40x128xf32, #tpu.memory_space<vmem>>
      %dma_wait3A_107 = arith.constant 0 : i32
      %dma_wait3A_108 = tpu.memref_slice %arg15[%add3A_63, %dma_wait3A_107] : memref<10240x128xf32, #tpu.memory_space<vmem_shared>> -> memref<40x128xf32, #tpu.memory_space<vmem_shared>>
      %dma_wait3A_109 = arith.constant 0 : i32
      %dma_wait3A_110 = tpu.memref_slice %arg15[%add3A_63, %dma_wait3A_109] : memref<10240x128xf32, #tpu.memory_space<vmem_shared>> -> memref<40x128xf32, #tpu.memory_space<vmem_shared>>
      %dma_wait3A_111 = arith.constant 0 : i32
      %dma_wait3A_112 = arith.constant 0 : i32
      %dma_wait3A_113 = tpu.memref_slice %arg12[%run_scoped3A_64, %dma_wait3A_111, %dma_wait3A_112] : memref<5x40x128xf32, #tpu.memory_space<vmem>> -> memref<1x40x128xf32, #tpu.memory_space<vmem>>
      %dma_wait3A_114 = tpu.memref_squeeze %dma_wait3A_113 : memref<1x40x128xf32, #tpu.memory_space<vmem>> -> memref<40x128xf32, #tpu.memory_space<vmem>>
      tpu.wait_dma2 semaphore(%run_scoped3A_92 : memref<!tpu.dma_semaphore, #tpu.memory_space<semaphore_mem>>) src(%dma_wait3A_114 : memref<40x128xf32, #tpu.memory_space<vmem>>) dst(%dma_wait3A_110 : memref<40x128xf32, #tpu.memory_space<vmem_shared>>)
      tpu.yield
    }) : () -> ()
    %add3A_65 = arith.constant 520 : i32
    %add3A_66 = arith.addi %mul3A_0, %add3A_65 : i32
    %run_scoped3A_67 = arith.constant 0 : i32
    "tpu.region"() ({
      %run_scoped3A_92 = tpu.sem_alloc : memref<!tpu.dma_semaphore, #tpu.memory_space<semaphore_mem>>
      %dma_start3A = arith.constant 0 : i32
      %dma_start3A_93 = arith.constant 0 : i32
      %dma_start3A_94 = tpu.memref_slice %arg12[%run_scoped3A_67, %dma_start3A, %dma_start3A_93] : memref<5x40x128xf32, #tpu.memory_space<vmem>> -> memref<1x40x128xf32, #tpu.memory_space<vmem>>
      %dma_start3A_95 = tpu.memref_squeeze %dma_start3A_94 : memref<1x40x128xf32, #tpu.memory_space<vmem>> -> memref<40x128xf32, #tpu.memory_space<vmem>>
      %dma_start3A_96 = arith.constant 0 : i32
      %dma_start3A_97 = tpu.memref_slice %arg15[%add3A_66, %dma_start3A_96] : memref<10240x128xf32, #tpu.memory_space<vmem_shared>> -> memref<40x128xf32, #tpu.memory_space<vmem_shared>>
      %dma_start3A_98 = arith.constant 0 : i32
      %dma_start3A_99 = tpu.memref_slice %arg15[%add3A_66, %dma_start3A_98] : memref<10240x128xf32, #tpu.memory_space<vmem_shared>> -> memref<40x128xf32, #tpu.memory_space<vmem_shared>>
      %dma_start3A_100 = arith.constant 0 : i32
      %dma_start3A_101 = arith.constant 0 : i32
      %dma_start3A_102 = tpu.memref_slice %arg12[%run_scoped3A_67, %dma_start3A_100, %dma_start3A_101] : memref<5x40x128xf32, #tpu.memory_space<vmem>> -> memref<1x40x128xf32, #tpu.memory_space<vmem>>
      %dma_start3A_103 = tpu.memref_squeeze %dma_start3A_102 : memref<1x40x128xf32, #tpu.memory_space<vmem>> -> memref<40x128xf32, #tpu.memory_space<vmem>>
      tpu.enqueue_dma source(%dma_start3A_103 : memref<40x128xf32, #tpu.memory_space<vmem>>) target(%dma_start3A_99 : memref<40x128xf32, #tpu.memory_space<vmem_shared>>) target_semaphore(%run_scoped3A_92 : memref<!tpu.dma_semaphore, #tpu.memory_space<semaphore_mem>>)
      %dma_wait3A = arith.constant 0 : i32
      %dma_wait3A_104 = arith.constant 0 : i32
      %dma_wait3A_105 = tpu.memref_slice %arg12[%run_scoped3A_67, %dma_wait3A, %dma_wait3A_104] : memref<5x40x128xf32, #tpu.memory_space<vmem>> -> memref<1x40x128xf32, #tpu.memory_space<vmem>>
      %dma_wait3A_106 = tpu.memref_squeeze %dma_wait3A_105 : memref<1x40x128xf32, #tpu.memory_space<vmem>> -> memref<40x128xf32, #tpu.memory_space<vmem>>
      %dma_wait3A_107 = arith.constant 0 : i32
      %dma_wait3A_108 = tpu.memref_slice %arg15[%add3A_66, %dma_wait3A_107] : memref<10240x128xf32, #tpu.memory_space<vmem_shared>> -> memref<40x128xf32, #tpu.memory_space<vmem_shared>>
      %dma_wait3A_109 = arith.constant 0 : i32
      %dma_wait3A_110 = tpu.memref_slice %arg15[%add3A_66, %dma_wait3A_109] : memref<10240x128xf32, #tpu.memory_space<vmem_shared>> -> memref<40x128xf32, #tpu.memory_space<vmem_shared>>
      %dma_wait3A_111 = arith.constant 0 : i32
      %dma_wait3A_112 = arith.constant 0 : i32
      %dma_wait3A_113 = tpu.memref_slice %arg12[%run_scoped3A_67, %dma_wait3A_111, %dma_wait3A_112] : memref<5x40x128xf32, #tpu.memory_space<vmem>> -> memref<1x40x128xf32, #tpu.memory_space<vmem>>
      %dma_wait3A_114 = tpu.memref_squeeze %dma_wait3A_113 : memref<1x40x128xf32, #tpu.memory_space<vmem>> -> memref<40x128xf32, #tpu.memory_space<vmem>>
      tpu.wait_dma2 semaphore(%run_scoped3A_92 : memref<!tpu.dma_semaphore, #tpu.memory_space<semaphore_mem>>) src(%dma_wait3A_114 : memref<40x128xf32, #tpu.memory_space<vmem>>) dst(%dma_wait3A_110 : memref<40x128xf32, #tpu.memory_space<vmem_shared>>)
      tpu.yield
    }) : () -> ()
    %add3A_68 = arith.constant 560 : i32
    %add3A_69 = arith.addi %mul3A_0, %add3A_68 : i32
    %run_scoped3A_70 = arith.constant 0 : i32
    "tpu.region"() ({
      %run_scoped3A_92 = tpu.sem_alloc : memref<!tpu.dma_semaphore, #tpu.memory_space<semaphore_mem>>
      %dma_start3A = arith.constant 0 : i32
      %dma_start3A_93 = arith.constant 0 : i32
      %dma_start3A_94 = tpu.memref_slice %arg12[%run_scoped3A_70, %dma_start3A, %dma_start3A_93] : memref<5x40x128xf32, #tpu.memory_space<vmem>> -> memref<1x40x128xf32, #tpu.memory_space<vmem>>
      %dma_start3A_95 = tpu.memref_squeeze %dma_start3A_94 : memref<1x40x128xf32, #tpu.memory_space<vmem>> -> memref<40x128xf32, #tpu.memory_space<vmem>>
      %dma_start3A_96 = arith.constant 0 : i32
      %dma_start3A_97 = tpu.memref_slice %arg15[%add3A_69, %dma_start3A_96] : memref<10240x128xf32, #tpu.memory_space<vmem_shared>> -> memref<40x128xf32, #tpu.memory_space<vmem_shared>>
      %dma_start3A_98 = arith.constant 0 : i32
      %dma_start3A_99 = tpu.memref_slice %arg15[%add3A_69, %dma_start3A_98] : memref<10240x128xf32, #tpu.memory_space<vmem_shared>> -> memref<40x128xf32, #tpu.memory_space<vmem_shared>>
      %dma_start3A_100 = arith.constant 0 : i32
      %dma_start3A_101 = arith.constant 0 : i32
      %dma_start3A_102 = tpu.memref_slice %arg12[%run_scoped3A_70, %dma_start3A_100, %dma_start3A_101] : memref<5x40x128xf32, #tpu.memory_space<vmem>> -> memref<1x40x128xf32, #tpu.memory_space<vmem>>
      %dma_start3A_103 = tpu.memref_squeeze %dma_start3A_102 : memref<1x40x128xf32, #tpu.memory_space<vmem>> -> memref<40x128xf32, #tpu.memory_space<vmem>>
      tpu.enqueue_dma source(%dma_start3A_103 : memref<40x128xf32, #tpu.memory_space<vmem>>) target(%dma_start3A_99 : memref<40x128xf32, #tpu.memory_space<vmem_shared>>) target_semaphore(%run_scoped3A_92 : memref<!tpu.dma_semaphore, #tpu.memory_space<semaphore_mem>>)
      %dma_wait3A = arith.constant 0 : i32
      %dma_wait3A_104 = arith.constant 0 : i32
      %dma_wait3A_105 = tpu.memref_slice %arg12[%run_scoped3A_70, %dma_wait3A, %dma_wait3A_104] : memref<5x40x128xf32, #tpu.memory_space<vmem>> -> memref<1x40x128xf32, #tpu.memory_space<vmem>>
      %dma_wait3A_106 = tpu.memref_squeeze %dma_wait3A_105 : memref<1x40x128xf32, #tpu.memory_space<vmem>> -> memref<40x128xf32, #tpu.memory_space<vmem>>
      %dma_wait3A_107 = arith.constant 0 : i32
      %dma_wait3A_108 = tpu.memref_slice %arg15[%add3A_69, %dma_wait3A_107] : memref<10240x128xf32, #tpu.memory_space<vmem_shared>> -> memref<40x128xf32, #tpu.memory_space<vmem_shared>>
      %dma_wait3A_109 = arith.constant 0 : i32
      %dma_wait3A_110 = tpu.memref_slice %arg15[%add3A_69, %dma_wait3A_109] : memref<10240x128xf32, #tpu.memory_space<vmem_shared>> -> memref<40x128xf32, #tpu.memory_space<vmem_shared>>
      %dma_wait3A_111 = arith.constant 0 : i32
      %dma_wait3A_112 = arith.constant 0 : i32
      %dma_wait3A_113 = tpu.memref_slice %arg12[%run_scoped3A_70, %dma_wait3A_111, %dma_wait3A_112] : memref<5x40x128xf32, #tpu.memory_space<vmem>> -> memref<1x40x128xf32, #tpu.memory_space<vmem>>
      %dma_wait3A_114 = tpu.memref_squeeze %dma_wait3A_113 : memref<1x40x128xf32, #tpu.memory_space<vmem>> -> memref<40x128xf32, #tpu.memory_space<vmem>>
      tpu.wait_dma2 semaphore(%run_scoped3A_92 : memref<!tpu.dma_semaphore, #tpu.memory_space<semaphore_mem>>) src(%dma_wait3A_114 : memref<40x128xf32, #tpu.memory_space<vmem>>) dst(%dma_wait3A_110 : memref<40x128xf32, #tpu.memory_space<vmem_shared>>)
      tpu.yield
    }) : () -> ()
    %add3A_71 = arith.constant 600 : i32
    %add3A_72 = arith.addi %mul3A_0, %add3A_71 : i32
    %run_scoped3A_73 = arith.constant 0 : i32
    "tpu.region"() ({
      %run_scoped3A_92 = tpu.sem_alloc : memref<!tpu.dma_semaphore, #tpu.memory_space<semaphore_mem>>
      %dma_start3A = arith.constant 0 : i32
      %dma_start3A_93 = arith.constant 0 : i32
      %dma_start3A_94 = tpu.memref_slice %arg12[%run_scoped3A_73, %dma_start3A, %dma_start3A_93] : memref<5x40x128xf32, #tpu.memory_space<vmem>> -> memref<1x40x128xf32, #tpu.memory_space<vmem>>
      %dma_start3A_95 = tpu.memref_squeeze %dma_start3A_94 : memref<1x40x128xf32, #tpu.memory_space<vmem>> -> memref<40x128xf32, #tpu.memory_space<vmem>>
      %dma_start3A_96 = arith.constant 0 : i32
      %dma_start3A_97 = tpu.memref_slice %arg15[%add3A_72, %dma_start3A_96] : memref<10240x128xf32, #tpu.memory_space<vmem_shared>> -> memref<40x128xf32, #tpu.memory_space<vmem_shared>>
      %dma_start3A_98 = arith.constant 0 : i32
      %dma_start3A_99 = tpu.memref_slice %arg15[%add3A_72, %dma_start3A_98] : memref<10240x128xf32, #tpu.memory_space<vmem_shared>> -> memref<40x128xf32, #tpu.memory_space<vmem_shared>>
      %dma_start3A_100 = arith.constant 0 : i32
      %dma_start3A_101 = arith.constant 0 : i32
      %dma_start3A_102 = tpu.memref_slice %arg12[%run_scoped3A_73, %dma_start3A_100, %dma_start3A_101] : memref<5x40x128xf32, #tpu.memory_space<vmem>> -> memref<1x40x128xf32, #tpu.memory_space<vmem>>
      %dma_start3A_103 = tpu.memref_squeeze %dma_start3A_102 : memref<1x40x128xf32, #tpu.memory_space<vmem>> -> memref<40x128xf32, #tpu.memory_space<vmem>>
      tpu.enqueue_dma source(%dma_start3A_103 : memref<40x128xf32, #tpu.memory_space<vmem>>) target(%dma_start3A_99 : memref<40x128xf32, #tpu.memory_space<vmem_shared>>) target_semaphore(%run_scoped3A_92 : memref<!tpu.dma_semaphore, #tpu.memory_space<semaphore_mem>>)
      %dma_wait3A = arith.constant 0 : i32
      %dma_wait3A_104 = arith.constant 0 : i32
      %dma_wait3A_105 = tpu.memref_slice %arg12[%run_scoped3A_73, %dma_wait3A, %dma_wait3A_104] : memref<5x40x128xf32, #tpu.memory_space<vmem>> -> memref<1x40x128xf32, #tpu.memory_space<vmem>>
      %dma_wait3A_106 = tpu.memref_squeeze %dma_wait3A_105 : memref<1x40x128xf32, #tpu.memory_space<vmem>> -> memref<40x128xf32, #tpu.memory_space<vmem>>
      %dma_wait3A_107 = arith.constant 0 : i32
      %dma_wait3A_108 = tpu.memref_slice %arg15[%add3A_72, %dma_wait3A_107] : memref<10240x128xf32, #tpu.memory_space<vmem_shared>> -> memref<40x128xf32, #tpu.memory_space<vmem_shared>>
      %dma_wait3A_109 = arith.constant 0 : i32
      %dma_wait3A_110 = tpu.memref_slice %arg15[%add3A_72, %dma_wait3A_109] : memref<10240x128xf32, #tpu.memory_space<vmem_shared>> -> memref<40x128xf32, #tpu.memory_space<vmem_shared>>
      %dma_wait3A_111 = arith.constant 0 : i32
      %dma_wait3A_112 = arith.constant 0 : i32
      %dma_wait3A_113 = tpu.memref_slice %arg12[%run_scoped3A_73, %dma_wait3A_111, %dma_wait3A_112] : memref<5x40x128xf32, #tpu.memory_space<vmem>> -> memref<1x40x128xf32, #tpu.memory_space<vmem>>
      %dma_wait3A_114 = tpu.memref_squeeze %dma_wait3A_113 : memref<1x40x128xf32, #tpu.memory_space<vmem>> -> memref<40x128xf32, #tpu.memory_space<vmem>>
      tpu.wait_dma2 semaphore(%run_scoped3A_92 : memref<!tpu.dma_semaphore, #tpu.memory_space<semaphore_mem>>) src(%dma_wait3A_114 : memref<40x128xf32, #tpu.memory_space<vmem>>) dst(%dma_wait3A_110 : memref<40x128xf32, #tpu.memory_space<vmem_shared>>)
      tpu.yield
    }) : () -> ()
    "tpu.region"() ({
      %run_scoped3A_92 = tpu.sem_alloc : memref<!tpu.dma_semaphore, #tpu.memory_space<semaphore_mem>>
      %dma_start3A = arith.constant 0 : i32
      %dma_start3A_93 = tpu.memref_slice %arg4[%arg1, %dma_start3A] : memref<16x10000xi32, #tpu.memory_space<hbm>> -> memref<1x10000xi32, #tpu.memory_space<hbm>>
      %dma_start3A_94 = tpu.memref_squeeze %dma_start3A_93 : memref<1x10000xi32, #tpu.memory_space<hbm>> -> memref<10000xi32, #tpu.memory_space<hbm>>
      %dma_start3A_95 = arith.constant 0 : i32
      %dma_start3A_96 = tpu.memref_slice %arg4[%arg1, %dma_start3A_95] : memref<16x10000xi32, #tpu.memory_space<hbm>> -> memref<1x10000xi32, #tpu.memory_space<hbm>>
      %dma_start3A_97 = tpu.memref_squeeze %dma_start3A_96 : memref<1x10000xi32, #tpu.memory_space<hbm>> -> memref<10000xi32, #tpu.memory_space<hbm>>
      tpu.enqueue_dma source(%dma_start3A_97 : memref<10000xi32, #tpu.memory_space<hbm>>) target(%arg10 : memref<10000xi32, #tpu.memory_space<vmem>>) target_semaphore(%run_scoped3A_92 : memref<!tpu.dma_semaphore, #tpu.memory_space<semaphore_mem>>)
      %dma_wait3A = arith.constant 0 : i32
      %dma_wait3A_98 = tpu.memref_slice %arg4[%arg1, %dma_wait3A] : memref<16x10000xi32, #tpu.memory_space<hbm>> -> memref<1x10000xi32, #tpu.memory_space<hbm>>
      %dma_wait3A_99 = tpu.memref_squeeze %dma_wait3A_98 : memref<1x10000xi32, #tpu.memory_space<hbm>> -> memref<10000xi32, #tpu.memory_space<hbm>>
      %dma_wait3A_100 = arith.constant 0 : i32
      %dma_wait3A_101 = tpu.memref_slice %arg4[%arg1, %dma_wait3A_100] : memref<16x10000xi32, #tpu.memory_space<hbm>> -> memref<1x10000xi32, #tpu.memory_space<hbm>>
      %dma_wait3A_102 = tpu.memref_squeeze %dma_wait3A_101 : memref<1x10000xi32, #tpu.memory_space<hbm>> -> memref<10000xi32, #tpu.memory_space<hbm>>
      tpu.wait_dma2 semaphore(%run_scoped3A_92 : memref<!tpu.dma_semaphore, #tpu.memory_space<semaphore_mem>>) src(%dma_wait3A_102 : memref<10000xi32, #tpu.memory_space<hbm>>) dst(%arg10 : memref<10000xi32, #tpu.memory_space<vmem>>)
      tpu.yield
    }) : () -> ()
    "tpu.region"() ({
      %run_scoped3A_92 = tpu.sem_alloc : memref<!tpu.dma_semaphore, #tpu.memory_space<semaphore_mem>>
      %dma_start3A = tpu.memref_slice %arg16[%mul3A_0] : memref<10240xf32, #tpu.memory_space<vmem_shared>> -> memref<640xf32, #tpu.memory_space<vmem_shared>>
      %dma_start3A_93 = tpu.memref_slice %arg16[%mul3A_0] : memref<10240xf32, #tpu.memory_space<vmem_shared>> -> memref<640xf32, #tpu.memory_space<vmem_shared>>
      tpu.enqueue_dma source(%arg14 : memref<640xf32, #tpu.memory_space<vmem>>) target(%dma_start3A_93 : memref<640xf32, #tpu.memory_space<vmem_shared>>) target_semaphore(%run_scoped3A_92 : memref<!tpu.dma_semaphore, #tpu.memory_space<semaphore_mem>>)
      %dma_wait3A = tpu.memref_slice %arg16[%mul3A_0] : memref<10240xf32, #tpu.memory_space<vmem_shared>> -> memref<640xf32, #tpu.memory_space<vmem_shared>>
      %dma_wait3A_94 = tpu.memref_slice %arg16[%mul3A_0] : memref<10240xf32, #tpu.memory_space<vmem_shared>> -> memref<640xf32, #tpu.memory_space<vmem_shared>>
      tpu.wait_dma2 semaphore(%run_scoped3A_92 : memref<!tpu.dma_semaphore, #tpu.memory_space<semaphore_mem>>) src(%arg14 : memref<640xf32, #tpu.memory_space<vmem>>) dst(%dma_wait3A_94 : memref<640xf32, #tpu.memory_space<vmem_shared>>)
      tpu.yield
    }) : () -> ()
    %barrier3A = arith.constant 0 : index
    tpu.barrier barrier_id(%barrier3A)
    %eq3A = arith.constant 0 : i32
    %eq3A_74 = arith.cmpi eq, %arg0, %eq3A : i32
    %convert_element_type3A = arith.extui %eq3A_74 : i1 to i32
    %cond3A = arith.constant 0 : i32
    %cond3A_75 = arith.cmpi ne, %convert_element_type3A, %cond3A : i32
    scf.if %cond3A_75 {
      %dma_start3A = arith.constant 0 : i32
      %dma_start3A_92 = arith.constant 0 : i32
      %dma_start3A_93 = arith.constant 0 : i32
      %dma_start3A_94 = arith.constant 0 : i32
      %dma_start3A_95 = tpu.memref_slice %arg12[%dma_start3A, %dma_start3A_93, %dma_start3A_94] : memref<5x40x128xf32, #tpu.memory_space<vmem>> -> memref<1x40x128xf32, #tpu.memory_space<vmem>>
      %dma_start3A_96 = tpu.memref_squeeze %dma_start3A_95 : memref<1x40x128xf32, #tpu.memory_space<vmem>> -> memref<40x128xf32, #tpu.memory_space<vmem>>
      %dma_start3A_97 = arith.constant 0 : i32
      %dma_start3A_98 = tpu.memref_slice %arg10[%dma_start3A_97] : memref<10000xi32, #tpu.memory_space<vmem>> -> memref<40xi32, #tpu.memory_space<vmem>>
      %dma_start3A_99 = arith.constant 0 : i32
      %dma_start3A_100 = arith.constant 0 : i32
      %dma_start3A_101 = tpu.memref_slice %arg2[%dma_start3A_99, %dma_start3A_100] : memref<10000x128xf32, #tpu.memory_space<hbm>> -> memref<10000x128xf32, #tpu.memory_space<hbm>>
      %dma_start3A_102 = tpu.memref_slice %arg17[%dma_start3A_92] : memref<5x!tpu.dma_semaphore, #tpu.memory_space<semaphore_mem>> -> memref<1x!tpu.dma_semaphore, #tpu.memory_space<semaphore_mem>>
      %dma_start3A_103 = tpu.memref_squeeze %dma_start3A_102 : memref<1x!tpu.dma_semaphore, #tpu.memory_space<semaphore_mem>> -> memref<!tpu.dma_semaphore, #tpu.memory_space<semaphore_mem>>
      tpu.enqueue_indirect_dma source(%dma_start3A_101 : memref<10000x128xf32, #tpu.memory_space<hbm>>) target(%dma_start3A_96 : memref<40x128xf32, #tpu.memory_space<vmem>>) offsets(%dma_start3A_98 : memref<40xi32, #tpu.memory_space<vmem>>) semaphore(%dma_start3A_103 : memref<!tpu.dma_semaphore, #tpu.memory_space<semaphore_mem>>)
      %dma_start3A_104 = arith.constant 0 : i32
      %dma_start3A_105 = arith.constant 0 : i32
      %dma_start3A_106 = arith.constant 0 : i32
      %dma_start3A_107 = arith.constant 0 : i32
      %dma_start3A_108 = tpu.memref_slice %arg11[%dma_start3A_105, %dma_start3A_107] : memref<5x40xi32, #tpu.memory_space<vmem>> -> memref<1x40xi32, #tpu.memory_space<vmem>>
      %dma_start3A_109 = tpu.memref_squeeze %dma_start3A_108 : memref<1x40xi32, #tpu.memory_space<vmem>> -> memref<40xi32, #tpu.memory_space<vmem>>
      %dma_start3A_110 = arith.constant 0 : i32
      %dma_start3A_111 = tpu.memref_slice %arg5[%arg1, %dma_start3A_104, %dma_start3A_110] : memref<16x250x40xi32, #tpu.memory_space<hbm>> -> memref<1x1x40xi32, #tpu.memory_space<hbm>>
      %dma_start3A_112 = tpu.memref_squeeze %dma_start3A_111 : memref<1x1x40xi32, #tpu.memory_space<hbm>> -> memref<40xi32, #tpu.memory_space<hbm>>
      %dma_start3A_113 = tpu.memref_slice %arg20[%dma_start3A_106] : memref<5x!tpu.dma_semaphore, #tpu.memory_space<semaphore_mem>> -> memref<1x!tpu.dma_semaphore, #tpu.memory_space<semaphore_mem>>
      %dma_start3A_114 = tpu.memref_squeeze %dma_start3A_113 : memref<1x!tpu.dma_semaphore, #tpu.memory_space<semaphore_mem>> -> memref<!tpu.dma_semaphore, #tpu.memory_space<semaphore_mem>>
      %dma_start3A_115 = arith.constant 0 : i32
      %dma_start3A_116 = tpu.memref_slice %arg11[%dma_start3A_105, %dma_start3A_115] : memref<5x40xi32, #tpu.memory_space<vmem>> -> memref<1x40xi32, #tpu.memory_space<vmem>>
      %dma_start3A_117 = tpu.memref_squeeze %dma_start3A_116 : memref<1x40xi32, #tpu.memory_space<vmem>> -> memref<40xi32, #tpu.memory_space<vmem>>
      %dma_start3A_118 = arith.constant 0 : i32
      %dma_start3A_119 = tpu.memref_slice %arg5[%arg1, %dma_start3A_104, %dma_start3A_118] : memref<16x250x40xi32, #tpu.memory_space<hbm>> -> memref<1x1x40xi32, #tpu.memory_space<hbm>>
      %dma_start3A_120 = tpu.memref_squeeze %dma_start3A_119 : memref<1x1x40xi32, #tpu.memory_space<hbm>> -> memref<40xi32, #tpu.memory_space<hbm>>
      tpu.enqueue_dma source(%dma_start3A_120 : memref<40xi32, #tpu.memory_space<hbm>>) target(%dma_start3A_117 : memref<40xi32, #tpu.memory_space<vmem>>) target_semaphore(%dma_start3A_114 : memref<!tpu.dma_semaphore, #tpu.memory_space<semaphore_mem>>)
      %dma_start3A_121 = arith.constant 1 : i32
      %dma_start3A_122 = arith.constant 1 : i32
      %dma_start3A_123 = arith.constant 0 : i32
      %dma_start3A_124 = arith.constant 0 : i32
      %dma_start3A_125 = tpu.memref_slice %arg12[%dma_start3A_121, %dma_start3A_123, %dma_start3A_124] : memref<5x40x128xf32, #tpu.memory_space<vmem>> -> memref<1x40x128xf32, #tpu.memory_space<vmem>>
      %dma_start3A_126 = tpu.memref_squeeze %dma_start3A_125 : memref<1x40x128xf32, #tpu.memory_space<vmem>> -> memref<40x128xf32, #tpu.memory_space<vmem>>
      %dma_start3A_127 = arith.constant 40 : i32
      %dma_start3A_128 = tpu.memref_slice %arg10[%dma_start3A_127] : memref<10000xi32, #tpu.memory_space<vmem>> -> memref<40xi32, #tpu.memory_space<vmem>>
      %dma_start3A_129 = arith.constant 0 : i32
      %dma_start3A_130 = arith.constant 0 : i32
      %dma_start3A_131 = tpu.memref_slice %arg2[%dma_start3A_129, %dma_start3A_130] : memref<10000x128xf32, #tpu.memory_space<hbm>> -> memref<10000x128xf32, #tpu.memory_space<hbm>>
      %dma_start3A_132 = tpu.memref_slice %arg17[%dma_start3A_122] : memref<5x!tpu.dma_semaphore, #tpu.memory_space<semaphore_mem>> -> memref<1x!tpu.dma_semaphore, #tpu.memory_space<semaphore_mem>>
      %dma_start3A_133 = tpu.memref_squeeze %dma_start3A_132 : memref<1x!tpu.dma_semaphore, #tpu.memory_space<semaphore_mem>> -> memref<!tpu.dma_semaphore, #tpu.memory_space<semaphore_mem>>
      tpu.enqueue_indirect_dma source(%dma_start3A_131 : memref<10000x128xf32, #tpu.memory_space<hbm>>) target(%dma_start3A_126 : memref<40x128xf32, #tpu.memory_space<vmem>>) offsets(%dma_start3A_128 : memref<40xi32, #tpu.memory_space<vmem>>) semaphore(%dma_start3A_133 : memref<!tpu.dma_semaphore, #tpu.memory_space<semaphore_mem>>)
      %dma_start3A_134 = arith.constant 1 : i32
      %dma_start3A_135 = arith.constant 1 : i32
      %dma_start3A_136 = arith.constant 1 : i32
      %dma_start3A_137 = arith.constant 0 : i32
      %dma_start3A_138 = tpu.memref_slice %arg11[%dma_start3A_135, %dma_start3A_137] : memref<5x40xi32, #tpu.memory_space<vmem>> -> memref<1x40xi32, #tpu.memory_space<vmem>>
      %dma_start3A_139 = tpu.memref_squeeze %dma_start3A_138 : memref<1x40xi32, #tpu.memory_space<vmem>> -> memref<40xi32, #tpu.memory_space<vmem>>
      %dma_start3A_140 = arith.constant 0 : i32
      %dma_start3A_141 = tpu.memref_slice %arg5[%arg1, %dma_start3A_134, %dma_start3A_140] : memref<16x250x40xi32, #tpu.memory_space<hbm>> -> memref<1x1x40xi32, #tpu.memory_space<hbm>>
      %dma_start3A_142 = tpu.memref_squeeze %dma_start3A_141 : memref<1x1x40xi32, #tpu.memory_space<hbm>> -> memref<40xi32, #tpu.memory_space<hbm>>
      %dma_start3A_143 = tpu.memref_slice %arg20[%dma_start3A_136] : memref<5x!tpu.dma_semaphore, #tpu.memory_space<semaphore_mem>> -> memref<1x!tpu.dma_semaphore, #tpu.memory_space<semaphore_mem>>
      %dma_start3A_144 = tpu.memref_squeeze %dma_start3A_143 : memref<1x!tpu.dma_semaphore, #tpu.memory_space<semaphore_mem>> -> memref<!tpu.dma_semaphore, #tpu.memory_space<semaphore_mem>>
      %dma_start3A_145 = arith.constant 0 : i32
      %dma_start3A_146 = tpu.memref_slice %arg11[%dma_start3A_135, %dma_start3A_145] : memref<5x40xi32, #tpu.memory_space<vmem>> -> memref<1x40xi32, #tpu.memory_space<vmem>>
      %dma_start3A_147 = tpu.memref_squeeze %dma_start3A_146 : memref<1x40xi32, #tpu.memory_space<vmem>> -> memref<40xi32, #tpu.memory_space<vmem>>
      %dma_start3A_148 = arith.constant 0 : i32
      %dma_start3A_149 = tpu.memref_slice %arg5[%arg1, %dma_start3A_134, %dma_start3A_148] : memref<16x250x40xi32, #tpu.memory_space<hbm>> -> memref<1x1x40xi32, #tpu.memory_space<hbm>>
      %dma_start3A_150 = tpu.memref_squeeze %dma_start3A_149 : memref<1x1x40xi32, #tpu.memory_space<hbm>> -> memref<40xi32, #tpu.memory_space<hbm>>
      tpu.enqueue_dma source(%dma_start3A_150 : memref<40xi32, #tpu.memory_space<hbm>>) target(%dma_start3A_147 : memref<40xi32, #tpu.memory_space<vmem>>) target_semaphore(%dma_start3A_144 : memref<!tpu.dma_semaphore, #tpu.memory_space<semaphore_mem>>)
      %dma_start3A_151 = arith.constant 2 : i32
      %dma_start3A_152 = arith.constant 2 : i32
      %dma_start3A_153 = arith.constant 0 : i32
      %dma_start3A_154 = arith.constant 0 : i32
      %dma_start3A_155 = tpu.memref_slice %arg12[%dma_start3A_151, %dma_start3A_153, %dma_start3A_154] : memref<5x40x128xf32, #tpu.memory_space<vmem>> -> memref<1x40x128xf32, #tpu.memory_space<vmem>>
      %dma_start3A_156 = tpu.memref_squeeze %dma_start3A_155 : memref<1x40x128xf32, #tpu.memory_space<vmem>> -> memref<40x128xf32, #tpu.memory_space<vmem>>
      %dma_start3A_157 = arith.constant 80 : i32
      %dma_start3A_158 = tpu.memref_slice %arg10[%dma_start3A_157] : memref<10000xi32, #tpu.memory_space<vmem>> -> memref<40xi32, #tpu.memory_space<vmem>>
      %dma_start3A_159 = arith.constant 0 : i32
      %dma_start3A_160 = arith.constant 0 : i32
      %dma_start3A_161 = tpu.memref_slice %arg2[%dma_start3A_159, %dma_start3A_160] : memref<10000x128xf32, #tpu.memory_space<hbm>> -> memref<10000x128xf32, #tpu.memory_space<hbm>>
      %dma_start3A_162 = tpu.memref_slice %arg17[%dma_start3A_152] : memref<5x!tpu.dma_semaphore, #tpu.memory_space<semaphore_mem>> -> memref<1x!tpu.dma_semaphore, #tpu.memory_space<semaphore_mem>>
      %dma_start3A_163 = tpu.memref_squeeze %dma_start3A_162 : memref<1x!tpu.dma_semaphore, #tpu.memory_space<semaphore_mem>> -> memref<!tpu.dma_semaphore, #tpu.memory_space<semaphore_mem>>
      tpu.enqueue_indirect_dma source(%dma_start3A_161 : memref<10000x128xf32, #tpu.memory_space<hbm>>) target(%dma_start3A_156 : memref<40x128xf32, #tpu.memory_space<vmem>>) offsets(%dma_start3A_158 : memref<40xi32, #tpu.memory_space<vmem>>) semaphore(%dma_start3A_163 : memref<!tpu.dma_semaphore, #tpu.memory_space<semaphore_mem>>)
      %dma_start3A_164 = arith.constant 2 : i32
      %dma_start3A_165 = arith.constant 2 : i32
      %dma_start3A_166 = arith.constant 2 : i32
      %dma_start3A_167 = arith.constant 0 : i32
      %dma_start3A_168 = tpu.memref_slice %arg11[%dma_start3A_165, %dma_start3A_167] : memref<5x40xi32, #tpu.memory_space<vmem>> -> memref<1x40xi32, #tpu.memory_space<vmem>>
      %dma_start3A_169 = tpu.memref_squeeze %dma_start3A_168 : memref<1x40xi32, #tpu.memory_space<vmem>> -> memref<40xi32, #tpu.memory_space<vmem>>
      %dma_start3A_170 = arith.constant 0 : i32
      %dma_start3A_171 = tpu.memref_slice %arg5[%arg1, %dma_start3A_164, %dma_start3A_170] : memref<16x250x40xi32, #tpu.memory_space<hbm>> -> memref<1x1x40xi32, #tpu.memory_space<hbm>>
      %dma_start3A_172 = tpu.memref_squeeze %dma_start3A_171 : memref<1x1x40xi32, #tpu.memory_space<hbm>> -> memref<40xi32, #tpu.memory_space<hbm>>
      %dma_start3A_173 = tpu.memref_slice %arg20[%dma_start3A_166] : memref<5x!tpu.dma_semaphore, #tpu.memory_space<semaphore_mem>> -> memref<1x!tpu.dma_semaphore, #tpu.memory_space<semaphore_mem>>
      %dma_start3A_174 = tpu.memref_squeeze %dma_start3A_173 : memref<1x!tpu.dma_semaphore, #tpu.memory_space<semaphore_mem>> -> memref<!tpu.dma_semaphore, #tpu.memory_space<semaphore_mem>>
      %dma_start3A_175 = arith.constant 0 : i32
      %dma_start3A_176 = tpu.memref_slice %arg11[%dma_start3A_165, %dma_start3A_175] : memref<5x40xi32, #tpu.memory_space<vmem>> -> memref<1x40xi32, #tpu.memory_space<vmem>>
      %dma_start3A_177 = tpu.memref_squeeze %dma_start3A_176 : memref<1x40xi32, #tpu.memory_space<vmem>> -> memref<40xi32, #tpu.memory_space<vmem>>
      %dma_start3A_178 = arith.constant 0 : i32
      %dma_start3A_179 = tpu.memref_slice %arg5[%arg1, %dma_start3A_164, %dma_start3A_178] : memref<16x250x40xi32, #tpu.memory_space<hbm>> -> memref<1x1x40xi32, #tpu.memory_space<hbm>>
      %dma_start3A_180 = tpu.memref_squeeze %dma_start3A_179 : memref<1x1x40xi32, #tpu.memory_space<hbm>> -> memref<40xi32, #tpu.memory_space<hbm>>
      tpu.enqueue_dma source(%dma_start3A_180 : memref<40xi32, #tpu.memory_space<hbm>>) target(%dma_start3A_177 : memref<40xi32, #tpu.memory_space<vmem>>) target_semaphore(%dma_start3A_174 : memref<!tpu.dma_semaphore, #tpu.memory_space<semaphore_mem>>)
      %dma_start3A_181 = arith.constant 3 : i32
      %dma_start3A_182 = arith.constant 3 : i32
      %dma_start3A_183 = arith.constant 0 : i32
      %dma_start3A_184 = arith.constant 0 : i32
      %dma_start3A_185 = tpu.memref_slice %arg12[%dma_start3A_181, %dma_start3A_183, %dma_start3A_184] : memref<5x40x128xf32, #tpu.memory_space<vmem>> -> memref<1x40x128xf32, #tpu.memory_space<vmem>>
      %dma_start3A_186 = tpu.memref_squeeze %dma_start3A_185 : memref<1x40x128xf32, #tpu.memory_space<vmem>> -> memref<40x128xf32, #tpu.memory_space<vmem>>
      %dma_start3A_187 = arith.constant 120 : i32
      %dma_start3A_188 = tpu.memref_slice %arg10[%dma_start3A_187] : memref<10000xi32, #tpu.memory_space<vmem>> -> memref<40xi32, #tpu.memory_space<vmem>>
      %dma_start3A_189 = arith.constant 0 : i32
      %dma_start3A_190 = arith.constant 0 : i32
      %dma_start3A_191 = tpu.memref_slice %arg2[%dma_start3A_189, %dma_start3A_190] : memref<10000x128xf32, #tpu.memory_space<hbm>> -> memref<10000x128xf32, #tpu.memory_space<hbm>>
      %dma_start3A_192 = tpu.memref_slice %arg17[%dma_start3A_182] : memref<5x!tpu.dma_semaphore, #tpu.memory_space<semaphore_mem>> -> memref<1x!tpu.dma_semaphore, #tpu.memory_space<semaphore_mem>>
      %dma_start3A_193 = tpu.memref_squeeze %dma_start3A_192 : memref<1x!tpu.dma_semaphore, #tpu.memory_space<semaphore_mem>> -> memref<!tpu.dma_semaphore, #tpu.memory_space<semaphore_mem>>
      tpu.enqueue_indirect_dma source(%dma_start3A_191 : memref<10000x128xf32, #tpu.memory_space<hbm>>) target(%dma_start3A_186 : memref<40x128xf32, #tpu.memory_space<vmem>>) offsets(%dma_start3A_188 : memref<40xi32, #tpu.memory_space<vmem>>) semaphore(%dma_start3A_193 : memref<!tpu.dma_semaphore, #tpu.memory_space<semaphore_mem>>)
      %dma_start3A_194 = arith.constant 3 : i32
      %dma_start3A_195 = arith.constant 3 : i32
      %dma_start3A_196 = arith.constant 3 : i32
      %dma_start3A_197 = arith.constant 0 : i32
      %dma_start3A_198 = tpu.memref_slice %arg11[%dma_start3A_195, %dma_start3A_197] : memref<5x40xi32, #tpu.memory_space<vmem>> -> memref<1x40xi32, #tpu.memory_space<vmem>>
      %dma_start3A_199 = tpu.memref_squeeze %dma_start3A_198 : memref<1x40xi32, #tpu.memory_space<vmem>> -> memref<40xi32, #tpu.memory_space<vmem>>
      %dma_start3A_200 = arith.constant 0 : i32
      %dma_start3A_201 = tpu.memref_slice %arg5[%arg1, %dma_start3A_194, %dma_start3A_200] : memref<16x250x40xi32, #tpu.memory_space<hbm>> -> memref<1x1x40xi32, #tpu.memory_space<hbm>>
      %dma_start3A_202 = tpu.memref_squeeze %dma_start3A_201 : memref<1x1x40xi32, #tpu.memory_space<hbm>> -> memref<40xi32, #tpu.memory_space<hbm>>
      %dma_start3A_203 = tpu.memref_slice %arg20[%dma_start3A_196] : memref<5x!tpu.dma_semaphore, #tpu.memory_space<semaphore_mem>> -> memref<1x!tpu.dma_semaphore, #tpu.memory_space<semaphore_mem>>
      %dma_start3A_204 = tpu.memref_squeeze %dma_start3A_203 : memref<1x!tpu.dma_semaphore, #tpu.memory_space<semaphore_mem>> -> memref<!tpu.dma_semaphore, #tpu.memory_space<semaphore_mem>>
      %dma_start3A_205 = arith.constant 0 : i32
      %dma_start3A_206 = tpu.memref_slice %arg11[%dma_start3A_195, %dma_start3A_205] : memref<5x40xi32, #tpu.memory_space<vmem>> -> memref<1x40xi32, #tpu.memory_space<vmem>>
      %dma_start3A_207 = tpu.memref_squeeze %dma_start3A_206 : memref<1x40xi32, #tpu.memory_space<vmem>> -> memref<40xi32, #tpu.memory_space<vmem>>
      %dma_start3A_208 = arith.constant 0 : i32
      %dma_start3A_209 = tpu.memref_slice %arg5[%arg1, %dma_start3A_194, %dma_start3A_208] : memref<16x250x40xi32, #tpu.memory_space<hbm>> -> memref<1x1x40xi32, #tpu.memory_space<hbm>>
      %dma_start3A_210 = tpu.memref_squeeze %dma_start3A_209 : memref<1x1x40xi32, #tpu.memory_space<hbm>> -> memref<40xi32, #tpu.memory_space<hbm>>
      tpu.enqueue_dma source(%dma_start3A_210 : memref<40xi32, #tpu.memory_space<hbm>>) target(%dma_start3A_207 : memref<40xi32, #tpu.memory_space<vmem>>) target_semaphore(%dma_start3A_204 : memref<!tpu.dma_semaphore, #tpu.memory_space<semaphore_mem>>)
      %dma_start3A_211 = arith.constant 4 : i32
      %dma_start3A_212 = arith.constant 4 : i32
      %dma_start3A_213 = arith.constant 0 : i32
      %dma_start3A_214 = arith.constant 0 : i32
      %dma_start3A_215 = tpu.memref_slice %arg12[%dma_start3A_211, %dma_start3A_213, %dma_start3A_214] : memref<5x40x128xf32, #tpu.memory_space<vmem>> -> memref<1x40x128xf32, #tpu.memory_space<vmem>>
      %dma_start3A_216 = tpu.memref_squeeze %dma_start3A_215 : memref<1x40x128xf32, #tpu.memory_space<vmem>> -> memref<40x128xf32, #tpu.memory_space<vmem>>
      %dma_start3A_217 = arith.constant 160 : i32
      %dma_start3A_218 = tpu.memref_slice %arg10[%dma_start3A_217] : memref<10000xi32, #tpu.memory_space<vmem>> -> memref<40xi32, #tpu.memory_space<vmem>>
      %dma_start3A_219 = arith.constant 0 : i32
      %dma_start3A_220 = arith.constant 0 : i32
      %dma_start3A_221 = tpu.memref_slice %arg2[%dma_start3A_219, %dma_start3A_220] : memref<10000x128xf32, #tpu.memory_space<hbm>> -> memref<10000x128xf32, #tpu.memory_space<hbm>>
      %dma_start3A_222 = tpu.memref_slice %arg17[%dma_start3A_212] : memref<5x!tpu.dma_semaphore, #tpu.memory_space<semaphore_mem>> -> memref<1x!tpu.dma_semaphore, #tpu.memory_space<semaphore_mem>>
      %dma_start3A_223 = tpu.memref_squeeze %dma_start3A_222 : memref<1x!tpu.dma_semaphore, #tpu.memory_space<semaphore_mem>> -> memref<!tpu.dma_semaphore, #tpu.memory_space<semaphore_mem>>
      tpu.enqueue_indirect_dma source(%dma_start3A_221 : memref<10000x128xf32, #tpu.memory_space<hbm>>) target(%dma_start3A_216 : memref<40x128xf32, #tpu.memory_space<vmem>>) offsets(%dma_start3A_218 : memref<40xi32, #tpu.memory_space<vmem>>) semaphore(%dma_start3A_223 : memref<!tpu.dma_semaphore, #tpu.memory_space<semaphore_mem>>)
      %dma_start3A_224 = arith.constant 4 : i32
      %dma_start3A_225 = arith.constant 4 : i32
      %dma_start3A_226 = arith.constant 4 : i32
      %dma_start3A_227 = arith.constant 0 : i32
      %dma_start3A_228 = tpu.memref_slice %arg11[%dma_start3A_225, %dma_start3A_227] : memref<5x40xi32, #tpu.memory_space<vmem>> -> memref<1x40xi32, #tpu.memory_space<vmem>>
      %dma_start3A_229 = tpu.memref_squeeze %dma_start3A_228 : memref<1x40xi32, #tpu.memory_space<vmem>> -> memref<40xi32, #tpu.memory_space<vmem>>
      %dma_start3A_230 = arith.constant 0 : i32
      %dma_start3A_231 = tpu.memref_slice %arg5[%arg1, %dma_start3A_224, %dma_start3A_230] : memref<16x250x40xi32, #tpu.memory_space<hbm>> -> memref<1x1x40xi32, #tpu.memory_space<hbm>>
      %dma_start3A_232 = tpu.memref_squeeze %dma_start3A_231 : memref<1x1x40xi32, #tpu.memory_space<hbm>> -> memref<40xi32, #tpu.memory_space<hbm>>
      %dma_start3A_233 = tpu.memref_slice %arg20[%dma_start3A_226] : memref<5x!tpu.dma_semaphore, #tpu.memory_space<semaphore_mem>> -> memref<1x!tpu.dma_semaphore, #tpu.memory_space<semaphore_mem>>
      %dma_start3A_234 = tpu.memref_squeeze %dma_start3A_233 : memref<1x!tpu.dma_semaphore, #tpu.memory_space<semaphore_mem>> -> memref<!tpu.dma_semaphore, #tpu.memory_space<semaphore_mem>>
      %dma_start3A_235 = arith.constant 0 : i32
      %dma_start3A_236 = tpu.memref_slice %arg11[%dma_start3A_225, %dma_start3A_235] : memref<5x40xi32, #tpu.memory_space<vmem>> -> memref<1x40xi32, #tpu.memory_space<vmem>>
      %dma_start3A_237 = tpu.memref_squeeze %dma_start3A_236 : memref<1x40xi32, #tpu.memory_space<vmem>> -> memref<40xi32, #tpu.memory_space<vmem>>
      %dma_start3A_238 = arith.constant 0 : i32
      %dma_start3A_239 = tpu.memref_slice %arg5[%arg1, %dma_start3A_224, %dma_start3A_238] : memref<16x250x40xi32, #tpu.memory_space<hbm>> -> memref<1x1x40xi32, #tpu.memory_space<hbm>>
      %dma_start3A_240 = tpu.memref_squeeze %dma_start3A_239 : memref<1x1x40xi32, #tpu.memory_space<hbm>> -> memref<40xi32, #tpu.memory_space<hbm>>
      tpu.enqueue_dma source(%dma_start3A_240 : memref<40xi32, #tpu.memory_space<hbm>>) target(%dma_start3A_237 : memref<40xi32, #tpu.memory_space<vmem>>) target_semaphore(%dma_start3A_234 : memref<!tpu.dma_semaphore, #tpu.memory_space<semaphore_mem>>)
      %scan3A_241 = arith.constant 0 : i32
      %scan3A_242 = arith.constant 0 : i32
      %scan3A_243 = arith.constant 50 : i32
      %scan3A_244 = arith.addi %scan3A_242, %scan3A_243 : i32
      %scan3A_245 = arith.constant 1 : i32
      %scan3A_246 = scf.for %scan3A_248 = %scan3A_242 to %scan3A_244 step %scan3A_245 iter_args(%scan3A_249 = %scan3A_241) -> (i32)  : i32 {
        %mul3A_250 = arith.constant 5 : i32
        %mul3A_251 = arith.muli %scan3A_248, %mul3A_250 : i32
        %add3A_252 = arith.constant 0 : i32
        %add3A_253 = arith.addi %mul3A_251, %add3A_252 : i32
        %dma_wait3A = arith.constant 0 : i32
        %dma_wait3A_254 = arith.constant 0 : i32
        %dma_wait3A_255 = arith.constant 0 : i32
        %dma_wait3A_256 = arith.constant 0 : i32
        %dma_wait3A_257 = tpu.memref_slice %arg12[%dma_wait3A, %dma_wait3A_255, %dma_wait3A_256] : memref<5x40x128xf32, #tpu.memory_space<vmem>> -> memref<1x40x128xf32, #tpu.memory_space<vmem>>
        %dma_wait3A_258 = tpu.memref_squeeze %dma_wait3A_257 : memref<1x40x128xf32, #tpu.memory_space<vmem>> -> memref<40x128xf32, #tpu.memory_space<vmem>>
        %dma_wait3A_259 = arith.constant 0 : i32
        %dma_wait3A_260 = arith.constant 0 : i32
        %dma_wait3A_261 = tpu.memref_slice %arg2[%dma_wait3A_259, %dma_wait3A_260] : memref<10000x128xf32, #tpu.memory_space<hbm>> -> memref<40x128xf32, #tpu.memory_space<hbm>>
        %dma_wait3A_262 = tpu.memref_slice %arg17[%dma_wait3A_254] : memref<5x!tpu.dma_semaphore, #tpu.memory_space<semaphore_mem>> -> memref<1x!tpu.dma_semaphore, #tpu.memory_space<semaphore_mem>>
        %dma_wait3A_263 = tpu.memref_squeeze %dma_wait3A_262 : memref<1x!tpu.dma_semaphore, #tpu.memory_space<semaphore_mem>> -> memref<!tpu.dma_semaphore, #tpu.memory_space<semaphore_mem>>
        %dma_wait3A_264 = arith.constant 0 : i32
        %dma_wait3A_265 = arith.constant 0 : i32
        %dma_wait3A_266 = tpu.memref_slice %arg12[%dma_wait3A, %dma_wait3A_264, %dma_wait3A_265] : memref<5x40x128xf32, #tpu.memory_space<vmem>> -> memref<1x40x128xf32, #tpu.memory_space<vmem>>
        %dma_wait3A_267 = tpu.memref_squeeze %dma_wait3A_266 : memref<1x40x128xf32, #tpu.memory_space<vmem>> -> memref<40x128xf32, #tpu.memory_space<vmem>>
        %dma_wait3A_268 = arith.constant 0 : i32
        %dma_wait3A_269 = arith.constant 0 : i32
        %dma_wait3A_270 = tpu.memref_slice %arg2[%dma_wait3A_268, %dma_wait3A_269] : memref<10000x128xf32, #tpu.memory_space<hbm>> -> memref<40x128xf32, #tpu.memory_space<hbm>>
        tpu.wait_dma2 semaphore(%dma_wait3A_263 : memref<!tpu.dma_semaphore, #tpu.memory_space<semaphore_mem>>) src(%dma_wait3A_270 : memref<40x128xf32, #tpu.memory_space<hbm>>) dst(%dma_wait3A_267 : memref<40x128xf32, #tpu.memory_space<vmem>>)
        %dma_wait3A_271 = arith.constant 0 : i32
        %dma_wait3A_272 = arith.constant 0 : i32
        %dma_wait3A_273 = arith.constant 0 : i32
        %dma_wait3A_274 = arith.constant 0 : i32
        %dma_wait3A_275 = tpu.memref_slice %arg11[%dma_wait3A_272, %dma_wait3A_274] : memref<5x40xi32, #tpu.memory_space<vmem>> -> memref<1x40xi32, #tpu.memory_space<vmem>>
        %dma_wait3A_276 = tpu.memref_squeeze %dma_wait3A_275 : memref<1x40xi32, #tpu.memory_space<vmem>> -> memref<40xi32, #tpu.memory_space<vmem>>
        %dma_wait3A_277 = arith.constant 0 : i32
        %dma_wait3A_278 = tpu.memref_slice %arg5[%arg1, %dma_wait3A_271, %dma_wait3A_277] : memref<16x250x40xi32, #tpu.memory_space<hbm>> -> memref<1x1x40xi32, #tpu.memory_space<hbm>>
        %dma_wait3A_279 = tpu.memref_squeeze %dma_wait3A_278 : memref<1x1x40xi32, #tpu.memory_space<hbm>> -> memref<40xi32, #tpu.memory_space<hbm>>
        %dma_wait3A_280 = tpu.memref_slice %arg20[%dma_wait3A_273] : memref<5x!tpu.dma_semaphore, #tpu.memory_space<semaphore_mem>> -> memref<1x!tpu.dma_semaphore, #tpu.memory_space<semaphore_mem>>
        %dma_wait3A_281 = tpu.memref_squeeze %dma_wait3A_280 : memref<1x!tpu.dma_semaphore, #tpu.memory_space<semaphore_mem>> -> memref<!tpu.dma_semaphore, #tpu.memory_space<semaphore_mem>>
        %dma_wait3A_282 = arith.constant 0 : i32
        %dma_wait3A_283 = tpu.memref_slice %arg11[%dma_wait3A_272, %dma_wait3A_282] : memref<5x40xi32, #tpu.memory_space<vmem>> -> memref<1x40xi32, #tpu.memory_space<vmem>>
        %dma_wait3A_284 = tpu.memref_squeeze %dma_wait3A_283 : memref<1x40xi32, #tpu.memory_space<vmem>> -> memref<40xi32, #tpu.memory_space<vmem>>
        %dma_wait3A_285 = arith.constant 0 : i32
        %dma_wait3A_286 = tpu.memref_slice %arg5[%arg1, %dma_wait3A_271, %dma_wait3A_285] : memref<16x250x40xi32, #tpu.memory_space<hbm>> -> memref<1x1x40xi32, #tpu.memory_space<hbm>>
        %dma_wait3A_287 = tpu.memref_squeeze %dma_wait3A_286 : memref<1x1x40xi32, #tpu.memory_space<hbm>> -> memref<40xi32, #tpu.memory_space<hbm>>
        tpu.wait_dma2 semaphore(%dma_wait3A_281 : memref<!tpu.dma_semaphore, #tpu.memory_space<semaphore_mem>>) src(%dma_wait3A_287 : memref<40xi32, #tpu.memory_space<hbm>>) dst(%dma_wait3A_284 : memref<40xi32, #tpu.memory_space<vmem>>)
        %dma_start3A_288 = arith.constant 0 : i32
        %dma_start3A_289 = arith.constant 0 : i32
        %dma_start3A_290 = arith.constant 0 : i32
        %dma_start3A_291 = arith.constant 0 : i32
        %dma_start3A_292 = arith.constant 0 : i32
        %dma_start3A_293 = tpu.memref_slice %arg12[%dma_start3A_288, %dma_start3A_291, %dma_start3A_292] : memref<5x40x128xf32, #tpu.memory_space<vmem>> -> memref<1x40x128xf32, #tpu.memory_space<vmem>>
        %dma_start3A_294 = tpu.memref_squeeze %dma_start3A_293 : memref<1x40x128xf32, #tpu.memory_space<vmem>> -> memref<40x128xf32, #tpu.memory_space<vmem>>
        %dma_start3A_295 = arith.constant 0 : i32
        %dma_start3A_296 = tpu.memref_slice %arg11[%dma_start3A_289, %dma_start3A_295] : memref<5x40xi32, #tpu.memory_space<vmem>> -> memref<1x40xi32, #tpu.memory_space<vmem>>
        %dma_start3A_297 = tpu.memref_squeeze %dma_start3A_296 : memref<1x40xi32, #tpu.memory_space<vmem>> -> memref<40xi32, #tpu.memory_space<vmem>>
        %dma_start3A_298 = arith.constant 0 : i32
        %dma_start3A_299 = arith.constant 0 : i32
        %dma_start3A_300 = tpu.memref_slice %arg15[%dma_start3A_298, %dma_start3A_299] : memref<10240x128xf32, #tpu.memory_space<vmem_shared>> -> memref<10240x128xf32, #tpu.memory_space<vmem_shared>>
        %dma_start3A_301 = tpu.memref_slice %arg18[%dma_start3A_290] : memref<5x!tpu.dma_semaphore, #tpu.memory_space<semaphore_mem>> -> memref<1x!tpu.dma_semaphore, #tpu.memory_space<semaphore_mem>>
        %dma_start3A_302 = tpu.memref_squeeze %dma_start3A_301 : memref<1x!tpu.dma_semaphore, #tpu.memory_space<semaphore_mem>> -> memref<!tpu.dma_semaphore, #tpu.memory_space<semaphore_mem>>
        tpu.enqueue_indirect_dma source(%dma_start3A_294 : memref<40x128xf32, #tpu.memory_space<vmem>>) target(%dma_start3A_300 : memref<10240x128xf32, #tpu.memory_space<vmem_shared>>) offsets(%dma_start3A_297 : memref<40xi32, #tpu.memory_space<vmem>>) semaphore(%dma_start3A_302 : memref<!tpu.dma_semaphore, #tpu.memory_space<semaphore_mem>>) {add = true}
        %ge3A = arith.constant 0 : i32
        %ge3A_303 = arith.cmpi sge, %add3A_253, %ge3A : i32
        %lt3A = arith.constant 125 : i32
        %lt3A_304 = arith.cmpi slt, %add3A_253, %lt3A : i32
        %and3A = arith.andi %ge3A_303, %lt3A_304 : i1
        %convert_element_type3A_305 = arith.extui %and3A : i1 to i32
        %cond3A_306 = arith.constant 0 : i32
        %cond3A_307 = arith.cmpi ne, %convert_element_type3A_305, %cond3A_306 : i32
        scf.if %cond3A_307 {
          %dma_start3A_682 = arith.constant 0 : i32
          %dma_start3A_683 = arith.constant 0 : i32
          %dma_start3A_684 = arith.constant 0 : i32
          %dma_start3A_685 = tpu.memref_slice %arg11[%dma_start3A_682, %dma_start3A_684] : memref<5x40xi32, #tpu.memory_space<vmem>> -> memref<1x40xi32, #tpu.memory_space<vmem>>
          %dma_start3A_686 = tpu.memref_squeeze %dma_start3A_685 : memref<1x40xi32, #tpu.memory_space<vmem>> -> memref<40xi32, #tpu.memory_space<vmem>>
          %dma_start3A_687 = arith.constant 0 : i32
          %dma_start3A_688 = tpu.memref_slice %arg16[%dma_start3A_687] : memref<10240xf32, #tpu.memory_space<vmem_shared>> -> memref<10240xf32, #tpu.memory_space<vmem_shared>>
          %dma_start3A_689 = tpu.memref_slice %arg19[%dma_start3A_683] : memref<5x!tpu.dma_semaphore, #tpu.memory_space<semaphore_mem>> -> memref<1x!tpu.dma_semaphore, #tpu.memory_space<semaphore_mem>>
          %dma_start3A_690 = tpu.memref_squeeze %dma_start3A_689 : memref<1x!tpu.dma_semaphore, #tpu.memory_space<semaphore_mem>> -> memref<!tpu.dma_semaphore, #tpu.memory_space<semaphore_mem>>
          tpu.enqueue_indirect_dma source(%arg13 : memref<40xf32, #tpu.memory_space<vmem>>) target(%dma_start3A_688 : memref<10240xf32, #tpu.memory_space<vmem_shared>>) offsets(%dma_start3A_686 : memref<40xi32, #tpu.memory_space<vmem>>) semaphore(%dma_start3A_690 : memref<!tpu.dma_semaphore, #tpu.memory_space<semaphore_mem>>) {add = true}
        } else {
        }
        %dma_wait3A_308 = arith.constant 0 : i32
        %dma_wait3A_309 = arith.constant 0 : i32
        %dma_wait3A_310 = arith.constant 0 : i32
        %dma_wait3A_311 = arith.constant 0 : i32
        %dma_wait3A_312 = arith.constant 0 : i32
        %dma_wait3A_313 = tpu.memref_slice %arg12[%dma_wait3A_308, %dma_wait3A_311, %dma_wait3A_312] : memref<5x40x128xf32, #tpu.memory_space<vmem>> -> memref<1x40x128xf32, #tpu.memory_space<vmem>>
        %dma_wait3A_314 = tpu.memref_squeeze %dma_wait3A_313 : memref<1x40x128xf32, #tpu.memory_space<vmem>> -> memref<40x128xf32, #tpu.memory_space<vmem>>
        %dma_wait3A_315 = arith.constant 0 : i32
        %dma_wait3A_316 = tpu.memref_slice %arg11[%dma_wait3A_309, %dma_wait3A_315] : memref<5x40xi32, #tpu.memory_space<vmem>> -> memref<1x40xi32, #tpu.memory_space<vmem>>
        %dma_wait3A_317 = tpu.memref_squeeze %dma_wait3A_316 : memref<1x40xi32, #tpu.memory_space<vmem>> -> memref<40xi32, #tpu.memory_space<vmem>>
        %dma_wait3A_318 = arith.constant 0 : i32
        %dma_wait3A_319 = arith.constant 0 : i32
        %dma_wait3A_320 = tpu.memref_slice %arg15[%dma_wait3A_318, %dma_wait3A_319] : memref<10240x128xf32, #tpu.memory_space<vmem_shared>> -> memref<10240x128xf32, #tpu.memory_space<vmem_shared>>
        %dma_wait3A_321 = tpu.memref_slice %arg18[%dma_wait3A_310] : memref<5x!tpu.dma_semaphore, #tpu.memory_space<semaphore_mem>> -> memref<1x!tpu.dma_semaphore, #tpu.memory_space<semaphore_mem>>
        %dma_wait3A_322 = tpu.memref_squeeze %dma_wait3A_321 : memref<1x!tpu.dma_semaphore, #tpu.memory_space<semaphore_mem>> -> memref<!tpu.dma_semaphore, #tpu.memory_space<semaphore_mem>>
        tpu.wait_indirect_dma semaphore(%dma_wait3A_322 : memref<!tpu.dma_semaphore, #tpu.memory_space<semaphore_mem>>) src(%dma_wait3A_314 : memref<40x128xf32, #tpu.memory_space<vmem>>) dst(%dma_wait3A_320 : memref<10240x128xf32, #tpu.memory_space<vmem_shared>>)
        %convert_element_type3A_323 = arith.extui %and3A : i1 to i32
        %cond3A_324 = arith.constant 0 : i32
        %cond3A_325 = arith.cmpi ne, %convert_element_type3A_323, %cond3A_324 : i32
        scf.if %cond3A_325 {
          %dma_wait3A_682 = arith.constant 0 : i32
          %dma_wait3A_683 = arith.constant 0 : i32
          %dma_wait3A_684 = arith.constant 0 : i32
          %dma_wait3A_685 = tpu.memref_slice %arg11[%dma_wait3A_682, %dma_wait3A_684] : memref<5x40xi32, #tpu.memory_space<vmem>> -> memref<1x40xi32, #tpu.memory_space<vmem>>
          %dma_wait3A_686 = tpu.memref_squeeze %dma_wait3A_685 : memref<1x40xi32, #tpu.memory_space<vmem>> -> memref<40xi32, #tpu.memory_space<vmem>>
          %dma_wait3A_687 = arith.constant 0 : i32
          %dma_wait3A_688 = tpu.memref_slice %arg16[%dma_wait3A_687] : memref<10240xf32, #tpu.memory_space<vmem_shared>> -> memref<10240xf32, #tpu.memory_space<vmem_shared>>
          %dma_wait3A_689 = tpu.memref_slice %arg19[%dma_wait3A_683] : memref<5x!tpu.dma_semaphore, #tpu.memory_space<semaphore_mem>> -> memref<1x!tpu.dma_semaphore, #tpu.memory_space<semaphore_mem>>
          %dma_wait3A_690 = tpu.memref_squeeze %dma_wait3A_689 : memref<1x!tpu.dma_semaphore, #tpu.memory_space<semaphore_mem>> -> memref<!tpu.dma_semaphore, #tpu.memory_space<semaphore_mem>>
          tpu.wait_indirect_dma semaphore(%dma_wait3A_690 : memref<!tpu.dma_semaphore, #tpu.memory_space<semaphore_mem>>) src(%arg13 : memref<40xf32, #tpu.memory_space<vmem>>) dst(%dma_wait3A_688 : memref<10240xf32, #tpu.memory_space<vmem_shared>>)
        } else {
        }
        %add3A_326 = arith.constant 5 : i32
        %add3A_327 = arith.addi %add3A_253, %add3A_326 : i32
        %lt3A_328 = arith.constant 250 : i32
        %lt3A_329 = arith.cmpi slt, %add3A_327, %lt3A_328 : i32
        %convert_element_type3A_330 = arith.extui %lt3A_329 : i1 to i32
        %cond3A_331 = arith.constant 0 : i32
        %cond3A_332 = arith.cmpi ne, %convert_element_type3A_330, %cond3A_331 : i32
        scf.if %cond3A_332 {
          %add3A_682 = arith.constant 5 : i32
          %add3A_683 = arith.addi %add3A_253, %add3A_682 : i32
          %mul3A_684 = arith.constant 40 : i32
          %mul3A_685 = arith.muli %add3A_683, %mul3A_684 : i32
          %dma_start3A_686 = arith.constant 0 : i32
          %dma_start3A_687 = arith.constant 0 : i32
          %dma_start3A_688 = arith.constant 0 : i32
          %dma_start3A_689 = arith.constant 0 : i32
          %dma_start3A_690 = tpu.memref_slice %arg12[%dma_start3A_686, %dma_start3A_688, %dma_start3A_689] : memref<5x40x128xf32, #tpu.memory_space<vmem>> -> memref<1x40x128xf32, #tpu.memory_space<vmem>>
          %dma_start3A_691 = tpu.memref_squeeze %dma_start3A_690 : memref<1x40x128xf32, #tpu.memory_space<vmem>> -> memref<40x128xf32, #tpu.memory_space<vmem>>
          %dma_start3A_692 = tpu.memref_slice %arg10[%mul3A_685] : memref<10000xi32, #tpu.memory_space<vmem>> -> memref<40xi32, #tpu.memory_space<vmem>>
          %dma_start3A_693 = arith.constant 0 : i32
          %dma_start3A_694 = arith.constant 0 : i32
          %dma_start3A_695 = tpu.memref_slice %arg2[%dma_start3A_693, %dma_start3A_694] : memref<10000x128xf32, #tpu.memory_space<hbm>> -> memref<10000x128xf32, #tpu.memory_space<hbm>>
          %dma_start3A_696 = tpu.memref_slice %arg17[%dma_start3A_687] : memref<5x!tpu.dma_semaphore, #tpu.memory_space<semaphore_mem>> -> memref<1x!tpu.dma_semaphore, #tpu.memory_space<semaphore_mem>>
          %dma_start3A_697 = tpu.memref_squeeze %dma_start3A_696 : memref<1x!tpu.dma_semaphore, #tpu.memory_space<semaphore_mem>> -> memref<!tpu.dma_semaphore, #tpu.memory_space<semaphore_mem>>
          tpu.enqueue_indirect_dma source(%dma_start3A_695 : memref<10000x128xf32, #tpu.memory_space<hbm>>) target(%dma_start3A_691 : memref<40x128xf32, #tpu.memory_space<vmem>>) offsets(%dma_start3A_692 : memref<40xi32, #tpu.memory_space<vmem>>) semaphore(%dma_start3A_697 : memref<!tpu.dma_semaphore, #tpu.memory_space<semaphore_mem>>)
          %dma_start3A_698 = arith.constant 0 : i32
          %dma_start3A_699 = arith.constant 0 : i32
          %dma_start3A_700 = arith.constant 0 : i32
          %dma_start3A_701 = tpu.memref_slice %arg11[%dma_start3A_698, %dma_start3A_700] : memref<5x40xi32, #tpu.memory_space<vmem>> -> memref<1x40xi32, #tpu.memory_space<vmem>>
          %dma_start3A_702 = tpu.memref_squeeze %dma_start3A_701 : memref<1x40xi32, #tpu.memory_space<vmem>> -> memref<40xi32, #tpu.memory_space<vmem>>
          %dma_start3A_703 = arith.constant 0 : i32
          %dma_start3A_704 = tpu.memref_slice %arg5[%arg1, %add3A_683, %dma_start3A_703] : memref<16x250x40xi32, #tpu.memory_space<hbm>> -> memref<1x1x40xi32, #tpu.memory_space<hbm>>
          %dma_start3A_705 = tpu.memref_squeeze %dma_start3A_704 : memref<1x1x40xi32, #tpu.memory_space<hbm>> -> memref<40xi32, #tpu.memory_space<hbm>>
          %dma_start3A_706 = tpu.memref_slice %arg20[%dma_start3A_699] : memref<5x!tpu.dma_semaphore, #tpu.memory_space<semaphore_mem>> -> memref<1x!tpu.dma_semaphore, #tpu.memory_space<semaphore_mem>>
          %dma_start3A_707 = tpu.memref_squeeze %dma_start3A_706 : memref<1x!tpu.dma_semaphore, #tpu.memory_space<semaphore_mem>> -> memref<!tpu.dma_semaphore, #tpu.memory_space<semaphore_mem>>
          %dma_start3A_708 = arith.constant 0 : i32
          %dma_start3A_709 = tpu.memref_slice %arg11[%dma_start3A_698, %dma_start3A_708] : memref<5x40xi32, #tpu.memory_space<vmem>> -> memref<1x40xi32, #tpu.memory_space<vmem>>
          %dma_start3A_710 = tpu.memref_squeeze %dma_start3A_709 : memref<1x40xi32, #tpu.memory_space<vmem>> -> memref<40xi32, #tpu.memory_space<vmem>>
          %dma_start3A_711 = arith.constant 0 : i32
          %dma_start3A_712 = tpu.memref_slice %arg5[%arg1, %add3A_683, %dma_start3A_711] : memref<16x250x40xi32, #tpu.memory_space<hbm>> -> memref<1x1x40xi32, #tpu.memory_space<hbm>>
          %dma_start3A_713 = tpu.memref_squeeze %dma_start3A_712 : memref<1x1x40xi32, #tpu.memory_space<hbm>> -> memref<40xi32, #tpu.memory_space<hbm>>
          tpu.enqueue_dma source(%dma_start3A_713 : memref<40xi32, #tpu.memory_space<hbm>>) target(%dma_start3A_710 : memref<40xi32, #tpu.memory_space<vmem>>) target_semaphore(%dma_start3A_707 : memref<!tpu.dma_semaphore, #tpu.memory_space<semaphore_mem>>)
        } else {
        }
        %mul3A_333 = arith.constant 5 : i32
        %mul3A_334 = arith.muli %scan3A_248, %mul3A_333 : i32
        %add3A_335 = arith.constant 1 : i32
        %add3A_336 = arith.addi %mul3A_334, %add3A_335 : i32
        %dma_wait3A_337 = arith.constant 1 : i32
        %dma_wait3A_338 = arith.constant 1 : i32
        %dma_wait3A_339 = arith.constant 0 : i32
        %dma_wait3A_340 = arith.constant 0 : i32
        %dma_wait3A_341 = tpu.memref_slice %arg12[%dma_wait3A_337, %dma_wait3A_339, %dma_wait3A_340] : memref<5x40x128xf32, #tpu.memory_space<vmem>> -> memref<1x40x128xf32, #tpu.memory_space<vmem>>
        %dma_wait3A_342 = tpu.memref_squeeze %dma_wait3A_341 : memref<1x40x128xf32, #tpu.memory_space<vmem>> -> memref<40x128xf32, #tpu.memory_space<vmem>>
        %dma_wait3A_343 = arith.constant 0 : i32
        %dma_wait3A_344 = arith.constant 0 : i32
        %dma_wait3A_345 = tpu.memref_slice %arg2[%dma_wait3A_343, %dma_wait3A_344] : memref<10000x128xf32, #tpu.memory_space<hbm>> -> memref<40x128xf32, #tpu.memory_space<hbm>>
        %dma_wait3A_346 = tpu.memref_slice %arg17[%dma_wait3A_338] : memref<5x!tpu.dma_semaphore, #tpu.memory_space<semaphore_mem>> -> memref<1x!tpu.dma_semaphore, #tpu.memory_space<semaphore_mem>>
        %dma_wait3A_347 = tpu.memref_squeeze %dma_wait3A_346 : memref<1x!tpu.dma_semaphore, #tpu.memory_space<semaphore_mem>> -> memref<!tpu.dma_semaphore, #tpu.memory_space<semaphore_mem>>
        %dma_wait3A_348 = arith.constant 0 : i32
        %dma_wait3A_349 = arith.constant 0 : i32
        %dma_wait3A_350 = tpu.memref_slice %arg12[%dma_wait3A_337, %dma_wait3A_348, %dma_wait3A_349] : memref<5x40x128xf32, #tpu.memory_space<vmem>> -> memref<1x40x128xf32, #tpu.memory_space<vmem>>
        %dma_wait3A_351 = tpu.memref_squeeze %dma_wait3A_350 : memref<1x40x128xf32, #tpu.memory_space<vmem>> -> memref<40x128xf32, #tpu.memory_space<vmem>>
        %dma_wait3A_352 = arith.constant 0 : i32
        %dma_wait3A_353 = arith.constant 0 : i32
        %dma_wait3A_354 = tpu.memref_slice %arg2[%dma_wait3A_352, %dma_wait3A_353] : memref<10000x128xf32, #tpu.memory_space<hbm>> -> memref<40x128xf32, #tpu.memory_space<hbm>>
        tpu.wait_dma2 semaphore(%dma_wait3A_347 : memref<!tpu.dma_semaphore, #tpu.memory_space<semaphore_mem>>) src(%dma_wait3A_354 : memref<40x128xf32, #tpu.memory_space<hbm>>) dst(%dma_wait3A_351 : memref<40x128xf32, #tpu.memory_space<vmem>>)
        %dma_wait3A_355 = arith.constant 0 : i32
        %dma_wait3A_356 = arith.constant 1 : i32
        %dma_wait3A_357 = arith.constant 1 : i32
        %dma_wait3A_358 = arith.constant 0 : i32
        %dma_wait3A_359 = tpu.memref_slice %arg11[%dma_wait3A_356, %dma_wait3A_358] : memref<5x40xi32, #tpu.memory_space<vmem>> -> memref<1x40xi32, #tpu.memory_space<vmem>>
        %dma_wait3A_360 = tpu.memref_squeeze %dma_wait3A_359 : memref<1x40xi32, #tpu.memory_space<vmem>> -> memref<40xi32, #tpu.memory_space<vmem>>
        %dma_wait3A_361 = arith.constant 0 : i32
        %dma_wait3A_362 = tpu.memref_slice %arg5[%arg1, %dma_wait3A_355, %dma_wait3A_361] : memref<16x250x40xi32, #tpu.memory_space<hbm>> -> memref<1x1x40xi32, #tpu.memory_space<hbm>>
        %dma_wait3A_363 = tpu.memref_squeeze %dma_wait3A_362 : memref<1x1x40xi32, #tpu.memory_space<hbm>> -> memref<40xi32, #tpu.memory_space<hbm>>
        %dma_wait3A_364 = tpu.memref_slice %arg20[%dma_wait3A_357] : memref<5x!tpu.dma_semaphore, #tpu.memory_space<semaphore_mem>> -> memref<1x!tpu.dma_semaphore, #tpu.memory_space<semaphore_mem>>
        %dma_wait3A_365 = tpu.memref_squeeze %dma_wait3A_364 : memref<1x!tpu.dma_semaphore, #tpu.memory_space<semaphore_mem>> -> memref<!tpu.dma_semaphore, #tpu.memory_space<semaphore_mem>>
        %dma_wait3A_366 = arith.constant 0 : i32
        %dma_wait3A_367 = tpu.memref_slice %arg11[%dma_wait3A_356, %dma_wait3A_366] : memref<5x40xi32, #tpu.memory_space<vmem>> -> memref<1x40xi32, #tpu.memory_space<vmem>>
        %dma_wait3A_368 = tpu.memref_squeeze %dma_wait3A_367 : memref<1x40xi32, #tpu.memory_space<vmem>> -> memref<40xi32, #tpu.memory_space<vmem>>
        %dma_wait3A_369 = arith.constant 0 : i32
        %dma_wait3A_370 = tpu.memref_slice %arg5[%arg1, %dma_wait3A_355, %dma_wait3A_369] : memref<16x250x40xi32, #tpu.memory_space<hbm>> -> memref<1x1x40xi32, #tpu.memory_space<hbm>>
        %dma_wait3A_371 = tpu.memref_squeeze %dma_wait3A_370 : memref<1x1x40xi32, #tpu.memory_space<hbm>> -> memref<40xi32, #tpu.memory_space<hbm>>
        tpu.wait_dma2 semaphore(%dma_wait3A_365 : memref<!tpu.dma_semaphore, #tpu.memory_space<semaphore_mem>>) src(%dma_wait3A_371 : memref<40xi32, #tpu.memory_space<hbm>>) dst(%dma_wait3A_368 : memref<40xi32, #tpu.memory_space<vmem>>)
        %dma_start3A_372 = arith.constant 1 : i32
        %dma_start3A_373 = arith.constant 1 : i32
        %dma_start3A_374 = arith.constant 1 : i32
        %dma_start3A_375 = arith.constant 0 : i32
        %dma_start3A_376 = arith.constant 0 : i32
        %dma_start3A_377 = tpu.memref_slice %arg12[%dma_start3A_372, %dma_start3A_375, %dma_start3A_376] : memref<5x40x128xf32, #tpu.memory_space<vmem>> -> memref<1x40x128xf32, #tpu.memory_space<vmem>>
        %dma_start3A_378 = tpu.memref_squeeze %dma_start3A_377 : memref<1x40x128xf32, #tpu.memory_space<vmem>> -> memref<40x128xf32, #tpu.memory_space<vmem>>
        %dma_start3A_379 = arith.constant 0 : i32
        %dma_start3A_380 = tpu.memref_slice %arg11[%dma_start3A_373, %dma_start3A_379] : memref<5x40xi32, #tpu.memory_space<vmem>> -> memref<1x40xi32, #tpu.memory_space<vmem>>
        %dma_start3A_381 = tpu.memref_squeeze %dma_start3A_380 : memref<1x40xi32, #tpu.memory_space<vmem>> -> memref<40xi32, #tpu.memory_space<vmem>>
        %dma_start3A_382 = arith.constant 0 : i32
        %dma_start3A_383 = arith.constant 0 : i32
        %dma_start3A_384 = tpu.memref_slice %arg15[%dma_start3A_382, %dma_start3A_383] : memref<10240x128xf32, #tpu.memory_space<vmem_shared>> -> memref<10240x128xf32, #tpu.memory_space<vmem_shared>>
        %dma_start3A_385 = tpu.memref_slice %arg18[%dma_start3A_374] : memref<5x!tpu.dma_semaphore, #tpu.memory_space<semaphore_mem>> -> memref<1x!tpu.dma_semaphore, #tpu.memory_space<semaphore_mem>>
        %dma_start3A_386 = tpu.memref_squeeze %dma_start3A_385 : memref<1x!tpu.dma_semaphore, #tpu.memory_space<semaphore_mem>> -> memref<!tpu.dma_semaphore, #tpu.memory_space<semaphore_mem>>
        tpu.enqueue_indirect_dma source(%dma_start3A_378 : memref<40x128xf32, #tpu.memory_space<vmem>>) target(%dma_start3A_384 : memref<10240x128xf32, #tpu.memory_space<vmem_shared>>) offsets(%dma_start3A_381 : memref<40xi32, #tpu.memory_space<vmem>>) semaphore(%dma_start3A_386 : memref<!tpu.dma_semaphore, #tpu.memory_space<semaphore_mem>>) {add = true}
        %ge3A_387 = arith.constant 0 : i32
        %ge3A_388 = arith.cmpi sge, %add3A_336, %ge3A_387 : i32
        %lt3A_389 = arith.constant 125 : i32
        %lt3A_390 = arith.cmpi slt, %add3A_336, %lt3A_389 : i32
        %and3A_391 = arith.andi %ge3A_388, %lt3A_390 : i1
        %convert_element_type3A_392 = arith.extui %and3A_391 : i1 to i32
        %cond3A_393 = arith.constant 0 : i32
        %cond3A_394 = arith.cmpi ne, %convert_element_type3A_392, %cond3A_393 : i32
        scf.if %cond3A_394 {
          %dma_start3A_682 = arith.constant 1 : i32
          %dma_start3A_683 = arith.constant 1 : i32
          %dma_start3A_684 = arith.constant 0 : i32
          %dma_start3A_685 = tpu.memref_slice %arg11[%dma_start3A_682, %dma_start3A_684] : memref<5x40xi32, #tpu.memory_space<vmem>> -> memref<1x40xi32, #tpu.memory_space<vmem>>
          %dma_start3A_686 = tpu.memref_squeeze %dma_start3A_685 : memref<1x40xi32, #tpu.memory_space<vmem>> -> memref<40xi32, #tpu.memory_space<vmem>>
          %dma_start3A_687 = arith.constant 0 : i32
          %dma_start3A_688 = tpu.memref_slice %arg16[%dma_start3A_687] : memref<10240xf32, #tpu.memory_space<vmem_shared>> -> memref<10240xf32, #tpu.memory_space<vmem_shared>>
          %dma_start3A_689 = tpu.memref_slice %arg19[%dma_start3A_683] : memref<5x!tpu.dma_semaphore, #tpu.memory_space<semaphore_mem>> -> memref<1x!tpu.dma_semaphore, #tpu.memory_space<semaphore_mem>>
          %dma_start3A_690 = tpu.memref_squeeze %dma_start3A_689 : memref<1x!tpu.dma_semaphore, #tpu.memory_space<semaphore_mem>> -> memref<!tpu.dma_semaphore, #tpu.memory_space<semaphore_mem>>
          tpu.enqueue_indirect_dma source(%arg13 : memref<40xf32, #tpu.memory_space<vmem>>) target(%dma_start3A_688 : memref<10240xf32, #tpu.memory_space<vmem_shared>>) offsets(%dma_start3A_686 : memref<40xi32, #tpu.memory_space<vmem>>) semaphore(%dma_start3A_690 : memref<!tpu.dma_semaphore, #tpu.memory_space<semaphore_mem>>) {add = true}
        } else {
        }
        %dma_wait3A_395 = arith.constant 1 : i32
        %dma_wait3A_396 = arith.constant 1 : i32
        %dma_wait3A_397 = arith.constant 1 : i32
        %dma_wait3A_398 = arith.constant 0 : i32
        %dma_wait3A_399 = arith.constant 0 : i32
        %dma_wait3A_400 = tpu.memref_slice %arg12[%dma_wait3A_395, %dma_wait3A_398, %dma_wait3A_399] : memref<5x40x128xf32, #tpu.memory_space<vmem>> -> memref<1x40x128xf32, #tpu.memory_space<vmem>>
        %dma_wait3A_401 = tpu.memref_squeeze %dma_wait3A_400 : memref<1x40x128xf32, #tpu.memory_space<vmem>> -> memref<40x128xf32, #tpu.memory_space<vmem>>
        %dma_wait3A_402 = arith.constant 0 : i32
        %dma_wait3A_403 = tpu.memref_slice %arg11[%dma_wait3A_396, %dma_wait3A_402] : memref<5x40xi32, #tpu.memory_space<vmem>> -> memref<1x40xi32, #tpu.memory_space<vmem>>
        %dma_wait3A_404 = tpu.memref_squeeze %dma_wait3A_403 : memref<1x40xi32, #tpu.memory_space<vmem>> -> memref<40xi32, #tpu.memory_space<vmem>>
        %dma_wait3A_405 = arith.constant 0 : i32
        %dma_wait3A_406 = arith.constant 0 : i32
        %dma_wait3A_407 = tpu.memref_slice %arg15[%dma_wait3A_405, %dma_wait3A_406] : memref<10240x128xf32, #tpu.memory_space<vmem_shared>> -> memref<10240x128xf32, #tpu.memory_space<vmem_shared>>
        %dma_wait3A_408 = tpu.memref_slice %arg18[%dma_wait3A_397] : memref<5x!tpu.dma_semaphore, #tpu.memory_space<semaphore_mem>> -> memref<1x!tpu.dma_semaphore, #tpu.memory_space<semaphore_mem>>
        %dma_wait3A_409 = tpu.memref_squeeze %dma_wait3A_408 : memref<1x!tpu.dma_semaphore, #tpu.memory_space<semaphore_mem>> -> memref<!tpu.dma_semaphore, #tpu.memory_space<semaphore_mem>>
        tpu.wait_indirect_dma semaphore(%dma_wait3A_409 : memref<!tpu.dma_semaphore, #tpu.memory_space<semaphore_mem>>) src(%dma_wait3A_401 : memref<40x128xf32, #tpu.memory_space<vmem>>) dst(%dma_wait3A_407 : memref<10240x128xf32, #tpu.memory_space<vmem_shared>>)
        %convert_element_type3A_410 = arith.extui %and3A_391 : i1 to i32
        %cond3A_411 = arith.constant 0 : i32
        %cond3A_412 = arith.cmpi ne, %convert_element_type3A_410, %cond3A_411 : i32
        scf.if %cond3A_412 {
          %dma_wait3A_682 = arith.constant 1 : i32
          %dma_wait3A_683 = arith.constant 1 : i32
          %dma_wait3A_684 = arith.constant 0 : i32
          %dma_wait3A_685 = tpu.memref_slice %arg11[%dma_wait3A_682, %dma_wait3A_684] : memref<5x40xi32, #tpu.memory_space<vmem>> -> memref<1x40xi32, #tpu.memory_space<vmem>>
          %dma_wait3A_686 = tpu.memref_squeeze %dma_wait3A_685 : memref<1x40xi32, #tpu.memory_space<vmem>> -> memref<40xi32, #tpu.memory_space<vmem>>
          %dma_wait3A_687 = arith.constant 0 : i32
          %dma_wait3A_688 = tpu.memref_slice %arg16[%dma_wait3A_687] : memref<10240xf32, #tpu.memory_space<vmem_shared>> -> memref<10240xf32, #tpu.memory_space<vmem_shared>>
          %dma_wait3A_689 = tpu.memref_slice %arg19[%dma_wait3A_683] : memref<5x!tpu.dma_semaphore, #tpu.memory_space<semaphore_mem>> -> memref<1x!tpu.dma_semaphore, #tpu.memory_space<semaphore_mem>>
          %dma_wait3A_690 = tpu.memref_squeeze %dma_wait3A_689 : memref<1x!tpu.dma_semaphore, #tpu.memory_space<semaphore_mem>> -> memref<!tpu.dma_semaphore, #tpu.memory_space<semaphore_mem>>
          tpu.wait_indirect_dma semaphore(%dma_wait3A_690 : memref<!tpu.dma_semaphore, #tpu.memory_space<semaphore_mem>>) src(%arg13 : memref<40xf32, #tpu.memory_space<vmem>>) dst(%dma_wait3A_688 : memref<10240xf32, #tpu.memory_space<vmem_shared>>)
        } else {
        }
        %add3A_413 = arith.constant 5 : i32
        %add3A_414 = arith.addi %add3A_336, %add3A_413 : i32
        %lt3A_415 = arith.constant 250 : i32
        %lt3A_416 = arith.cmpi slt, %add3A_414, %lt3A_415 : i32
        %convert_element_type3A_417 = arith.extui %lt3A_416 : i1 to i32
        %cond3A_418 = arith.constant 0 : i32
        %cond3A_419 = arith.cmpi ne, %convert_element_type3A_417, %cond3A_418 : i32
        scf.if %cond3A_419 {
          %add3A_682 = arith.constant 5 : i32
          %add3A_683 = arith.addi %add3A_336, %add3A_682 : i32
          %mul3A_684 = arith.constant 40 : i32
          %mul3A_685 = arith.muli %add3A_683, %mul3A_684 : i32
          %dma_start3A_686 = arith.constant 1 : i32
          %dma_start3A_687 = arith.constant 1 : i32
          %dma_start3A_688 = arith.constant 0 : i32
          %dma_start3A_689 = arith.constant 0 : i32
          %dma_start3A_690 = tpu.memref_slice %arg12[%dma_start3A_686, %dma_start3A_688, %dma_start3A_689] : memref<5x40x128xf32, #tpu.memory_space<vmem>> -> memref<1x40x128xf32, #tpu.memory_space<vmem>>
          %dma_start3A_691 = tpu.memref_squeeze %dma_start3A_690 : memref<1x40x128xf32, #tpu.memory_space<vmem>> -> memref<40x128xf32, #tpu.memory_space<vmem>>
          %dma_start3A_692 = tpu.memref_slice %arg10[%mul3A_685] : memref<10000xi32, #tpu.memory_space<vmem>> -> memref<40xi32, #tpu.memory_space<vmem>>
          %dma_start3A_693 = arith.constant 0 : i32
          %dma_start3A_694 = arith.constant 0 : i32
          %dma_start3A_695 = tpu.memref_slice %arg2[%dma_start3A_693, %dma_start3A_694] : memref<10000x128xf32, #tpu.memory_space<hbm>> -> memref<10000x128xf32, #tpu.memory_space<hbm>>
          %dma_start3A_696 = tpu.memref_slice %arg17[%dma_start3A_687] : memref<5x!tpu.dma_semaphore, #tpu.memory_space<semaphore_mem>> -> memref<1x!tpu.dma_semaphore, #tpu.memory_space<semaphore_mem>>
          %dma_start3A_697 = tpu.memref_squeeze %dma_start3A_696 : memref<1x!tpu.dma_semaphore, #tpu.memory_space<semaphore_mem>> -> memref<!tpu.dma_semaphore, #tpu.memory_space<semaphore_mem>>
          tpu.enqueue_indirect_dma source(%dma_start3A_695 : memref<10000x128xf32, #tpu.memory_space<hbm>>) target(%dma_start3A_691 : memref<40x128xf32, #tpu.memory_space<vmem>>) offsets(%dma_start3A_692 : memref<40xi32, #tpu.memory_space<vmem>>) semaphore(%dma_start3A_697 : memref<!tpu.dma_semaphore, #tpu.memory_space<semaphore_mem>>)
          %dma_start3A_698 = arith.constant 1 : i32
          %dma_start3A_699 = arith.constant 1 : i32
          %dma_start3A_700 = arith.constant 0 : i32
          %dma_start3A_701 = tpu.memref_slice %arg11[%dma_start3A_698, %dma_start3A_700] : memref<5x40xi32, #tpu.memory_space<vmem>> -> memref<1x40xi32, #tpu.memory_space<vmem>>
          %dma_start3A_702 = tpu.memref_squeeze %dma_start3A_701 : memref<1x40xi32, #tpu.memory_space<vmem>> -> memref<40xi32, #tpu.memory_space<vmem>>
          %dma_start3A_703 = arith.constant 0 : i32
          %dma_start3A_704 = tpu.memref_slice %arg5[%arg1, %add3A_683, %dma_start3A_703] : memref<16x250x40xi32, #tpu.memory_space<hbm>> -> memref<1x1x40xi32, #tpu.memory_space<hbm>>
          %dma_start3A_705 = tpu.memref_squeeze %dma_start3A_704 : memref<1x1x40xi32, #tpu.memory_space<hbm>> -> memref<40xi32, #tpu.memory_space<hbm>>
          %dma_start3A_706 = tpu.memref_slice %arg20[%dma_start3A_699] : memref<5x!tpu.dma_semaphore, #tpu.memory_space<semaphore_mem>> -> memref<1x!tpu.dma_semaphore, #tpu.memory_space<semaphore_mem>>
          %dma_start3A_707 = tpu.memref_squeeze %dma_start3A_706 : memref<1x!tpu.dma_semaphore, #tpu.memory_space<semaphore_mem>> -> memref<!tpu.dma_semaphore, #tpu.memory_space<semaphore_mem>>
          %dma_start3A_708 = arith.constant 0 : i32
          %dma_start3A_709 = tpu.memref_slice %arg11[%dma_start3A_698, %dma_start3A_708] : memref<5x40xi32, #tpu.memory_space<vmem>> -> memref<1x40xi32, #tpu.memory_space<vmem>>
          %dma_start3A_710 = tpu.memref_squeeze %dma_start3A_709 : memref<1x40xi32, #tpu.memory_space<vmem>> -> memref<40xi32, #tpu.memory_space<vmem>>
          %dma_start3A_711 = arith.constant 0 : i32
          %dma_start3A_712 = tpu.memref_slice %arg5[%arg1, %add3A_683, %dma_start3A_711] : memref<16x250x40xi32, #tpu.memory_space<hbm>> -> memref<1x1x40xi32, #tpu.memory_space<hbm>>
          %dma_start3A_713 = tpu.memref_squeeze %dma_start3A_712 : memref<1x1x40xi32, #tpu.memory_space<hbm>> -> memref<40xi32, #tpu.memory_space<hbm>>
          tpu.enqueue_dma source(%dma_start3A_713 : memref<40xi32, #tpu.memory_space<hbm>>) target(%dma_start3A_710 : memref<40xi32, #tpu.memory_space<vmem>>) target_semaphore(%dma_start3A_707 : memref<!tpu.dma_semaphore, #tpu.memory_space<semaphore_mem>>)
        } else {
        }
        %mul3A_420 = arith.constant 5 : i32
        %mul3A_421 = arith.muli %scan3A_248, %mul3A_420 : i32
        %add3A_422 = arith.constant 2 : i32
        %add3A_423 = arith.addi %mul3A_421, %add3A_422 : i32
        %dma_wait3A_424 = arith.constant 2 : i32
        %dma_wait3A_425 = arith.constant 2 : i32
        %dma_wait3A_426 = arith.constant 0 : i32
        %dma_wait3A_427 = arith.constant 0 : i32
        %dma_wait3A_428 = tpu.memref_slice %arg12[%dma_wait3A_424, %dma_wait3A_426, %dma_wait3A_427] : memref<5x40x128xf32, #tpu.memory_space<vmem>> -> memref<1x40x128xf32, #tpu.memory_space<vmem>>
        %dma_wait3A_429 = tpu.memref_squeeze %dma_wait3A_428 : memref<1x40x128xf32, #tpu.memory_space<vmem>> -> memref<40x128xf32, #tpu.memory_space<vmem>>
        %dma_wait3A_430 = arith.constant 0 : i32
        %dma_wait3A_431 = arith.constant 0 : i32
        %dma_wait3A_432 = tpu.memref_slice %arg2[%dma_wait3A_430, %dma_wait3A_431] : memref<10000x128xf32, #tpu.memory_space<hbm>> -> memref<40x128xf32, #tpu.memory_space<hbm>>
        %dma_wait3A_433 = tpu.memref_slice %arg17[%dma_wait3A_425] : memref<5x!tpu.dma_semaphore, #tpu.memory_space<semaphore_mem>> -> memref<1x!tpu.dma_semaphore, #tpu.memory_space<semaphore_mem>>
        %dma_wait3A_434 = tpu.memref_squeeze %dma_wait3A_433 : memref<1x!tpu.dma_semaphore, #tpu.memory_space<semaphore_mem>> -> memref<!tpu.dma_semaphore, #tpu.memory_space<semaphore_mem>>
        %dma_wait3A_435 = arith.constant 0 : i32
        %dma_wait3A_436 = arith.constant 0 : i32
        %dma_wait3A_437 = tpu.memref_slice %arg12[%dma_wait3A_424, %dma_wait3A_435, %dma_wait3A_436] : memref<5x40x128xf32, #tpu.memory_space<vmem>> -> memref<1x40x128xf32, #tpu.memory_space<vmem>>
        %dma_wait3A_438 = tpu.memref_squeeze %dma_wait3A_437 : memref<1x40x128xf32, #tpu.memory_space<vmem>> -> memref<40x128xf32, #tpu.memory_space<vmem>>
        %dma_wait3A_439 = arith.constant 0 : i32
        %dma_wait3A_440 = arith.constant 0 : i32
        %dma_wait3A_441 = tpu.memref_slice %arg2[%dma_wait3A_439, %dma_wait3A_440] : memref<10000x128xf32, #tpu.memory_space<hbm>> -> memref<40x128xf32, #tpu.memory_space<hbm>>
        tpu.wait_dma2 semaphore(%dma_wait3A_434 : memref<!tpu.dma_semaphore, #tpu.memory_space<semaphore_mem>>) src(%dma_wait3A_441 : memref<40x128xf32, #tpu.memory_space<hbm>>) dst(%dma_wait3A_438 : memref<40x128xf32, #tpu.memory_space<vmem>>)
        %dma_wait3A_442 = arith.constant 0 : i32
        %dma_wait3A_443 = arith.constant 2 : i32
        %dma_wait3A_444 = arith.constant 2 : i32
        %dma_wait3A_445 = arith.constant 0 : i32
        %dma_wait3A_446 = tpu.memref_slice %arg11[%dma_wait3A_443, %dma_wait3A_445] : memref<5x40xi32, #tpu.memory_space<vmem>> -> memref<1x40xi32, #tpu.memory_space<vmem>>
        %dma_wait3A_447 = tpu.memref_squeeze %dma_wait3A_446 : memref<1x40xi32, #tpu.memory_space<vmem>> -> memref<40xi32, #tpu.memory_space<vmem>>
        %dma_wait3A_448 = arith.constant 0 : i32
        %dma_wait3A_449 = tpu.memref_slice %arg5[%arg1, %dma_wait3A_442, %dma_wait3A_448] : memref<16x250x40xi32, #tpu.memory_space<hbm>> -> memref<1x1x40xi32, #tpu.memory_space<hbm>>
        %dma_wait3A_450 = tpu.memref_squeeze %dma_wait3A_449 : memref<1x1x40xi32, #tpu.memory_space<hbm>> -> memref<40xi32, #tpu.memory_space<hbm>>
        %dma_wait3A_451 = tpu.memref_slice %arg20[%dma_wait3A_444] : memref<5x!tpu.dma_semaphore, #tpu.memory_space<semaphore_mem>> -> memref<1x!tpu.dma_semaphore, #tpu.memory_space<semaphore_mem>>
        %dma_wait3A_452 = tpu.memref_squeeze %dma_wait3A_451 : memref<1x!tpu.dma_semaphore, #tpu.memory_space<semaphore_mem>> -> memref<!tpu.dma_semaphore, #tpu.memory_space<semaphore_mem>>
        %dma_wait3A_453 = arith.constant 0 : i32
        %dma_wait3A_454 = tpu.memref_slice %arg11[%dma_wait3A_443, %dma_wait3A_453] : memref<5x40xi32, #tpu.memory_space<vmem>> -> memref<1x40xi32, #tpu.memory_space<vmem>>
        %dma_wait3A_455 = tpu.memref_squeeze %dma_wait3A_454 : memref<1x40xi32, #tpu.memory_space<vmem>> -> memref<40xi32, #tpu.memory_space<vmem>>
        %dma_wait3A_456 = arith.constant 0 : i32
        %dma_wait3A_457 = tpu.memref_slice %arg5[%arg1, %dma_wait3A_442, %dma_wait3A_456] : memref<16x250x40xi32, #tpu.memory_space<hbm>> -> memref<1x1x40xi32, #tpu.memory_space<hbm>>
        %dma_wait3A_458 = tpu.memref_squeeze %dma_wait3A_457 : memref<1x1x40xi32, #tpu.memory_space<hbm>> -> memref<40xi32, #tpu.memory_space<hbm>>
        tpu.wait_dma2 semaphore(%dma_wait3A_452 : memref<!tpu.dma_semaphore, #tpu.memory_space<semaphore_mem>>) src(%dma_wait3A_458 : memref<40xi32, #tpu.memory_space<hbm>>) dst(%dma_wait3A_455 : memref<40xi32, #tpu.memory_space<vmem>>)
        %dma_start3A_459 = arith.constant 2 : i32
        %dma_start3A_460 = arith.constant 2 : i32
        %dma_start3A_461 = arith.constant 2 : i32
        %dma_start3A_462 = arith.constant 0 : i32
        %dma_start3A_463 = arith.constant 0 : i32
        %dma_start3A_464 = tpu.memref_slice %arg12[%dma_start3A_459, %dma_start3A_462, %dma_start3A_463] : memref<5x40x128xf32, #tpu.memory_space<vmem>> -> memref<1x40x128xf32, #tpu.memory_space<vmem>>
        %dma_start3A_465 = tpu.memref_squeeze %dma_start3A_464 : memref<1x40x128xf32, #tpu.memory_space<vmem>> -> memref<40x128xf32, #tpu.memory_space<vmem>>
        %dma_start3A_466 = arith.constant 0 : i32
        %dma_start3A_467 = tpu.memref_slice %arg11[%dma_start3A_460, %dma_start3A_466] : memref<5x40xi32, #tpu.memory_space<vmem>> -> memref<1x40xi32, #tpu.memory_space<vmem>>
        %dma_start3A_468 = tpu.memref_squeeze %dma_start3A_467 : memref<1x40xi32, #tpu.memory_space<vmem>> -> memref<40xi32, #tpu.memory_space<vmem>>
        %dma_start3A_469 = arith.constant 0 : i32
        %dma_start3A_470 = arith.constant 0 : i32
        %dma_start3A_471 = tpu.memref_slice %arg15[%dma_start3A_469, %dma_start3A_470] : memref<10240x128xf32, #tpu.memory_space<vmem_shared>> -> memref<10240x128xf32, #tpu.memory_space<vmem_shared>>
        %dma_start3A_472 = tpu.memref_slice %arg18[%dma_start3A_461] : memref<5x!tpu.dma_semaphore, #tpu.memory_space<semaphore_mem>> -> memref<1x!tpu.dma_semaphore, #tpu.memory_space<semaphore_mem>>
        %dma_start3A_473 = tpu.memref_squeeze %dma_start3A_472 : memref<1x!tpu.dma_semaphore, #tpu.memory_space<semaphore_mem>> -> memref<!tpu.dma_semaphore, #tpu.memory_space<semaphore_mem>>
        tpu.enqueue_indirect_dma source(%dma_start3A_465 : memref<40x128xf32, #tpu.memory_space<vmem>>) target(%dma_start3A_471 : memref<10240x128xf32, #tpu.memory_space<vmem_shared>>) offsets(%dma_start3A_468 : memref<40xi32, #tpu.memory_space<vmem>>) semaphore(%dma_start3A_473 : memref<!tpu.dma_semaphore, #tpu.memory_space<semaphore_mem>>) {add = true}
        %ge3A_474 = arith.constant 0 : i32
        %ge3A_475 = arith.cmpi sge, %add3A_423, %ge3A_474 : i32
        %lt3A_476 = arith.constant 125 : i32
        %lt3A_477 = arith.cmpi slt, %add3A_423, %lt3A_476 : i32
        %and3A_478 = arith.andi %ge3A_475, %lt3A_477 : i1
        %convert_element_type3A_479 = arith.extui %and3A_478 : i1 to i32
        %cond3A_480 = arith.constant 0 : i32
        %cond3A_481 = arith.cmpi ne, %convert_element_type3A_479, %cond3A_480 : i32
        scf.if %cond3A_481 {
          %dma_start3A_682 = arith.constant 2 : i32
          %dma_start3A_683 = arith.constant 2 : i32
          %dma_start3A_684 = arith.constant 0 : i32
          %dma_start3A_685 = tpu.memref_slice %arg11[%dma_start3A_682, %dma_start3A_684] : memref<5x40xi32, #tpu.memory_space<vmem>> -> memref<1x40xi32, #tpu.memory_space<vmem>>
          %dma_start3A_686 = tpu.memref_squeeze %dma_start3A_685 : memref<1x40xi32, #tpu.memory_space<vmem>> -> memref<40xi32, #tpu.memory_space<vmem>>
          %dma_start3A_687 = arith.constant 0 : i32
          %dma_start3A_688 = tpu.memref_slice %arg16[%dma_start3A_687] : memref<10240xf32, #tpu.memory_space<vmem_shared>> -> memref<10240xf32, #tpu.memory_space<vmem_shared>>
          %dma_start3A_689 = tpu.memref_slice %arg19[%dma_start3A_683] : memref<5x!tpu.dma_semaphore, #tpu.memory_space<semaphore_mem>> -> memref<1x!tpu.dma_semaphore, #tpu.memory_space<semaphore_mem>>
          %dma_start3A_690 = tpu.memref_squeeze %dma_start3A_689 : memref<1x!tpu.dma_semaphore, #tpu.memory_space<semaphore_mem>> -> memref<!tpu.dma_semaphore, #tpu.memory_space<semaphore_mem>>
          tpu.enqueue_indirect_dma source(%arg13 : memref<40xf32, #tpu.memory_space<vmem>>) target(%dma_start3A_688 : memref<10240xf32, #tpu.memory_space<vmem_shared>>) offsets(%dma_start3A_686 : memref<40xi32, #tpu.memory_space<vmem>>) semaphore(%dma_start3A_690 : memref<!tpu.dma_semaphore, #tpu.memory_space<semaphore_mem>>) {add = true}
        } else {
        }
        %dma_wait3A_482 = arith.constant 2 : i32
        %dma_wait3A_483 = arith.constant 2 : i32
        %dma_wait3A_484 = arith.constant 2 : i32
        %dma_wait3A_485 = arith.constant 0 : i32
        %dma_wait3A_486 = arith.constant 0 : i32
        %dma_wait3A_487 = tpu.memref_slice %arg12[%dma_wait3A_482, %dma_wait3A_485, %dma_wait3A_486] : memref<5x40x128xf32, #tpu.memory_space<vmem>> -> memref<1x40x128xf32, #tpu.memory_space<vmem>>
        %dma_wait3A_488 = tpu.memref_squeeze %dma_wait3A_487 : memref<1x40x128xf32, #tpu.memory_space<vmem>> -> memref<40x128xf32, #tpu.memory_space<vmem>>
        %dma_wait3A_489 = arith.constant 0 : i32
        %dma_wait3A_490 = tpu.memref_slice %arg11[%dma_wait3A_483, %dma_wait3A_489] : memref<5x40xi32, #tpu.memory_space<vmem>> -> memref<1x40xi32, #tpu.memory_space<vmem>>
        %dma_wait3A_491 = tpu.memref_squeeze %dma_wait3A_490 : memref<1x40xi32, #tpu.memory_space<vmem>> -> memref<40xi32, #tpu.memory_space<vmem>>
        %dma_wait3A_492 = arith.constant 0 : i32
        %dma_wait3A_493 = arith.constant 0 : i32
        %dma_wait3A_494 = tpu.memref_slice %arg15[%dma_wait3A_492, %dma_wait3A_493] : memref<10240x128xf32, #tpu.memory_space<vmem_shared>> -> memref<10240x128xf32, #tpu.memory_space<vmem_shared>>
        %dma_wait3A_495 = tpu.memref_slice %arg18[%dma_wait3A_484] : memref<5x!tpu.dma_semaphore, #tpu.memory_space<semaphore_mem>> -> memref<1x!tpu.dma_semaphore, #tpu.memory_space<semaphore_mem>>
        %dma_wait3A_496 = tpu.memref_squeeze %dma_wait3A_495 : memref<1x!tpu.dma_semaphore, #tpu.memory_space<semaphore_mem>> -> memref<!tpu.dma_semaphore, #tpu.memory_space<semaphore_mem>>
        tpu.wait_indirect_dma semaphore(%dma_wait3A_496 : memref<!tpu.dma_semaphore, #tpu.memory_space<semaphore_mem>>) src(%dma_wait3A_488 : memref<40x128xf32, #tpu.memory_space<vmem>>) dst(%dma_wait3A_494 : memref<10240x128xf32, #tpu.memory_space<vmem_shared>>)
        %convert_element_type3A_497 = arith.extui %and3A_478 : i1 to i32
        %cond3A_498 = arith.constant 0 : i32
        %cond3A_499 = arith.cmpi ne, %convert_element_type3A_497, %cond3A_498 : i32
        scf.if %cond3A_499 {
          %dma_wait3A_682 = arith.constant 2 : i32
          %dma_wait3A_683 = arith.constant 2 : i32
          %dma_wait3A_684 = arith.constant 0 : i32
          %dma_wait3A_685 = tpu.memref_slice %arg11[%dma_wait3A_682, %dma_wait3A_684] : memref<5x40xi32, #tpu.memory_space<vmem>> -> memref<1x40xi32, #tpu.memory_space<vmem>>
          %dma_wait3A_686 = tpu.memref_squeeze %dma_wait3A_685 : memref<1x40xi32, #tpu.memory_space<vmem>> -> memref<40xi32, #tpu.memory_space<vmem>>
          %dma_wait3A_687 = arith.constant 0 : i32
          %dma_wait3A_688 = tpu.memref_slice %arg16[%dma_wait3A_687] : memref<10240xf32, #tpu.memory_space<vmem_shared>> -> memref<10240xf32, #tpu.memory_space<vmem_shared>>
          %dma_wait3A_689 = tpu.memref_slice %arg19[%dma_wait3A_683] : memref<5x!tpu.dma_semaphore, #tpu.memory_space<semaphore_mem>> -> memref<1x!tpu.dma_semaphore, #tpu.memory_space<semaphore_mem>>
          %dma_wait3A_690 = tpu.memref_squeeze %dma_wait3A_689 : memref<1x!tpu.dma_semaphore, #tpu.memory_space<semaphore_mem>> -> memref<!tpu.dma_semaphore, #tpu.memory_space<semaphore_mem>>
          tpu.wait_indirect_dma semaphore(%dma_wait3A_690 : memref<!tpu.dma_semaphore, #tpu.memory_space<semaphore_mem>>) src(%arg13 : memref<40xf32, #tpu.memory_space<vmem>>) dst(%dma_wait3A_688 : memref<10240xf32, #tpu.memory_space<vmem_shared>>)
        } else {
        }
        %add3A_500 = arith.constant 5 : i32
        %add3A_501 = arith.addi %add3A_423, %add3A_500 : i32
        %lt3A_502 = arith.constant 250 : i32
        %lt3A_503 = arith.cmpi slt, %add3A_501, %lt3A_502 : i32
        %convert_element_type3A_504 = arith.extui %lt3A_503 : i1 to i32
        %cond3A_505 = arith.constant 0 : i32
        %cond3A_506 = arith.cmpi ne, %convert_element_type3A_504, %cond3A_505 : i32
        scf.if %cond3A_506 {
          %add3A_682 = arith.constant 5 : i32
          %add3A_683 = arith.addi %add3A_423, %add3A_682 : i32
          %mul3A_684 = arith.constant 40 : i32
          %mul3A_685 = arith.muli %add3A_683, %mul3A_684 : i32
          %dma_start3A_686 = arith.constant 2 : i32
          %dma_start3A_687 = arith.constant 2 : i32
          %dma_start3A_688 = arith.constant 0 : i32
          %dma_start3A_689 = arith.constant 0 : i32
          %dma_start3A_690 = tpu.memref_slice %arg12[%dma_start3A_686, %dma_start3A_688, %dma_start3A_689] : memref<5x40x128xf32, #tpu.memory_space<vmem>> -> memref<1x40x128xf32, #tpu.memory_space<vmem>>
          %dma_start3A_691 = tpu.memref_squeeze %dma_start3A_690 : memref<1x40x128xf32, #tpu.memory_space<vmem>> -> memref<40x128xf32, #tpu.memory_space<vmem>>
          %dma_start3A_692 = tpu.memref_slice %arg10[%mul3A_685] : memref<10000xi32, #tpu.memory_space<vmem>> -> memref<40xi32, #tpu.memory_space<vmem>>
          %dma_start3A_693 = arith.constant 0 : i32
          %dma_start3A_694 = arith.constant 0 : i32
          %dma_start3A_695 = tpu.memref_slice %arg2[%dma_start3A_693, %dma_start3A_694] : memref<10000x128xf32, #tpu.memory_space<hbm>> -> memref<10000x128xf32, #tpu.memory_space<hbm>>
          %dma_start3A_696 = tpu.memref_slice %arg17[%dma_start3A_687] : memref<5x!tpu.dma_semaphore, #tpu.memory_space<semaphore_mem>> -> memref<1x!tpu.dma_semaphore, #tpu.memory_space<semaphore_mem>>
          %dma_start3A_697 = tpu.memref_squeeze %dma_start3A_696 : memref<1x!tpu.dma_semaphore, #tpu.memory_space<semaphore_mem>> -> memref<!tpu.dma_semaphore, #tpu.memory_space<semaphore_mem>>
          tpu.enqueue_indirect_dma source(%dma_start3A_695 : memref<10000x128xf32, #tpu.memory_space<hbm>>) target(%dma_start3A_691 : memref<40x128xf32, #tpu.memory_space<vmem>>) offsets(%dma_start3A_692 : memref<40xi32, #tpu.memory_space<vmem>>) semaphore(%dma_start3A_697 : memref<!tpu.dma_semaphore, #tpu.memory_space<semaphore_mem>>)
          %dma_start3A_698 = arith.constant 2 : i32
          %dma_start3A_699 = arith.constant 2 : i32
          %dma_start3A_700 = arith.constant 0 : i32
          %dma_start3A_701 = tpu.memref_slice %arg11[%dma_start3A_698, %dma_start3A_700] : memref<5x40xi32, #tpu.memory_space<vmem>> -> memref<1x40xi32, #tpu.memory_space<vmem>>
          %dma_start3A_702 = tpu.memref_squeeze %dma_start3A_701 : memref<1x40xi32, #tpu.memory_space<vmem>> -> memref<40xi32, #tpu.memory_space<vmem>>
          %dma_start3A_703 = arith.constant 0 : i32
          %dma_start3A_704 = tpu.memref_slice %arg5[%arg1, %add3A_683, %dma_start3A_703] : memref<16x250x40xi32, #tpu.memory_space<hbm>> -> memref<1x1x40xi32, #tpu.memory_space<hbm>>
          %dma_start3A_705 = tpu.memref_squeeze %dma_start3A_704 : memref<1x1x40xi32, #tpu.memory_space<hbm>> -> memref<40xi32, #tpu.memory_space<hbm>>
          %dma_start3A_706 = tpu.memref_slice %arg20[%dma_start3A_699] : memref<5x!tpu.dma_semaphore, #tpu.memory_space<semaphore_mem>> -> memref<1x!tpu.dma_semaphore, #tpu.memory_space<semaphore_mem>>
          %dma_start3A_707 = tpu.memref_squeeze %dma_start3A_706 : memref<1x!tpu.dma_semaphore, #tpu.memory_space<semaphore_mem>> -> memref<!tpu.dma_semaphore, #tpu.memory_space<semaphore_mem>>
          %dma_start3A_708 = arith.constant 0 : i32
          %dma_start3A_709 = tpu.memref_slice %arg11[%dma_start3A_698, %dma_start3A_708] : memref<5x40xi32, #tpu.memory_space<vmem>> -> memref<1x40xi32, #tpu.memory_space<vmem>>
          %dma_start3A_710 = tpu.memref_squeeze %dma_start3A_709 : memref<1x40xi32, #tpu.memory_space<vmem>> -> memref<40xi32, #tpu.memory_space<vmem>>
          %dma_start3A_711 = arith.constant 0 : i32
          %dma_start3A_712 = tpu.memref_slice %arg5[%arg1, %add3A_683, %dma_start3A_711] : memref<16x250x40xi32, #tpu.memory_space<hbm>> -> memref<1x1x40xi32, #tpu.memory_space<hbm>>
          %dma_start3A_713 = tpu.memref_squeeze %dma_start3A_712 : memref<1x1x40xi32, #tpu.memory_space<hbm>> -> memref<40xi32, #tpu.memory_space<hbm>>
          tpu.enqueue_dma source(%dma_start3A_713 : memref<40xi32, #tpu.memory_space<hbm>>) target(%dma_start3A_710 : memref<40xi32, #tpu.memory_space<vmem>>) target_semaphore(%dma_start3A_707 : memref<!tpu.dma_semaphore, #tpu.memory_space<semaphore_mem>>)
        } else {
        }
        %mul3A_507 = arith.constant 5 : i32
        %mul3A_508 = arith.muli %scan3A_248, %mul3A_507 : i32
        %add3A_509 = arith.constant 3 : i32
        %add3A_510 = arith.addi %mul3A_508, %add3A_509 : i32
        %dma_wait3A_511 = arith.constant 3 : i32
        %dma_wait3A_512 = arith.constant 3 : i32
        %dma_wait3A_513 = arith.constant 0 : i32
        %dma_wait3A_514 = arith.constant 0 : i32
        %dma_wait3A_515 = tpu.memref_slice %arg12[%dma_wait3A_511, %dma_wait3A_513, %dma_wait3A_514] : memref<5x40x128xf32, #tpu.memory_space<vmem>> -> memref<1x40x128xf32, #tpu.memory_space<vmem>>
        %dma_wait3A_516 = tpu.memref_squeeze %dma_wait3A_515 : memref<1x40x128xf32, #tpu.memory_space<vmem>> -> memref<40x128xf32, #tpu.memory_space<vmem>>
        %dma_wait3A_517 = arith.constant 0 : i32
        %dma_wait3A_518 = arith.constant 0 : i32
        %dma_wait3A_519 = tpu.memref_slice %arg2[%dma_wait3A_517, %dma_wait3A_518] : memref<10000x128xf32, #tpu.memory_space<hbm>> -> memref<40x128xf32, #tpu.memory_space<hbm>>
        %dma_wait3A_520 = tpu.memref_slice %arg17[%dma_wait3A_512] : memref<5x!tpu.dma_semaphore, #tpu.memory_space<semaphore_mem>> -> memref<1x!tpu.dma_semaphore, #tpu.memory_space<semaphore_mem>>
        %dma_wait3A_521 = tpu.memref_squeeze %dma_wait3A_520 : memref<1x!tpu.dma_semaphore, #tpu.memory_space<semaphore_mem>> -> memref<!tpu.dma_semaphore, #tpu.memory_space<semaphore_mem>>
        %dma_wait3A_522 = arith.constant 0 : i32
        %dma_wait3A_523 = arith.constant 0 : i32
        %dma_wait3A_524 = tpu.memref_slice %arg12[%dma_wait3A_511, %dma_wait3A_522, %dma_wait3A_523] : memref<5x40x128xf32, #tpu.memory_space<vmem>> -> memref<1x40x128xf32, #tpu.memory_space<vmem>>
        %dma_wait3A_525 = tpu.memref_squeeze %dma_wait3A_524 : memref<1x40x128xf32, #tpu.memory_space<vmem>> -> memref<40x128xf32, #tpu.memory_space<vmem>>
        %dma_wait3A_526 = arith.constant 0 : i32
        %dma_wait3A_527 = arith.constant 0 : i32
        %dma_wait3A_528 = tpu.memref_slice %arg2[%dma_wait3A_526, %dma_wait3A_527] : memref<10000x128xf32, #tpu.memory_space<hbm>> -> memref<40x128xf32, #tpu.memory_space<hbm>>
        tpu.wait_dma2 semaphore(%dma_wait3A_521 : memref<!tpu.dma_semaphore, #tpu.memory_space<semaphore_mem>>) src(%dma_wait3A_528 : memref<40x128xf32, #tpu.memory_space<hbm>>) dst(%dma_wait3A_525 : memref<40x128xf32, #tpu.memory_space<vmem>>)
        %dma_wait3A_529 = arith.constant 0 : i32
        %dma_wait3A_530 = arith.constant 3 : i32
        %dma_wait3A_531 = arith.constant 3 : i32
        %dma_wait3A_532 = arith.constant 0 : i32
        %dma_wait3A_533 = tpu.memref_slice %arg11[%dma_wait3A_530, %dma_wait3A_532] : memref<5x40xi32, #tpu.memory_space<vmem>> -> memref<1x40xi32, #tpu.memory_space<vmem>>
        %dma_wait3A_534 = tpu.memref_squeeze %dma_wait3A_533 : memref<1x40xi32, #tpu.memory_space<vmem>> -> memref<40xi32, #tpu.memory_space<vmem>>
        %dma_wait3A_535 = arith.constant 0 : i32
        %dma_wait3A_536 = tpu.memref_slice %arg5[%arg1, %dma_wait3A_529, %dma_wait3A_535] : memref<16x250x40xi32, #tpu.memory_space<hbm>> -> memref<1x1x40xi32, #tpu.memory_space<hbm>>
        %dma_wait3A_537 = tpu.memref_squeeze %dma_wait3A_536 : memref<1x1x40xi32, #tpu.memory_space<hbm>> -> memref<40xi32, #tpu.memory_space<hbm>>
        %dma_wait3A_538 = tpu.memref_slice %arg20[%dma_wait3A_531] : memref<5x!tpu.dma_semaphore, #tpu.memory_space<semaphore_mem>> -> memref<1x!tpu.dma_semaphore, #tpu.memory_space<semaphore_mem>>
        %dma_wait3A_539 = tpu.memref_squeeze %dma_wait3A_538 : memref<1x!tpu.dma_semaphore, #tpu.memory_space<semaphore_mem>> -> memref<!tpu.dma_semaphore, #tpu.memory_space<semaphore_mem>>
        %dma_wait3A_540 = arith.constant 0 : i32
        %dma_wait3A_541 = tpu.memref_slice %arg11[%dma_wait3A_530, %dma_wait3A_540] : memref<5x40xi32, #tpu.memory_space<vmem>> -> memref<1x40xi32, #tpu.memory_space<vmem>>
        %dma_wait3A_542 = tpu.memref_squeeze %dma_wait3A_541 : memref<1x40xi32, #tpu.memory_space<vmem>> -> memref<40xi32, #tpu.memory_space<vmem>>
        %dma_wait3A_543 = arith.constant 0 : i32
        %dma_wait3A_544 = tpu.memref_slice %arg5[%arg1, %dma_wait3A_529, %dma_wait3A_543] : memref<16x250x40xi32, #tpu.memory_space<hbm>> -> memref<1x1x40xi32, #tpu.memory_space<hbm>>
        %dma_wait3A_545 = tpu.memref_squeeze %dma_wait3A_544 : memref<1x1x40xi32, #tpu.memory_space<hbm>> -> memref<40xi32, #tpu.memory_space<hbm>>
        tpu.wait_dma2 semaphore(%dma_wait3A_539 : memref<!tpu.dma_semaphore, #tpu.memory_space<semaphore_mem>>) src(%dma_wait3A_545 : memref<40xi32, #tpu.memory_space<hbm>>) dst(%dma_wait3A_542 : memref<40xi32, #tpu.memory_space<vmem>>)
        %dma_start3A_546 = arith.constant 3 : i32
        %dma_start3A_547 = arith.constant 3 : i32
        %dma_start3A_548 = arith.constant 3 : i32
        %dma_start3A_549 = arith.constant 0 : i32
        %dma_start3A_550 = arith.constant 0 : i32
        %dma_start3A_551 = tpu.memref_slice %arg12[%dma_start3A_546, %dma_start3A_549, %dma_start3A_550] : memref<5x40x128xf32, #tpu.memory_space<vmem>> -> memref<1x40x128xf32, #tpu.memory_space<vmem>>
        %dma_start3A_552 = tpu.memref_squeeze %dma_start3A_551 : memref<1x40x128xf32, #tpu.memory_space<vmem>> -> memref<40x128xf32, #tpu.memory_space<vmem>>
        %dma_start3A_553 = arith.constant 0 : i32
        %dma_start3A_554 = tpu.memref_slice %arg11[%dma_start3A_547, %dma_start3A_553] : memref<5x40xi32, #tpu.memory_space<vmem>> -> memref<1x40xi32, #tpu.memory_space<vmem>>
        %dma_start3A_555 = tpu.memref_squeeze %dma_start3A_554 : memref<1x40xi32, #tpu.memory_space<vmem>> -> memref<40xi32, #tpu.memory_space<vmem>>
        %dma_start3A_556 = arith.constant 0 : i32
        %dma_start3A_557 = arith.constant 0 : i32
        %dma_start3A_558 = tpu.memref_slice %arg15[%dma_start3A_556, %dma_start3A_557] : memref<10240x128xf32, #tpu.memory_space<vmem_shared>> -> memref<10240x128xf32, #tpu.memory_space<vmem_shared>>
        %dma_start3A_559 = tpu.memref_slice %arg18[%dma_start3A_548] : memref<5x!tpu.dma_semaphore, #tpu.memory_space<semaphore_mem>> -> memref<1x!tpu.dma_semaphore, #tpu.memory_space<semaphore_mem>>
        %dma_start3A_560 = tpu.memref_squeeze %dma_start3A_559 : memref<1x!tpu.dma_semaphore, #tpu.memory_space<semaphore_mem>> -> memref<!tpu.dma_semaphore, #tpu.memory_space<semaphore_mem>>
        tpu.enqueue_indirect_dma source(%dma_start3A_552 : memref<40x128xf32, #tpu.memory_space<vmem>>) target(%dma_start3A_558 : memref<10240x128xf32, #tpu.memory_space<vmem_shared>>) offsets(%dma_start3A_555 : memref<40xi32, #tpu.memory_space<vmem>>) semaphore(%dma_start3A_560 : memref<!tpu.dma_semaphore, #tpu.memory_space<semaphore_mem>>) {add = true}
        %ge3A_561 = arith.constant 0 : i32
        %ge3A_562 = arith.cmpi sge, %add3A_510, %ge3A_561 : i32
        %lt3A_563 = arith.constant 125 : i32
        %lt3A_564 = arith.cmpi slt, %add3A_510, %lt3A_563 : i32
        %and3A_565 = arith.andi %ge3A_562, %lt3A_564 : i1
        %convert_element_type3A_566 = arith.extui %and3A_565 : i1 to i32
        %cond3A_567 = arith.constant 0 : i32
        %cond3A_568 = arith.cmpi ne, %convert_element_type3A_566, %cond3A_567 : i32
        scf.if %cond3A_568 {
          %dma_start3A_682 = arith.constant 3 : i32
          %dma_start3A_683 = arith.constant 3 : i32
          %dma_start3A_684 = arith.constant 0 : i32
          %dma_start3A_685 = tpu.memref_slice %arg11[%dma_start3A_682, %dma_start3A_684] : memref<5x40xi32, #tpu.memory_space<vmem>> -> memref<1x40xi32, #tpu.memory_space<vmem>>
          %dma_start3A_686 = tpu.memref_squeeze %dma_start3A_685 : memref<1x40xi32, #tpu.memory_space<vmem>> -> memref<40xi32, #tpu.memory_space<vmem>>
          %dma_start3A_687 = arith.constant 0 : i32
          %dma_start3A_688 = tpu.memref_slice %arg16[%dma_start3A_687] : memref<10240xf32, #tpu.memory_space<vmem_shared>> -> memref<10240xf32, #tpu.memory_space<vmem_shared>>
          %dma_start3A_689 = tpu.memref_slice %arg19[%dma_start3A_683] : memref<5x!tpu.dma_semaphore, #tpu.memory_space<semaphore_mem>> -> memref<1x!tpu.dma_semaphore, #tpu.memory_space<semaphore_mem>>
          %dma_start3A_690 = tpu.memref_squeeze %dma_start3A_689 : memref<1x!tpu.dma_semaphore, #tpu.memory_space<semaphore_mem>> -> memref<!tpu.dma_semaphore, #tpu.memory_space<semaphore_mem>>
          tpu.enqueue_indirect_dma source(%arg13 : memref<40xf32, #tpu.memory_space<vmem>>) target(%dma_start3A_688 : memref<10240xf32, #tpu.memory_space<vmem_shared>>) offsets(%dma_start3A_686 : memref<40xi32, #tpu.memory_space<vmem>>) semaphore(%dma_start3A_690 : memref<!tpu.dma_semaphore, #tpu.memory_space<semaphore_mem>>) {add = true}
        } else {
        }
        %dma_wait3A_569 = arith.constant 3 : i32
        %dma_wait3A_570 = arith.constant 3 : i32
        %dma_wait3A_571 = arith.constant 3 : i32
        %dma_wait3A_572 = arith.constant 0 : i32
        %dma_wait3A_573 = arith.constant 0 : i32
        %dma_wait3A_574 = tpu.memref_slice %arg12[%dma_wait3A_569, %dma_wait3A_572, %dma_wait3A_573] : memref<5x40x128xf32, #tpu.memory_space<vmem>> -> memref<1x40x128xf32, #tpu.memory_space<vmem>>
        %dma_wait3A_575 = tpu.memref_squeeze %dma_wait3A_574 : memref<1x40x128xf32, #tpu.memory_space<vmem>> -> memref<40x128xf32, #tpu.memory_space<vmem>>
        %dma_wait3A_576 = arith.constant 0 : i32
        %dma_wait3A_577 = tpu.memref_slice %arg11[%dma_wait3A_570, %dma_wait3A_576] : memref<5x40xi32, #tpu.memory_space<vmem>> -> memref<1x40xi32, #tpu.memory_space<vmem>>
        %dma_wait3A_578 = tpu.memref_squeeze %dma_wait3A_577 : memref<1x40xi32, #tpu.memory_space<vmem>> -> memref<40xi32, #tpu.memory_space<vmem>>
        %dma_wait3A_579 = arith.constant 0 : i32
        %dma_wait3A_580 = arith.constant 0 : i32
        %dma_wait3A_581 = tpu.memref_slice %arg15[%dma_wait3A_579, %dma_wait3A_580] : memref<10240x128xf32, #tpu.memory_space<vmem_shared>> -> memref<10240x128xf32, #tpu.memory_space<vmem_shared>>
        %dma_wait3A_582 = tpu.memref_slice %arg18[%dma_wait3A_571] : memref<5x!tpu.dma_semaphore, #tpu.memory_space<semaphore_mem>> -> memref<1x!tpu.dma_semaphore, #tpu.memory_space<semaphore_mem>>
        %dma_wait3A_583 = tpu.memref_squeeze %dma_wait3A_582 : memref<1x!tpu.dma_semaphore, #tpu.memory_space<semaphore_mem>> -> memref<!tpu.dma_semaphore, #tpu.memory_space<semaphore_mem>>
        tpu.wait_indirect_dma semaphore(%dma_wait3A_583 : memref<!tpu.dma_semaphore, #tpu.memory_space<semaphore_mem>>) src(%dma_wait3A_575 : memref<40x128xf32, #tpu.memory_space<vmem>>) dst(%dma_wait3A_581 : memref<10240x128xf32, #tpu.memory_space<vmem_shared>>)
        %convert_element_type3A_584 = arith.extui %and3A_565 : i1 to i32
        %cond3A_585 = arith.constant 0 : i32
        %cond3A_586 = arith.cmpi ne, %convert_element_type3A_584, %cond3A_585 : i32
        scf.if %cond3A_586 {
          %dma_wait3A_682 = arith.constant 3 : i32
          %dma_wait3A_683 = arith.constant 3 : i32
          %dma_wait3A_684 = arith.constant 0 : i32
          %dma_wait3A_685 = tpu.memref_slice %arg11[%dma_wait3A_682, %dma_wait3A_684] : memref<5x40xi32, #tpu.memory_space<vmem>> -> memref<1x40xi32, #tpu.memory_space<vmem>>
          %dma_wait3A_686 = tpu.memref_squeeze %dma_wait3A_685 : memref<1x40xi32, #tpu.memory_space<vmem>> -> memref<40xi32, #tpu.memory_space<vmem>>
          %dma_wait3A_687 = arith.constant 0 : i32
          %dma_wait3A_688 = tpu.memref_slice %arg16[%dma_wait3A_687] : memref<10240xf32, #tpu.memory_space<vmem_shared>> -> memref<10240xf32, #tpu.memory_space<vmem_shared>>
          %dma_wait3A_689 = tpu.memref_slice %arg19[%dma_wait3A_683] : memref<5x!tpu.dma_semaphore, #tpu.memory_space<semaphore_mem>> -> memref<1x!tpu.dma_semaphore, #tpu.memory_space<semaphore_mem>>
          %dma_wait3A_690 = tpu.memref_squeeze %dma_wait3A_689 : memref<1x!tpu.dma_semaphore, #tpu.memory_space<semaphore_mem>> -> memref<!tpu.dma_semaphore, #tpu.memory_space<semaphore_mem>>
          tpu.wait_indirect_dma semaphore(%dma_wait3A_690 : memref<!tpu.dma_semaphore, #tpu.memory_space<semaphore_mem>>) src(%arg13 : memref<40xf32, #tpu.memory_space<vmem>>) dst(%dma_wait3A_688 : memref<10240xf32, #tpu.memory_space<vmem_shared>>)
        } else {
        }
        %add3A_587 = arith.constant 5 : i32
        %add3A_588 = arith.addi %add3A_510, %add3A_587 : i32
        %lt3A_589 = arith.constant 250 : i32
        %lt3A_590 = arith.cmpi slt, %add3A_588, %lt3A_589 : i32
        %convert_element_type3A_591 = arith.extui %lt3A_590 : i1 to i32
        %cond3A_592 = arith.constant 0 : i32
        %cond3A_593 = arith.cmpi ne, %convert_element_type3A_591, %cond3A_592 : i32
        scf.if %cond3A_593 {
          %add3A_682 = arith.constant 5 : i32
          %add3A_683 = arith.addi %add3A_510, %add3A_682 : i32
          %mul3A_684 = arith.constant 40 : i32
          %mul3A_685 = arith.muli %add3A_683, %mul3A_684 : i32
          %dma_start3A_686 = arith.constant 3 : i32
          %dma_start3A_687 = arith.constant 3 : i32
          %dma_start3A_688 = arith.constant 0 : i32
          %dma_start3A_689 = arith.constant 0 : i32
          %dma_start3A_690 = tpu.memref_slice %arg12[%dma_start3A_686, %dma_start3A_688, %dma_start3A_689] : memref<5x40x128xf32, #tpu.memory_space<vmem>> -> memref<1x40x128xf32, #tpu.memory_space<vmem>>
          %dma_start3A_691 = tpu.memref_squeeze %dma_start3A_690 : memref<1x40x128xf32, #tpu.memory_space<vmem>> -> memref<40x128xf32, #tpu.memory_space<vmem>>
          %dma_start3A_692 = tpu.memref_slice %arg10[%mul3A_685] : memref<10000xi32, #tpu.memory_space<vmem>> -> memref<40xi32, #tpu.memory_space<vmem>>
          %dma_start3A_693 = arith.constant 0 : i32
          %dma_start3A_694 = arith.constant 0 : i32
          %dma_start3A_695 = tpu.memref_slice %arg2[%dma_start3A_693, %dma_start3A_694] : memref<10000x128xf32, #tpu.memory_space<hbm>> -> memref<10000x128xf32, #tpu.memory_space<hbm>>
          %dma_start3A_696 = tpu.memref_slice %arg17[%dma_start3A_687] : memref<5x!tpu.dma_semaphore, #tpu.memory_space<semaphore_mem>> -> memref<1x!tpu.dma_semaphore, #tpu.memory_space<semaphore_mem>>
          %dma_start3A_697 = tpu.memref_squeeze %dma_start3A_696 : memref<1x!tpu.dma_semaphore, #tpu.memory_space<semaphore_mem>> -> memref<!tpu.dma_semaphore, #tpu.memory_space<semaphore_mem>>
          tpu.enqueue_indirect_dma source(%dma_start3A_695 : memref<10000x128xf32, #tpu.memory_space<hbm>>) target(%dma_start3A_691 : memref<40x128xf32, #tpu.memory_space<vmem>>) offsets(%dma_start3A_692 : memref<40xi32, #tpu.memory_space<vmem>>) semaphore(%dma_start3A_697 : memref<!tpu.dma_semaphore, #tpu.memory_space<semaphore_mem>>)
          %dma_start3A_698 = arith.constant 3 : i32
          %dma_start3A_699 = arith.constant 3 : i32
          %dma_start3A_700 = arith.constant 0 : i32
          %dma_start3A_701 = tpu.memref_slice %arg11[%dma_start3A_698, %dma_start3A_700] : memref<5x40xi32, #tpu.memory_space<vmem>> -> memref<1x40xi32, #tpu.memory_space<vmem>>
          %dma_start3A_702 = tpu.memref_squeeze %dma_start3A_701 : memref<1x40xi32, #tpu.memory_space<vmem>> -> memref<40xi32, #tpu.memory_space<vmem>>
          %dma_start3A_703 = arith.constant 0 : i32
          %dma_start3A_704 = tpu.memref_slice %arg5[%arg1, %add3A_683, %dma_start3A_703] : memref<16x250x40xi32, #tpu.memory_space<hbm>> -> memref<1x1x40xi32, #tpu.memory_space<hbm>>
          %dma_start3A_705 = tpu.memref_squeeze %dma_start3A_704 : memref<1x1x40xi32, #tpu.memory_space<hbm>> -> memref<40xi32, #tpu.memory_space<hbm>>
          %dma_start3A_706 = tpu.memref_slice %arg20[%dma_start3A_699] : memref<5x!tpu.dma_semaphore, #tpu.memory_space<semaphore_mem>> -> memref<1x!tpu.dma_semaphore, #tpu.memory_space<semaphore_mem>>
          %dma_start3A_707 = tpu.memref_squeeze %dma_start3A_706 : memref<1x!tpu.dma_semaphore, #tpu.memory_space<semaphore_mem>> -> memref<!tpu.dma_semaphore, #tpu.memory_space<semaphore_mem>>
          %dma_start3A_708 = arith.constant 0 : i32
          %dma_start3A_709 = tpu.memref_slice %arg11[%dma_start3A_698, %dma_start3A_708] : memref<5x40xi32, #tpu.memory_space<vmem>> -> memref<1x40xi32, #tpu.memory_space<vmem>>
          %dma_start3A_710 = tpu.memref_squeeze %dma_start3A_709 : memref<1x40xi32, #tpu.memory_space<vmem>> -> memref<40xi32, #tpu.memory_space<vmem>>
          %dma_start3A_711 = arith.constant 0 : i32
          %dma_start3A_712 = tpu.memref_slice %arg5[%arg1, %add3A_683, %dma_start3A_711] : memref<16x250x40xi32, #tpu.memory_space<hbm>> -> memref<1x1x40xi32, #tpu.memory_space<hbm>>
          %dma_start3A_713 = tpu.memref_squeeze %dma_start3A_712 : memref<1x1x40xi32, #tpu.memory_space<hbm>> -> memref<40xi32, #tpu.memory_space<hbm>>
          tpu.enqueue_dma source(%dma_start3A_713 : memref<40xi32, #tpu.memory_space<hbm>>) target(%dma_start3A_710 : memref<40xi32, #tpu.memory_space<vmem>>) target_semaphore(%dma_start3A_707 : memref<!tpu.dma_semaphore, #tpu.memory_space<semaphore_mem>>)
        } else {
        }
        %mul3A_594 = arith.constant 5 : i32
        %mul3A_595 = arith.muli %scan3A_248, %mul3A_594 : i32
        %add3A_596 = arith.constant 4 : i32
        %add3A_597 = arith.addi %mul3A_595, %add3A_596 : i32
        %dma_wait3A_598 = arith.constant 4 : i32
        %dma_wait3A_599 = arith.constant 4 : i32
        %dma_wait3A_600 = arith.constant 0 : i32
        %dma_wait3A_601 = arith.constant 0 : i32
        %dma_wait3A_602 = tpu.memref_slice %arg12[%dma_wait3A_598, %dma_wait3A_600, %dma_wait3A_601] : memref<5x40x128xf32, #tpu.memory_space<vmem>> -> memref<1x40x128xf32, #tpu.memory_space<vmem>>
        %dma_wait3A_603 = tpu.memref_squeeze %dma_wait3A_602 : memref<1x40x128xf32, #tpu.memory_space<vmem>> -> memref<40x128xf32, #tpu.memory_space<vmem>>
        %dma_wait3A_604 = arith.constant 0 : i32
        %dma_wait3A_605 = arith.constant 0 : i32
        %dma_wait3A_606 = tpu.memref_slice %arg2[%dma_wait3A_604, %dma_wait3A_605] : memref<10000x128xf32, #tpu.memory_space<hbm>> -> memref<40x128xf32, #tpu.memory_space<hbm>>
        %dma_wait3A_607 = tpu.memref_slice %arg17[%dma_wait3A_599] : memref<5x!tpu.dma_semaphore, #tpu.memory_space<semaphore_mem>> -> memref<1x!tpu.dma_semaphore, #tpu.memory_space<semaphore_mem>>
        %dma_wait3A_608 = tpu.memref_squeeze %dma_wait3A_607 : memref<1x!tpu.dma_semaphore, #tpu.memory_space<semaphore_mem>> -> memref<!tpu.dma_semaphore, #tpu.memory_space<semaphore_mem>>
        %dma_wait3A_609 = arith.constant 0 : i32
        %dma_wait3A_610 = arith.constant 0 : i32
        %dma_wait3A_611 = tpu.memref_slice %arg12[%dma_wait3A_598, %dma_wait3A_609, %dma_wait3A_610] : memref<5x40x128xf32, #tpu.memory_space<vmem>> -> memref<1x40x128xf32, #tpu.memory_space<vmem>>
        %dma_wait3A_612 = tpu.memref_squeeze %dma_wait3A_611 : memref<1x40x128xf32, #tpu.memory_space<vmem>> -> memref<40x128xf32, #tpu.memory_space<vmem>>
        %dma_wait3A_613 = arith.constant 0 : i32
        %dma_wait3A_614 = arith.constant 0 : i32
        %dma_wait3A_615 = tpu.memref_slice %arg2[%dma_wait3A_613, %dma_wait3A_614] : memref<10000x128xf32, #tpu.memory_space<hbm>> -> memref<40x128xf32, #tpu.memory_space<hbm>>
        tpu.wait_dma2 semaphore(%dma_wait3A_608 : memref<!tpu.dma_semaphore, #tpu.memory_space<semaphore_mem>>) src(%dma_wait3A_615 : memref<40x128xf32, #tpu.memory_space<hbm>>) dst(%dma_wait3A_612 : memref<40x128xf32, #tpu.memory_space<vmem>>)
        %dma_wait3A_616 = arith.constant 0 : i32
        %dma_wait3A_617 = arith.constant 4 : i32
        %dma_wait3A_618 = arith.constant 4 : i32
        %dma_wait3A_619 = arith.constant 0 : i32
        %dma_wait3A_620 = tpu.memref_slice %arg11[%dma_wait3A_617, %dma_wait3A_619] : memref<5x40xi32, #tpu.memory_space<vmem>> -> memref<1x40xi32, #tpu.memory_space<vmem>>
        %dma_wait3A_621 = tpu.memref_squeeze %dma_wait3A_620 : memref<1x40xi32, #tpu.memory_space<vmem>> -> memref<40xi32, #tpu.memory_space<vmem>>
        %dma_wait3A_622 = arith.constant 0 : i32
        %dma_wait3A_623 = tpu.memref_slice %arg5[%arg1, %dma_wait3A_616, %dma_wait3A_622] : memref<16x250x40xi32, #tpu.memory_space<hbm>> -> memref<1x1x40xi32, #tpu.memory_space<hbm>>
        %dma_wait3A_624 = tpu.memref_squeeze %dma_wait3A_623 : memref<1x1x40xi32, #tpu.memory_space<hbm>> -> memref<40xi32, #tpu.memory_space<hbm>>
        %dma_wait3A_625 = tpu.memref_slice %arg20[%dma_wait3A_618] : memref<5x!tpu.dma_semaphore, #tpu.memory_space<semaphore_mem>> -> memref<1x!tpu.dma_semaphore, #tpu.memory_space<semaphore_mem>>
        %dma_wait3A_626 = tpu.memref_squeeze %dma_wait3A_625 : memref<1x!tpu.dma_semaphore, #tpu.memory_space<semaphore_mem>> -> memref<!tpu.dma_semaphore, #tpu.memory_space<semaphore_mem>>
        %dma_wait3A_627 = arith.constant 0 : i32
        %dma_wait3A_628 = tpu.memref_slice %arg11[%dma_wait3A_617, %dma_wait3A_627] : memref<5x40xi32, #tpu.memory_space<vmem>> -> memref<1x40xi32, #tpu.memory_space<vmem>>
        %dma_wait3A_629 = tpu.memref_squeeze %dma_wait3A_628 : memref<1x40xi32, #tpu.memory_space<vmem>> -> memref<40xi32, #tpu.memory_space<vmem>>
        %dma_wait3A_630 = arith.constant 0 : i32
        %dma_wait3A_631 = tpu.memref_slice %arg5[%arg1, %dma_wait3A_616, %dma_wait3A_630] : memref<16x250x40xi32, #tpu.memory_space<hbm>> -> memref<1x1x40xi32, #tpu.memory_space<hbm>>
        %dma_wait3A_632 = tpu.memref_squeeze %dma_wait3A_631 : memref<1x1x40xi32, #tpu.memory_space<hbm>> -> memref<40xi32, #tpu.memory_space<hbm>>
        tpu.wait_dma2 semaphore(%dma_wait3A_626 : memref<!tpu.dma_semaphore, #tpu.memory_space<semaphore_mem>>) src(%dma_wait3A_632 : memref<40xi32, #tpu.memory_space<hbm>>) dst(%dma_wait3A_629 : memref<40xi32, #tpu.memory_space<vmem>>)
        %dma_start3A_633 = arith.constant 4 : i32
        %dma_start3A_634 = arith.constant 4 : i32
        %dma_start3A_635 = arith.constant 4 : i32
        %dma_start3A_636 = arith.constant 0 : i32
        %dma_start3A_637 = arith.constant 0 : i32
        %dma_start3A_638 = tpu.memref_slice %arg12[%dma_start3A_633, %dma_start3A_636, %dma_start3A_637] : memref<5x40x128xf32, #tpu.memory_space<vmem>> -> memref<1x40x128xf32, #tpu.memory_space<vmem>>
        %dma_start3A_639 = tpu.memref_squeeze %dma_start3A_638 : memref<1x40x128xf32, #tpu.memory_space<vmem>> -> memref<40x128xf32, #tpu.memory_space<vmem>>
        %dma_start3A_640 = arith.constant 0 : i32
        %dma_start3A_641 = tpu.memref_slice %arg11[%dma_start3A_634, %dma_start3A_640] : memref<5x40xi32, #tpu.memory_space<vmem>> -> memref<1x40xi32, #tpu.memory_space<vmem>>
        %dma_start3A_642 = tpu.memref_squeeze %dma_start3A_641 : memref<1x40xi32, #tpu.memory_space<vmem>> -> memref<40xi32, #tpu.memory_space<vmem>>
        %dma_start3A_643 = arith.constant 0 : i32
        %dma_start3A_644 = arith.constant 0 : i32
        %dma_start3A_645 = tpu.memref_slice %arg15[%dma_start3A_643, %dma_start3A_644] : memref<10240x128xf32, #tpu.memory_space<vmem_shared>> -> memref<10240x128xf32, #tpu.memory_space<vmem_shared>>
        %dma_start3A_646 = tpu.memref_slice %arg18[%dma_start3A_635] : memref<5x!tpu.dma_semaphore, #tpu.memory_space<semaphore_mem>> -> memref<1x!tpu.dma_semaphore, #tpu.memory_space<semaphore_mem>>
        %dma_start3A_647 = tpu.memref_squeeze %dma_start3A_646 : memref<1x!tpu.dma_semaphore, #tpu.memory_space<semaphore_mem>> -> memref<!tpu.dma_semaphore, #tpu.memory_space<semaphore_mem>>
        tpu.enqueue_indirect_dma source(%dma_start3A_639 : memref<40x128xf32, #tpu.memory_space<vmem>>) target(%dma_start3A_645 : memref<10240x128xf32, #tpu.memory_space<vmem_shared>>) offsets(%dma_start3A_642 : memref<40xi32, #tpu.memory_space<vmem>>) semaphore(%dma_start3A_647 : memref<!tpu.dma_semaphore, #tpu.memory_space<semaphore_mem>>) {add = true}
        %ge3A_648 = arith.constant 0 : i32
        %ge3A_649 = arith.cmpi sge, %add3A_597, %ge3A_648 : i32
        %lt3A_650 = arith.constant 125 : i32
        %lt3A_651 = arith.cmpi slt, %add3A_597, %lt3A_650 : i32
        %and3A_652 = arith.andi %ge3A_649, %lt3A_651 : i1
        %convert_element_type3A_653 = arith.extui %and3A_652 : i1 to i32
        %cond3A_654 = arith.constant 0 : i32
        %cond3A_655 = arith.cmpi ne, %convert_element_type3A_653, %cond3A_654 : i32
        scf.if %cond3A_655 {
          %dma_start3A_682 = arith.constant 4 : i32
          %dma_start3A_683 = arith.constant 4 : i32
          %dma_start3A_684 = arith.constant 0 : i32
          %dma_start3A_685 = tpu.memref_slice %arg11[%dma_start3A_682, %dma_start3A_684] : memref<5x40xi32, #tpu.memory_space<vmem>> -> memref<1x40xi32, #tpu.memory_space<vmem>>
          %dma_start3A_686 = tpu.memref_squeeze %dma_start3A_685 : memref<1x40xi32, #tpu.memory_space<vmem>> -> memref<40xi32, #tpu.memory_space<vmem>>
          %dma_start3A_687 = arith.constant 0 : i32
          %dma_start3A_688 = tpu.memref_slice %arg16[%dma_start3A_687] : memref<10240xf32, #tpu.memory_space<vmem_shared>> -> memref<10240xf32, #tpu.memory_space<vmem_shared>>
          %dma_start3A_689 = tpu.memref_slice %arg19[%dma_start3A_683] : memref<5x!tpu.dma_semaphore, #tpu.memory_space<semaphore_mem>> -> memref<1x!tpu.dma_semaphore, #tpu.memory_space<semaphore_mem>>
          %dma_start3A_690 = tpu.memref_squeeze %dma_start3A_689 : memref<1x!tpu.dma_semaphore, #tpu.memory_space<semaphore_mem>> -> memref<!tpu.dma_semaphore, #tpu.memory_space<semaphore_mem>>
          tpu.enqueue_indirect_dma source(%arg13 : memref<40xf32, #tpu.memory_space<vmem>>) target(%dma_start3A_688 : memref<10240xf32, #tpu.memory_space<vmem_shared>>) offsets(%dma_start3A_686 : memref<40xi32, #tpu.memory_space<vmem>>) semaphore(%dma_start3A_690 : memref<!tpu.dma_semaphore, #tpu.memory_space<semaphore_mem>>) {add = true}
        } else {
        }
        %dma_wait3A_656 = arith.constant 4 : i32
        %dma_wait3A_657 = arith.constant 4 : i32
        %dma_wait3A_658 = arith.constant 4 : i32
        %dma_wait3A_659 = arith.constant 0 : i32
        %dma_wait3A_660 = arith.constant 0 : i32
        %dma_wait3A_661 = tpu.memref_slice %arg12[%dma_wait3A_656, %dma_wait3A_659, %dma_wait3A_660] : memref<5x40x128xf32, #tpu.memory_space<vmem>> -> memref<1x40x128xf32, #tpu.memory_space<vmem>>
        %dma_wait3A_662 = tpu.memref_squeeze %dma_wait3A_661 : memref<1x40x128xf32, #tpu.memory_space<vmem>> -> memref<40x128xf32, #tpu.memory_space<vmem>>
        %dma_wait3A_663 = arith.constant 0 : i32
        %dma_wait3A_664 = tpu.memref_slice %arg11[%dma_wait3A_657, %dma_wait3A_663] : memref<5x40xi32, #tpu.memory_space<vmem>> -> memref<1x40xi32, #tpu.memory_space<vmem>>
        %dma_wait3A_665 = tpu.memref_squeeze %dma_wait3A_664 : memref<1x40xi32, #tpu.memory_space<vmem>> -> memref<40xi32, #tpu.memory_space<vmem>>
        %dma_wait3A_666 = arith.constant 0 : i32
        %dma_wait3A_667 = arith.constant 0 : i32
        %dma_wait3A_668 = tpu.memref_slice %arg15[%dma_wait3A_666, %dma_wait3A_667] : memref<10240x128xf32, #tpu.memory_space<vmem_shared>> -> memref<10240x128xf32, #tpu.memory_space<vmem_shared>>
        %dma_wait3A_669 = tpu.memref_slice %arg18[%dma_wait3A_658] : memref<5x!tpu.dma_semaphore, #tpu.memory_space<semaphore_mem>> -> memref<1x!tpu.dma_semaphore, #tpu.memory_space<semaphore_mem>>
        %dma_wait3A_670 = tpu.memref_squeeze %dma_wait3A_669 : memref<1x!tpu.dma_semaphore, #tpu.memory_space<semaphore_mem>> -> memref<!tpu.dma_semaphore, #tpu.memory_space<semaphore_mem>>
        tpu.wait_indirect_dma semaphore(%dma_wait3A_670 : memref<!tpu.dma_semaphore, #tpu.memory_space<semaphore_mem>>) src(%dma_wait3A_662 : memref<40x128xf32, #tpu.memory_space<vmem>>) dst(%dma_wait3A_668 : memref<10240x128xf32, #tpu.memory_space<vmem_shared>>)
        %convert_element_type3A_671 = arith.extui %and3A_652 : i1 to i32
        %cond3A_672 = arith.constant 0 : i32
        %cond3A_673 = arith.cmpi ne, %convert_element_type3A_671, %cond3A_672 : i32
        scf.if %cond3A_673 {
          %dma_wait3A_682 = arith.constant 4 : i32
          %dma_wait3A_683 = arith.constant 4 : i32
          %dma_wait3A_684 = arith.constant 0 : i32
          %dma_wait3A_685 = tpu.memref_slice %arg11[%dma_wait3A_682, %dma_wait3A_684] : memref<5x40xi32, #tpu.memory_space<vmem>> -> memref<1x40xi32, #tpu.memory_space<vmem>>
          %dma_wait3A_686 = tpu.memref_squeeze %dma_wait3A_685 : memref<1x40xi32, #tpu.memory_space<vmem>> -> memref<40xi32, #tpu.memory_space<vmem>>
          %dma_wait3A_687 = arith.constant 0 : i32
          %dma_wait3A_688 = tpu.memref_slice %arg16[%dma_wait3A_687] : memref<10240xf32, #tpu.memory_space<vmem_shared>> -> memref<10240xf32, #tpu.memory_space<vmem_shared>>
          %dma_wait3A_689 = tpu.memref_slice %arg19[%dma_wait3A_683] : memref<5x!tpu.dma_semaphore, #tpu.memory_space<semaphore_mem>> -> memref<1x!tpu.dma_semaphore, #tpu.memory_space<semaphore_mem>>
          %dma_wait3A_690 = tpu.memref_squeeze %dma_wait3A_689 : memref<1x!tpu.dma_semaphore, #tpu.memory_space<semaphore_mem>> -> memref<!tpu.dma_semaphore, #tpu.memory_space<semaphore_mem>>
          tpu.wait_indirect_dma semaphore(%dma_wait3A_690 : memref<!tpu.dma_semaphore, #tpu.memory_space<semaphore_mem>>) src(%arg13 : memref<40xf32, #tpu.memory_space<vmem>>) dst(%dma_wait3A_688 : memref<10240xf32, #tpu.memory_space<vmem_shared>>)
        } else {
        }
        %add3A_674 = arith.constant 5 : i32
        %add3A_675 = arith.addi %add3A_597, %add3A_674 : i32
        %lt3A_676 = arith.constant 250 : i32
        %lt3A_677 = arith.cmpi slt, %add3A_675, %lt3A_676 : i32
        %convert_element_type3A_678 = arith.extui %lt3A_677 : i1 to i32
        %cond3A_679 = arith.constant 0 : i32
        %cond3A_680 = arith.cmpi ne, %convert_element_type3A_678, %cond3A_679 : i32
        scf.if %cond3A_680 {
          %add3A_682 = arith.constant 5 : i32
          %add3A_683 = arith.addi %add3A_597, %add3A_682 : i32
          %mul3A_684 = arith.constant 40 : i32
          %mul3A_685 = arith.muli %add3A_683, %mul3A_684 : i32
          %dma_start3A_686 = arith.constant 4 : i32
          %dma_start3A_687 = arith.constant 4 : i32
          %dma_start3A_688 = arith.constant 0 : i32
          %dma_start3A_689 = arith.constant 0 : i32
          %dma_start3A_690 = tpu.memref_slice %arg12[%dma_start3A_686, %dma_start3A_688, %dma_start3A_689] : memref<5x40x128xf32, #tpu.memory_space<vmem>> -> memref<1x40x128xf32, #tpu.memory_space<vmem>>
          %dma_start3A_691 = tpu.memref_squeeze %dma_start3A_690 : memref<1x40x128xf32, #tpu.memory_space<vmem>> -> memref<40x128xf32, #tpu.memory_space<vmem>>
          %dma_start3A_692 = tpu.memref_slice %arg10[%mul3A_685] : memref<10000xi32, #tpu.memory_space<vmem>> -> memref<40xi32, #tpu.memory_space<vmem>>
          %dma_start3A_693 = arith.constant 0 : i32
          %dma_start3A_694 = arith.constant 0 : i32
          %dma_start3A_695 = tpu.memref_slice %arg2[%dma_start3A_693, %dma_start3A_694] : memref<10000x128xf32, #tpu.memory_space<hbm>> -> memref<10000x128xf32, #tpu.memory_space<hbm>>
          %dma_start3A_696 = tpu.memref_slice %arg17[%dma_start3A_687] : memref<5x!tpu.dma_semaphore, #tpu.memory_space<semaphore_mem>> -> memref<1x!tpu.dma_semaphore, #tpu.memory_space<semaphore_mem>>
          %dma_start3A_697 = tpu.memref_squeeze %dma_start3A_696 : memref<1x!tpu.dma_semaphore, #tpu.memory_space<semaphore_mem>> -> memref<!tpu.dma_semaphore, #tpu.memory_space<semaphore_mem>>
          tpu.enqueue_indirect_dma source(%dma_start3A_695 : memref<10000x128xf32, #tpu.memory_space<hbm>>) target(%dma_start3A_691 : memref<40x128xf32, #tpu.memory_space<vmem>>) offsets(%dma_start3A_692 : memref<40xi32, #tpu.memory_space<vmem>>) semaphore(%dma_start3A_697 : memref<!tpu.dma_semaphore, #tpu.memory_space<semaphore_mem>>)
          %dma_start3A_698 = arith.constant 4 : i32
          %dma_start3A_699 = arith.constant 4 : i32
          %dma_start3A_700 = arith.constant 0 : i32
          %dma_start3A_701 = tpu.memref_slice %arg11[%dma_start3A_698, %dma_start3A_700] : memref<5x40xi32, #tpu.memory_space<vmem>> -> memref<1x40xi32, #tpu.memory_space<vmem>>
          %dma_start3A_702 = tpu.memref_squeeze %dma_start3A_701 : memref<1x40xi32, #tpu.memory_space<vmem>> -> memref<40xi32, #tpu.memory_space<vmem>>
          %dma_start3A_703 = arith.constant 0 : i32
          %dma_start3A_704 = tpu.memref_slice %arg5[%arg1, %add3A_683, %dma_start3A_703] : memref<16x250x40xi32, #tpu.memory_space<hbm>> -> memref<1x1x40xi32, #tpu.memory_space<hbm>>
          %dma_start3A_705 = tpu.memref_squeeze %dma_start3A_704 : memref<1x1x40xi32, #tpu.memory_space<hbm>> -> memref<40xi32, #tpu.memory_space<hbm>>
          %dma_start3A_706 = tpu.memref_slice %arg20[%dma_start3A_699] : memref<5x!tpu.dma_semaphore, #tpu.memory_space<semaphore_mem>> -> memref<1x!tpu.dma_semaphore, #tpu.memory_space<semaphore_mem>>
          %dma_start3A_707 = tpu.memref_squeeze %dma_start3A_706 : memref<1x!tpu.dma_semaphore, #tpu.memory_space<semaphore_mem>> -> memref<!tpu.dma_semaphore, #tpu.memory_space<semaphore_mem>>
          %dma_start3A_708 = arith.constant 0 : i32
          %dma_start3A_709 = tpu.memref_slice %arg11[%dma_start3A_698, %dma_start3A_708] : memref<5x40xi32, #tpu.memory_space<vmem>> -> memref<1x40xi32, #tpu.memory_space<vmem>>
          %dma_start3A_710 = tpu.memref_squeeze %dma_start3A_709 : memref<1x40xi32, #tpu.memory_space<vmem>> -> memref<40xi32, #tpu.memory_space<vmem>>
          %dma_start3A_711 = arith.constant 0 : i32
          %dma_start3A_712 = tpu.memref_slice %arg5[%arg1, %add3A_683, %dma_start3A_711] : memref<16x250x40xi32, #tpu.memory_space<hbm>> -> memref<1x1x40xi32, #tpu.memory_space<hbm>>
          %dma_start3A_713 = tpu.memref_squeeze %dma_start3A_712 : memref<1x1x40xi32, #tpu.memory_space<hbm>> -> memref<40xi32, #tpu.memory_space<hbm>>
          tpu.enqueue_dma source(%dma_start3A_713 : memref<40xi32, #tpu.memory_space<hbm>>) target(%dma_start3A_710 : memref<40xi32, #tpu.memory_space<vmem>>) target_semaphore(%dma_start3A_707 : memref<!tpu.dma_semaphore, #tpu.memory_space<semaphore_mem>>)
        } else {
        }
        %scan3A_681 = arith.constant 0 : i32
        scf.yield %scan3A_681 : i32
      }
      %scan3A_247 = arith.constant 50 : i32
    } else {
    }
    %eq3A_76 = arith.constant 1 : i32
    %eq3A_77 = arith.cmpi eq, %arg0, %eq3A_76 : i32
    %convert_element_type3A_78 = arith.extui %eq3A_77 : i1 to i32
    %cond3A_79 = arith.constant 0 : i32
    %cond3A_80 = arith.cmpi ne, %convert_element_type3A_78, %cond3A_79 : i32
    scf.if %cond3A_80 {
      %dma_start3A = arith.constant 0 : i32
      %dma_start3A_92 = arith.constant 0 : i32
      %dma_start3A_93 = arith.constant 0 : i32
      %dma_start3A_94 = arith.constant 0 : i32
      %dma_start3A_95 = tpu.memref_slice %arg12[%dma_start3A, %dma_start3A_93, %dma_start3A_94] : memref<5x40x128xf32, #tpu.memory_space<vmem>> -> memref<1x40x128xf32, #tpu.memory_space<vmem>>
      %dma_start3A_96 = tpu.memref_squeeze %dma_start3A_95 : memref<1x40x128xf32, #tpu.memory_space<vmem>> -> memref<40x128xf32, #tpu.memory_space<vmem>>
      %dma_start3A_97 = arith.constant 0 : i32
      %dma_start3A_98 = tpu.memref_slice %arg10[%dma_start3A_97] : memref<10000xi32, #tpu.memory_space<vmem>> -> memref<40xi32, #tpu.memory_space<vmem>>
      %dma_start3A_99 = arith.constant 0 : i32
      %dma_start3A_100 = arith.constant 0 : i32
      %dma_start3A_101 = tpu.memref_slice %arg3[%dma_start3A_99, %dma_start3A_100] : memref<10000x128xf32, #tpu.memory_space<hbm>> -> memref<10000x128xf32, #tpu.memory_space<hbm>>
      %dma_start3A_102 = tpu.memref_slice %arg17[%dma_start3A_92] : memref<5x!tpu.dma_semaphore, #tpu.memory_space<semaphore_mem>> -> memref<1x!tpu.dma_semaphore, #tpu.memory_space<semaphore_mem>>
      %dma_start3A_103 = tpu.memref_squeeze %dma_start3A_102 : memref<1x!tpu.dma_semaphore, #tpu.memory_space<semaphore_mem>> -> memref<!tpu.dma_semaphore, #tpu.memory_space<semaphore_mem>>
      tpu.enqueue_indirect_dma source(%dma_start3A_101 : memref<10000x128xf32, #tpu.memory_space<hbm>>) target(%dma_start3A_96 : memref<40x128xf32, #tpu.memory_space<vmem>>) offsets(%dma_start3A_98 : memref<40xi32, #tpu.memory_space<vmem>>) semaphore(%dma_start3A_103 : memref<!tpu.dma_semaphore, #tpu.memory_space<semaphore_mem>>)
      %dma_start3A_104 = arith.constant 0 : i32
      %dma_start3A_105 = arith.constant 0 : i32
      %dma_start3A_106 = arith.constant 0 : i32
      %dma_start3A_107 = arith.constant 0 : i32
      %dma_start3A_108 = tpu.memref_slice %arg11[%dma_start3A_105, %dma_start3A_107] : memref<5x40xi32, #tpu.memory_space<vmem>> -> memref<1x40xi32, #tpu.memory_space<vmem>>
      %dma_start3A_109 = tpu.memref_squeeze %dma_start3A_108 : memref<1x40xi32, #tpu.memory_space<vmem>> -> memref<40xi32, #tpu.memory_space<vmem>>
      %dma_start3A_110 = arith.constant 0 : i32
      %dma_start3A_111 = tpu.memref_slice %arg5[%arg1, %dma_start3A_104, %dma_start3A_110] : memref<16x250x40xi32, #tpu.memory_space<hbm>> -> memref<1x1x40xi32, #tpu.memory_space<hbm>>
      %dma_start3A_112 = tpu.memref_squeeze %dma_start3A_111 : memref<1x1x40xi32, #tpu.memory_space<hbm>> -> memref<40xi32, #tpu.memory_space<hbm>>
      %dma_start3A_113 = tpu.memref_slice %arg20[%dma_start3A_106] : memref<5x!tpu.dma_semaphore, #tpu.memory_space<semaphore_mem>> -> memref<1x!tpu.dma_semaphore, #tpu.memory_space<semaphore_mem>>
      %dma_start3A_114 = tpu.memref_squeeze %dma_start3A_113 : memref<1x!tpu.dma_semaphore, #tpu.memory_space<semaphore_mem>> -> memref<!tpu.dma_semaphore, #tpu.memory_space<semaphore_mem>>
      %dma_start3A_115 = arith.constant 0 : i32
      %dma_start3A_116 = tpu.memref_slice %arg11[%dma_start3A_105, %dma_start3A_115] : memref<5x40xi32, #tpu.memory_space<vmem>> -> memref<1x40xi32, #tpu.memory_space<vmem>>
      %dma_start3A_117 = tpu.memref_squeeze %dma_start3A_116 : memref<1x40xi32, #tpu.memory_space<vmem>> -> memref<40xi32, #tpu.memory_space<vmem>>
      %dma_start3A_118 = arith.constant 0 : i32
      %dma_start3A_119 = tpu.memref_slice %arg5[%arg1, %dma_start3A_104, %dma_start3A_118] : memref<16x250x40xi32, #tpu.memory_space<hbm>> -> memref<1x1x40xi32, #tpu.memory_space<hbm>>
      %dma_start3A_120 = tpu.memref_squeeze %dma_start3A_119 : memref<1x1x40xi32, #tpu.memory_space<hbm>> -> memref<40xi32, #tpu.memory_space<hbm>>
      tpu.enqueue_dma source(%dma_start3A_120 : memref<40xi32, #tpu.memory_space<hbm>>) target(%dma_start3A_117 : memref<40xi32, #tpu.memory_space<vmem>>) target_semaphore(%dma_start3A_114 : memref<!tpu.dma_semaphore, #tpu.memory_space<semaphore_mem>>)
      %dma_start3A_121 = arith.constant 1 : i32
      %dma_start3A_122 = arith.constant 1 : i32
      %dma_start3A_123 = arith.constant 0 : i32
      %dma_start3A_124 = arith.constant 0 : i32
      %dma_start3A_125 = tpu.memref_slice %arg12[%dma_start3A_121, %dma_start3A_123, %dma_start3A_124] : memref<5x40x128xf32, #tpu.memory_space<vmem>> -> memref<1x40x128xf32, #tpu.memory_space<vmem>>
      %dma_start3A_126 = tpu.memref_squeeze %dma_start3A_125 : memref<1x40x128xf32, #tpu.memory_space<vmem>> -> memref<40x128xf32, #tpu.memory_space<vmem>>
      %dma_start3A_127 = arith.constant 40 : i32
      %dma_start3A_128 = tpu.memref_slice %arg10[%dma_start3A_127] : memref<10000xi32, #tpu.memory_space<vmem>> -> memref<40xi32, #tpu.memory_space<vmem>>
      %dma_start3A_129 = arith.constant 0 : i32
      %dma_start3A_130 = arith.constant 0 : i32
      %dma_start3A_131 = tpu.memref_slice %arg3[%dma_start3A_129, %dma_start3A_130] : memref<10000x128xf32, #tpu.memory_space<hbm>> -> memref<10000x128xf32, #tpu.memory_space<hbm>>
      %dma_start3A_132 = tpu.memref_slice %arg17[%dma_start3A_122] : memref<5x!tpu.dma_semaphore, #tpu.memory_space<semaphore_mem>> -> memref<1x!tpu.dma_semaphore, #tpu.memory_space<semaphore_mem>>
      %dma_start3A_133 = tpu.memref_squeeze %dma_start3A_132 : memref<1x!tpu.dma_semaphore, #tpu.memory_space<semaphore_mem>> -> memref<!tpu.dma_semaphore, #tpu.memory_space<semaphore_mem>>
      tpu.enqueue_indirect_dma source(%dma_start3A_131 : memref<10000x128xf32, #tpu.memory_space<hbm>>) target(%dma_start3A_126 : memref<40x128xf32, #tpu.memory_space<vmem>>) offsets(%dma_start3A_128 : memref<40xi32, #tpu.memory_space<vmem>>) semaphore(%dma_start3A_133 : memref<!tpu.dma_semaphore, #tpu.memory_space<semaphore_mem>>)
      %dma_start3A_134 = arith.constant 1 : i32
      %dma_start3A_135 = arith.constant 1 : i32
      %dma_start3A_136 = arith.constant 1 : i32
      %dma_start3A_137 = arith.constant 0 : i32
      %dma_start3A_138 = tpu.memref_slice %arg11[%dma_start3A_135, %dma_start3A_137] : memref<5x40xi32, #tpu.memory_space<vmem>> -> memref<1x40xi32, #tpu.memory_space<vmem>>
      %dma_start3A_139 = tpu.memref_squeeze %dma_start3A_138 : memref<1x40xi32, #tpu.memory_space<vmem>> -> memref<40xi32, #tpu.memory_space<vmem>>
      %dma_start3A_140 = arith.constant 0 : i32
      %dma_start3A_141 = tpu.memref_slice %arg5[%arg1, %dma_start3A_134, %dma_start3A_140] : memref<16x250x40xi32, #tpu.memory_space<hbm>> -> memref<1x1x40xi32, #tpu.memory_space<hbm>>
      %dma_start3A_142 = tpu.memref_squeeze %dma_start3A_141 : memref<1x1x40xi32, #tpu.memory_space<hbm>> -> memref<40xi32, #tpu.memory_space<hbm>>
      %dma_start3A_143 = tpu.memref_slice %arg20[%dma_start3A_136] : memref<5x!tpu.dma_semaphore, #tpu.memory_space<semaphore_mem>> -> memref<1x!tpu.dma_semaphore, #tpu.memory_space<semaphore_mem>>
      %dma_start3A_144 = tpu.memref_squeeze %dma_start3A_143 : memref<1x!tpu.dma_semaphore, #tpu.memory_space<semaphore_mem>> -> memref<!tpu.dma_semaphore, #tpu.memory_space<semaphore_mem>>
      %dma_start3A_145 = arith.constant 0 : i32
      %dma_start3A_146 = tpu.memref_slice %arg11[%dma_start3A_135, %dma_start3A_145] : memref<5x40xi32, #tpu.memory_space<vmem>> -> memref<1x40xi32, #tpu.memory_space<vmem>>
      %dma_start3A_147 = tpu.memref_squeeze %dma_start3A_146 : memref<1x40xi32, #tpu.memory_space<vmem>> -> memref<40xi32, #tpu.memory_space<vmem>>
      %dma_start3A_148 = arith.constant 0 : i32
      %dma_start3A_149 = tpu.memref_slice %arg5[%arg1, %dma_start3A_134, %dma_start3A_148] : memref<16x250x40xi32, #tpu.memory_space<hbm>> -> memref<1x1x40xi32, #tpu.memory_space<hbm>>
      %dma_start3A_150 = tpu.memref_squeeze %dma_start3A_149 : memref<1x1x40xi32, #tpu.memory_space<hbm>> -> memref<40xi32, #tpu.memory_space<hbm>>
      tpu.enqueue_dma source(%dma_start3A_150 : memref<40xi32, #tpu.memory_space<hbm>>) target(%dma_start3A_147 : memref<40xi32, #tpu.memory_space<vmem>>) target_semaphore(%dma_start3A_144 : memref<!tpu.dma_semaphore, #tpu.memory_space<semaphore_mem>>)
      %dma_start3A_151 = arith.constant 2 : i32
      %dma_start3A_152 = arith.constant 2 : i32
      %dma_start3A_153 = arith.constant 0 : i32
      %dma_start3A_154 = arith.constant 0 : i32
      %dma_start3A_155 = tpu.memref_slice %arg12[%dma_start3A_151, %dma_start3A_153, %dma_start3A_154] : memref<5x40x128xf32, #tpu.memory_space<vmem>> -> memref<1x40x128xf32, #tpu.memory_space<vmem>>
      %dma_start3A_156 = tpu.memref_squeeze %dma_start3A_155 : memref<1x40x128xf32, #tpu.memory_space<vmem>> -> memref<40x128xf32, #tpu.memory_space<vmem>>
      %dma_start3A_157 = arith.constant 80 : i32
      %dma_start3A_158 = tpu.memref_slice %arg10[%dma_start3A_157] : memref<10000xi32, #tpu.memory_space<vmem>> -> memref<40xi32, #tpu.memory_space<vmem>>
      %dma_start3A_159 = arith.constant 0 : i32
      %dma_start3A_160 = arith.constant 0 : i32
      %dma_start3A_161 = tpu.memref_slice %arg3[%dma_start3A_159, %dma_start3A_160] : memref<10000x128xf32, #tpu.memory_space<hbm>> -> memref<10000x128xf32, #tpu.memory_space<hbm>>
      %dma_start3A_162 = tpu.memref_slice %arg17[%dma_start3A_152] : memref<5x!tpu.dma_semaphore, #tpu.memory_space<semaphore_mem>> -> memref<1x!tpu.dma_semaphore, #tpu.memory_space<semaphore_mem>>
      %dma_start3A_163 = tpu.memref_squeeze %dma_start3A_162 : memref<1x!tpu.dma_semaphore, #tpu.memory_space<semaphore_mem>> -> memref<!tpu.dma_semaphore, #tpu.memory_space<semaphore_mem>>
      tpu.enqueue_indirect_dma source(%dma_start3A_161 : memref<10000x128xf32, #tpu.memory_space<hbm>>) target(%dma_start3A_156 : memref<40x128xf32, #tpu.memory_space<vmem>>) offsets(%dma_start3A_158 : memref<40xi32, #tpu.memory_space<vmem>>) semaphore(%dma_start3A_163 : memref<!tpu.dma_semaphore, #tpu.memory_space<semaphore_mem>>)
      %dma_start3A_164 = arith.constant 2 : i32
      %dma_start3A_165 = arith.constant 2 : i32
      %dma_start3A_166 = arith.constant 2 : i32
      %dma_start3A_167 = arith.constant 0 : i32
      %dma_start3A_168 = tpu.memref_slice %arg11[%dma_start3A_165, %dma_start3A_167] : memref<5x40xi32, #tpu.memory_space<vmem>> -> memref<1x40xi32, #tpu.memory_space<vmem>>
      %dma_start3A_169 = tpu.memref_squeeze %dma_start3A_168 : memref<1x40xi32, #tpu.memory_space<vmem>> -> memref<40xi32, #tpu.memory_space<vmem>>
      %dma_start3A_170 = arith.constant 0 : i32
      %dma_start3A_171 = tpu.memref_slice %arg5[%arg1, %dma_start3A_164, %dma_start3A_170] : memref<16x250x40xi32, #tpu.memory_space<hbm>> -> memref<1x1x40xi32, #tpu.memory_space<hbm>>
      %dma_start3A_172 = tpu.memref_squeeze %dma_start3A_171 : memref<1x1x40xi32, #tpu.memory_space<hbm>> -> memref<40xi32, #tpu.memory_space<hbm>>
      %dma_start3A_173 = tpu.memref_slice %arg20[%dma_start3A_166] : memref<5x!tpu.dma_semaphore, #tpu.memory_space<semaphore_mem>> -> memref<1x!tpu.dma_semaphore, #tpu.memory_space<semaphore_mem>>
      %dma_start3A_174 = tpu.memref_squeeze %dma_start3A_173 : memref<1x!tpu.dma_semaphore, #tpu.memory_space<semaphore_mem>> -> memref<!tpu.dma_semaphore, #tpu.memory_space<semaphore_mem>>
      %dma_start3A_175 = arith.constant 0 : i32
      %dma_start3A_176 = tpu.memref_slice %arg11[%dma_start3A_165, %dma_start3A_175] : memref<5x40xi32, #tpu.memory_space<vmem>> -> memref<1x40xi32, #tpu.memory_space<vmem>>
      %dma_start3A_177 = tpu.memref_squeeze %dma_start3A_176 : memref<1x40xi32, #tpu.memory_space<vmem>> -> memref<40xi32, #tpu.memory_space<vmem>>
      %dma_start3A_178 = arith.constant 0 : i32
      %dma_start3A_179 = tpu.memref_slice %arg5[%arg1, %dma_start3A_164, %dma_start3A_178] : memref<16x250x40xi32, #tpu.memory_space<hbm>> -> memref<1x1x40xi32, #tpu.memory_space<hbm>>
      %dma_start3A_180 = tpu.memref_squeeze %dma_start3A_179 : memref<1x1x40xi32, #tpu.memory_space<hbm>> -> memref<40xi32, #tpu.memory_space<hbm>>
      tpu.enqueue_dma source(%dma_start3A_180 : memref<40xi32, #tpu.memory_space<hbm>>) target(%dma_start3A_177 : memref<40xi32, #tpu.memory_space<vmem>>) target_semaphore(%dma_start3A_174 : memref<!tpu.dma_semaphore, #tpu.memory_space<semaphore_mem>>)
      %dma_start3A_181 = arith.constant 3 : i32
      %dma_start3A_182 = arith.constant 3 : i32
      %dma_start3A_183 = arith.constant 0 : i32
      %dma_start3A_184 = arith.constant 0 : i32
      %dma_start3A_185 = tpu.memref_slice %arg12[%dma_start3A_181, %dma_start3A_183, %dma_start3A_184] : memref<5x40x128xf32, #tpu.memory_space<vmem>> -> memref<1x40x128xf32, #tpu.memory_space<vmem>>
      %dma_start3A_186 = tpu.memref_squeeze %dma_start3A_185 : memref<1x40x128xf32, #tpu.memory_space<vmem>> -> memref<40x128xf32, #tpu.memory_space<vmem>>
      %dma_start3A_187 = arith.constant 120 : i32
      %dma_start3A_188 = tpu.memref_slice %arg10[%dma_start3A_187] : memref<10000xi32, #tpu.memory_space<vmem>> -> memref<40xi32, #tpu.memory_space<vmem>>
      %dma_start3A_189 = arith.constant 0 : i32
      %dma_start3A_190 = arith.constant 0 : i32
      %dma_start3A_191 = tpu.memref_slice %arg3[%dma_start3A_189, %dma_start3A_190] : memref<10000x128xf32, #tpu.memory_space<hbm>> -> memref<10000x128xf32, #tpu.memory_space<hbm>>
      %dma_start3A_192 = tpu.memref_slice %arg17[%dma_start3A_182] : memref<5x!tpu.dma_semaphore, #tpu.memory_space<semaphore_mem>> -> memref<1x!tpu.dma_semaphore, #tpu.memory_space<semaphore_mem>>
      %dma_start3A_193 = tpu.memref_squeeze %dma_start3A_192 : memref<1x!tpu.dma_semaphore, #tpu.memory_space<semaphore_mem>> -> memref<!tpu.dma_semaphore, #tpu.memory_space<semaphore_mem>>
      tpu.enqueue_indirect_dma source(%dma_start3A_191 : memref<10000x128xf32, #tpu.memory_space<hbm>>) target(%dma_start3A_186 : memref<40x128xf32, #tpu.memory_space<vmem>>) offsets(%dma_start3A_188 : memref<40xi32, #tpu.memory_space<vmem>>) semaphore(%dma_start3A_193 : memref<!tpu.dma_semaphore, #tpu.memory_space<semaphore_mem>>)
      %dma_start3A_194 = arith.constant 3 : i32
      %dma_start3A_195 = arith.constant 3 : i32
      %dma_start3A_196 = arith.constant 3 : i32
      %dma_start3A_197 = arith.constant 0 : i32
      %dma_start3A_198 = tpu.memref_slice %arg11[%dma_start3A_195, %dma_start3A_197] : memref<5x40xi32, #tpu.memory_space<vmem>> -> memref<1x40xi32, #tpu.memory_space<vmem>>
      %dma_start3A_199 = tpu.memref_squeeze %dma_start3A_198 : memref<1x40xi32, #tpu.memory_space<vmem>> -> memref<40xi32, #tpu.memory_space<vmem>>
      %dma_start3A_200 = arith.constant 0 : i32
      %dma_start3A_201 = tpu.memref_slice %arg5[%arg1, %dma_start3A_194, %dma_start3A_200] : memref<16x250x40xi32, #tpu.memory_space<hbm>> -> memref<1x1x40xi32, #tpu.memory_space<hbm>>
      %dma_start3A_202 = tpu.memref_squeeze %dma_start3A_201 : memref<1x1x40xi32, #tpu.memory_space<hbm>> -> memref<40xi32, #tpu.memory_space<hbm>>
      %dma_start3A_203 = tpu.memref_slice %arg20[%dma_start3A_196] : memref<5x!tpu.dma_semaphore, #tpu.memory_space<semaphore_mem>> -> memref<1x!tpu.dma_semaphore, #tpu.memory_space<semaphore_mem>>
      %dma_start3A_204 = tpu.memref_squeeze %dma_start3A_203 : memref<1x!tpu.dma_semaphore, #tpu.memory_space<semaphore_mem>> -> memref<!tpu.dma_semaphore, #tpu.memory_space<semaphore_mem>>
      %dma_start3A_205 = arith.constant 0 : i32
      %dma_start3A_206 = tpu.memref_slice %arg11[%dma_start3A_195, %dma_start3A_205] : memref<5x40xi32, #tpu.memory_space<vmem>> -> memref<1x40xi32, #tpu.memory_space<vmem>>
      %dma_start3A_207 = tpu.memref_squeeze %dma_start3A_206 : memref<1x40xi32, #tpu.memory_space<vmem>> -> memref<40xi32, #tpu.memory_space<vmem>>
      %dma_start3A_208 = arith.constant 0 : i32
      %dma_start3A_209 = tpu.memref_slice %arg5[%arg1, %dma_start3A_194, %dma_start3A_208] : memref<16x250x40xi32, #tpu.memory_space<hbm>> -> memref<1x1x40xi32, #tpu.memory_space<hbm>>
      %dma_start3A_210 = tpu.memref_squeeze %dma_start3A_209 : memref<1x1x40xi32, #tpu.memory_space<hbm>> -> memref<40xi32, #tpu.memory_space<hbm>>
      tpu.enqueue_dma source(%dma_start3A_210 : memref<40xi32, #tpu.memory_space<hbm>>) target(%dma_start3A_207 : memref<40xi32, #tpu.memory_space<vmem>>) target_semaphore(%dma_start3A_204 : memref<!tpu.dma_semaphore, #tpu.memory_space<semaphore_mem>>)
      %dma_start3A_211 = arith.constant 4 : i32
      %dma_start3A_212 = arith.constant 4 : i32
      %dma_start3A_213 = arith.constant 0 : i32
      %dma_start3A_214 = arith.constant 0 : i32
      %dma_start3A_215 = tpu.memref_slice %arg12[%dma_start3A_211, %dma_start3A_213, %dma_start3A_214] : memref<5x40x128xf32, #tpu.memory_space<vmem>> -> memref<1x40x128xf32, #tpu.memory_space<vmem>>
      %dma_start3A_216 = tpu.memref_squeeze %dma_start3A_215 : memref<1x40x128xf32, #tpu.memory_space<vmem>> -> memref<40x128xf32, #tpu.memory_space<vmem>>
      %dma_start3A_217 = arith.constant 160 : i32
      %dma_start3A_218 = tpu.memref_slice %arg10[%dma_start3A_217] : memref<10000xi32, #tpu.memory_space<vmem>> -> memref<40xi32, #tpu.memory_space<vmem>>
      %dma_start3A_219 = arith.constant 0 : i32
      %dma_start3A_220 = arith.constant 0 : i32
      %dma_start3A_221 = tpu.memref_slice %arg3[%dma_start3A_219, %dma_start3A_220] : memref<10000x128xf32, #tpu.memory_space<hbm>> -> memref<10000x128xf32, #tpu.memory_space<hbm>>
      %dma_start3A_222 = tpu.memref_slice %arg17[%dma_start3A_212] : memref<5x!tpu.dma_semaphore, #tpu.memory_space<semaphore_mem>> -> memref<1x!tpu.dma_semaphore, #tpu.memory_space<semaphore_mem>>
      %dma_start3A_223 = tpu.memref_squeeze %dma_start3A_222 : memref<1x!tpu.dma_semaphore, #tpu.memory_space<semaphore_mem>> -> memref<!tpu.dma_semaphore, #tpu.memory_space<semaphore_mem>>
      tpu.enqueue_indirect_dma source(%dma_start3A_221 : memref<10000x128xf32, #tpu.memory_space<hbm>>) target(%dma_start3A_216 : memref<40x128xf32, #tpu.memory_space<vmem>>) offsets(%dma_start3A_218 : memref<40xi32, #tpu.memory_space<vmem>>) semaphore(%dma_start3A_223 : memref<!tpu.dma_semaphore, #tpu.memory_space<semaphore_mem>>)
      %dma_start3A_224 = arith.constant 4 : i32
      %dma_start3A_225 = arith.constant 4 : i32
      %dma_start3A_226 = arith.constant 4 : i32
      %dma_start3A_227 = arith.constant 0 : i32
      %dma_start3A_228 = tpu.memref_slice %arg11[%dma_start3A_225, %dma_start3A_227] : memref<5x40xi32, #tpu.memory_space<vmem>> -> memref<1x40xi32, #tpu.memory_space<vmem>>
      %dma_start3A_229 = tpu.memref_squeeze %dma_start3A_228 : memref<1x40xi32, #tpu.memory_space<vmem>> -> memref<40xi32, #tpu.memory_space<vmem>>
      %dma_start3A_230 = arith.constant 0 : i32
      %dma_start3A_231 = tpu.memref_slice %arg5[%arg1, %dma_start3A_224, %dma_start3A_230] : memref<16x250x40xi32, #tpu.memory_space<hbm>> -> memref<1x1x40xi32, #tpu.memory_space<hbm>>
      %dma_start3A_232 = tpu.memref_squeeze %dma_start3A_231 : memref<1x1x40xi32, #tpu.memory_space<hbm>> -> memref<40xi32, #tpu.memory_space<hbm>>
      %dma_start3A_233 = tpu.memref_slice %arg20[%dma_start3A_226] : memref<5x!tpu.dma_semaphore, #tpu.memory_space<semaphore_mem>> -> memref<1x!tpu.dma_semaphore, #tpu.memory_space<semaphore_mem>>
      %dma_start3A_234 = tpu.memref_squeeze %dma_start3A_233 : memref<1x!tpu.dma_semaphore, #tpu.memory_space<semaphore_mem>> -> memref<!tpu.dma_semaphore, #tpu.memory_space<semaphore_mem>>
      %dma_start3A_235 = arith.constant 0 : i32
      %dma_start3A_236 = tpu.memref_slice %arg11[%dma_start3A_225, %dma_start3A_235] : memref<5x40xi32, #tpu.memory_space<vmem>> -> memref<1x40xi32, #tpu.memory_space<vmem>>
      %dma_start3A_237 = tpu.memref_squeeze %dma_start3A_236 : memref<1x40xi32, #tpu.memory_space<vmem>> -> memref<40xi32, #tpu.memory_space<vmem>>
      %dma_start3A_238 = arith.constant 0 : i32
      %dma_start3A_239 = tpu.memref_slice %arg5[%arg1, %dma_start3A_224, %dma_start3A_238] : memref<16x250x40xi32, #tpu.memory_space<hbm>> -> memref<1x1x40xi32, #tpu.memory_space<hbm>>
      %dma_start3A_240 = tpu.memref_squeeze %dma_start3A_239 : memref<1x1x40xi32, #tpu.memory_space<hbm>> -> memref<40xi32, #tpu.memory_space<hbm>>
      tpu.enqueue_dma source(%dma_start3A_240 : memref<40xi32, #tpu.memory_space<hbm>>) target(%dma_start3A_237 : memref<40xi32, #tpu.memory_space<vmem>>) target_semaphore(%dma_start3A_234 : memref<!tpu.dma_semaphore, #tpu.memory_space<semaphore_mem>>)
      %scan3A_241 = arith.constant 0 : i32
      %scan3A_242 = arith.constant 0 : i32
      %scan3A_243 = arith.constant 50 : i32
      %scan3A_244 = arith.addi %scan3A_242, %scan3A_243 : i32
      %scan3A_245 = arith.constant 1 : i32
      %scan3A_246 = scf.for %scan3A_248 = %scan3A_242 to %scan3A_244 step %scan3A_245 iter_args(%scan3A_249 = %scan3A_241) -> (i32)  : i32 {
        %mul3A_250 = arith.constant 5 : i32
        %mul3A_251 = arith.muli %scan3A_248, %mul3A_250 : i32
        %add3A_252 = arith.constant 0 : i32
        %add3A_253 = arith.addi %mul3A_251, %add3A_252 : i32
        %dma_wait3A = arith.constant 0 : i32
        %dma_wait3A_254 = arith.constant 0 : i32
        %dma_wait3A_255 = arith.constant 0 : i32
        %dma_wait3A_256 = arith.constant 0 : i32
        %dma_wait3A_257 = tpu.memref_slice %arg12[%dma_wait3A, %dma_wait3A_255, %dma_wait3A_256] : memref<5x40x128xf32, #tpu.memory_space<vmem>> -> memref<1x40x128xf32, #tpu.memory_space<vmem>>
        %dma_wait3A_258 = tpu.memref_squeeze %dma_wait3A_257 : memref<1x40x128xf32, #tpu.memory_space<vmem>> -> memref<40x128xf32, #tpu.memory_space<vmem>>
        %dma_wait3A_259 = arith.constant 0 : i32
        %dma_wait3A_260 = arith.constant 0 : i32
        %dma_wait3A_261 = tpu.memref_slice %arg3[%dma_wait3A_259, %dma_wait3A_260] : memref<10000x128xf32, #tpu.memory_space<hbm>> -> memref<40x128xf32, #tpu.memory_space<hbm>>
        %dma_wait3A_262 = tpu.memref_slice %arg17[%dma_wait3A_254] : memref<5x!tpu.dma_semaphore, #tpu.memory_space<semaphore_mem>> -> memref<1x!tpu.dma_semaphore, #tpu.memory_space<semaphore_mem>>
        %dma_wait3A_263 = tpu.memref_squeeze %dma_wait3A_262 : memref<1x!tpu.dma_semaphore, #tpu.memory_space<semaphore_mem>> -> memref<!tpu.dma_semaphore, #tpu.memory_space<semaphore_mem>>
        %dma_wait3A_264 = arith.constant 0 : i32
        %dma_wait3A_265 = arith.constant 0 : i32
        %dma_wait3A_266 = tpu.memref_slice %arg12[%dma_wait3A, %dma_wait3A_264, %dma_wait3A_265] : memref<5x40x128xf32, #tpu.memory_space<vmem>> -> memref<1x40x128xf32, #tpu.memory_space<vmem>>
        %dma_wait3A_267 = tpu.memref_squeeze %dma_wait3A_266 : memref<1x40x128xf32, #tpu.memory_space<vmem>> -> memref<40x128xf32, #tpu.memory_space<vmem>>
        %dma_wait3A_268 = arith.constant 0 : i32
        %dma_wait3A_269 = arith.constant 0 : i32
        %dma_wait3A_270 = tpu.memref_slice %arg3[%dma_wait3A_268, %dma_wait3A_269] : memref<10000x128xf32, #tpu.memory_space<hbm>> -> memref<40x128xf32, #tpu.memory_space<hbm>>
        tpu.wait_dma2 semaphore(%dma_wait3A_263 : memref<!tpu.dma_semaphore, #tpu.memory_space<semaphore_mem>>) src(%dma_wait3A_270 : memref<40x128xf32, #tpu.memory_space<hbm>>) dst(%dma_wait3A_267 : memref<40x128xf32, #tpu.memory_space<vmem>>)
        %dma_wait3A_271 = arith.constant 0 : i32
        %dma_wait3A_272 = arith.constant 0 : i32
        %dma_wait3A_273 = arith.constant 0 : i32
        %dma_wait3A_274 = arith.constant 0 : i32
        %dma_wait3A_275 = tpu.memref_slice %arg11[%dma_wait3A_272, %dma_wait3A_274] : memref<5x40xi32, #tpu.memory_space<vmem>> -> memref<1x40xi32, #tpu.memory_space<vmem>>
        %dma_wait3A_276 = tpu.memref_squeeze %dma_wait3A_275 : memref<1x40xi32, #tpu.memory_space<vmem>> -> memref<40xi32, #tpu.memory_space<vmem>>
        %dma_wait3A_277 = arith.constant 0 : i32
        %dma_wait3A_278 = tpu.memref_slice %arg5[%arg1, %dma_wait3A_271, %dma_wait3A_277] : memref<16x250x40xi32, #tpu.memory_space<hbm>> -> memref<1x1x40xi32, #tpu.memory_space<hbm>>
        %dma_wait3A_279 = tpu.memref_squeeze %dma_wait3A_278 : memref<1x1x40xi32, #tpu.memory_space<hbm>> -> memref<40xi32, #tpu.memory_space<hbm>>
        %dma_wait3A_280 = tpu.memref_slice %arg20[%dma_wait3A_273] : memref<5x!tpu.dma_semaphore, #tpu.memory_space<semaphore_mem>> -> memref<1x!tpu.dma_semaphore, #tpu.memory_space<semaphore_mem>>
        %dma_wait3A_281 = tpu.memref_squeeze %dma_wait3A_280 : memref<1x!tpu.dma_semaphore, #tpu.memory_space<semaphore_mem>> -> memref<!tpu.dma_semaphore, #tpu.memory_space<semaphore_mem>>
        %dma_wait3A_282 = arith.constant 0 : i32
        %dma_wait3A_283 = tpu.memref_slice %arg11[%dma_wait3A_272, %dma_wait3A_282] : memref<5x40xi32, #tpu.memory_space<vmem>> -> memref<1x40xi32, #tpu.memory_space<vmem>>
        %dma_wait3A_284 = tpu.memref_squeeze %dma_wait3A_283 : memref<1x40xi32, #tpu.memory_space<vmem>> -> memref<40xi32, #tpu.memory_space<vmem>>
        %dma_wait3A_285 = arith.constant 0 : i32
        %dma_wait3A_286 = tpu.memref_slice %arg5[%arg1, %dma_wait3A_271, %dma_wait3A_285] : memref<16x250x40xi32, #tpu.memory_space<hbm>> -> memref<1x1x40xi32, #tpu.memory_space<hbm>>
        %dma_wait3A_287 = tpu.memref_squeeze %dma_wait3A_286 : memref<1x1x40xi32, #tpu.memory_space<hbm>> -> memref<40xi32, #tpu.memory_space<hbm>>
        tpu.wait_dma2 semaphore(%dma_wait3A_281 : memref<!tpu.dma_semaphore, #tpu.memory_space<semaphore_mem>>) src(%dma_wait3A_287 : memref<40xi32, #tpu.memory_space<hbm>>) dst(%dma_wait3A_284 : memref<40xi32, #tpu.memory_space<vmem>>)
        %dma_start3A_288 = arith.constant 0 : i32
        %dma_start3A_289 = arith.constant 0 : i32
        %dma_start3A_290 = arith.constant 0 : i32
        %dma_start3A_291 = arith.constant 0 : i32
        %dma_start3A_292 = arith.constant 0 : i32
        %dma_start3A_293 = tpu.memref_slice %arg12[%dma_start3A_288, %dma_start3A_291, %dma_start3A_292] : memref<5x40x128xf32, #tpu.memory_space<vmem>> -> memref<1x40x128xf32, #tpu.memory_space<vmem>>
        %dma_start3A_294 = tpu.memref_squeeze %dma_start3A_293 : memref<1x40x128xf32, #tpu.memory_space<vmem>> -> memref<40x128xf32, #tpu.memory_space<vmem>>
        %dma_start3A_295 = arith.constant 0 : i32
        %dma_start3A_296 = tpu.memref_slice %arg11[%dma_start3A_289, %dma_start3A_295] : memref<5x40xi32, #tpu.memory_space<vmem>> -> memref<1x40xi32, #tpu.memory_space<vmem>>
        %dma_start3A_297 = tpu.memref_squeeze %dma_start3A_296 : memref<1x40xi32, #tpu.memory_space<vmem>> -> memref<40xi32, #tpu.memory_space<vmem>>
        %dma_start3A_298 = arith.constant 0 : i32
        %dma_start3A_299 = arith.constant 0 : i32
        %dma_start3A_300 = tpu.memref_slice %arg15[%dma_start3A_298, %dma_start3A_299] : memref<10240x128xf32, #tpu.memory_space<vmem_shared>> -> memref<10240x128xf32, #tpu.memory_space<vmem_shared>>
        %dma_start3A_301 = tpu.memref_slice %arg18[%dma_start3A_290] : memref<5x!tpu.dma_semaphore, #tpu.memory_space<semaphore_mem>> -> memref<1x!tpu.dma_semaphore, #tpu.memory_space<semaphore_mem>>
        %dma_start3A_302 = tpu.memref_squeeze %dma_start3A_301 : memref<1x!tpu.dma_semaphore, #tpu.memory_space<semaphore_mem>> -> memref<!tpu.dma_semaphore, #tpu.memory_space<semaphore_mem>>
        tpu.enqueue_indirect_dma source(%dma_start3A_294 : memref<40x128xf32, #tpu.memory_space<vmem>>) target(%dma_start3A_300 : memref<10240x128xf32, #tpu.memory_space<vmem_shared>>) offsets(%dma_start3A_297 : memref<40xi32, #tpu.memory_space<vmem>>) semaphore(%dma_start3A_302 : memref<!tpu.dma_semaphore, #tpu.memory_space<semaphore_mem>>) {add = true}
        %ge3A = arith.constant 125 : i32
        %ge3A_303 = arith.cmpi sge, %add3A_253, %ge3A : i32
        %lt3A = arith.constant 250 : i32
        %lt3A_304 = arith.cmpi slt, %add3A_253, %lt3A : i32
        %and3A = arith.andi %ge3A_303, %lt3A_304 : i1
        %convert_element_type3A_305 = arith.extui %and3A : i1 to i32
        %cond3A_306 = arith.constant 0 : i32
        %cond3A_307 = arith.cmpi ne, %convert_element_type3A_305, %cond3A_306 : i32
        scf.if %cond3A_307 {
          %dma_start3A_682 = arith.constant 0 : i32
          %dma_start3A_683 = arith.constant 0 : i32
          %dma_start3A_684 = arith.constant 0 : i32
          %dma_start3A_685 = tpu.memref_slice %arg11[%dma_start3A_682, %dma_start3A_684] : memref<5x40xi32, #tpu.memory_space<vmem>> -> memref<1x40xi32, #tpu.memory_space<vmem>>
          %dma_start3A_686 = tpu.memref_squeeze %dma_start3A_685 : memref<1x40xi32, #tpu.memory_space<vmem>> -> memref<40xi32, #tpu.memory_space<vmem>>
          %dma_start3A_687 = arith.constant 0 : i32
          %dma_start3A_688 = tpu.memref_slice %arg16[%dma_start3A_687] : memref<10240xf32, #tpu.memory_space<vmem_shared>> -> memref<10240xf32, #tpu.memory_space<vmem_shared>>
          %dma_start3A_689 = tpu.memref_slice %arg19[%dma_start3A_683] : memref<5x!tpu.dma_semaphore, #tpu.memory_space<semaphore_mem>> -> memref<1x!tpu.dma_semaphore, #tpu.memory_space<semaphore_mem>>
          %dma_start3A_690 = tpu.memref_squeeze %dma_start3A_689 : memref<1x!tpu.dma_semaphore, #tpu.memory_space<semaphore_mem>> -> memref<!tpu.dma_semaphore, #tpu.memory_space<semaphore_mem>>
          tpu.enqueue_indirect_dma source(%arg13 : memref<40xf32, #tpu.memory_space<vmem>>) target(%dma_start3A_688 : memref<10240xf32, #tpu.memory_space<vmem_shared>>) offsets(%dma_start3A_686 : memref<40xi32, #tpu.memory_space<vmem>>) semaphore(%dma_start3A_690 : memref<!tpu.dma_semaphore, #tpu.memory_space<semaphore_mem>>) {add = true}
        } else {
        }
        %dma_wait3A_308 = arith.constant 0 : i32
        %dma_wait3A_309 = arith.constant 0 : i32
        %dma_wait3A_310 = arith.constant 0 : i32
        %dma_wait3A_311 = arith.constant 0 : i32
        %dma_wait3A_312 = arith.constant 0 : i32
        %dma_wait3A_313 = tpu.memref_slice %arg12[%dma_wait3A_308, %dma_wait3A_311, %dma_wait3A_312] : memref<5x40x128xf32, #tpu.memory_space<vmem>> -> memref<1x40x128xf32, #tpu.memory_space<vmem>>
        %dma_wait3A_314 = tpu.memref_squeeze %dma_wait3A_313 : memref<1x40x128xf32, #tpu.memory_space<vmem>> -> memref<40x128xf32, #tpu.memory_space<vmem>>
        %dma_wait3A_315 = arith.constant 0 : i32
        %dma_wait3A_316 = tpu.memref_slice %arg11[%dma_wait3A_309, %dma_wait3A_315] : memref<5x40xi32, #tpu.memory_space<vmem>> -> memref<1x40xi32, #tpu.memory_space<vmem>>
        %dma_wait3A_317 = tpu.memref_squeeze %dma_wait3A_316 : memref<1x40xi32, #tpu.memory_space<vmem>> -> memref<40xi32, #tpu.memory_space<vmem>>
        %dma_wait3A_318 = arith.constant 0 : i32
        %dma_wait3A_319 = arith.constant 0 : i32
        %dma_wait3A_320 = tpu.memref_slice %arg15[%dma_wait3A_318, %dma_wait3A_319] : memref<10240x128xf32, #tpu.memory_space<vmem_shared>> -> memref<10240x128xf32, #tpu.memory_space<vmem_shared>>
        %dma_wait3A_321 = tpu.memref_slice %arg18[%dma_wait3A_310] : memref<5x!tpu.dma_semaphore, #tpu.memory_space<semaphore_mem>> -> memref<1x!tpu.dma_semaphore, #tpu.memory_space<semaphore_mem>>
        %dma_wait3A_322 = tpu.memref_squeeze %dma_wait3A_321 : memref<1x!tpu.dma_semaphore, #tpu.memory_space<semaphore_mem>> -> memref<!tpu.dma_semaphore, #tpu.memory_space<semaphore_mem>>
        tpu.wait_indirect_dma semaphore(%dma_wait3A_322 : memref<!tpu.dma_semaphore, #tpu.memory_space<semaphore_mem>>) src(%dma_wait3A_314 : memref<40x128xf32, #tpu.memory_space<vmem>>) dst(%dma_wait3A_320 : memref<10240x128xf32, #tpu.memory_space<vmem_shared>>)
        %convert_element_type3A_323 = arith.extui %and3A : i1 to i32
        %cond3A_324 = arith.constant 0 : i32
        %cond3A_325 = arith.cmpi ne, %convert_element_type3A_323, %cond3A_324 : i32
        scf.if %cond3A_325 {
          %dma_wait3A_682 = arith.constant 0 : i32
          %dma_wait3A_683 = arith.constant 0 : i32
          %dma_wait3A_684 = arith.constant 0 : i32
          %dma_wait3A_685 = tpu.memref_slice %arg11[%dma_wait3A_682, %dma_wait3A_684] : memref<5x40xi32, #tpu.memory_space<vmem>> -> memref<1x40xi32, #tpu.memory_space<vmem>>
          %dma_wait3A_686 = tpu.memref_squeeze %dma_wait3A_685 : memref<1x40xi32, #tpu.memory_space<vmem>> -> memref<40xi32, #tpu.memory_space<vmem>>
          %dma_wait3A_687 = arith.constant 0 : i32
          %dma_wait3A_688 = tpu.memref_slice %arg16[%dma_wait3A_687] : memref<10240xf32, #tpu.memory_space<vmem_shared>> -> memref<10240xf32, #tpu.memory_space<vmem_shared>>
          %dma_wait3A_689 = tpu.memref_slice %arg19[%dma_wait3A_683] : memref<5x!tpu.dma_semaphore, #tpu.memory_space<semaphore_mem>> -> memref<1x!tpu.dma_semaphore, #tpu.memory_space<semaphore_mem>>
          %dma_wait3A_690 = tpu.memref_squeeze %dma_wait3A_689 : memref<1x!tpu.dma_semaphore, #tpu.memory_space<semaphore_mem>> -> memref<!tpu.dma_semaphore, #tpu.memory_space<semaphore_mem>>
          tpu.wait_indirect_dma semaphore(%dma_wait3A_690 : memref<!tpu.dma_semaphore, #tpu.memory_space<semaphore_mem>>) src(%arg13 : memref<40xf32, #tpu.memory_space<vmem>>) dst(%dma_wait3A_688 : memref<10240xf32, #tpu.memory_space<vmem_shared>>)
        } else {
        }
        %add3A_326 = arith.constant 5 : i32
        %add3A_327 = arith.addi %add3A_253, %add3A_326 : i32
        %lt3A_328 = arith.constant 250 : i32
        %lt3A_329 = arith.cmpi slt, %add3A_327, %lt3A_328 : i32
        %convert_element_type3A_330 = arith.extui %lt3A_329 : i1 to i32
        %cond3A_331 = arith.constant 0 : i32
        %cond3A_332 = arith.cmpi ne, %convert_element_type3A_330, %cond3A_331 : i32
        scf.if %cond3A_332 {
          %add3A_682 = arith.constant 5 : i32
          %add3A_683 = arith.addi %add3A_253, %add3A_682 : i32
          %mul3A_684 = arith.constant 40 : i32
          %mul3A_685 = arith.muli %add3A_683, %mul3A_684 : i32
          %dma_start3A_686 = arith.constant 0 : i32
          %dma_start3A_687 = arith.constant 0 : i32
          %dma_start3A_688 = arith.constant 0 : i32
          %dma_start3A_689 = arith.constant 0 : i32
          %dma_start3A_690 = tpu.memref_slice %arg12[%dma_start3A_686, %dma_start3A_688, %dma_start3A_689] : memref<5x40x128xf32, #tpu.memory_space<vmem>> -> memref<1x40x128xf32, #tpu.memory_space<vmem>>
          %dma_start3A_691 = tpu.memref_squeeze %dma_start3A_690 : memref<1x40x128xf32, #tpu.memory_space<vmem>> -> memref<40x128xf32, #tpu.memory_space<vmem>>
          %dma_start3A_692 = tpu.memref_slice %arg10[%mul3A_685] : memref<10000xi32, #tpu.memory_space<vmem>> -> memref<40xi32, #tpu.memory_space<vmem>>
          %dma_start3A_693 = arith.constant 0 : i32
          %dma_start3A_694 = arith.constant 0 : i32
          %dma_start3A_695 = tpu.memref_slice %arg3[%dma_start3A_693, %dma_start3A_694] : memref<10000x128xf32, #tpu.memory_space<hbm>> -> memref<10000x128xf32, #tpu.memory_space<hbm>>
          %dma_start3A_696 = tpu.memref_slice %arg17[%dma_start3A_687] : memref<5x!tpu.dma_semaphore, #tpu.memory_space<semaphore_mem>> -> memref<1x!tpu.dma_semaphore, #tpu.memory_space<semaphore_mem>>
          %dma_start3A_697 = tpu.memref_squeeze %dma_start3A_696 : memref<1x!tpu.dma_semaphore, #tpu.memory_space<semaphore_mem>> -> memref<!tpu.dma_semaphore, #tpu.memory_space<semaphore_mem>>
          tpu.enqueue_indirect_dma source(%dma_start3A_695 : memref<10000x128xf32, #tpu.memory_space<hbm>>) target(%dma_start3A_691 : memref<40x128xf32, #tpu.memory_space<vmem>>) offsets(%dma_start3A_692 : memref<40xi32, #tpu.memory_space<vmem>>) semaphore(%dma_start3A_697 : memref<!tpu.dma_semaphore, #tpu.memory_space<semaphore_mem>>)
          %dma_start3A_698 = arith.constant 0 : i32
          %dma_start3A_699 = arith.constant 0 : i32
          %dma_start3A_700 = arith.constant 0 : i32
          %dma_start3A_701 = tpu.memref_slice %arg11[%dma_start3A_698, %dma_start3A_700] : memref<5x40xi32, #tpu.memory_space<vmem>> -> memref<1x40xi32, #tpu.memory_space<vmem>>
          %dma_start3A_702 = tpu.memref_squeeze %dma_start3A_701 : memref<1x40xi32, #tpu.memory_space<vmem>> -> memref<40xi32, #tpu.memory_space<vmem>>
          %dma_start3A_703 = arith.constant 0 : i32
          %dma_start3A_704 = tpu.memref_slice %arg5[%arg1, %add3A_683, %dma_start3A_703] : memref<16x250x40xi32, #tpu.memory_space<hbm>> -> memref<1x1x40xi32, #tpu.memory_space<hbm>>
          %dma_start3A_705 = tpu.memref_squeeze %dma_start3A_704 : memref<1x1x40xi32, #tpu.memory_space<hbm>> -> memref<40xi32, #tpu.memory_space<hbm>>
          %dma_start3A_706 = tpu.memref_slice %arg20[%dma_start3A_699] : memref<5x!tpu.dma_semaphore, #tpu.memory_space<semaphore_mem>> -> memref<1x!tpu.dma_semaphore, #tpu.memory_space<semaphore_mem>>
          %dma_start3A_707 = tpu.memref_squeeze %dma_start3A_706 : memref<1x!tpu.dma_semaphore, #tpu.memory_space<semaphore_mem>> -> memref<!tpu.dma_semaphore, #tpu.memory_space<semaphore_mem>>
          %dma_start3A_708 = arith.constant 0 : i32
          %dma_start3A_709 = tpu.memref_slice %arg11[%dma_start3A_698, %dma_start3A_708] : memref<5x40xi32, #tpu.memory_space<vmem>> -> memref<1x40xi32, #tpu.memory_space<vmem>>
          %dma_start3A_710 = tpu.memref_squeeze %dma_start3A_709 : memref<1x40xi32, #tpu.memory_space<vmem>> -> memref<40xi32, #tpu.memory_space<vmem>>
          %dma_start3A_711 = arith.constant 0 : i32
          %dma_start3A_712 = tpu.memref_slice %arg5[%arg1, %add3A_683, %dma_start3A_711] : memref<16x250x40xi32, #tpu.memory_space<hbm>> -> memref<1x1x40xi32, #tpu.memory_space<hbm>>
          %dma_start3A_713 = tpu.memref_squeeze %dma_start3A_712 : memref<1x1x40xi32, #tpu.memory_space<hbm>> -> memref<40xi32, #tpu.memory_space<hbm>>
          tpu.enqueue_dma source(%dma_start3A_713 : memref<40xi32, #tpu.memory_space<hbm>>) target(%dma_start3A_710 : memref<40xi32, #tpu.memory_space<vmem>>) target_semaphore(%dma_start3A_707 : memref<!tpu.dma_semaphore, #tpu.memory_space<semaphore_mem>>)
        } else {
        }
        %mul3A_333 = arith.constant 5 : i32
        %mul3A_334 = arith.muli %scan3A_248, %mul3A_333 : i32
        %add3A_335 = arith.constant 1 : i32
        %add3A_336 = arith.addi %mul3A_334, %add3A_335 : i32
        %dma_wait3A_337 = arith.constant 1 : i32
        %dma_wait3A_338 = arith.constant 1 : i32
        %dma_wait3A_339 = arith.constant 0 : i32
        %dma_wait3A_340 = arith.constant 0 : i32
        %dma_wait3A_341 = tpu.memref_slice %arg12[%dma_wait3A_337, %dma_wait3A_339, %dma_wait3A_340] : memref<5x40x128xf32, #tpu.memory_space<vmem>> -> memref<1x40x128xf32, #tpu.memory_space<vmem>>
        %dma_wait3A_342 = tpu.memref_squeeze %dma_wait3A_341 : memref<1x40x128xf32, #tpu.memory_space<vmem>> -> memref<40x128xf32, #tpu.memory_space<vmem>>
        %dma_wait3A_343 = arith.constant 0 : i32
        %dma_wait3A_344 = arith.constant 0 : i32
        %dma_wait3A_345 = tpu.memref_slice %arg3[%dma_wait3A_343, %dma_wait3A_344] : memref<10000x128xf32, #tpu.memory_space<hbm>> -> memref<40x128xf32, #tpu.memory_space<hbm>>
        %dma_wait3A_346 = tpu.memref_slice %arg17[%dma_wait3A_338] : memref<5x!tpu.dma_semaphore, #tpu.memory_space<semaphore_mem>> -> memref<1x!tpu.dma_semaphore, #tpu.memory_space<semaphore_mem>>
        %dma_wait3A_347 = tpu.memref_squeeze %dma_wait3A_346 : memref<1x!tpu.dma_semaphore, #tpu.memory_space<semaphore_mem>> -> memref<!tpu.dma_semaphore, #tpu.memory_space<semaphore_mem>>
        %dma_wait3A_348 = arith.constant 0 : i32
        %dma_wait3A_349 = arith.constant 0 : i32
        %dma_wait3A_350 = tpu.memref_slice %arg12[%dma_wait3A_337, %dma_wait3A_348, %dma_wait3A_349] : memref<5x40x128xf32, #tpu.memory_space<vmem>> -> memref<1x40x128xf32, #tpu.memory_space<vmem>>
        %dma_wait3A_351 = tpu.memref_squeeze %dma_wait3A_350 : memref<1x40x128xf32, #tpu.memory_space<vmem>> -> memref<40x128xf32, #tpu.memory_space<vmem>>
        %dma_wait3A_352 = arith.constant 0 : i32
        %dma_wait3A_353 = arith.constant 0 : i32
        %dma_wait3A_354 = tpu.memref_slice %arg3[%dma_wait3A_352, %dma_wait3A_353] : memref<10000x128xf32, #tpu.memory_space<hbm>> -> memref<40x128xf32, #tpu.memory_space<hbm>>
        tpu.wait_dma2 semaphore(%dma_wait3A_347 : memref<!tpu.dma_semaphore, #tpu.memory_space<semaphore_mem>>) src(%dma_wait3A_354 : memref<40x128xf32, #tpu.memory_space<hbm>>) dst(%dma_wait3A_351 : memref<40x128xf32, #tpu.memory_space<vmem>>)
        %dma_wait3A_355 = arith.constant 0 : i32
        %dma_wait3A_356 = arith.constant 1 : i32
        %dma_wait3A_357 = arith.constant 1 : i32
        %dma_wait3A_358 = arith.constant 0 : i32
        %dma_wait3A_359 = tpu.memref_slice %arg11[%dma_wait3A_356, %dma_wait3A_358] : memref<5x40xi32, #tpu.memory_space<vmem>> -> memref<1x40xi32, #tpu.memory_space<vmem>>
        %dma_wait3A_360 = tpu.memref_squeeze %dma_wait3A_359 : memref<1x40xi32, #tpu.memory_space<vmem>> -> memref<40xi32, #tpu.memory_space<vmem>>
        %dma_wait3A_361 = arith.constant 0 : i32
        %dma_wait3A_362 = tpu.memref_slice %arg5[%arg1, %dma_wait3A_355, %dma_wait3A_361] : memref<16x250x40xi32, #tpu.memory_space<hbm>> -> memref<1x1x40xi32, #tpu.memory_space<hbm>>
        %dma_wait3A_363 = tpu.memref_squeeze %dma_wait3A_362 : memref<1x1x40xi32, #tpu.memory_space<hbm>> -> memref<40xi32, #tpu.memory_space<hbm>>
        %dma_wait3A_364 = tpu.memref_slice %arg20[%dma_wait3A_357] : memref<5x!tpu.dma_semaphore, #tpu.memory_space<semaphore_mem>> -> memref<1x!tpu.dma_semaphore, #tpu.memory_space<semaphore_mem>>
        %dma_wait3A_365 = tpu.memref_squeeze %dma_wait3A_364 : memref<1x!tpu.dma_semaphore, #tpu.memory_space<semaphore_mem>> -> memref<!tpu.dma_semaphore, #tpu.memory_space<semaphore_mem>>
        %dma_wait3A_366 = arith.constant 0 : i32
        %dma_wait3A_367 = tpu.memref_slice %arg11[%dma_wait3A_356, %dma_wait3A_366] : memref<5x40xi32, #tpu.memory_space<vmem>> -> memref<1x40xi32, #tpu.memory_space<vmem>>
        %dma_wait3A_368 = tpu.memref_squeeze %dma_wait3A_367 : memref<1x40xi32, #tpu.memory_space<vmem>> -> memref<40xi32, #tpu.memory_space<vmem>>
        %dma_wait3A_369 = arith.constant 0 : i32
        %dma_wait3A_370 = tpu.memref_slice %arg5[%arg1, %dma_wait3A_355, %dma_wait3A_369] : memref<16x250x40xi32, #tpu.memory_space<hbm>> -> memref<1x1x40xi32, #tpu.memory_space<hbm>>
        %dma_wait3A_371 = tpu.memref_squeeze %dma_wait3A_370 : memref<1x1x40xi32, #tpu.memory_space<hbm>> -> memref<40xi32, #tpu.memory_space<hbm>>
        tpu.wait_dma2 semaphore(%dma_wait3A_365 : memref<!tpu.dma_semaphore, #tpu.memory_space<semaphore_mem>>) src(%dma_wait3A_371 : memref<40xi32, #tpu.memory_space<hbm>>) dst(%dma_wait3A_368 : memref<40xi32, #tpu.memory_space<vmem>>)
        %dma_start3A_372 = arith.constant 1 : i32
        %dma_start3A_373 = arith.constant 1 : i32
        %dma_start3A_374 = arith.constant 1 : i32
        %dma_start3A_375 = arith.constant 0 : i32
        %dma_start3A_376 = arith.constant 0 : i32
        %dma_start3A_377 = tpu.memref_slice %arg12[%dma_start3A_372, %dma_start3A_375, %dma_start3A_376] : memref<5x40x128xf32, #tpu.memory_space<vmem>> -> memref<1x40x128xf32, #tpu.memory_space<vmem>>
        %dma_start3A_378 = tpu.memref_squeeze %dma_start3A_377 : memref<1x40x128xf32, #tpu.memory_space<vmem>> -> memref<40x128xf32, #tpu.memory_space<vmem>>
        %dma_start3A_379 = arith.constant 0 : i32
        %dma_start3A_380 = tpu.memref_slice %arg11[%dma_start3A_373, %dma_start3A_379] : memref<5x40xi32, #tpu.memory_space<vmem>> -> memref<1x40xi32, #tpu.memory_space<vmem>>
        %dma_start3A_381 = tpu.memref_squeeze %dma_start3A_380 : memref<1x40xi32, #tpu.memory_space<vmem>> -> memref<40xi32, #tpu.memory_space<vmem>>
        %dma_start3A_382 = arith.constant 0 : i32
        %dma_start3A_383 = arith.constant 0 : i32
        %dma_start3A_384 = tpu.memref_slice %arg15[%dma_start3A_382, %dma_start3A_383] : memref<10240x128xf32, #tpu.memory_space<vmem_shared>> -> memref<10240x128xf32, #tpu.memory_space<vmem_shared>>
        %dma_start3A_385 = tpu.memref_slice %arg18[%dma_start3A_374] : memref<5x!tpu.dma_semaphore, #tpu.memory_space<semaphore_mem>> -> memref<1x!tpu.dma_semaphore, #tpu.memory_space<semaphore_mem>>
        %dma_start3A_386 = tpu.memref_squeeze %dma_start3A_385 : memref<1x!tpu.dma_semaphore, #tpu.memory_space<semaphore_mem>> -> memref<!tpu.dma_semaphore, #tpu.memory_space<semaphore_mem>>
        tpu.enqueue_indirect_dma source(%dma_start3A_378 : memref<40x128xf32, #tpu.memory_space<vmem>>) target(%dma_start3A_384 : memref<10240x128xf32, #tpu.memory_space<vmem_shared>>) offsets(%dma_start3A_381 : memref<40xi32, #tpu.memory_space<vmem>>) semaphore(%dma_start3A_386 : memref<!tpu.dma_semaphore, #tpu.memory_space<semaphore_mem>>) {add = true}
        %ge3A_387 = arith.constant 125 : i32
        %ge3A_388 = arith.cmpi sge, %add3A_336, %ge3A_387 : i32
        %lt3A_389 = arith.constant 250 : i32
        %lt3A_390 = arith.cmpi slt, %add3A_336, %lt3A_389 : i32
        %and3A_391 = arith.andi %ge3A_388, %lt3A_390 : i1
        %convert_element_type3A_392 = arith.extui %and3A_391 : i1 to i32
        %cond3A_393 = arith.constant 0 : i32
        %cond3A_394 = arith.cmpi ne, %convert_element_type3A_392, %cond3A_393 : i32
        scf.if %cond3A_394 {
          %dma_start3A_682 = arith.constant 1 : i32
          %dma_start3A_683 = arith.constant 1 : i32
          %dma_start3A_684 = arith.constant 0 : i32
          %dma_start3A_685 = tpu.memref_slice %arg11[%dma_start3A_682, %dma_start3A_684] : memref<5x40xi32, #tpu.memory_space<vmem>> -> memref<1x40xi32, #tpu.memory_space<vmem>>
          %dma_start3A_686 = tpu.memref_squeeze %dma_start3A_685 : memref<1x40xi32, #tpu.memory_space<vmem>> -> memref<40xi32, #tpu.memory_space<vmem>>
          %dma_start3A_687 = arith.constant 0 : i32
          %dma_start3A_688 = tpu.memref_slice %arg16[%dma_start3A_687] : memref<10240xf32, #tpu.memory_space<vmem_shared>> -> memref<10240xf32, #tpu.memory_space<vmem_shared>>
          %dma_start3A_689 = tpu.memref_slice %arg19[%dma_start3A_683] : memref<5x!tpu.dma_semaphore, #tpu.memory_space<semaphore_mem>> -> memref<1x!tpu.dma_semaphore, #tpu.memory_space<semaphore_mem>>
          %dma_start3A_690 = tpu.memref_squeeze %dma_start3A_689 : memref<1x!tpu.dma_semaphore, #tpu.memory_space<semaphore_mem>> -> memref<!tpu.dma_semaphore, #tpu.memory_space<semaphore_mem>>
          tpu.enqueue_indirect_dma source(%arg13 : memref<40xf32, #tpu.memory_space<vmem>>) target(%dma_start3A_688 : memref<10240xf32, #tpu.memory_space<vmem_shared>>) offsets(%dma_start3A_686 : memref<40xi32, #tpu.memory_space<vmem>>) semaphore(%dma_start3A_690 : memref<!tpu.dma_semaphore, #tpu.memory_space<semaphore_mem>>) {add = true}
        } else {
        }
        %dma_wait3A_395 = arith.constant 1 : i32
        %dma_wait3A_396 = arith.constant 1 : i32
        %dma_wait3A_397 = arith.constant 1 : i32
        %dma_wait3A_398 = arith.constant 0 : i32
        %dma_wait3A_399 = arith.constant 0 : i32
        %dma_wait3A_400 = tpu.memref_slice %arg12[%dma_wait3A_395, %dma_wait3A_398, %dma_wait3A_399] : memref<5x40x128xf32, #tpu.memory_space<vmem>> -> memref<1x40x128xf32, #tpu.memory_space<vmem>>
        %dma_wait3A_401 = tpu.memref_squeeze %dma_wait3A_400 : memref<1x40x128xf32, #tpu.memory_space<vmem>> -> memref<40x128xf32, #tpu.memory_space<vmem>>
        %dma_wait3A_402 = arith.constant 0 : i32
        %dma_wait3A_403 = tpu.memref_slice %arg11[%dma_wait3A_396, %dma_wait3A_402] : memref<5x40xi32, #tpu.memory_space<vmem>> -> memref<1x40xi32, #tpu.memory_space<vmem>>
        %dma_wait3A_404 = tpu.memref_squeeze %dma_wait3A_403 : memref<1x40xi32, #tpu.memory_space<vmem>> -> memref<40xi32, #tpu.memory_space<vmem>>
        %dma_wait3A_405 = arith.constant 0 : i32
        %dma_wait3A_406 = arith.constant 0 : i32
        %dma_wait3A_407 = tpu.memref_slice %arg15[%dma_wait3A_405, %dma_wait3A_406] : memref<10240x128xf32, #tpu.memory_space<vmem_shared>> -> memref<10240x128xf32, #tpu.memory_space<vmem_shared>>
        %dma_wait3A_408 = tpu.memref_slice %arg18[%dma_wait3A_397] : memref<5x!tpu.dma_semaphore, #tpu.memory_space<semaphore_mem>> -> memref<1x!tpu.dma_semaphore, #tpu.memory_space<semaphore_mem>>
        %dma_wait3A_409 = tpu.memref_squeeze %dma_wait3A_408 : memref<1x!tpu.dma_semaphore, #tpu.memory_space<semaphore_mem>> -> memref<!tpu.dma_semaphore, #tpu.memory_space<semaphore_mem>>
        tpu.wait_indirect_dma semaphore(%dma_wait3A_409 : memref<!tpu.dma_semaphore, #tpu.memory_space<semaphore_mem>>) src(%dma_wait3A_401 : memref<40x128xf32, #tpu.memory_space<vmem>>) dst(%dma_wait3A_407 : memref<10240x128xf32, #tpu.memory_space<vmem_shared>>)
        %convert_element_type3A_410 = arith.extui %and3A_391 : i1 to i32
        %cond3A_411 = arith.constant 0 : i32
        %cond3A_412 = arith.cmpi ne, %convert_element_type3A_410, %cond3A_411 : i32
        scf.if %cond3A_412 {
          %dma_wait3A_682 = arith.constant 1 : i32
          %dma_wait3A_683 = arith.constant 1 : i32
          %dma_wait3A_684 = arith.constant 0 : i32
          %dma_wait3A_685 = tpu.memref_slice %arg11[%dma_wait3A_682, %dma_wait3A_684] : memref<5x40xi32, #tpu.memory_space<vmem>> -> memref<1x40xi32, #tpu.memory_space<vmem>>
          %dma_wait3A_686 = tpu.memref_squeeze %dma_wait3A_685 : memref<1x40xi32, #tpu.memory_space<vmem>> -> memref<40xi32, #tpu.memory_space<vmem>>
          %dma_wait3A_687 = arith.constant 0 : i32
          %dma_wait3A_688 = tpu.memref_slice %arg16[%dma_wait3A_687] : memref<10240xf32, #tpu.memory_space<vmem_shared>> -> memref<10240xf32, #tpu.memory_space<vmem_shared>>
          %dma_wait3A_689 = tpu.memref_slice %arg19[%dma_wait3A_683] : memref<5x!tpu.dma_semaphore, #tpu.memory_space<semaphore_mem>> -> memref<1x!tpu.dma_semaphore, #tpu.memory_space<semaphore_mem>>
          %dma_wait3A_690 = tpu.memref_squeeze %dma_wait3A_689 : memref<1x!tpu.dma_semaphore, #tpu.memory_space<semaphore_mem>> -> memref<!tpu.dma_semaphore, #tpu.memory_space<semaphore_mem>>
          tpu.wait_indirect_dma semaphore(%dma_wait3A_690 : memref<!tpu.dma_semaphore, #tpu.memory_space<semaphore_mem>>) src(%arg13 : memref<40xf32, #tpu.memory_space<vmem>>) dst(%dma_wait3A_688 : memref<10240xf32, #tpu.memory_space<vmem_shared>>)
        } else {
        }
        %add3A_413 = arith.constant 5 : i32
        %add3A_414 = arith.addi %add3A_336, %add3A_413 : i32
        %lt3A_415 = arith.constant 250 : i32
        %lt3A_416 = arith.cmpi slt, %add3A_414, %lt3A_415 : i32
        %convert_element_type3A_417 = arith.extui %lt3A_416 : i1 to i32
        %cond3A_418 = arith.constant 0 : i32
        %cond3A_419 = arith.cmpi ne, %convert_element_type3A_417, %cond3A_418 : i32
        scf.if %cond3A_419 {
          %add3A_682 = arith.constant 5 : i32
          %add3A_683 = arith.addi %add3A_336, %add3A_682 : i32
          %mul3A_684 = arith.constant 40 : i32
          %mul3A_685 = arith.muli %add3A_683, %mul3A_684 : i32
          %dma_start3A_686 = arith.constant 1 : i32
          %dma_start3A_687 = arith.constant 1 : i32
          %dma_start3A_688 = arith.constant 0 : i32
          %dma_start3A_689 = arith.constant 0 : i32
          %dma_start3A_690 = tpu.memref_slice %arg12[%dma_start3A_686, %dma_start3A_688, %dma_start3A_689] : memref<5x40x128xf32, #tpu.memory_space<vmem>> -> memref<1x40x128xf32, #tpu.memory_space<vmem>>
          %dma_start3A_691 = tpu.memref_squeeze %dma_start3A_690 : memref<1x40x128xf32, #tpu.memory_space<vmem>> -> memref<40x128xf32, #tpu.memory_space<vmem>>
          %dma_start3A_692 = tpu.memref_slice %arg10[%mul3A_685] : memref<10000xi32, #tpu.memory_space<vmem>> -> memref<40xi32, #tpu.memory_space<vmem>>
          %dma_start3A_693 = arith.constant 0 : i32
          %dma_start3A_694 = arith.constant 0 : i32
          %dma_start3A_695 = tpu.memref_slice %arg3[%dma_start3A_693, %dma_start3A_694] : memref<10000x128xf32, #tpu.memory_space<hbm>> -> memref<10000x128xf32, #tpu.memory_space<hbm>>
          %dma_start3A_696 = tpu.memref_slice %arg17[%dma_start3A_687] : memref<5x!tpu.dma_semaphore, #tpu.memory_space<semaphore_mem>> -> memref<1x!tpu.dma_semaphore, #tpu.memory_space<semaphore_mem>>
          %dma_start3A_697 = tpu.memref_squeeze %dma_start3A_696 : memref<1x!tpu.dma_semaphore, #tpu.memory_space<semaphore_mem>> -> memref<!tpu.dma_semaphore, #tpu.memory_space<semaphore_mem>>
          tpu.enqueue_indirect_dma source(%dma_start3A_695 : memref<10000x128xf32, #tpu.memory_space<hbm>>) target(%dma_start3A_691 : memref<40x128xf32, #tpu.memory_space<vmem>>) offsets(%dma_start3A_692 : memref<40xi32, #tpu.memory_space<vmem>>) semaphore(%dma_start3A_697 : memref<!tpu.dma_semaphore, #tpu.memory_space<semaphore_mem>>)
          %dma_start3A_698 = arith.constant 1 : i32
          %dma_start3A_699 = arith.constant 1 : i32
          %dma_start3A_700 = arith.constant 0 : i32
          %dma_start3A_701 = tpu.memref_slice %arg11[%dma_start3A_698, %dma_start3A_700] : memref<5x40xi32, #tpu.memory_space<vmem>> -> memref<1x40xi32, #tpu.memory_space<vmem>>
          %dma_start3A_702 = tpu.memref_squeeze %dma_start3A_701 : memref<1x40xi32, #tpu.memory_space<vmem>> -> memref<40xi32, #tpu.memory_space<vmem>>
          %dma_start3A_703 = arith.constant 0 : i32
          %dma_start3A_704 = tpu.memref_slice %arg5[%arg1, %add3A_683, %dma_start3A_703] : memref<16x250x40xi32, #tpu.memory_space<hbm>> -> memref<1x1x40xi32, #tpu.memory_space<hbm>>
          %dma_start3A_705 = tpu.memref_squeeze %dma_start3A_704 : memref<1x1x40xi32, #tpu.memory_space<hbm>> -> memref<40xi32, #tpu.memory_space<hbm>>
          %dma_start3A_706 = tpu.memref_slice %arg20[%dma_start3A_699] : memref<5x!tpu.dma_semaphore, #tpu.memory_space<semaphore_mem>> -> memref<1x!tpu.dma_semaphore, #tpu.memory_space<semaphore_mem>>
          %dma_start3A_707 = tpu.memref_squeeze %dma_start3A_706 : memref<1x!tpu.dma_semaphore, #tpu.memory_space<semaphore_mem>> -> memref<!tpu.dma_semaphore, #tpu.memory_space<semaphore_mem>>
          %dma_start3A_708 = arith.constant 0 : i32
          %dma_start3A_709 = tpu.memref_slice %arg11[%dma_start3A_698, %dma_start3A_708] : memref<5x40xi32, #tpu.memory_space<vmem>> -> memref<1x40xi32, #tpu.memory_space<vmem>>
          %dma_start3A_710 = tpu.memref_squeeze %dma_start3A_709 : memref<1x40xi32, #tpu.memory_space<vmem>> -> memref<40xi32, #tpu.memory_space<vmem>>
          %dma_start3A_711 = arith.constant 0 : i32
          %dma_start3A_712 = tpu.memref_slice %arg5[%arg1, %add3A_683, %dma_start3A_711] : memref<16x250x40xi32, #tpu.memory_space<hbm>> -> memref<1x1x40xi32, #tpu.memory_space<hbm>>
          %dma_start3A_713 = tpu.memref_squeeze %dma_start3A_712 : memref<1x1x40xi32, #tpu.memory_space<hbm>> -> memref<40xi32, #tpu.memory_space<hbm>>
          tpu.enqueue_dma source(%dma_start3A_713 : memref<40xi32, #tpu.memory_space<hbm>>) target(%dma_start3A_710 : memref<40xi32, #tpu.memory_space<vmem>>) target_semaphore(%dma_start3A_707 : memref<!tpu.dma_semaphore, #tpu.memory_space<semaphore_mem>>)
        } else {
        }
        %mul3A_420 = arith.constant 5 : i32
        %mul3A_421 = arith.muli %scan3A_248, %mul3A_420 : i32
        %add3A_422 = arith.constant 2 : i32
        %add3A_423 = arith.addi %mul3A_421, %add3A_422 : i32
        %dma_wait3A_424 = arith.constant 2 : i32
        %dma_wait3A_425 = arith.constant 2 : i32
        %dma_wait3A_426 = arith.constant 0 : i32
        %dma_wait3A_427 = arith.constant 0 : i32
        %dma_wait3A_428 = tpu.memref_slice %arg12[%dma_wait3A_424, %dma_wait3A_426, %dma_wait3A_427] : memref<5x40x128xf32, #tpu.memory_space<vmem>> -> memref<1x40x128xf32, #tpu.memory_space<vmem>>
        %dma_wait3A_429 = tpu.memref_squeeze %dma_wait3A_428 : memref<1x40x128xf32, #tpu.memory_space<vmem>> -> memref<40x128xf32, #tpu.memory_space<vmem>>
        %dma_wait3A_430 = arith.constant 0 : i32
        %dma_wait3A_431 = arith.constant 0 : i32
        %dma_wait3A_432 = tpu.memref_slice %arg3[%dma_wait3A_430, %dma_wait3A_431] : memref<10000x128xf32, #tpu.memory_space<hbm>> -> memref<40x128xf32, #tpu.memory_space<hbm>>
        %dma_wait3A_433 = tpu.memref_slice %arg17[%dma_wait3A_425] : memref<5x!tpu.dma_semaphore, #tpu.memory_space<semaphore_mem>> -> memref<1x!tpu.dma_semaphore, #tpu.memory_space<semaphore_mem>>
        %dma_wait3A_434 = tpu.memref_squeeze %dma_wait3A_433 : memref<1x!tpu.dma_semaphore, #tpu.memory_space<semaphore_mem>> -> memref<!tpu.dma_semaphore, #tpu.memory_space<semaphore_mem>>
        %dma_wait3A_435 = arith.constant 0 : i32
        %dma_wait3A_436 = arith.constant 0 : i32
        %dma_wait3A_437 = tpu.memref_slice %arg12[%dma_wait3A_424, %dma_wait3A_435, %dma_wait3A_436] : memref<5x40x128xf32, #tpu.memory_space<vmem>> -> memref<1x40x128xf32, #tpu.memory_space<vmem>>
        %dma_wait3A_438 = tpu.memref_squeeze %dma_wait3A_437 : memref<1x40x128xf32, #tpu.memory_space<vmem>> -> memref<40x128xf32, #tpu.memory_space<vmem>>
        %dma_wait3A_439 = arith.constant 0 : i32
        %dma_wait3A_440 = arith.constant 0 : i32
        %dma_wait3A_441 = tpu.memref_slice %arg3[%dma_wait3A_439, %dma_wait3A_440] : memref<10000x128xf32, #tpu.memory_space<hbm>> -> memref<40x128xf32, #tpu.memory_space<hbm>>
        tpu.wait_dma2 semaphore(%dma_wait3A_434 : memref<!tpu.dma_semaphore, #tpu.memory_space<semaphore_mem>>) src(%dma_wait3A_441 : memref<40x128xf32, #tpu.memory_space<hbm>>) dst(%dma_wait3A_438 : memref<40x128xf32, #tpu.memory_space<vmem>>)
        %dma_wait3A_442 = arith.constant 0 : i32
        %dma_wait3A_443 = arith.constant 2 : i32
        %dma_wait3A_444 = arith.constant 2 : i32
        %dma_wait3A_445 = arith.constant 0 : i32
        %dma_wait3A_446 = tpu.memref_slice %arg11[%dma_wait3A_443, %dma_wait3A_445] : memref<5x40xi32, #tpu.memory_space<vmem>> -> memref<1x40xi32, #tpu.memory_space<vmem>>
        %dma_wait3A_447 = tpu.memref_squeeze %dma_wait3A_446 : memref<1x40xi32, #tpu.memory_space<vmem>> -> memref<40xi32, #tpu.memory_space<vmem>>
        %dma_wait3A_448 = arith.constant 0 : i32
        %dma_wait3A_449 = tpu.memref_slice %arg5[%arg1, %dma_wait3A_442, %dma_wait3A_448] : memref<16x250x40xi32, #tpu.memory_space<hbm>> -> memref<1x1x40xi32, #tpu.memory_space<hbm>>
        %dma_wait3A_450 = tpu.memref_squeeze %dma_wait3A_449 : memref<1x1x40xi32, #tpu.memory_space<hbm>> -> memref<40xi32, #tpu.memory_space<hbm>>
        %dma_wait3A_451 = tpu.memref_slice %arg20[%dma_wait3A_444] : memref<5x!tpu.dma_semaphore, #tpu.memory_space<semaphore_mem>> -> memref<1x!tpu.dma_semaphore, #tpu.memory_space<semaphore_mem>>
        %dma_wait3A_452 = tpu.memref_squeeze %dma_wait3A_451 : memref<1x!tpu.dma_semaphore, #tpu.memory_space<semaphore_mem>> -> memref<!tpu.dma_semaphore, #tpu.memory_space<semaphore_mem>>
        %dma_wait3A_453 = arith.constant 0 : i32
        %dma_wait3A_454 = tpu.memref_slice %arg11[%dma_wait3A_443, %dma_wait3A_453] : memref<5x40xi32, #tpu.memory_space<vmem>> -> memref<1x40xi32, #tpu.memory_space<vmem>>
        %dma_wait3A_455 = tpu.memref_squeeze %dma_wait3A_454 : memref<1x40xi32, #tpu.memory_space<vmem>> -> memref<40xi32, #tpu.memory_space<vmem>>
        %dma_wait3A_456 = arith.constant 0 : i32
        %dma_wait3A_457 = tpu.memref_slice %arg5[%arg1, %dma_wait3A_442, %dma_wait3A_456] : memref<16x250x40xi32, #tpu.memory_space<hbm>> -> memref<1x1x40xi32, #tpu.memory_space<hbm>>
        %dma_wait3A_458 = tpu.memref_squeeze %dma_wait3A_457 : memref<1x1x40xi32, #tpu.memory_space<hbm>> -> memref<40xi32, #tpu.memory_space<hbm>>
        tpu.wait_dma2 semaphore(%dma_wait3A_452 : memref<!tpu.dma_semaphore, #tpu.memory_space<semaphore_mem>>) src(%dma_wait3A_458 : memref<40xi32, #tpu.memory_space<hbm>>) dst(%dma_wait3A_455 : memref<40xi32, #tpu.memory_space<vmem>>)
        %dma_start3A_459 = arith.constant 2 : i32
        %dma_start3A_460 = arith.constant 2 : i32
        %dma_start3A_461 = arith.constant 2 : i32
        %dma_start3A_462 = arith.constant 0 : i32
        %dma_start3A_463 = arith.constant 0 : i32
        %dma_start3A_464 = tpu.memref_slice %arg12[%dma_start3A_459, %dma_start3A_462, %dma_start3A_463] : memref<5x40x128xf32, #tpu.memory_space<vmem>> -> memref<1x40x128xf32, #tpu.memory_space<vmem>>
        %dma_start3A_465 = tpu.memref_squeeze %dma_start3A_464 : memref<1x40x128xf32, #tpu.memory_space<vmem>> -> memref<40x128xf32, #tpu.memory_space<vmem>>
        %dma_start3A_466 = arith.constant 0 : i32
        %dma_start3A_467 = tpu.memref_slice %arg11[%dma_start3A_460, %dma_start3A_466] : memref<5x40xi32, #tpu.memory_space<vmem>> -> memref<1x40xi32, #tpu.memory_space<vmem>>
        %dma_start3A_468 = tpu.memref_squeeze %dma_start3A_467 : memref<1x40xi32, #tpu.memory_space<vmem>> -> memref<40xi32, #tpu.memory_space<vmem>>
        %dma_start3A_469 = arith.constant 0 : i32
        %dma_start3A_470 = arith.constant 0 : i32
        %dma_start3A_471 = tpu.memref_slice %arg15[%dma_start3A_469, %dma_start3A_470] : memref<10240x128xf32, #tpu.memory_space<vmem_shared>> -> memref<10240x128xf32, #tpu.memory_space<vmem_shared>>
        %dma_start3A_472 = tpu.memref_slice %arg18[%dma_start3A_461] : memref<5x!tpu.dma_semaphore, #tpu.memory_space<semaphore_mem>> -> memref<1x!tpu.dma_semaphore, #tpu.memory_space<semaphore_mem>>
        %dma_start3A_473 = tpu.memref_squeeze %dma_start3A_472 : memref<1x!tpu.dma_semaphore, #tpu.memory_space<semaphore_mem>> -> memref<!tpu.dma_semaphore, #tpu.memory_space<semaphore_mem>>
        tpu.enqueue_indirect_dma source(%dma_start3A_465 : memref<40x128xf32, #tpu.memory_space<vmem>>) target(%dma_start3A_471 : memref<10240x128xf32, #tpu.memory_space<vmem_shared>>) offsets(%dma_start3A_468 : memref<40xi32, #tpu.memory_space<vmem>>) semaphore(%dma_start3A_473 : memref<!tpu.dma_semaphore, #tpu.memory_space<semaphore_mem>>) {add = true}
        %ge3A_474 = arith.constant 125 : i32
        %ge3A_475 = arith.cmpi sge, %add3A_423, %ge3A_474 : i32
        %lt3A_476 = arith.constant 250 : i32
        %lt3A_477 = arith.cmpi slt, %add3A_423, %lt3A_476 : i32
        %and3A_478 = arith.andi %ge3A_475, %lt3A_477 : i1
        %convert_element_type3A_479 = arith.extui %and3A_478 : i1 to i32
        %cond3A_480 = arith.constant 0 : i32
        %cond3A_481 = arith.cmpi ne, %convert_element_type3A_479, %cond3A_480 : i32
        scf.if %cond3A_481 {
          %dma_start3A_682 = arith.constant 2 : i32
          %dma_start3A_683 = arith.constant 2 : i32
          %dma_start3A_684 = arith.constant 0 : i32
          %dma_start3A_685 = tpu.memref_slice %arg11[%dma_start3A_682, %dma_start3A_684] : memref<5x40xi32, #tpu.memory_space<vmem>> -> memref<1x40xi32, #tpu.memory_space<vmem>>
          %dma_start3A_686 = tpu.memref_squeeze %dma_start3A_685 : memref<1x40xi32, #tpu.memory_space<vmem>> -> memref<40xi32, #tpu.memory_space<vmem>>
          %dma_start3A_687 = arith.constant 0 : i32
          %dma_start3A_688 = tpu.memref_slice %arg16[%dma_start3A_687] : memref<10240xf32, #tpu.memory_space<vmem_shared>> -> memref<10240xf32, #tpu.memory_space<vmem_shared>>
          %dma_start3A_689 = tpu.memref_slice %arg19[%dma_start3A_683] : memref<5x!tpu.dma_semaphore, #tpu.memory_space<semaphore_mem>> -> memref<1x!tpu.dma_semaphore, #tpu.memory_space<semaphore_mem>>
          %dma_start3A_690 = tpu.memref_squeeze %dma_start3A_689 : memref<1x!tpu.dma_semaphore, #tpu.memory_space<semaphore_mem>> -> memref<!tpu.dma_semaphore, #tpu.memory_space<semaphore_mem>>
          tpu.enqueue_indirect_dma source(%arg13 : memref<40xf32, #tpu.memory_space<vmem>>) target(%dma_start3A_688 : memref<10240xf32, #tpu.memory_space<vmem_shared>>) offsets(%dma_start3A_686 : memref<40xi32, #tpu.memory_space<vmem>>) semaphore(%dma_start3A_690 : memref<!tpu.dma_semaphore, #tpu.memory_space<semaphore_mem>>) {add = true}
        } else {
        }
        %dma_wait3A_482 = arith.constant 2 : i32
        %dma_wait3A_483 = arith.constant 2 : i32
        %dma_wait3A_484 = arith.constant 2 : i32
        %dma_wait3A_485 = arith.constant 0 : i32
        %dma_wait3A_486 = arith.constant 0 : i32
        %dma_wait3A_487 = tpu.memref_slice %arg12[%dma_wait3A_482, %dma_wait3A_485, %dma_wait3A_486] : memref<5x40x128xf32, #tpu.memory_space<vmem>> -> memref<1x40x128xf32, #tpu.memory_space<vmem>>
        %dma_wait3A_488 = tpu.memref_squeeze %dma_wait3A_487 : memref<1x40x128xf32, #tpu.memory_space<vmem>> -> memref<40x128xf32, #tpu.memory_space<vmem>>
        %dma_wait3A_489 = arith.constant 0 : i32
        %dma_wait3A_490 = tpu.memref_slice %arg11[%dma_wait3A_483, %dma_wait3A_489] : memref<5x40xi32, #tpu.memory_space<vmem>> -> memref<1x40xi32, #tpu.memory_space<vmem>>
        %dma_wait3A_491 = tpu.memref_squeeze %dma_wait3A_490 : memref<1x40xi32, #tpu.memory_space<vmem>> -> memref<40xi32, #tpu.memory_space<vmem>>
        %dma_wait3A_492 = arith.constant 0 : i32
        %dma_wait3A_493 = arith.constant 0 : i32
        %dma_wait3A_494 = tpu.memref_slice %arg15[%dma_wait3A_492, %dma_wait3A_493] : memref<10240x128xf32, #tpu.memory_space<vmem_shared>> -> memref<10240x128xf32, #tpu.memory_space<vmem_shared>>
        %dma_wait3A_495 = tpu.memref_slice %arg18[%dma_wait3A_484] : memref<5x!tpu.dma_semaphore, #tpu.memory_space<semaphore_mem>> -> memref<1x!tpu.dma_semaphore, #tpu.memory_space<semaphore_mem>>
        %dma_wait3A_496 = tpu.memref_squeeze %dma_wait3A_495 : memref<1x!tpu.dma_semaphore, #tpu.memory_space<semaphore_mem>> -> memref<!tpu.dma_semaphore, #tpu.memory_space<semaphore_mem>>
        tpu.wait_indirect_dma semaphore(%dma_wait3A_496 : memref<!tpu.dma_semaphore, #tpu.memory_space<semaphore_mem>>) src(%dma_wait3A_488 : memref<40x128xf32, #tpu.memory_space<vmem>>) dst(%dma_wait3A_494 : memref<10240x128xf32, #tpu.memory_space<vmem_shared>>)
        %convert_element_type3A_497 = arith.extui %and3A_478 : i1 to i32
        %cond3A_498 = arith.constant 0 : i32
        %cond3A_499 = arith.cmpi ne, %convert_element_type3A_497, %cond3A_498 : i32
        scf.if %cond3A_499 {
          %dma_wait3A_682 = arith.constant 2 : i32
          %dma_wait3A_683 = arith.constant 2 : i32
          %dma_wait3A_684 = arith.constant 0 : i32
          %dma_wait3A_685 = tpu.memref_slice %arg11[%dma_wait3A_682, %dma_wait3A_684] : memref<5x40xi32, #tpu.memory_space<vmem>> -> memref<1x40xi32, #tpu.memory_space<vmem>>
          %dma_wait3A_686 = tpu.memref_squeeze %dma_wait3A_685 : memref<1x40xi32, #tpu.memory_space<vmem>> -> memref<40xi32, #tpu.memory_space<vmem>>
          %dma_wait3A_687 = arith.constant 0 : i32
          %dma_wait3A_688 = tpu.memref_slice %arg16[%dma_wait3A_687] : memref<10240xf32, #tpu.memory_space<vmem_shared>> -> memref<10240xf32, #tpu.memory_space<vmem_shared>>
          %dma_wait3A_689 = tpu.memref_slice %arg19[%dma_wait3A_683] : memref<5x!tpu.dma_semaphore, #tpu.memory_space<semaphore_mem>> -> memref<1x!tpu.dma_semaphore, #tpu.memory_space<semaphore_mem>>
          %dma_wait3A_690 = tpu.memref_squeeze %dma_wait3A_689 : memref<1x!tpu.dma_semaphore, #tpu.memory_space<semaphore_mem>> -> memref<!tpu.dma_semaphore, #tpu.memory_space<semaphore_mem>>
          tpu.wait_indirect_dma semaphore(%dma_wait3A_690 : memref<!tpu.dma_semaphore, #tpu.memory_space<semaphore_mem>>) src(%arg13 : memref<40xf32, #tpu.memory_space<vmem>>) dst(%dma_wait3A_688 : memref<10240xf32, #tpu.memory_space<vmem_shared>>)
        } else {
        }
        %add3A_500 = arith.constant 5 : i32
        %add3A_501 = arith.addi %add3A_423, %add3A_500 : i32
        %lt3A_502 = arith.constant 250 : i32
        %lt3A_503 = arith.cmpi slt, %add3A_501, %lt3A_502 : i32
        %convert_element_type3A_504 = arith.extui %lt3A_503 : i1 to i32
        %cond3A_505 = arith.constant 0 : i32
        %cond3A_506 = arith.cmpi ne, %convert_element_type3A_504, %cond3A_505 : i32
        scf.if %cond3A_506 {
          %add3A_682 = arith.constant 5 : i32
          %add3A_683 = arith.addi %add3A_423, %add3A_682 : i32
          %mul3A_684 = arith.constant 40 : i32
          %mul3A_685 = arith.muli %add3A_683, %mul3A_684 : i32
          %dma_start3A_686 = arith.constant 2 : i32
          %dma_start3A_687 = arith.constant 2 : i32
          %dma_start3A_688 = arith.constant 0 : i32
          %dma_start3A_689 = arith.constant 0 : i32
          %dma_start3A_690 = tpu.memref_slice %arg12[%dma_start3A_686, %dma_start3A_688, %dma_start3A_689] : memref<5x40x128xf32, #tpu.memory_space<vmem>> -> memref<1x40x128xf32, #tpu.memory_space<vmem>>
          %dma_start3A_691 = tpu.memref_squeeze %dma_start3A_690 : memref<1x40x128xf32, #tpu.memory_space<vmem>> -> memref<40x128xf32, #tpu.memory_space<vmem>>
          %dma_start3A_692 = tpu.memref_slice %arg10[%mul3A_685] : memref<10000xi32, #tpu.memory_space<vmem>> -> memref<40xi32, #tpu.memory_space<vmem>>
          %dma_start3A_693 = arith.constant 0 : i32
          %dma_start3A_694 = arith.constant 0 : i32
          %dma_start3A_695 = tpu.memref_slice %arg3[%dma_start3A_693, %dma_start3A_694] : memref<10000x128xf32, #tpu.memory_space<hbm>> -> memref<10000x128xf32, #tpu.memory_space<hbm>>
          %dma_start3A_696 = tpu.memref_slice %arg17[%dma_start3A_687] : memref<5x!tpu.dma_semaphore, #tpu.memory_space<semaphore_mem>> -> memref<1x!tpu.dma_semaphore, #tpu.memory_space<semaphore_mem>>
          %dma_start3A_697 = tpu.memref_squeeze %dma_start3A_696 : memref<1x!tpu.dma_semaphore, #tpu.memory_space<semaphore_mem>> -> memref<!tpu.dma_semaphore, #tpu.memory_space<semaphore_mem>>
          tpu.enqueue_indirect_dma source(%dma_start3A_695 : memref<10000x128xf32, #tpu.memory_space<hbm>>) target(%dma_start3A_691 : memref<40x128xf32, #tpu.memory_space<vmem>>) offsets(%dma_start3A_692 : memref<40xi32, #tpu.memory_space<vmem>>) semaphore(%dma_start3A_697 : memref<!tpu.dma_semaphore, #tpu.memory_space<semaphore_mem>>)
          %dma_start3A_698 = arith.constant 2 : i32
          %dma_start3A_699 = arith.constant 2 : i32
          %dma_start3A_700 = arith.constant 0 : i32
          %dma_start3A_701 = tpu.memref_slice %arg11[%dma_start3A_698, %dma_start3A_700] : memref<5x40xi32, #tpu.memory_space<vmem>> -> memref<1x40xi32, #tpu.memory_space<vmem>>
          %dma_start3A_702 = tpu.memref_squeeze %dma_start3A_701 : memref<1x40xi32, #tpu.memory_space<vmem>> -> memref<40xi32, #tpu.memory_space<vmem>>
          %dma_start3A_703 = arith.constant 0 : i32
          %dma_start3A_704 = tpu.memref_slice %arg5[%arg1, %add3A_683, %dma_start3A_703] : memref<16x250x40xi32, #tpu.memory_space<hbm>> -> memref<1x1x40xi32, #tpu.memory_space<hbm>>
          %dma_start3A_705 = tpu.memref_squeeze %dma_start3A_704 : memref<1x1x40xi32, #tpu.memory_space<hbm>> -> memref<40xi32, #tpu.memory_space<hbm>>
          %dma_start3A_706 = tpu.memref_slice %arg20[%dma_start3A_699] : memref<5x!tpu.dma_semaphore, #tpu.memory_space<semaphore_mem>> -> memref<1x!tpu.dma_semaphore, #tpu.memory_space<semaphore_mem>>
          %dma_start3A_707 = tpu.memref_squeeze %dma_start3A_706 : memref<1x!tpu.dma_semaphore, #tpu.memory_space<semaphore_mem>> -> memref<!tpu.dma_semaphore, #tpu.memory_space<semaphore_mem>>
          %dma_start3A_708 = arith.constant 0 : i32
          %dma_start3A_709 = tpu.memref_slice %arg11[%dma_start3A_698, %dma_start3A_708] : memref<5x40xi32, #tpu.memory_space<vmem>> -> memref<1x40xi32, #tpu.memory_space<vmem>>
          %dma_start3A_710 = tpu.memref_squeeze %dma_start3A_709 : memref<1x40xi32, #tpu.memory_space<vmem>> -> memref<40xi32, #tpu.memory_space<vmem>>
          %dma_start3A_711 = arith.constant 0 : i32
          %dma_start3A_712 = tpu.memref_slice %arg5[%arg1, %add3A_683, %dma_start3A_711] : memref<16x250x40xi32, #tpu.memory_space<hbm>> -> memref<1x1x40xi32, #tpu.memory_space<hbm>>
          %dma_start3A_713 = tpu.memref_squeeze %dma_start3A_712 : memref<1x1x40xi32, #tpu.memory_space<hbm>> -> memref<40xi32, #tpu.memory_space<hbm>>
          tpu.enqueue_dma source(%dma_start3A_713 : memref<40xi32, #tpu.memory_space<hbm>>) target(%dma_start3A_710 : memref<40xi32, #tpu.memory_space<vmem>>) target_semaphore(%dma_start3A_707 : memref<!tpu.dma_semaphore, #tpu.memory_space<semaphore_mem>>)
        } else {
        }
        %mul3A_507 = arith.constant 5 : i32
        %mul3A_508 = arith.muli %scan3A_248, %mul3A_507 : i32
        %add3A_509 = arith.constant 3 : i32
        %add3A_510 = arith.addi %mul3A_508, %add3A_509 : i32
        %dma_wait3A_511 = arith.constant 3 : i32
        %dma_wait3A_512 = arith.constant 3 : i32
        %dma_wait3A_513 = arith.constant 0 : i32
        %dma_wait3A_514 = arith.constant 0 : i32
        %dma_wait3A_515 = tpu.memref_slice %arg12[%dma_wait3A_511, %dma_wait3A_513, %dma_wait3A_514] : memref<5x40x128xf32, #tpu.memory_space<vmem>> -> memref<1x40x128xf32, #tpu.memory_space<vmem>>
        %dma_wait3A_516 = tpu.memref_squeeze %dma_wait3A_515 : memref<1x40x128xf32, #tpu.memory_space<vmem>> -> memref<40x128xf32, #tpu.memory_space<vmem>>
        %dma_wait3A_517 = arith.constant 0 : i32
        %dma_wait3A_518 = arith.constant 0 : i32
        %dma_wait3A_519 = tpu.memref_slice %arg3[%dma_wait3A_517, %dma_wait3A_518] : memref<10000x128xf32, #tpu.memory_space<hbm>> -> memref<40x128xf32, #tpu.memory_space<hbm>>
        %dma_wait3A_520 = tpu.memref_slice %arg17[%dma_wait3A_512] : memref<5x!tpu.dma_semaphore, #tpu.memory_space<semaphore_mem>> -> memref<1x!tpu.dma_semaphore, #tpu.memory_space<semaphore_mem>>
        %dma_wait3A_521 = tpu.memref_squeeze %dma_wait3A_520 : memref<1x!tpu.dma_semaphore, #tpu.memory_space<semaphore_mem>> -> memref<!tpu.dma_semaphore, #tpu.memory_space<semaphore_mem>>
        %dma_wait3A_522 = arith.constant 0 : i32
        %dma_wait3A_523 = arith.constant 0 : i32
        %dma_wait3A_524 = tpu.memref_slice %arg12[%dma_wait3A_511, %dma_wait3A_522, %dma_wait3A_523] : memref<5x40x128xf32, #tpu.memory_space<vmem>> -> memref<1x40x128xf32, #tpu.memory_space<vmem>>
        %dma_wait3A_525 = tpu.memref_squeeze %dma_wait3A_524 : memref<1x40x128xf32, #tpu.memory_space<vmem>> -> memref<40x128xf32, #tpu.memory_space<vmem>>
        %dma_wait3A_526 = arith.constant 0 : i32
        %dma_wait3A_527 = arith.constant 0 : i32
        %dma_wait3A_528 = tpu.memref_slice %arg3[%dma_wait3A_526, %dma_wait3A_527] : memref<10000x128xf32, #tpu.memory_space<hbm>> -> memref<40x128xf32, #tpu.memory_space<hbm>>
        tpu.wait_dma2 semaphore(%dma_wait3A_521 : memref<!tpu.dma_semaphore, #tpu.memory_space<semaphore_mem>>) src(%dma_wait3A_528 : memref<40x128xf32, #tpu.memory_space<hbm>>) dst(%dma_wait3A_525 : memref<40x128xf32, #tpu.memory_space<vmem>>)
        %dma_wait3A_529 = arith.constant 0 : i32
        %dma_wait3A_530 = arith.constant 3 : i32
        %dma_wait3A_531 = arith.constant 3 : i32
        %dma_wait3A_532 = arith.constant 0 : i32
        %dma_wait3A_533 = tpu.memref_slice %arg11[%dma_wait3A_530, %dma_wait3A_532] : memref<5x40xi32, #tpu.memory_space<vmem>> -> memref<1x40xi32, #tpu.memory_space<vmem>>
        %dma_wait3A_534 = tpu.memref_squeeze %dma_wait3A_533 : memref<1x40xi32, #tpu.memory_space<vmem>> -> memref<40xi32, #tpu.memory_space<vmem>>
        %dma_wait3A_535 = arith.constant 0 : i32
        %dma_wait3A_536 = tpu.memref_slice %arg5[%arg1, %dma_wait3A_529, %dma_wait3A_535] : memref<16x250x40xi32, #tpu.memory_space<hbm>> -> memref<1x1x40xi32, #tpu.memory_space<hbm>>
        %dma_wait3A_537 = tpu.memref_squeeze %dma_wait3A_536 : memref<1x1x40xi32, #tpu.memory_space<hbm>> -> memref<40xi32, #tpu.memory_space<hbm>>
        %dma_wait3A_538 = tpu.memref_slice %arg20[%dma_wait3A_531] : memref<5x!tpu.dma_semaphore, #tpu.memory_space<semaphore_mem>> -> memref<1x!tpu.dma_semaphore, #tpu.memory_space<semaphore_mem>>
        %dma_wait3A_539 = tpu.memref_squeeze %dma_wait3A_538 : memref<1x!tpu.dma_semaphore, #tpu.memory_space<semaphore_mem>> -> memref<!tpu.dma_semaphore, #tpu.memory_space<semaphore_mem>>
        %dma_wait3A_540 = arith.constant 0 : i32
        %dma_wait3A_541 = tpu.memref_slice %arg11[%dma_wait3A_530, %dma_wait3A_540] : memref<5x40xi32, #tpu.memory_space<vmem>> -> memref<1x40xi32, #tpu.memory_space<vmem>>
        %dma_wait3A_542 = tpu.memref_squeeze %dma_wait3A_541 : memref<1x40xi32, #tpu.memory_space<vmem>> -> memref<40xi32, #tpu.memory_space<vmem>>
        %dma_wait3A_543 = arith.constant 0 : i32
        %dma_wait3A_544 = tpu.memref_slice %arg5[%arg1, %dma_wait3A_529, %dma_wait3A_543] : memref<16x250x40xi32, #tpu.memory_space<hbm>> -> memref<1x1x40xi32, #tpu.memory_space<hbm>>
        %dma_wait3A_545 = tpu.memref_squeeze %dma_wait3A_544 : memref<1x1x40xi32, #tpu.memory_space<hbm>> -> memref<40xi32, #tpu.memory_space<hbm>>
        tpu.wait_dma2 semaphore(%dma_wait3A_539 : memref<!tpu.dma_semaphore, #tpu.memory_space<semaphore_mem>>) src(%dma_wait3A_545 : memref<40xi32, #tpu.memory_space<hbm>>) dst(%dma_wait3A_542 : memref<40xi32, #tpu.memory_space<vmem>>)
        %dma_start3A_546 = arith.constant 3 : i32
        %dma_start3A_547 = arith.constant 3 : i32
        %dma_start3A_548 = arith.constant 3 : i32
        %dma_start3A_549 = arith.constant 0 : i32
        %dma_start3A_550 = arith.constant 0 : i32
        %dma_start3A_551 = tpu.memref_slice %arg12[%dma_start3A_546, %dma_start3A_549, %dma_start3A_550] : memref<5x40x128xf32, #tpu.memory_space<vmem>> -> memref<1x40x128xf32, #tpu.memory_space<vmem>>
        %dma_start3A_552 = tpu.memref_squeeze %dma_start3A_551 : memref<1x40x128xf32, #tpu.memory_space<vmem>> -> memref<40x128xf32, #tpu.memory_space<vmem>>
        %dma_start3A_553 = arith.constant 0 : i32
        %dma_start3A_554 = tpu.memref_slice %arg11[%dma_start3A_547, %dma_start3A_553] : memref<5x40xi32, #tpu.memory_space<vmem>> -> memref<1x40xi32, #tpu.memory_space<vmem>>
        %dma_start3A_555 = tpu.memref_squeeze %dma_start3A_554 : memref<1x40xi32, #tpu.memory_space<vmem>> -> memref<40xi32, #tpu.memory_space<vmem>>
        %dma_start3A_556 = arith.constant 0 : i32
        %dma_start3A_557 = arith.constant 0 : i32
        %dma_start3A_558 = tpu.memref_slice %arg15[%dma_start3A_556, %dma_start3A_557] : memref<10240x128xf32, #tpu.memory_space<vmem_shared>> -> memref<10240x128xf32, #tpu.memory_space<vmem_shared>>
        %dma_start3A_559 = tpu.memref_slice %arg18[%dma_start3A_548] : memref<5x!tpu.dma_semaphore, #tpu.memory_space<semaphore_mem>> -> memref<1x!tpu.dma_semaphore, #tpu.memory_space<semaphore_mem>>
        %dma_start3A_560 = tpu.memref_squeeze %dma_start3A_559 : memref<1x!tpu.dma_semaphore, #tpu.memory_space<semaphore_mem>> -> memref<!tpu.dma_semaphore, #tpu.memory_space<semaphore_mem>>
        tpu.enqueue_indirect_dma source(%dma_start3A_552 : memref<40x128xf32, #tpu.memory_space<vmem>>) target(%dma_start3A_558 : memref<10240x128xf32, #tpu.memory_space<vmem_shared>>) offsets(%dma_start3A_555 : memref<40xi32, #tpu.memory_space<vmem>>) semaphore(%dma_start3A_560 : memref<!tpu.dma_semaphore, #tpu.memory_space<semaphore_mem>>) {add = true}
        %ge3A_561 = arith.constant 125 : i32
        %ge3A_562 = arith.cmpi sge, %add3A_510, %ge3A_561 : i32
        %lt3A_563 = arith.constant 250 : i32
        %lt3A_564 = arith.cmpi slt, %add3A_510, %lt3A_563 : i32
        %and3A_565 = arith.andi %ge3A_562, %lt3A_564 : i1
        %convert_element_type3A_566 = arith.extui %and3A_565 : i1 to i32
        %cond3A_567 = arith.constant 0 : i32
        %cond3A_568 = arith.cmpi ne, %convert_element_type3A_566, %cond3A_567 : i32
        scf.if %cond3A_568 {
          %dma_start3A_682 = arith.constant 3 : i32
          %dma_start3A_683 = arith.constant 3 : i32
          %dma_start3A_684 = arith.constant 0 : i32
          %dma_start3A_685 = tpu.memref_slice %arg11[%dma_start3A_682, %dma_start3A_684] : memref<5x40xi32, #tpu.memory_space<vmem>> -> memref<1x40xi32, #tpu.memory_space<vmem>>
          %dma_start3A_686 = tpu.memref_squeeze %dma_start3A_685 : memref<1x40xi32, #tpu.memory_space<vmem>> -> memref<40xi32, #tpu.memory_space<vmem>>
          %dma_start3A_687 = arith.constant 0 : i32
          %dma_start3A_688 = tpu.memref_slice %arg16[%dma_start3A_687] : memref<10240xf32, #tpu.memory_space<vmem_shared>> -> memref<10240xf32, #tpu.memory_space<vmem_shared>>
          %dma_start3A_689 = tpu.memref_slice %arg19[%dma_start3A_683] : memref<5x!tpu.dma_semaphore, #tpu.memory_space<semaphore_mem>> -> memref<1x!tpu.dma_semaphore, #tpu.memory_space<semaphore_mem>>
          %dma_start3A_690 = tpu.memref_squeeze %dma_start3A_689 : memref<1x!tpu.dma_semaphore, #tpu.memory_space<semaphore_mem>> -> memref<!tpu.dma_semaphore, #tpu.memory_space<semaphore_mem>>
          tpu.enqueue_indirect_dma source(%arg13 : memref<40xf32, #tpu.memory_space<vmem>>) target(%dma_start3A_688 : memref<10240xf32, #tpu.memory_space<vmem_shared>>) offsets(%dma_start3A_686 : memref<40xi32, #tpu.memory_space<vmem>>) semaphore(%dma_start3A_690 : memref<!tpu.dma_semaphore, #tpu.memory_space<semaphore_mem>>) {add = true}
        } else {
        }
        %dma_wait3A_569 = arith.constant 3 : i32
        %dma_wait3A_570 = arith.constant 3 : i32
        %dma_wait3A_571 = arith.constant 3 : i32
        %dma_wait3A_572 = arith.constant 0 : i32
        %dma_wait3A_573 = arith.constant 0 : i32
        %dma_wait3A_574 = tpu.memref_slice %arg12[%dma_wait3A_569, %dma_wait3A_572, %dma_wait3A_573] : memref<5x40x128xf32, #tpu.memory_space<vmem>> -> memref<1x40x128xf32, #tpu.memory_space<vmem>>
        %dma_wait3A_575 = tpu.memref_squeeze %dma_wait3A_574 : memref<1x40x128xf32, #tpu.memory_space<vmem>> -> memref<40x128xf32, #tpu.memory_space<vmem>>
        %dma_wait3A_576 = arith.constant 0 : i32
        %dma_wait3A_577 = tpu.memref_slice %arg11[%dma_wait3A_570, %dma_wait3A_576] : memref<5x40xi32, #tpu.memory_space<vmem>> -> memref<1x40xi32, #tpu.memory_space<vmem>>
        %dma_wait3A_578 = tpu.memref_squeeze %dma_wait3A_577 : memref<1x40xi32, #tpu.memory_space<vmem>> -> memref<40xi32, #tpu.memory_space<vmem>>
        %dma_wait3A_579 = arith.constant 0 : i32
        %dma_wait3A_580 = arith.constant 0 : i32
        %dma_wait3A_581 = tpu.memref_slice %arg15[%dma_wait3A_579, %dma_wait3A_580] : memref<10240x128xf32, #tpu.memory_space<vmem_shared>> -> memref<10240x128xf32, #tpu.memory_space<vmem_shared>>
        %dma_wait3A_582 = tpu.memref_slice %arg18[%dma_wait3A_571] : memref<5x!tpu.dma_semaphore, #tpu.memory_space<semaphore_mem>> -> memref<1x!tpu.dma_semaphore, #tpu.memory_space<semaphore_mem>>
        %dma_wait3A_583 = tpu.memref_squeeze %dma_wait3A_582 : memref<1x!tpu.dma_semaphore, #tpu.memory_space<semaphore_mem>> -> memref<!tpu.dma_semaphore, #tpu.memory_space<semaphore_mem>>
        tpu.wait_indirect_dma semaphore(%dma_wait3A_583 : memref<!tpu.dma_semaphore, #tpu.memory_space<semaphore_mem>>) src(%dma_wait3A_575 : memref<40x128xf32, #tpu.memory_space<vmem>>) dst(%dma_wait3A_581 : memref<10240x128xf32, #tpu.memory_space<vmem_shared>>)
        %convert_element_type3A_584 = arith.extui %and3A_565 : i1 to i32
        %cond3A_585 = arith.constant 0 : i32
        %cond3A_586 = arith.cmpi ne, %convert_element_type3A_584, %cond3A_585 : i32
        scf.if %cond3A_586 {
          %dma_wait3A_682 = arith.constant 3 : i32
          %dma_wait3A_683 = arith.constant 3 : i32
          %dma_wait3A_684 = arith.constant 0 : i32
          %dma_wait3A_685 = tpu.memref_slice %arg11[%dma_wait3A_682, %dma_wait3A_684] : memref<5x40xi32, #tpu.memory_space<vmem>> -> memref<1x40xi32, #tpu.memory_space<vmem>>
          %dma_wait3A_686 = tpu.memref_squeeze %dma_wait3A_685 : memref<1x40xi32, #tpu.memory_space<vmem>> -> memref<40xi32, #tpu.memory_space<vmem>>
          %dma_wait3A_687 = arith.constant 0 : i32
          %dma_wait3A_688 = tpu.memref_slice %arg16[%dma_wait3A_687] : memref<10240xf32, #tpu.memory_space<vmem_shared>> -> memref<10240xf32, #tpu.memory_space<vmem_shared>>
          %dma_wait3A_689 = tpu.memref_slice %arg19[%dma_wait3A_683] : memref<5x!tpu.dma_semaphore, #tpu.memory_space<semaphore_mem>> -> memref<1x!tpu.dma_semaphore, #tpu.memory_space<semaphore_mem>>
          %dma_wait3A_690 = tpu.memref_squeeze %dma_wait3A_689 : memref<1x!tpu.dma_semaphore, #tpu.memory_space<semaphore_mem>> -> memref<!tpu.dma_semaphore, #tpu.memory_space<semaphore_mem>>
          tpu.wait_indirect_dma semaphore(%dma_wait3A_690 : memref<!tpu.dma_semaphore, #tpu.memory_space<semaphore_mem>>) src(%arg13 : memref<40xf32, #tpu.memory_space<vmem>>) dst(%dma_wait3A_688 : memref<10240xf32, #tpu.memory_space<vmem_shared>>)
        } else {
        }
        %add3A_587 = arith.constant 5 : i32
        %add3A_588 = arith.addi %add3A_510, %add3A_587 : i32
        %lt3A_589 = arith.constant 250 : i32
        %lt3A_590 = arith.cmpi slt, %add3A_588, %lt3A_589 : i32
        %convert_element_type3A_591 = arith.extui %lt3A_590 : i1 to i32
        %cond3A_592 = arith.constant 0 : i32
        %cond3A_593 = arith.cmpi ne, %convert_element_type3A_591, %cond3A_592 : i32
        scf.if %cond3A_593 {
          %add3A_682 = arith.constant 5 : i32
          %add3A_683 = arith.addi %add3A_510, %add3A_682 : i32
          %mul3A_684 = arith.constant 40 : i32
          %mul3A_685 = arith.muli %add3A_683, %mul3A_684 : i32
          %dma_start3A_686 = arith.constant 3 : i32
          %dma_start3A_687 = arith.constant 3 : i32
          %dma_start3A_688 = arith.constant 0 : i32
          %dma_start3A_689 = arith.constant 0 : i32
          %dma_start3A_690 = tpu.memref_slice %arg12[%dma_start3A_686, %dma_start3A_688, %dma_start3A_689] : memref<5x40x128xf32, #tpu.memory_space<vmem>> -> memref<1x40x128xf32, #tpu.memory_space<vmem>>
          %dma_start3A_691 = tpu.memref_squeeze %dma_start3A_690 : memref<1x40x128xf32, #tpu.memory_space<vmem>> -> memref<40x128xf32, #tpu.memory_space<vmem>>
          %dma_start3A_692 = tpu.memref_slice %arg10[%mul3A_685] : memref<10000xi32, #tpu.memory_space<vmem>> -> memref<40xi32, #tpu.memory_space<vmem>>
          %dma_start3A_693 = arith.constant 0 : i32
          %dma_start3A_694 = arith.constant 0 : i32
          %dma_start3A_695 = tpu.memref_slice %arg3[%dma_start3A_693, %dma_start3A_694] : memref<10000x128xf32, #tpu.memory_space<hbm>> -> memref<10000x128xf32, #tpu.memory_space<hbm>>
          %dma_start3A_696 = tpu.memref_slice %arg17[%dma_start3A_687] : memref<5x!tpu.dma_semaphore, #tpu.memory_space<semaphore_mem>> -> memref<1x!tpu.dma_semaphore, #tpu.memory_space<semaphore_mem>>
          %dma_start3A_697 = tpu.memref_squeeze %dma_start3A_696 : memref<1x!tpu.dma_semaphore, #tpu.memory_space<semaphore_mem>> -> memref<!tpu.dma_semaphore, #tpu.memory_space<semaphore_mem>>
          tpu.enqueue_indirect_dma source(%dma_start3A_695 : memref<10000x128xf32, #tpu.memory_space<hbm>>) target(%dma_start3A_691 : memref<40x128xf32, #tpu.memory_space<vmem>>) offsets(%dma_start3A_692 : memref<40xi32, #tpu.memory_space<vmem>>) semaphore(%dma_start3A_697 : memref<!tpu.dma_semaphore, #tpu.memory_space<semaphore_mem>>)
          %dma_start3A_698 = arith.constant 3 : i32
          %dma_start3A_699 = arith.constant 3 : i32
          %dma_start3A_700 = arith.constant 0 : i32
          %dma_start3A_701 = tpu.memref_slice %arg11[%dma_start3A_698, %dma_start3A_700] : memref<5x40xi32, #tpu.memory_space<vmem>> -> memref<1x40xi32, #tpu.memory_space<vmem>>
          %dma_start3A_702 = tpu.memref_squeeze %dma_start3A_701 : memref<1x40xi32, #tpu.memory_space<vmem>> -> memref<40xi32, #tpu.memory_space<vmem>>
          %dma_start3A_703 = arith.constant 0 : i32
          %dma_start3A_704 = tpu.memref_slice %arg5[%arg1, %add3A_683, %dma_start3A_703] : memref<16x250x40xi32, #tpu.memory_space<hbm>> -> memref<1x1x40xi32, #tpu.memory_space<hbm>>
          %dma_start3A_705 = tpu.memref_squeeze %dma_start3A_704 : memref<1x1x40xi32, #tpu.memory_space<hbm>> -> memref<40xi32, #tpu.memory_space<hbm>>
          %dma_start3A_706 = tpu.memref_slice %arg20[%dma_start3A_699] : memref<5x!tpu.dma_semaphore, #tpu.memory_space<semaphore_mem>> -> memref<1x!tpu.dma_semaphore, #tpu.memory_space<semaphore_mem>>
          %dma_start3A_707 = tpu.memref_squeeze %dma_start3A_706 : memref<1x!tpu.dma_semaphore, #tpu.memory_space<semaphore_mem>> -> memref<!tpu.dma_semaphore, #tpu.memory_space<semaphore_mem>>
          %dma_start3A_708 = arith.constant 0 : i32
          %dma_start3A_709 = tpu.memref_slice %arg11[%dma_start3A_698, %dma_start3A_708] : memref<5x40xi32, #tpu.memory_space<vmem>> -> memref<1x40xi32, #tpu.memory_space<vmem>>
          %dma_start3A_710 = tpu.memref_squeeze %dma_start3A_709 : memref<1x40xi32, #tpu.memory_space<vmem>> -> memref<40xi32, #tpu.memory_space<vmem>>
          %dma_start3A_711 = arith.constant 0 : i32
          %dma_start3A_712 = tpu.memref_slice %arg5[%arg1, %add3A_683, %dma_start3A_711] : memref<16x250x40xi32, #tpu.memory_space<hbm>> -> memref<1x1x40xi32, #tpu.memory_space<hbm>>
          %dma_start3A_713 = tpu.memref_squeeze %dma_start3A_712 : memref<1x1x40xi32, #tpu.memory_space<hbm>> -> memref<40xi32, #tpu.memory_space<hbm>>
          tpu.enqueue_dma source(%dma_start3A_713 : memref<40xi32, #tpu.memory_space<hbm>>) target(%dma_start3A_710 : memref<40xi32, #tpu.memory_space<vmem>>) target_semaphore(%dma_start3A_707 : memref<!tpu.dma_semaphore, #tpu.memory_space<semaphore_mem>>)
        } else {
        }
        %mul3A_594 = arith.constant 5 : i32
        %mul3A_595 = arith.muli %scan3A_248, %mul3A_594 : i32
        %add3A_596 = arith.constant 4 : i32
        %add3A_597 = arith.addi %mul3A_595, %add3A_596 : i32
        %dma_wait3A_598 = arith.constant 4 : i32
        %dma_wait3A_599 = arith.constant 4 : i32
        %dma_wait3A_600 = arith.constant 0 : i32
        %dma_wait3A_601 = arith.constant 0 : i32
        %dma_wait3A_602 = tpu.memref_slice %arg12[%dma_wait3A_598, %dma_wait3A_600, %dma_wait3A_601] : memref<5x40x128xf32, #tpu.memory_space<vmem>> -> memref<1x40x128xf32, #tpu.memory_space<vmem>>
        %dma_wait3A_603 = tpu.memref_squeeze %dma_wait3A_602 : memref<1x40x128xf32, #tpu.memory_space<vmem>> -> memref<40x128xf32, #tpu.memory_space<vmem>>
        %dma_wait3A_604 = arith.constant 0 : i32
        %dma_wait3A_605 = arith.constant 0 : i32
        %dma_wait3A_606 = tpu.memref_slice %arg3[%dma_wait3A_604, %dma_wait3A_605] : memref<10000x128xf32, #tpu.memory_space<hbm>> -> memref<40x128xf32, #tpu.memory_space<hbm>>
        %dma_wait3A_607 = tpu.memref_slice %arg17[%dma_wait3A_599] : memref<5x!tpu.dma_semaphore, #tpu.memory_space<semaphore_mem>> -> memref<1x!tpu.dma_semaphore, #tpu.memory_space<semaphore_mem>>
        %dma_wait3A_608 = tpu.memref_squeeze %dma_wait3A_607 : memref<1x!tpu.dma_semaphore, #tpu.memory_space<semaphore_mem>> -> memref<!tpu.dma_semaphore, #tpu.memory_space<semaphore_mem>>
        %dma_wait3A_609 = arith.constant 0 : i32
        %dma_wait3A_610 = arith.constant 0 : i32
        %dma_wait3A_611 = tpu.memref_slice %arg12[%dma_wait3A_598, %dma_wait3A_609, %dma_wait3A_610] : memref<5x40x128xf32, #tpu.memory_space<vmem>> -> memref<1x40x128xf32, #tpu.memory_space<vmem>>
        %dma_wait3A_612 = tpu.memref_squeeze %dma_wait3A_611 : memref<1x40x128xf32, #tpu.memory_space<vmem>> -> memref<40x128xf32, #tpu.memory_space<vmem>>
        %dma_wait3A_613 = arith.constant 0 : i32
        %dma_wait3A_614 = arith.constant 0 : i32
        %dma_wait3A_615 = tpu.memref_slice %arg3[%dma_wait3A_613, %dma_wait3A_614] : memref<10000x128xf32, #tpu.memory_space<hbm>> -> memref<40x128xf32, #tpu.memory_space<hbm>>
        tpu.wait_dma2 semaphore(%dma_wait3A_608 : memref<!tpu.dma_semaphore, #tpu.memory_space<semaphore_mem>>) src(%dma_wait3A_615 : memref<40x128xf32, #tpu.memory_space<hbm>>) dst(%dma_wait3A_612 : memref<40x128xf32, #tpu.memory_space<vmem>>)
        %dma_wait3A_616 = arith.constant 0 : i32
        %dma_wait3A_617 = arith.constant 4 : i32
        %dma_wait3A_618 = arith.constant 4 : i32
        %dma_wait3A_619 = arith.constant 0 : i32
        %dma_wait3A_620 = tpu.memref_slice %arg11[%dma_wait3A_617, %dma_wait3A_619] : memref<5x40xi32, #tpu.memory_space<vmem>> -> memref<1x40xi32, #tpu.memory_space<vmem>>
        %dma_wait3A_621 = tpu.memref_squeeze %dma_wait3A_620 : memref<1x40xi32, #tpu.memory_space<vmem>> -> memref<40xi32, #tpu.memory_space<vmem>>
        %dma_wait3A_622 = arith.constant 0 : i32
        %dma_wait3A_623 = tpu.memref_slice %arg5[%arg1, %dma_wait3A_616, %dma_wait3A_622] : memref<16x250x40xi32, #tpu.memory_space<hbm>> -> memref<1x1x40xi32, #tpu.memory_space<hbm>>
        %dma_wait3A_624 = tpu.memref_squeeze %dma_wait3A_623 : memref<1x1x40xi32, #tpu.memory_space<hbm>> -> memref<40xi32, #tpu.memory_space<hbm>>
        %dma_wait3A_625 = tpu.memref_slice %arg20[%dma_wait3A_618] : memref<5x!tpu.dma_semaphore, #tpu.memory_space<semaphore_mem>> -> memref<1x!tpu.dma_semaphore, #tpu.memory_space<semaphore_mem>>
        %dma_wait3A_626 = tpu.memref_squeeze %dma_wait3A_625 : memref<1x!tpu.dma_semaphore, #tpu.memory_space<semaphore_mem>> -> memref<!tpu.dma_semaphore, #tpu.memory_space<semaphore_mem>>
        %dma_wait3A_627 = arith.constant 0 : i32
        %dma_wait3A_628 = tpu.memref_slice %arg11[%dma_wait3A_617, %dma_wait3A_627] : memref<5x40xi32, #tpu.memory_space<vmem>> -> memref<1x40xi32, #tpu.memory_space<vmem>>
        %dma_wait3A_629 = tpu.memref_squeeze %dma_wait3A_628 : memref<1x40xi32, #tpu.memory_space<vmem>> -> memref<40xi32, #tpu.memory_space<vmem>>
        %dma_wait3A_630 = arith.constant 0 : i32
        %dma_wait3A_631 = tpu.memref_slice %arg5[%arg1, %dma_wait3A_616, %dma_wait3A_630] : memref<16x250x40xi32, #tpu.memory_space<hbm>> -> memref<1x1x40xi32, #tpu.memory_space<hbm>>
        %dma_wait3A_632 = tpu.memref_squeeze %dma_wait3A_631 : memref<1x1x40xi32, #tpu.memory_space<hbm>> -> memref<40xi32, #tpu.memory_space<hbm>>
        tpu.wait_dma2 semaphore(%dma_wait3A_626 : memref<!tpu.dma_semaphore, #tpu.memory_space<semaphore_mem>>) src(%dma_wait3A_632 : memref<40xi32, #tpu.memory_space<hbm>>) dst(%dma_wait3A_629 : memref<40xi32, #tpu.memory_space<vmem>>)
        %dma_start3A_633 = arith.constant 4 : i32
        %dma_start3A_634 = arith.constant 4 : i32
        %dma_start3A_635 = arith.constant 4 : i32
        %dma_start3A_636 = arith.constant 0 : i32
        %dma_start3A_637 = arith.constant 0 : i32
        %dma_start3A_638 = tpu.memref_slice %arg12[%dma_start3A_633, %dma_start3A_636, %dma_start3A_637] : memref<5x40x128xf32, #tpu.memory_space<vmem>> -> memref<1x40x128xf32, #tpu.memory_space<vmem>>
        %dma_start3A_639 = tpu.memref_squeeze %dma_start3A_638 : memref<1x40x128xf32, #tpu.memory_space<vmem>> -> memref<40x128xf32, #tpu.memory_space<vmem>>
        %dma_start3A_640 = arith.constant 0 : i32
        %dma_start3A_641 = tpu.memref_slice %arg11[%dma_start3A_634, %dma_start3A_640] : memref<5x40xi32, #tpu.memory_space<vmem>> -> memref<1x40xi32, #tpu.memory_space<vmem>>
        %dma_start3A_642 = tpu.memref_squeeze %dma_start3A_641 : memref<1x40xi32, #tpu.memory_space<vmem>> -> memref<40xi32, #tpu.memory_space<vmem>>
        %dma_start3A_643 = arith.constant 0 : i32
        %dma_start3A_644 = arith.constant 0 : i32
        %dma_start3A_645 = tpu.memref_slice %arg15[%dma_start3A_643, %dma_start3A_644] : memref<10240x128xf32, #tpu.memory_space<vmem_shared>> -> memref<10240x128xf32, #tpu.memory_space<vmem_shared>>
        %dma_start3A_646 = tpu.memref_slice %arg18[%dma_start3A_635] : memref<5x!tpu.dma_semaphore, #tpu.memory_space<semaphore_mem>> -> memref<1x!tpu.dma_semaphore, #tpu.memory_space<semaphore_mem>>
        %dma_start3A_647 = tpu.memref_squeeze %dma_start3A_646 : memref<1x!tpu.dma_semaphore, #tpu.memory_space<semaphore_mem>> -> memref<!tpu.dma_semaphore, #tpu.memory_space<semaphore_mem>>
        tpu.enqueue_indirect_dma source(%dma_start3A_639 : memref<40x128xf32, #tpu.memory_space<vmem>>) target(%dma_start3A_645 : memref<10240x128xf32, #tpu.memory_space<vmem_shared>>) offsets(%dma_start3A_642 : memref<40xi32, #tpu.memory_space<vmem>>) semaphore(%dma_start3A_647 : memref<!tpu.dma_semaphore, #tpu.memory_space<semaphore_mem>>) {add = true}
        %ge3A_648 = arith.constant 125 : i32
        %ge3A_649 = arith.cmpi sge, %add3A_597, %ge3A_648 : i32
        %lt3A_650 = arith.constant 250 : i32
        %lt3A_651 = arith.cmpi slt, %add3A_597, %lt3A_650 : i32
        %and3A_652 = arith.andi %ge3A_649, %lt3A_651 : i1
        %convert_element_type3A_653 = arith.extui %and3A_652 : i1 to i32
        %cond3A_654 = arith.constant 0 : i32
        %cond3A_655 = arith.cmpi ne, %convert_element_type3A_653, %cond3A_654 : i32
        scf.if %cond3A_655 {
          %dma_start3A_682 = arith.constant 4 : i32
          %dma_start3A_683 = arith.constant 4 : i32
          %dma_start3A_684 = arith.constant 0 : i32
          %dma_start3A_685 = tpu.memref_slice %arg11[%dma_start3A_682, %dma_start3A_684] : memref<5x40xi32, #tpu.memory_space<vmem>> -> memref<1x40xi32, #tpu.memory_space<vmem>>
          %dma_start3A_686 = tpu.memref_squeeze %dma_start3A_685 : memref<1x40xi32, #tpu.memory_space<vmem>> -> memref<40xi32, #tpu.memory_space<vmem>>
          %dma_start3A_687 = arith.constant 0 : i32
          %dma_start3A_688 = tpu.memref_slice %arg16[%dma_start3A_687] : memref<10240xf32, #tpu.memory_space<vmem_shared>> -> memref<10240xf32, #tpu.memory_space<vmem_shared>>
          %dma_start3A_689 = tpu.memref_slice %arg19[%dma_start3A_683] : memref<5x!tpu.dma_semaphore, #tpu.memory_space<semaphore_mem>> -> memref<1x!tpu.dma_semaphore, #tpu.memory_space<semaphore_mem>>
          %dma_start3A_690 = tpu.memref_squeeze %dma_start3A_689 : memref<1x!tpu.dma_semaphore, #tpu.memory_space<semaphore_mem>> -> memref<!tpu.dma_semaphore, #tpu.memory_space<semaphore_mem>>
          tpu.enqueue_indirect_dma source(%arg13 : memref<40xf32, #tpu.memory_space<vmem>>) target(%dma_start3A_688 : memref<10240xf32, #tpu.memory_space<vmem_shared>>) offsets(%dma_start3A_686 : memref<40xi32, #tpu.memory_space<vmem>>) semaphore(%dma_start3A_690 : memref<!tpu.dma_semaphore, #tpu.memory_space<semaphore_mem>>) {add = true}
        } else {
        }
        %dma_wait3A_656 = arith.constant 4 : i32
        %dma_wait3A_657 = arith.constant 4 : i32
        %dma_wait3A_658 = arith.constant 4 : i32
        %dma_wait3A_659 = arith.constant 0 : i32
        %dma_wait3A_660 = arith.constant 0 : i32
        %dma_wait3A_661 = tpu.memref_slice %arg12[%dma_wait3A_656, %dma_wait3A_659, %dma_wait3A_660] : memref<5x40x128xf32, #tpu.memory_space<vmem>> -> memref<1x40x128xf32, #tpu.memory_space<vmem>>
        %dma_wait3A_662 = tpu.memref_squeeze %dma_wait3A_661 : memref<1x40x128xf32, #tpu.memory_space<vmem>> -> memref<40x128xf32, #tpu.memory_space<vmem>>
        %dma_wait3A_663 = arith.constant 0 : i32
        %dma_wait3A_664 = tpu.memref_slice %arg11[%dma_wait3A_657, %dma_wait3A_663] : memref<5x40xi32, #tpu.memory_space<vmem>> -> memref<1x40xi32, #tpu.memory_space<vmem>>
        %dma_wait3A_665 = tpu.memref_squeeze %dma_wait3A_664 : memref<1x40xi32, #tpu.memory_space<vmem>> -> memref<40xi32, #tpu.memory_space<vmem>>
        %dma_wait3A_666 = arith.constant 0 : i32
        %dma_wait3A_667 = arith.constant 0 : i32
        %dma_wait3A_668 = tpu.memref_slice %arg15[%dma_wait3A_666, %dma_wait3A_667] : memref<10240x128xf32, #tpu.memory_space<vmem_shared>> -> memref<10240x128xf32, #tpu.memory_space<vmem_shared>>
        %dma_wait3A_669 = tpu.memref_slice %arg18[%dma_wait3A_658] : memref<5x!tpu.dma_semaphore, #tpu.memory_space<semaphore_mem>> -> memref<1x!tpu.dma_semaphore, #tpu.memory_space<semaphore_mem>>
        %dma_wait3A_670 = tpu.memref_squeeze %dma_wait3A_669 : memref<1x!tpu.dma_semaphore, #tpu.memory_space<semaphore_mem>> -> memref<!tpu.dma_semaphore, #tpu.memory_space<semaphore_mem>>
        tpu.wait_indirect_dma semaphore(%dma_wait3A_670 : memref<!tpu.dma_semaphore, #tpu.memory_space<semaphore_mem>>) src(%dma_wait3A_662 : memref<40x128xf32, #tpu.memory_space<vmem>>) dst(%dma_wait3A_668 : memref<10240x128xf32, #tpu.memory_space<vmem_shared>>)
        %convert_element_type3A_671 = arith.extui %and3A_652 : i1 to i32
        %cond3A_672 = arith.constant 0 : i32
        %cond3A_673 = arith.cmpi ne, %convert_element_type3A_671, %cond3A_672 : i32
        scf.if %cond3A_673 {
          %dma_wait3A_682 = arith.constant 4 : i32
          %dma_wait3A_683 = arith.constant 4 : i32
          %dma_wait3A_684 = arith.constant 0 : i32
          %dma_wait3A_685 = tpu.memref_slice %arg11[%dma_wait3A_682, %dma_wait3A_684] : memref<5x40xi32, #tpu.memory_space<vmem>> -> memref<1x40xi32, #tpu.memory_space<vmem>>
          %dma_wait3A_686 = tpu.memref_squeeze %dma_wait3A_685 : memref<1x40xi32, #tpu.memory_space<vmem>> -> memref<40xi32, #tpu.memory_space<vmem>>
          %dma_wait3A_687 = arith.constant 0 : i32
          %dma_wait3A_688 = tpu.memref_slice %arg16[%dma_wait3A_687] : memref<10240xf32, #tpu.memory_space<vmem_shared>> -> memref<10240xf32, #tpu.memory_space<vmem_shared>>
          %dma_wait3A_689 = tpu.memref_slice %arg19[%dma_wait3A_683] : memref<5x!tpu.dma_semaphore, #tpu.memory_space<semaphore_mem>> -> memref<1x!tpu.dma_semaphore, #tpu.memory_space<semaphore_mem>>
          %dma_wait3A_690 = tpu.memref_squeeze %dma_wait3A_689 : memref<1x!tpu.dma_semaphore, #tpu.memory_space<semaphore_mem>> -> memref<!tpu.dma_semaphore, #tpu.memory_space<semaphore_mem>>
          tpu.wait_indirect_dma semaphore(%dma_wait3A_690 : memref<!tpu.dma_semaphore, #tpu.memory_space<semaphore_mem>>) src(%arg13 : memref<40xf32, #tpu.memory_space<vmem>>) dst(%dma_wait3A_688 : memref<10240xf32, #tpu.memory_space<vmem_shared>>)
        } else {
        }
        %add3A_674 = arith.constant 5 : i32
        %add3A_675 = arith.addi %add3A_597, %add3A_674 : i32
        %lt3A_676 = arith.constant 250 : i32
        %lt3A_677 = arith.cmpi slt, %add3A_675, %lt3A_676 : i32
        %convert_element_type3A_678 = arith.extui %lt3A_677 : i1 to i32
        %cond3A_679 = arith.constant 0 : i32
        %cond3A_680 = arith.cmpi ne, %convert_element_type3A_678, %cond3A_679 : i32
        scf.if %cond3A_680 {
          %add3A_682 = arith.constant 5 : i32
          %add3A_683 = arith.addi %add3A_597, %add3A_682 : i32
          %mul3A_684 = arith.constant 40 : i32
          %mul3A_685 = arith.muli %add3A_683, %mul3A_684 : i32
          %dma_start3A_686 = arith.constant 4 : i32
          %dma_start3A_687 = arith.constant 4 : i32
          %dma_start3A_688 = arith.constant 0 : i32
          %dma_start3A_689 = arith.constant 0 : i32
          %dma_start3A_690 = tpu.memref_slice %arg12[%dma_start3A_686, %dma_start3A_688, %dma_start3A_689] : memref<5x40x128xf32, #tpu.memory_space<vmem>> -> memref<1x40x128xf32, #tpu.memory_space<vmem>>
          %dma_start3A_691 = tpu.memref_squeeze %dma_start3A_690 : memref<1x40x128xf32, #tpu.memory_space<vmem>> -> memref<40x128xf32, #tpu.memory_space<vmem>>
          %dma_start3A_692 = tpu.memref_slice %arg10[%mul3A_685] : memref<10000xi32, #tpu.memory_space<vmem>> -> memref<40xi32, #tpu.memory_space<vmem>>
          %dma_start3A_693 = arith.constant 0 : i32
          %dma_start3A_694 = arith.constant 0 : i32
          %dma_start3A_695 = tpu.memref_slice %arg3[%dma_start3A_693, %dma_start3A_694] : memref<10000x128xf32, #tpu.memory_space<hbm>> -> memref<10000x128xf32, #tpu.memory_space<hbm>>
          %dma_start3A_696 = tpu.memref_slice %arg17[%dma_start3A_687] : memref<5x!tpu.dma_semaphore, #tpu.memory_space<semaphore_mem>> -> memref<1x!tpu.dma_semaphore, #tpu.memory_space<semaphore_mem>>
          %dma_start3A_697 = tpu.memref_squeeze %dma_start3A_696 : memref<1x!tpu.dma_semaphore, #tpu.memory_space<semaphore_mem>> -> memref<!tpu.dma_semaphore, #tpu.memory_space<semaphore_mem>>
          tpu.enqueue_indirect_dma source(%dma_start3A_695 : memref<10000x128xf32, #tpu.memory_space<hbm>>) target(%dma_start3A_691 : memref<40x128xf32, #tpu.memory_space<vmem>>) offsets(%dma_start3A_692 : memref<40xi32, #tpu.memory_space<vmem>>) semaphore(%dma_start3A_697 : memref<!tpu.dma_semaphore, #tpu.memory_space<semaphore_mem>>)
          %dma_start3A_698 = arith.constant 4 : i32
          %dma_start3A_699 = arith.constant 4 : i32
          %dma_start3A_700 = arith.constant 0 : i32
          %dma_start3A_701 = tpu.memref_slice %arg11[%dma_start3A_698, %dma_start3A_700] : memref<5x40xi32, #tpu.memory_space<vmem>> -> memref<1x40xi32, #tpu.memory_space<vmem>>
          %dma_start3A_702 = tpu.memref_squeeze %dma_start3A_701 : memref<1x40xi32, #tpu.memory_space<vmem>> -> memref<40xi32, #tpu.memory_space<vmem>>
          %dma_start3A_703 = arith.constant 0 : i32
          %dma_start3A_704 = tpu.memref_slice %arg5[%arg1, %add3A_683, %dma_start3A_703] : memref<16x250x40xi32, #tpu.memory_space<hbm>> -> memref<1x1x40xi32, #tpu.memory_space<hbm>>
          %dma_start3A_705 = tpu.memref_squeeze %dma_start3A_704 : memref<1x1x40xi32, #tpu.memory_space<hbm>> -> memref<40xi32, #tpu.memory_space<hbm>>
          %dma_start3A_706 = tpu.memref_slice %arg20[%dma_start3A_699] : memref<5x!tpu.dma_semaphore, #tpu.memory_space<semaphore_mem>> -> memref<1x!tpu.dma_semaphore, #tpu.memory_space<semaphore_mem>>
          %dma_start3A_707 = tpu.memref_squeeze %dma_start3A_706 : memref<1x!tpu.dma_semaphore, #tpu.memory_space<semaphore_mem>> -> memref<!tpu.dma_semaphore, #tpu.memory_space<semaphore_mem>>
          %dma_start3A_708 = arith.constant 0 : i32
          %dma_start3A_709 = tpu.memref_slice %arg11[%dma_start3A_698, %dma_start3A_708] : memref<5x40xi32, #tpu.memory_space<vmem>> -> memref<1x40xi32, #tpu.memory_space<vmem>>
          %dma_start3A_710 = tpu.memref_squeeze %dma_start3A_709 : memref<1x40xi32, #tpu.memory_space<vmem>> -> memref<40xi32, #tpu.memory_space<vmem>>
          %dma_start3A_711 = arith.constant 0 : i32
          %dma_start3A_712 = tpu.memref_slice %arg5[%arg1, %add3A_683, %dma_start3A_711] : memref<16x250x40xi32, #tpu.memory_space<hbm>> -> memref<1x1x40xi32, #tpu.memory_space<hbm>>
          %dma_start3A_713 = tpu.memref_squeeze %dma_start3A_712 : memref<1x1x40xi32, #tpu.memory_space<hbm>> -> memref<40xi32, #tpu.memory_space<hbm>>
          tpu.enqueue_dma source(%dma_start3A_713 : memref<40xi32, #tpu.memory_space<hbm>>) target(%dma_start3A_710 : memref<40xi32, #tpu.memory_space<vmem>>) target_semaphore(%dma_start3A_707 : memref<!tpu.dma_semaphore, #tpu.memory_space<semaphore_mem>>)
        } else {
        }
        %scan3A_681 = arith.constant 0 : i32
        scf.yield %scan3A_681 : i32
      }
      %scan3A_247 = arith.constant 50 : i32
    } else {
    }
    %barrier3A_81 = arith.constant 0 : index
    tpu.barrier barrier_id(%barrier3A_81)
    %eq3A_82 = arith.constant 0 : i32
    %eq3A_83 = arith.cmpi eq, %arg0, %eq3A_82 : i32
    %convert_element_type3A_84 = arith.extui %eq3A_83 : i1 to i32
    %cond3A_85 = arith.constant 0 : i32
    %cond3A_86 = arith.cmpi ne, %convert_element_type3A_84, %cond3A_85 : i32
    scf.if %cond3A_86 {
      "tpu.region"() ({
        %run_scoped3A_92 = tpu.sem_alloc : memref<!tpu.dma_semaphore, #tpu.memory_space<semaphore_mem>>
        %dma_start3A = arith.constant 0 : i32
        %dma_start3A_93 = tpu.memref_slice %arg6[%mul3A_0, %dma_start3A] : memref<10240x128xf32, #tpu.memory_space<hbm>> -> memref<640x128xf32, #tpu.memory_space<hbm>>
        %dma_start3A_94 = arith.constant 0 : i32
        %dma_start3A_95 = tpu.memref_slice %arg15[%mul3A_0, %dma_start3A_94] : memref<10240x128xf32, #tpu.memory_space<vmem_shared>> -> memref<640x128xf32, #tpu.memory_space<vmem_shared>>
        tpu.enqueue_dma source(%dma_start3A_95 : memref<640x128xf32, #tpu.memory_space<vmem_shared>>) target(%dma_start3A_93 : memref<640x128xf32, #tpu.memory_space<hbm>>) target_semaphore(%run_scoped3A_92 : memref<!tpu.dma_semaphore, #tpu.memory_space<semaphore_mem>>)
        %dma_wait3A = arith.constant 0 : i32
        %dma_wait3A_96 = tpu.memref_slice %arg6[%mul3A_0, %dma_wait3A] : memref<10240x128xf32, #tpu.memory_space<hbm>> -> memref<640x128xf32, #tpu.memory_space<hbm>>
        %dma_wait3A_97 = arith.constant 0 : i32
        %dma_wait3A_98 = tpu.memref_slice %arg15[%mul3A_0, %dma_wait3A_97] : memref<10240x128xf32, #tpu.memory_space<vmem_shared>> -> memref<640x128xf32, #tpu.memory_space<vmem_shared>>
        tpu.wait_dma2 semaphore(%run_scoped3A_92 : memref<!tpu.dma_semaphore, #tpu.memory_space<semaphore_mem>>) src(%dma_wait3A_98 : memref<640x128xf32, #tpu.memory_space<vmem_shared>>) dst(%dma_wait3A_96 : memref<640x128xf32, #tpu.memory_space<hbm>>)
        tpu.yield
      }) : () -> ()
      "tpu.region"() ({
        %run_scoped3A_92 = tpu.sem_alloc : memref<!tpu.dma_semaphore, #tpu.memory_space<semaphore_mem>>
        %dma_start3A = tpu.memref_slice %arg8[%mul3A_0] : memref<10240xf32, #tpu.memory_space<hbm>> -> memref<640xf32, #tpu.memory_space<hbm>>
        %dma_start3A_93 = tpu.memref_slice %arg16[%mul3A_0] : memref<10240xf32, #tpu.memory_space<vmem_shared>> -> memref<640xf32, #tpu.memory_space<vmem_shared>>
        tpu.enqueue_dma source(%dma_start3A_93 : memref<640xf32, #tpu.memory_space<vmem_shared>>) target(%dma_start3A : memref<640xf32, #tpu.memory_space<hbm>>) target_semaphore(%run_scoped3A_92 : memref<!tpu.dma_semaphore, #tpu.memory_space<semaphore_mem>>)
        %dma_wait3A = tpu.memref_slice %arg8[%mul3A_0] : memref<10240xf32, #tpu.memory_space<hbm>> -> memref<640xf32, #tpu.memory_space<hbm>>
        %dma_wait3A_94 = tpu.memref_slice %arg16[%mul3A_0] : memref<10240xf32, #tpu.memory_space<vmem_shared>> -> memref<640xf32, #tpu.memory_space<vmem_shared>>
        tpu.wait_dma2 semaphore(%run_scoped3A_92 : memref<!tpu.dma_semaphore, #tpu.memory_space<semaphore_mem>>) src(%dma_wait3A_94 : memref<640xf32, #tpu.memory_space<vmem_shared>>) dst(%dma_wait3A : memref<640xf32, #tpu.memory_space<hbm>>)
        tpu.yield
      }) : () -> ()
    } else {
    }
    %eq3A_87 = arith.constant 1 : i32
    %eq3A_88 = arith.cmpi eq, %arg0, %eq3A_87 : i32
    %convert_element_type3A_89 = arith.extui %eq3A_88 : i1 to i32
    %cond3A_90 = arith.constant 0 : i32
    %cond3A_91 = arith.cmpi ne, %convert_element_type3A_89, %cond3A_90 : i32
    scf.if %cond3A_91 {
      "tpu.region"() ({
        %run_scoped3A_92 = tpu.sem_alloc : memref<!tpu.dma_semaphore, #tpu.memory_space<semaphore_mem>>
        %dma_start3A = arith.constant 0 : i32
        %dma_start3A_93 = tpu.memref_slice %arg7[%mul3A_0, %dma_start3A] : memref<10240x128xf32, #tpu.memory_space<hbm>> -> memref<640x128xf32, #tpu.memory_space<hbm>>
        %dma_start3A_94 = arith.constant 0 : i32
        %dma_start3A_95 = tpu.memref_slice %arg15[%mul3A_0, %dma_start3A_94] : memref<10240x128xf32, #tpu.memory_space<vmem_shared>> -> memref<640x128xf32, #tpu.memory_space<vmem_shared>>
        tpu.enqueue_dma source(%dma_start3A_95 : memref<640x128xf32, #tpu.memory_space<vmem_shared>>) target(%dma_start3A_93 : memref<640x128xf32, #tpu.memory_space<hbm>>) target_semaphore(%run_scoped3A_92 : memref<!tpu.dma_semaphore, #tpu.memory_space<semaphore_mem>>)
        %dma_wait3A = arith.constant 0 : i32
        %dma_wait3A_96 = tpu.memref_slice %arg7[%mul3A_0, %dma_wait3A] : memref<10240x128xf32, #tpu.memory_space<hbm>> -> memref<640x128xf32, #tpu.memory_space<hbm>>
        %dma_wait3A_97 = arith.constant 0 : i32
        %dma_wait3A_98 = tpu.memref_slice %arg15[%mul3A_0, %dma_wait3A_97] : memref<10240x128xf32, #tpu.memory_space<vmem_shared>> -> memref<640x128xf32, #tpu.memory_space<vmem_shared>>
        tpu.wait_dma2 semaphore(%run_scoped3A_92 : memref<!tpu.dma_semaphore, #tpu.memory_space<semaphore_mem>>) src(%dma_wait3A_98 : memref<640x128xf32, #tpu.memory_space<vmem_shared>>) dst(%dma_wait3A_96 : memref<640x128xf32, #tpu.memory_space<hbm>>)
        tpu.yield
      }) : () -> ()
      "tpu.region"() ({
        %run_scoped3A_92 = tpu.sem_alloc : memref<!tpu.dma_semaphore, #tpu.memory_space<semaphore_mem>>
        %dma_start3A = tpu.memref_slice %arg9[%mul3A_0] : memref<10240xf32, #tpu.memory_space<hbm>> -> memref<640xf32, #tpu.memory_space<hbm>>
        %dma_start3A_93 = tpu.memref_slice %arg16[%mul3A_0] : memref<10240xf32, #tpu.memory_space<vmem_shared>> -> memref<640xf32, #tpu.memory_space<vmem_shared>>
        tpu.enqueue_dma source(%dma_start3A_93 : memref<640xf32, #tpu.memory_space<vmem_shared>>) target(%dma_start3A : memref<640xf32, #tpu.memory_space<hbm>>) target_semaphore(%run_scoped3A_92 : memref<!tpu.dma_semaphore, #tpu.memory_space<semaphore_mem>>)
        %dma_wait3A = tpu.memref_slice %arg9[%mul3A_0] : memref<10240xf32, #tpu.memory_space<hbm>> -> memref<640xf32, #tpu.memory_space<hbm>>
        %dma_wait3A_94 = tpu.memref_slice %arg16[%mul3A_0] : memref<10240xf32, #tpu.memory_space<vmem_shared>> -> memref<640xf32, #tpu.memory_space<vmem_shared>>
        tpu.wait_dma2 semaphore(%run_scoped3A_92 : memref<!tpu.dma_semaphore, #tpu.memory_space<semaphore_mem>>) src(%dma_wait3A_94 : memref<640xf32, #tpu.memory_space<vmem_shared>>) dst(%dma_wait3A : memref<640xf32, #tpu.memory_space<hbm>>)
        tpu.yield
      }) : () -> ()
    } else {
    }
    return
  }
}

module attributes {stable_mosaic.version = 14 : i64} {
  func.func @_lin_body(%arg0: i32, %arg1: memref<1000x256xf32, #tpu.memory_space<vmem>>, %arg2: memref<1000x128xf32, #tpu.memory_space<vmem>>, %arg3: memref<1000x128xf32, #tpu.memory_space<vmem>>, %arg4: memref<1000x1xf32, #tpu.memory_space<vmem>>, %arg5: memref<1000x1xf32, #tpu.memory_space<vmem>>, %arg6: memref<128x256xf32, #tpu.memory_space<vmem>>, %arg7: memref<128x256xf32, #tpu.memory_space<vmem>>, %arg8: memref<256x256xf32, #tpu.memory_space<vmem>>, %arg9: memref<1x256xf32, #tpu.memory_space<vmem>>, %arg10: memref<1000x256xf32, #tpu.memory_space<vmem>>) attributes {dimension_semantics = [#tpu.dimension_semantics<arbitrary>], iteration_bounds = array<i64: 10>, scalar_prefetch = 0 : i64, scratch_operands = 0 : i64, tpu.core_type = #tpu.core_type<tc>, window_params = [{transform_indices = @transform_0, window_bounds = array<i64: 1000, 256>}, {transform_indices = @transform_1, window_bounds = array<i64: 1000, 128>}, {transform_indices = @transform_2, window_bounds = array<i64: 1000, 128>}, {transform_indices = @transform_3, window_bounds = array<i64: 1000, 1>}, {transform_indices = @transform_4, window_bounds = array<i64: 1000, 1>}, {pipeline_mode = #tpu.pipeline_mode<synchronous>, transform_indices = @transform_5, window_bounds = array<i64: 128, 256>}, {pipeline_mode = #tpu.pipeline_mode<synchronous>, transform_indices = @transform_6, window_bounds = array<i64: 128, 256>}, {pipeline_mode = #tpu.pipeline_mode<synchronous>, transform_indices = @transform_7, window_bounds = array<i64: 256, 256>}, {pipeline_mode = #tpu.pipeline_mode<synchronous>, transform_indices = @transform_8, window_bounds = array<i64: 1, 256>}, {transform_indices = @transform_9, window_bounds = array<i64: 1000, 256>}]} {
    %get3A = arith.constant 0 : index
    %get3A_0 = arith.constant 0 : index
    %get3A_1 = vector.load %arg4[%get3A, %get3A_0] : memref<1000x1xf32, #tpu.memory_space<vmem>>, vector<1000x1xf32>
    %get3A_2 = arith.constant 0 : index
    %get3A_3 = arith.constant 0 : index
    %get3A_4 = vector.load %arg5[%get3A_2, %get3A_3] : memref<1000x1xf32, #tpu.memory_space<vmem>>, vector<1000x1xf32>
    %add3A = arith.addf %get3A_1, %get3A_4 : vector<1000x1xf32>
    %max3A = arith.constant 1.000000e+00 : f32
    %max3A_5 = vector.broadcast %max3A : f32 to vector<1000x1xf32>
    %max3A_6 = arith.maximumf %add3A, %max3A_5 : vector<1000x1xf32>
    %div3A = arith.constant 1.000000e+00 : f32
    %div3A_7 = vector.broadcast %div3A : f32 to vector<1000x1xf32>
    %div3A_8 = arith.divf %div3A_7, %max3A_6 : vector<1000x1xf32>
    %get3A_9 = arith.constant 0 : index
    %get3A_10 = arith.constant 0 : index
    %get3A_11 = vector.load %arg2[%get3A_9, %get3A_10] : memref<1000x128xf32, #tpu.memory_space<vmem>>, vector<1000x128xf32>
    %mul3A = vector.broadcast %div3A_8 : vector<1000x1xf32> to vector<1000x128xf32>
    %mul3A_12 = arith.mulf %get3A_11, %mul3A : vector<1000x128xf32>
    %get3A_13 = arith.constant 0 : index
    %get3A_14 = arith.constant 0 : index
    %get3A_15 = vector.load %arg3[%get3A_13, %get3A_14] : memref<1000x128xf32, #tpu.memory_space<vmem>>, vector<1000x128xf32>
    %mul3A_16 = vector.broadcast %div3A_8 : vector<1000x1xf32> to vector<1000x128xf32>
    %mul3A_17 = arith.mulf %get3A_15, %mul3A_16 : vector<1000x128xf32>
    %get3A_18 = arith.constant 0 : index
    %get3A_19 = arith.constant 0 : index
    %get3A_20 = vector.load %arg6[%get3A_18, %get3A_19] : memref<128x256xf32, #tpu.memory_space<vmem>>, vector<128x256xf32>
    %dot_general3A = arith.constant dense<0.000000e+00> : vector<1000x256xf32>
    %dot_general3A_21 = tpu.matmul %mul3A_12, %get3A_20, %dot_general3A {dimension_numbers = #tpu.dot_dimension_numbers<[1], [0], [0], [1], [0, 0, 1, 1], [], []>, transpose_lhs_hint = false} : vector<1000x128xf32>, vector<128x256xf32>, vector<1000x256xf32> -> vector<1000x256xf32>
    %get3A_22 = arith.constant 0 : index
    %get3A_23 = arith.constant 0 : index
    %get3A_24 = vector.load %arg7[%get3A_22, %get3A_23] : memref<128x256xf32, #tpu.memory_space<vmem>>, vector<128x256xf32>
    %dot_general3A_25 = arith.constant dense<0.000000e+00> : vector<1000x256xf32>
    %dot_general3A_26 = tpu.matmul %mul3A_17, %get3A_24, %dot_general3A_25 {dimension_numbers = #tpu.dot_dimension_numbers<[1], [0], [0], [1], [0, 0, 1, 1], [], []>, transpose_lhs_hint = false} : vector<1000x128xf32>, vector<128x256xf32>, vector<1000x256xf32> -> vector<1000x256xf32>
    %add3A_27 = arith.addf %dot_general3A_21, %dot_general3A_26 : vector<1000x256xf32>
    %get3A_28 = arith.constant 0 : index
    %get3A_29 = arith.constant 0 : index
    %get3A_30 = vector.load %arg1[%get3A_28, %get3A_29] : memref<1000x256xf32, #tpu.memory_space<vmem>>, vector<1000x256xf32>
    %get3A_31 = arith.constant 0 : index
    %get3A_32 = arith.constant 0 : index
    %get3A_33 = vector.load %arg8[%get3A_31, %get3A_32] : memref<256x256xf32, #tpu.memory_space<vmem>>, vector<256x256xf32>
    %dot_general3A_34 = arith.constant dense<0.000000e+00> : vector<1000x256xf32>
    %dot_general3A_35 = tpu.matmul %get3A_30, %get3A_33, %dot_general3A_34 {dimension_numbers = #tpu.dot_dimension_numbers<[1], [0], [0], [1], [0, 0, 1, 1], [], []>, transpose_lhs_hint = false} : vector<1000x256xf32>, vector<256x256xf32>, vector<1000x256xf32> -> vector<1000x256xf32>
    %add3A_36 = arith.addf %add3A_27, %dot_general3A_35 : vector<1000x256xf32>
    %get3A_37 = arith.constant 0 : index
    %get3A_38 = arith.constant 0 : index
    %get3A_39 = vector.load %arg9[%get3A_37, %get3A_38] : memref<1x256xf32, #tpu.memory_space<vmem>>, vector<1x256xf32>
    %add3A_40 = vector.broadcast %get3A_39 : vector<1x256xf32> to vector<1000x256xf32>
    %add3A_41 = arith.addf %add3A_36, %add3A_40 : vector<1000x256xf32>
    %swap3A = arith.constant 0 : index
    %swap3A_42 = arith.constant 0 : index
    %swap3A_43 = vector.load %arg10[%swap3A, %swap3A_42] : memref<1000x256xf32, #tpu.memory_space<vmem>>, vector<1000x256xf32>
    tpu.vector_store %arg10[%swap3A, %swap3A_42], %add3A_41 {strides = array<i32>} : memref<1000x256xf32, #tpu.memory_space<vmem>>, vector<1000x256xf32>,
    return
  }
  func.func @transform_0(%arg0: i32) -> (i32, i32) {
    %c0_i32 = arith.constant 0 : i32
    %c0_i32_0 = arith.constant 0 : i32
    return %arg0, %c0_i32 : i32, i32
  }
  func.func @transform_1(%arg0: i32) -> (i32, i32) {
    %c0_i32 = arith.constant 0 : i32
    %c0_i32_0 = arith.constant 0 : i32
    return %arg0, %c0_i32 : i32, i32
  }
  func.func @transform_2(%arg0: i32) -> (i32, i32) {
    %c0_i32 = arith.constant 0 : i32
    %c0_i32_0 = arith.constant 0 : i32
    return %arg0, %c0_i32 : i32, i32
  }
  func.func @transform_3(%arg0: i32) -> (i32, i32) {
    %c0_i32 = arith.constant 0 : i32
    %c0_i32_0 = arith.constant 0 : i32
    return %arg0, %c0_i32 : i32, i32
  }
  func.func @transform_4(%arg0: i32) -> (i32, i32) {
    %c0_i32 = arith.constant 0 : i32
    %c0_i32_0 = arith.constant 0 : i32
    return %arg0, %c0_i32 : i32, i32
  }
  func.func @transform_5(%arg0: i32) -> (i32, i32) {
    %c0_i32 = arith.constant 0 : i32
    %c0_i32_0 = arith.constant 0 : i32
    %c0_i32_1 = arith.constant 0 : i32
    return %c0_i32, %c0_i32_0 : i32, i32
  }
  func.func @transform_6(%arg0: i32) -> (i32, i32) {
    %c0_i32 = arith.constant 0 : i32
    %c0_i32_0 = arith.constant 0 : i32
    %c0_i32_1 = arith.constant 0 : i32
    return %c0_i32, %c0_i32_0 : i32, i32
  }
  func.func @transform_7(%arg0: i32) -> (i32, i32) {
    %c0_i32 = arith.constant 0 : i32
    %c0_i32_0 = arith.constant 0 : i32
    %c0_i32_1 = arith.constant 0 : i32
    return %c0_i32, %c0_i32_0 : i32, i32
  }
  func.func @transform_8(%arg0: i32) -> (i32, i32) {
    %c0_i32 = arith.constant 0 : i32
    %c0_i32_0 = arith.constant 0 : i32
    %c0_i32_1 = arith.constant 0 : i32
    return %c0_i32, %c0_i32_0 : i32, i32
  }
  func.func @transform_9(%arg0: i32) -> (i32, i32) {
    %c0_i32 = arith.constant 0 : i32
    %c0_i32_0 = arith.constant 0 : i32
    return %arg0, %c0_i32 : i32, i32
  }
}

</mosaic_0001>

<sc_bundles>
// kernel: kernel.4.cloned.1.call-start
scs
__scs_entry_jumppad:
0x0: {  	(pc) =	sbr.rel $0x88, $3  }
0x1: {  	(tag) =	ssettag $0x0;
	lr =	simm.s32 $0x1  }
0x2: {  	[smem:$0x3F9C] =	sst lr;
	_ =	strace $0xD0000000  }
0x3: {  	_ = 	snop  }
0x4: {  	_ = 	snop  }
0x5: {  	_ = 	snop  }
0x6: {  	_ = 	snop  }
0x7: {  	_ = 	snop  }
__scs_overlays_trampoline_lowered:
0x8: {  	[smem:$0x3FAB] =	sst s0  }
0x9: {  	[smem:$0x3FAC] =	sst s1  }
0xa: {  	[smem:$0x3FAD] =	sst s2  }
0xb: {  	[smem:$0x3FAE] =	sst s3  }
0xc: {  	[smem:$0x3FAF] =	sst s4  }
0xd: {  	[smem:$0x3FB0] =	sst s5  }
0xe: {  	[smem:$0x3FB1] =	sst s6  }
0xf: {  	[smem:$0x3FB2] =	sst s7  }
0x10: {  	[smem:$0x3FB3] =	sst s8  }
0x11: {  	[smem:$0x3FB4] =	sst s9;
	s0 =	simm.s32 @!p0 $0x0  }
0x12: {  	s1 =	sld [smem:$0x3F9A];
	s0 =	simm.s32 @p0 $0x1  }
0x13: {  	[smem:$0x3FB5] =	sst s0;
	s0 =	simm.s32 @!p1 $0x0  }
0x14: {  	s2 =	sld [smem:$0x3F99];
	s0 =	simm.s32 @p1 $0x1  }
0x15: {  	[smem:$0x3FB6] =	sst s0;
	s0 =	simm.s32 @!p2 $0x0  }
0x16: {  	s3 =	sld [smem:$0x3FDB];
	s0 =	simm.s32 @p2 $0x1  }
0x17: {  	s4 =	simm.s32 $0x1BF5;
	[smem:$0x3FB8] =	sst s0  }
0x18: {  	s0 =	sld [smem:$0x3F9B];
	_ =	swait.ge [sflag:s4], $0x0  }
0x19: {  	s7 =	sld [smem:$0x3F9C]  }
0x1a: {  	s8 =	sadd.s32 $0xFFFFE003, lr  }
0x1b: {  	s9 =	sadd.s32 $0xFFFFFEF7, lr;
	s5 =	simm.s32 $0xFFFFFFFF;
	p2 =	slt.u32 s8, $0xFFFFF086  }
0x1c: {  	p1 =	slt.u32 s9, $0xF7A;
	s5 =	simm.s32 @!p2 $0x0  }
0x1d: {  	s5 =	simm.s32 @p1 $0x1;
	p0 =	seq.s32 s7, s2  }
0x1e: {  	s7 =	smul.u32 @!p0 $0xF7A, s2;
	p2 =	seq.s32 @!p0 s5, $0x0  }
0x1f: {  	s9 =	smul.u32 $0xF7A, s1;
	s8 =	simm.s32 @!p0 $0x1BF5;
	p2 =	por !p2, p0  }
0x20: {  	[sflag:s8] =	ssyncset.s32 @!p0 $0xFFFFF086;
	s6 =	sadd.s32 @!p0 s3, s7;
	s7 =	simm.s32 @!p0 $0x108  }
0x21: {  	s3 =	sadd.s32 s3, s9;
	s6 =	sadd.s32 @!p0 $0x88, s6;
	s7 =	simm.s32 @p2 $0x1082  }
0x22: {  	[simem:s7], [sflag:s8] =	dma.local @!p0 [hbm:s6], $0xF7A  }
0x23: {  	s9 =	sor.u32 $0xD0000000, s2;
	s6 =	simm.s32 $0x108;
	_ =	swait.ge @!p0 [sflag:s8], $0x0  }
0x24: {  	s3 =	sadd.s32 $0x88, s3;
	s6 =	simm.s32 @!p1 $0x1082;
	[sflag:s4] =	ssyncset.s32 $0xFFFFF086  }
0x25: {  	[simem:s6], [sflag:s4] =	dma.local [hbm:s3], $0xF7A  }
0x26: {  	[smem:$0x3F9C] =	sst s1;
	(tag) =	ssettag s2;
	_ =	strace s9  }
0x27: {  	s1 =	sld [smem:$0x3FAC]  }
0x28: {  	s2 =	sld [smem:$0x3FAD]  }
0x29: {  	s4 =	sld [smem:$0x3FAF]  }
0x2a: {  	p0 =	seq.s32 s5, $0x0;
	s5 =	sld [smem:$0x3FB0]  }
0x2b: {  	s6 =	sld [smem:$0x3FB1]  }
0x2c: {  	s7 =	sld [smem:$0x3FB2]  }
0x2d: {  	s3 =	simm.s32 $0x108;
	s8 =	sld [smem:$0x3FB3]  }
0x2e: {  	s3 =	simm.s32 @!p0 $0x1082;
	s9 =	sld [smem:$0x3FB4]  }
0x2f: {  	lr =	sadd.s32 s0, s3;
	s0 =	sld [smem:$0x3FAB]  }
0x30: {  	s3 =	sld [smem:$0x3FAE]  }
0x31: {  	[smem:$0x3FB7] =	sst s10  }
0x32: {  	s10 =	sld [smem:$0x3FB5];
	_ =	sdelay $0x3  }
0x33: {  	p0 =	seq.s32 s10, $0x1;
	s10 =	sld [smem:$0x3FB7];
	_ =	sdelay $0x3  }
0x34: {  	[smem:$0x3FB7] =	sst s10  }
0x35: {  	s10 =	sld [smem:$0x3FB6];
	_ =	sdelay $0x3  }
0x36: {  	p1 =	seq.s32 s10, $0x1;
	s10 =	sld [smem:$0x3FB7];
	_ =	sdelay $0x3  }
0x37: {  	[smem:$0x3FB7] =	sst s10  }
0x38: {  	s10 =	sld [smem:$0x3FB8]  }
0x39: {  	_ = 	snop;
	(pc) =	sbr.ind lr, $3  }
0x3a: {  	_ = 	snop  }
0x3b: {  	_ = 	snop  }
0x3c: {  	p2 =	seq.s32 s10, $0x1;
	s10 =	sld [smem:$0x3FB7]  }
0x3d: {  	_ =	shalt  }
0x3e: {  	_ =	shalt  }
0x3f: {  	_ =	shalt  }
0x40: {  	_ =	shalt  }
0x41: {  	_ =	shalt  }
0x42: {  	_ =	shalt  }
0x43: {  	_ =	shalt  }
0x44: {  	_ =	shalt  }
0x45: {  	_ =	shalt  }
0x46: {  	_ =	shalt  }
0x47: {  	_ =	shalt  }
0x48: {  	_ =	shalt  }
0x49: {  	_ =	shalt  }
0x4a: {  	_ =	shalt  }
0x4b: {  	_ =	shalt  }
0x4c: {  	_ =	shalt  }
0x4d: {  	_ =	shalt  }
0x4e: {  	_ =	shalt  }
0x4f: {  	_ =	shalt  }
0x50: {  	_ =	shalt  }
0x51: {  	_ =	shalt  }
0x52: {  	_ =	shalt  }
0x53: {  	_ =	shalt  }
0x54: {  	_ =	shalt  }
0x55: {  	_ =	shalt  }
0x56: {  	_ =	shalt  }
0x57: {  	_ =	shalt  }
0x58: {  	_ =	shalt  }
0x59: {  	_ =	shalt  }
0x5a: {  	_ =	shalt  }
0x5b: {  	_ =	shalt  }
0x5c: {  	_ =	shalt  }
0x5d: {  	_ =	shalt  }
0x5e: {  	_ =	shalt  }
0x5f: {  	_ =	shalt  }
0x60: {  	_ =	shalt  }
0x61: {  	_ =	shalt  }
0x62: {  	_ =	shalt  }
0x63: {  	_ =	shalt  }
0x64: {  	_ =	shalt  }
0x65: {  	_ =	shalt  }
0x66: {  	_ =	shalt  }
0x67: {  	_ =	shalt  }
0x68: {  	_ =	shalt  }
0x69: {  	_ =	shalt  }
0x6a: {  	_ =	shalt  }
0x6b: {  	_ =	shalt  }
0x6c: {  	_ =	shalt  }
0x6d: {  	_ =	shalt  }
0x6e: {  	_ =	shalt  }
0x6f: {  	_ =	shalt  }
0x70: {  	_ =	shalt  }
0x71: {  	_ =	shalt  }
0x72: {  	_ =	shalt  }
0x73: {  	_ =	shalt  }
0x74: {  	_ =	shalt  }
0x75: {  	_ =	shalt  }
0x76: {  	_ =	shalt  }
0x77: {  	_ =	shalt  }
0x78: {  	_ =	shalt  }
0x79: {  	_ =	shalt  }
0x7a: {  	_ =	shalt  }
0x7b: {  	_ =	shalt  }
0x7c: {  	_ =	shalt  }
0x7d: {  	_ =	shalt  }
0x7e: {  	_ =	shalt  }
0x7f: {  	_ =	shalt  }
0x80: {  	_ =	shalt  }
0x81: {  	_ =	shalt  }
0x82: {  	_ =	shalt  }
0x83: {  	_ =	shalt  }
0x84: {  	_ =	shalt  }
0x85: {  	_ =	shalt  }
0x86: {  	_ =	shalt  }
0x87: {  	_ =	shalt  }
.Lfunc_end0:
.L_simem_size_0:
called_computation_lowered:
.L_overlay_start_0:
0x88: {  	s2 =	sld [smem:$0x3FD9]  }
0x89: {  	s3 =	sld [smem:$0x3FFE];
	_ =	sdelay $0x1  }
0x8a: {  	s1 =	srdreg.scid  }
0x8b: {  	s0 =	sand.u32 $0x1, s1  }
0x8c: {  	s17 =	sshll.u32 s0, $0xA;
	s2 =	sadd.s32 s3, s2  }
0x8d: {  	s2 =	sadd.s32 s2, s17  }
0x8e: {  	[smem:$0x3FC3] =	sst s2  }
0x8f: {  	_ = 	snop  }
0x90: {  	s2 =	sld [smem:$0x3FD0];
	(tm) =	ssettm $0x1  }
0x91: {  	s18 =	sld [smem:$0x3FFB];
	_ =	sdelay $0x3  }
0x92: {  	_ =	strace s18  }
0x93: {  	s3 =	sld [smem:$0x3FFC];
	_ =	sdelay $0x3  }
0x94: {  	_ =	strace s3  }
0x95: {  	s3 =	sld [smem:$0x3FFD];
	_ =	sdelay $0x3  }
0x96: {  	_ =	strace s3  }
0x97: {  	_ =	strace $0x8FFFFFFF  }
0x98: {  	s19 =	sld [smem:$0x3FDB];
	_ =	sdelay $0x1  }
0x99: {  	s4 =	simm.s32 $_scs_section_size  }
0x9a: {  	s5 =	simm.s32 $_size__tile_overlayer_lowered;
	s6 =	simm.s32 $_tile_overlayer_lowered  }
0x9b: {  	s22 =	simm.s32 $0x1BFF;
	s21 =	sshll.u32 s6, $0x1;
	s3 =	sadd.s32 s4, s19  }
0x9c: {  	s7 =	simm.s32 $0x0;
	s20 =	sshll.u32 s5, $0x1;
	s5 =	sadd.s32 s21, s3  }
0x9d: {  	[timem:s7], [sflag:s22] =	dma.local [hbm:s5], s20  }
0x9e: {  	_ =	swait.ge [sflag:s22], s20  }
0x9f: {  	s4 =	ssub.s32 $0x0, s20;
	[sflag:s22] =	ssyncset.done $0x0  }
0xa0: {  	[sflag:s22] =	ssyncadd.s32 s4;
	_ =	sdelay $0x1  }
0xa1: {  	s23 =	simm.s32 $0x1B8B  }
0xa2: {  	_ =	swait.ge [sflag:s23], $0x1  }
0xa3: {  	[sflag:s23] =	ssyncset.done $0x0  }
0xa4: {  	s25 =	simm.s32 $0x1B8E;
	s24 =	sld [smem:$0x3FFE];
	[sflag:s23] =	ssyncadd.s32 $0xFFFFFFFF  }
0xa5: {  	s26 =	simm.s32 $execute0_lowered;
	[smem:$0x3FD2] =	sst s25  }
0xa6: {  	s5 =	sshll.u32 s26, $0x1;
	_ =	strace $0x80000046;
	[dreg:$0x1] =	wrdreg $0xFFFFFFFF  }
0xa7: {  	s28 =	simm.s32 $_size_execute0_lowered;
	s3 =	sadd.s32 s3, s5;
	[dreg:$0x0] =	wrdreg $0x0  }
0xa8: {  	s5 =	sshll.u32 s28, $0x1;
	[dreg:$0x2] =	wrdreg s3  }
0xa9: {  	[dreg:$0x3] =	wrdreg s5  }
0xaa: {  	[dreg:$0x4] =	wrdreg $0xC0  }
0xab: {  	_ =	task [dreg:s7], $0x5FFFF  }
0xac: {  	[dreg:$0x1] =	wrdreg $0xFFFFFFFF  }
0xad: {  	[dreg:$0x0] =	wrdreg $0x60  }
0xae: {  	[dreg:$0x2] =	wrdreg s24  }
0xaf: {  	[dreg:$0x3] =	wrdreg s2  }
0xb0: {  	[dreg:$0x4] =	wrdreg $0x92800  }
0xb1: {  	[dreg:$0x5] =	wrdreg $0x1D2800  }
0xb2: {  	[dreg:$0x6] =	wrdreg $0x9  }
0xb3: {  	_ =	task.clear_ibuf [dreg:s7], $0x7FFFF;
	_ =	strace $0x90000046  }
0xb4: {  	s29 =	simm.s32 $0x9;
	_ =	strace $0x80000048  }
0xb5: {  	_ =	swait.ge [sflag:s29], $0x1  }
0xb6: {  	[sflag:s29] =	ssyncadd.s32 $0xFFFFFFFF  }
0xb7: {  	_ =	strace $0x90000048  }
0xb8: {  	_ =	sfence  }
0xb9: {  	s30 =	sld [smem:$0x0];
	_ =	sdelay $0x2  }
0xba: {  	s31 =	sshll.u32 s1, $0xD;
	s1 =	sshrl.u32 s1, $0x2  }
0xbb: {  	s3 =	sand.u32 $0x4000, s31;
	s1 =	sadd.s32 s1, s30  }
0xbc: {  	s0 =	sor.u32 s3, s0;
	s1 =	sshll.u32 s1, $0x11  }
0xbd: {  	s0 =	sor.u32 s1, s0  }
0xbe: {  	s0 =	sadd.s32 $0x8F2B, s0  }
0xbf: {  	[sflag:s0] =	ssyncadd.remote.s32 $0x1  }
0xc0: {  	_ =	sfence.sel $0xFFFF  }
0xc1: {  	[dreg:$0x0] =	wrdreg $0xFFFFFFFF;
	(pc) =	sbr.abs _section_cstart, $3  }
0xc2: {  	[dreg:$0x1] =	wrdreg $0xFFFFFFFF  }
0xc3: {  	_ =	task.clear_ibuf [dreg:s7], $0x2FFFF;
	_ =	strace $0x9FFFFFFF  }
0xc4: {  	(tm) =	ssettm $0x7FFFFFFF  }
0xc5: {  	_ =	shalt  }
tec
execute0_lowered:
.L_overlay_start_1:
0x0: {  	(tag) =	ssettag $0x1  }
0x1: {  	s0 =	rddreg [dreg:$0x0]  }
0x2: {  	s10 =	stileid.u32;
	s3 =	rddreg [dreg:$0x2]  }
0x3: {  	s4 =	rddreg [dreg:$0x3];
	s5 =	simm.s32 $0x0;
	s13 =	srdreg.scid  }
0x4: {  	s28 =	simm.s32 $0x7B80;
	s29 =	simm.s32 $0x2980;
	s1 =	sshrl.u32 s10, $0x3  }
0x5: {  	s2 =	sshll.u32 s10, $0x7;
	[smem:$0x7FF] =	sst s5;
	s14 =	smul.u32 $0x50000, s10  }
0x6: {  	s9 =	sadd.s32 $0x65000, s0;
	s15 =	sadd.s32 $0x64400, s0;
	s18 =	smul.u32 $0x280, s10  }
0x7: {  	s1 =	smul.u32 $0x13C00, s1;
	_ =	strace $0x80000047;
	[dreg:$0x5] =	wrdreg s9  }
0x8: {  	s30 =	simm.s32 $0x1;
	s2 =	sand.u32 $0x380, s2;
	[dreg:$0x6] =	wrdreg s15  }
0x9: {  	s5 =	sshrl.u32 s14, $0x2;
	s19 =	sadd.s32 s18, s4;
	s1 =	sor.u32 s2, s1  }
0xa: {  	s2 =	sand.u32 $0x1, s13;
	s13 =	sshrl.u32 s18, $0x3;
	[dreg:$0x12] =	wrdreg s19  }
0xb: {  	s31 =	simm.s32 $0x10;
	s5 =	sadd.s32 s5, s3;
	[dreg:$0x14] =	wrdreg s13  }
0xc: {  	s6 =	sadd.s32 $0x3D200, s0;
	s11 =	sadd.s32 $0x1400, s5;
	[dreg:$0x8] =	wrdreg s5  }
0xd: {  	s7 =	sadd.s32 $0x16000, s0;
	s20 =	sadd.s32 $0x2800, s5;
	[dreg:$0x9] =	wrdreg s11  }
0xe: {  	s8 =	sadd.s32 $0x6000, s0;
	s21 =	sadd.s32 $0x3C00, s5;
	[dreg:$0xa] =	wrdreg s20  }
0xf: {  	s12 =	sshll.u32 s10, $0xC;
	s22 =	sadd.s32 $0x5000, s5;
	[dreg:$0xb] =	wrdreg s21  }
0x10: {  	s9 =	sshll.u32 s10, $0xF;
	s23 =	sadd.s32 $0x6400, s5;
	[dreg:$0xc] =	wrdreg s22  }
0x11: {  	s1 =	sshrl.u32 s1, $0x3;
	s24 =	sadd.s32 $0x7800, s5;
	[dreg:$0xd] =	wrdreg s23  }
0x12: {  	s16 =	ssub.s32 $0x2, s2;
	s25 =	sadd.s32 $0x8C00, s5;
	[dreg:$0xe] =	wrdreg s24  }
0x13: {  	s26 =	sadd.s32 $0xA000, s5;
	p0 =	sne.s32 s2, $0x0;
	[dreg:$0xf] =	wrdreg s25  }
0x14: {  	s14 =	sadd.s32 $0xB400, s5;
	s15 =	sadd.s32 $0xC800, s5;
	[dreg:$0x10] =	wrdreg s26  }
0x15: {  	s18 =	sadd.s32 $0x10400, s5;
	s13 =	simm.s32 $0x3;
	[dreg:$0x16] =	wrdreg s14  }
0x16: {  	s2 =	simm.s32 $0x14;
	s1 =	sadd.s32 s1, s0;
	[dreg:$0x17] =	wrdreg s15  }
0x17: {  	s0 =	sadd.s32 $0x64A00, s0;
	s17 =	sshrl.u32 s16, $0x1;
	[dreg:$0x1a] =	wrdreg s18  }
0x18: {  	s20 =	sadd.s32 $0x11800, s5;
	s21 =	sadd.s32 $0x12C00, s5;
	[dreg:$0x7] =	wrdreg s0  }
0x19: {  	s26 =	smul.u32 $0x2800, s10;
	s15 =	simm.s32 $0x2B80;
	[dreg:$0x1b] =	wrdreg s20  }
0x1a: {  	s18 =	simm.s32 $0x2780;
	s1 =	sadd.s32 $0x1000, s1;
	[dreg:$0x1c] =	wrdreg s21  }
0x1b: {  	s0 =	ssub.s32 s16, s17;
	s16 =	sadd.s32 $0xDC00, s5;
	[dreg:$0x11] =	wrdreg s1  }
0x1c: {  	s11 =	simm.s32 $0x2;
	s17 =	sadd.s32 $0xF000, s5;
	[dreg:$0x18] =	wrdreg s16  }
0x1d: {  	s14 =	simm.s32 $0x12;
	s20 =	simm.s32 $0x0;
	[dreg:$0x19] =	wrdreg s17  }
0x1e: {  	s1 =	sadd.s32 s8, s12;
	s0 =	smax.u32 s0, $0x1;
	[smem:$0x7FD] =	sst s26  }
0x1f: {  	s16 =	simm.s32 $0x15;
	s17 =	simm.s32 $0x28;
	[dreg:$0x15] =	wrdreg s0  }
.Ltmp0:
0x20: {  	s22 =	sadd.s32 $0x10, s1;
	[dreg:$0x13] =	wrdreg s1;
	(pc) =	sbr.rel .LBB2_1-.Ltmp0, $4  }
0x21: {  	s26 =	simm.s32 $0x3F80;
	s23 =	sadd.s32 $0x20, s1;
	[dreg:$0x1d] =	wrdreg s22  }
0x22: {  	s12 =	simm.s32 $0x5;
	s24 =	sadd.s32 $0x30, s1;
	[dreg:$0x1e] =	wrdreg s23  }
0x23: {  	s25 =	sadd.s32 $0x40, s1;
	s0 =	simm.s32 $0x11;
	[dreg:$0x1f] =	wrdreg s24  }
0x24: {  	v0 =	vimm.f32 $1.000000000e+00;
	v1 =	vimm.f32 $0.0e+00;
	[smem:$0x7FC] =	sst s25;
	s23 =	simm.s32 $0x4;
	s22 =	simm.s32 $0x13  }
.LBB2_13:
0x25: {  	s10 =	rddreg [dreg:$0x5]  }
0x26: {  	s5 =	rddreg [dreg:$0x7]  }
0x27: {  	s20 =	sld [smem:$0x7FB]  }
.LBB2_14:
0x28: {  	s1 =	sld [smem:$0x7FD];
	_ =	sdelay $0x1  }
0x29: {  	s19 =	stileid.u32;
	[bflag:$0x0] =	sbarrier.arrive $0xFFFF  }
0x2a: {  	s1 =	sadd.s32 s10, s1;
	s10 =	sshll.u32 s19, $0x6;
	s19 =	rddreg [dreg:$0x8]  }
0x2b: {  	s10 =	sor.u32 $0x1C15, s10;
	s19 =	sshrl.u32 s19, $0x3  }
0x2c: {  	[hbm:s1], [sflag:s10] =	dma.local [spmem:s19], $0x2800  }
0x2d: {  	_ =	swait.ge [sflag:s16], $0x2800  }
0x2e: {  	s21 =	rddreg [dreg:$0x14]  }
0x2f: {  	[sflag:s16] =	ssyncset.done $0x0;
	s19 =	rddreg [dreg:$0x12]  }
0x30: {  	s1 =	sadd.s32 s5, s21;
	[sflag:s16] =	ssyncadd.s32 $0xFFFFD800;
	s24 =	sshrl.u32 s19, $0x3  }
0x31: {  	[hbm:s1], [sflag:s10] =	dma.local [spmem:s24], $0x50  }
0x32: {  	_ =	swait.ge [sflag:s16], $0x50  }
0x33: {  	s20 =	sadd.s32 $0x1, s20;
	s25 =	rddreg [dreg:$0x15]  }
0x34: {  	p1 =	sne.s32 s20, s25  }
.Ltmp1:
0x35: {  	_ = 	snop;
	(pc) =	sbr.rel @!p1 .LBB2_15-.Ltmp1, $3  }
0x36: {  	_ =	sdelay $0x1  }
0x37: {  	[sflag:s16] =	ssyncset.done $0x0  }
0x38: {  	[sflag:s16] =	ssyncadd.s32 $0xFFFFFFB0  }
.LBB2_1:
0x39: {  	[tilespmem:$0x8F80] =	vst v0  }
0x3a: {  	[tilespmem:$0x8F90] =	vst v0  }
0x3b: {  	[tilespmem:$0x9000] =	vst v1  }
0x3c: {  	[tilespmem:$0x9010] =	vst v1  }
0x3d: {  	[tilespmem:$0x9020] =	vst v1  }
0x3e: {  	[tilespmem:$0x9030] =	vst v1  }
0x3f: {  	[tilespmem:$0x9040] =	vst v1  }
0x40: {  	[tilespmem:$0x9050] =	vst v1  }
0x41: {  	[tilespmem:$0x9060] =	vst v1  }
0x42: {  	[tilespmem:$0x9070] =	vst v1  }
0x43: {  	[tilespmem:$0x9080] =	vst v1  }
0x44: {  	[tilespmem:$0x9090] =	vst v1  }
0x45: {  	[tilespmem:$0x90A0] =	vst v1  }
0x46: {  	[tilespmem:$0x90B0] =	vst v1  }
0x47: {  	[tilespmem:$0x90C0] =	vst v1  }
0x48: {  	[tilespmem:$0x90D0] =	vst v1  }
0x49: {  	[tilespmem:$0x90E0] =	vst v1  }
0x4a: {  	[tilespmem:$0x90F0] =	vst v1  }
0x4b: {  	[tilespmem:$0x9100] =	vst v1  }
0x4c: {  	[tilespmem:$0x9110] =	vst v1  }
0x4d: {  	[tilespmem:$0x9120] =	vst v1  }
0x4e: {  	[tilespmem:$0x9130] =	vst v1  }
0x4f: {  	[tilespmem:$0x9140] =	vst v1  }
0x50: {  	[tilespmem:$0x9150] =	vst v1  }
0x51: {  	[tilespmem:$0x9160] =	vst v1  }
0x52: {  	[tilespmem:$0x9170] =	vst v1  }
0x53: {  	[tilespmem:$0x9180] =	vst v1  }
0x54: {  	[tilespmem:$0x9190] =	vst v1  }
0x55: {  	[tilespmem:$0x91A0] =	vst v1  }
0x56: {  	[tilespmem:$0x91B0] =	vst v1  }
0x57: {  	[tilespmem:$0x91C0] =	vst v1  }
0x58: {  	[tilespmem:$0x91D0] =	vst v1  }
0x59: {  	[tilespmem:$0x91E0] =	vst v1  }
0x5a: {  	[tilespmem:$0x91F0] =	vst v1  }
0x5b: {  	[tilespmem:$0x9200] =	vst v1  }
0x5c: {  	[tilespmem:$0x9210] =	vst v1  }
0x5d: {  	[tilespmem:$0x9220] =	vst v1  }
0x5e: {  	[tilespmem:$0x9230] =	vst v1  }
0x5f: {  	[tilespmem:$0x9240] =	vst v1  }
0x60: {  	[tilespmem:$0x9250] =	vst v1  }
0x61: {  	[tilespmem:$0x9260] =	vst v1  }
0x62: {  	[tilespmem:$0x9270] =	vst v1  }
0x63: {  	[smem:$0x7FB] =	sst s20;
	s5 =	simm.s32 $0x0;
	s10 =	simm.s32 $0x200;
	[tilespmem:$0x8F98] =	vst v0  }
.LBB2_2:
0x64: {  	p1 =	sne.s32 s10, $0x4E00;
	[tilespmem:s5+$0x2BF0] =	vst v1  }
0x65: {  	[tilespmem:s5+$0x2B80] =	vst v1  }
0x66: {  	[tilespmem:s5+$0x2B90] =	vst v1  }
.Ltmp2:
0x67: {  	[tilespmem:s5+$0x2BA0] =	vst v1;
	(pc) =	sbr.rel @p1 .LBB2_2-.Ltmp2, $4  }
0x68: {  	[tilespmem:s5+$0x2BB0] =	vst v1  }
0x69: {  	[tilespmem:s5+$0x2BC0] =	vst v1  }
0x6a: {  	[tilespmem:s5+$0x2BD0] =	vst v1  }
0x6b: {  	[tilespmem:s5+$0x2BE0] =	vst v1;
	s5 =	sshra.s32 s10, $0x2;
	s10 =	sadd.s32 $0x200, s10  }
0x6c: {  	[tilespmem:s5+$0x2BF0] =	vst v1  }
0x6d: {  	[tilespmem:s5+$0x2B80] =	vst v1  }
0x6e: {  	[tilespmem:s5+$0x2B90] =	vst v1  }
0x6f: {  	[tilespmem:s5+$0x2BA0] =	vst v1  }
0x70: {  	[tilespmem:s5+$0x2BB0] =	vst v1  }
0x71: {  	[tilespmem:s5+$0x2BC0] =	vst v1  }
0x72: {  	[tilespmem:s5+$0x2BD0] =	vst v1  }
0x73: {  	[tilespmem:s5+$0x2BE0] =	vst v1;
	s1 =	rddreg [dreg:$0x8]  }
0x74: {  	[spmem:s1] =	stream.linear.scatter [tilespmem:s15], [sflag:$0x15], $0x1400, $0x38;
	[tilespmem:$0x1D500] =	vst v63  }
0x75: {  	_ =	swait.ge [sflag:s16], $0x1400  }
0x76: {  	[sflag:s16] =	ssyncset.done $0x0  }
0x77: {  	s5 =	rddreg [dreg:$0x9];
	[sflag:s16] =	ssyncadd.s32 $0xFFFFEC00  }
0x78: {  	[spmem:s5] =	stream.linear.scatter [tilespmem:s15], [sflag:$0x15], $0x1400, $0x38;
	[tilespmem:$0x1D500] =	vst v63  }
0x79: {  	_ =	swait.ge [sflag:s16], $0x1400  }
0x7a: {  	[sflag:s16] =	ssyncset.done $0x0  }
0x7b: {  	s10 =	rddreg [dreg:$0xa];
	[sflag:s16] =	ssyncadd.s32 $0xFFFFEC00  }
0x7c: {  	[spmem:s10] =	stream.linear.scatter [tilespmem:s15], [sflag:$0x15], $0x1400, $0x38;
	[tilespmem:$0x1D500] =	vst v63  }
0x7d: {  	_ =	swait.ge [sflag:s16], $0x1400  }
0x7e: {  	[sflag:s16] =	ssyncset.done $0x0  }
0x7f: {  	s20 =	rddreg [dreg:$0xb];
	[sflag:s16] =	ssyncadd.s32 $0xFFFFEC00  }
0x80: {  	[spmem:s20] =	stream.linear.scatter [tilespmem:s15], [sflag:$0x15], $0x1400, $0x38;
	[tilespmem:$0x1D500] =	vst v63  }
0x81: {  	_ =	swait.ge [sflag:s16], $0x1400  }
0x82: {  	[sflag:s16] =	ssyncset.done $0x0  }
0x83: {  	s21 =	rddreg [dreg:$0xc];
	[sflag:s16] =	ssyncadd.s32 $0xFFFFEC00  }
0x84: {  	[spmem:s21] =	stream.linear.scatter [tilespmem:s15], [sflag:$0x15], $0x1400, $0x38;
	[tilespmem:$0x1D500] =	vst v63  }
0x85: {  	_ =	swait.ge [sflag:s16], $0x1400  }
0x86: {  	[sflag:s16] =	ssyncset.done $0x0  }
0x87: {  	s24 =	rddreg [dreg:$0xd];
	[sflag:s16] =	ssyncadd.s32 $0xFFFFEC00  }
0x88: {  	[spmem:s24] =	stream.linear.scatter [tilespmem:s15], [sflag:$0x15], $0x1400, $0x38;
	[tilespmem:$0x1D500] =	vst v63  }
0x89: {  	_ =	swait.ge [sflag:s16], $0x1400  }
0x8a: {  	[sflag:s16] =	ssyncset.done $0x0  }
0x8b: {  	s25 =	rddreg [dreg:$0xe];
	[sflag:s16] =	ssyncadd.s32 $0xFFFFEC00  }
0x8c: {  	[spmem:s25] =	stream.linear.scatter [tilespmem:s15], [sflag:$0x15], $0x1400, $0x38;
	[tilespmem:$0x1D500] =	vst v63  }
0x8d: {  	_ =	swait.ge [sflag:s16], $0x1400  }
0x8e: {  	[sflag:s16] =	ssyncset.done $0x0  }
0x8f: {  	s5 =	rddreg [dreg:$0xf];
	[sflag:s16] =	ssyncadd.s32 $0xFFFFEC00  }
0x90: {  	[spmem:s5] =	stream.linear.scatter [tilespmem:s15], [sflag:$0x15], $0x1400, $0x38;
	[tilespmem:$0x1D500] =	vst v63  }
0x91: {  	_ =	swait.ge [sflag:s16], $0x1400  }
0x92: {  	[sflag:s16] =	ssyncset.done $0x0  }
0x93: {  	s10 =	rddreg [dreg:$0x10];
	[sflag:s16] =	ssyncadd.s32 $0xFFFFEC00  }
0x94: {  	[spmem:s10] =	stream.linear.scatter [tilespmem:s15], [sflag:$0x15], $0x1400, $0x38;
	[tilespmem:$0x1D500] =	vst v63  }
0x95: {  	_ =	swait.ge [sflag:s16], $0x1400  }
0x96: {  	[sflag:s16] =	ssyncset.done $0x0  }
0x97: {  	s20 =	rddreg [dreg:$0x16];
	[sflag:s16] =	ssyncadd.s32 $0xFFFFEC00  }
0x98: {  	[spmem:s20] =	stream.linear.scatter [tilespmem:s15], [sflag:$0x15], $0x1400, $0x38;
	[tilespmem:$0x1D500] =	vst v63  }
0x99: {  	_ =	swait.ge [sflag:s16], $0x1400  }
0x9a: {  	[sflag:s16] =	ssyncset.done $0x0  }
0x9b: {  	s21 =	rddreg [dreg:$0x17];
	[sflag:s16] =	ssyncadd.s32 $0xFFFFEC00  }
0x9c: {  	[spmem:s21] =	stream.linear.scatter [tilespmem:s15], [sflag:$0x15], $0x1400, $0x38;
	[tilespmem:$0x1D500] =	vst v63  }
0x9d: {  	_ =	swait.ge [sflag:s16], $0x1400  }
0x9e: {  	[sflag:s16] =	ssyncset.done $0x0  }
0x9f: {  	s24 =	rddreg [dreg:$0x18];
	[sflag:s16] =	ssyncadd.s32 $0xFFFFEC00  }
0xa0: {  	[spmem:s24] =	stream.linear.scatter [tilespmem:s15], [sflag:$0x15], $0x1400, $0x38;
	[tilespmem:$0x1D500] =	vst v63  }
0xa1: {  	_ =	swait.ge [sflag:s16], $0x1400  }
0xa2: {  	[sflag:s16] =	ssyncset.done $0x0  }
0xa3: {  	s25 =	rddreg [dreg:$0x19];
	[sflag:s16] =	ssyncadd.s32 $0xFFFFEC00  }
0xa4: {  	[spmem:s25] =	stream.linear.scatter [tilespmem:s15], [sflag:$0x15], $0x1400, $0x38;
	[tilespmem:$0x1D500] =	vst v63  }
0xa5: {  	_ =	swait.ge [sflag:s16], $0x1400  }
0xa6: {  	[sflag:s16] =	ssyncset.done $0x0  }
0xa7: {  	s5 =	rddreg [dreg:$0x1a];
	[sflag:s16] =	ssyncadd.s32 $0xFFFFEC00  }
0xa8: {  	[spmem:s5] =	stream.linear.scatter [tilespmem:s15], [sflag:$0x15], $0x1400, $0x38;
	[tilespmem:$0x1D500] =	vst v63  }
0xa9: {  	_ =	swait.ge [sflag:s16], $0x1400  }
0xaa: {  	[sflag:s16] =	ssyncset.done $0x0  }
0xab: {  	s10 =	rddreg [dreg:$0x1b];
	[sflag:s16] =	ssyncadd.s32 $0xFFFFEC00  }
0xac: {  	[spmem:s10] =	stream.linear.scatter [tilespmem:s15], [sflag:$0x15], $0x1400, $0x38;
	[tilespmem:$0x1D500] =	vst v63  }
0xad: {  	_ =	swait.ge [sflag:s16], $0x1400  }
0xae: {  	[sflag:s16] =	ssyncset.done $0x0  }
0xaf: {  	s20 =	rddreg [dreg:$0x1c];
	[sflag:s16] =	ssyncadd.s32 $0xFFFFEC00  }
0xb0: {  	[spmem:s20] =	stream.linear.scatter [tilespmem:s15], [sflag:$0x15], $0x1400, $0x38;
	[tilespmem:$0x1D500] =	vst v63  }
0xb1: {  	_ =	swait.ge [sflag:s16], $0x1400  }
0xb2: {  	s21 =	simm.s32 $0x0;
	s10 =	simm.s32 $0x80;
	[sflag:s16] =	ssyncset.done $0x0  }
0xb3: {  	s20 =	simm.s32 $0x400;
	s24 =	rddreg [dreg:$0x11];
	[sflag:s16] =	ssyncadd.s32 $0xFFFFEC00  }
0xb4: {  	[tilespmem:s21], [sflag:$0x15] =	stream.strided.gather [hbm4b:s24+s10], $0x2780, s20, s10, $0x38;
	[tilespmem:$0x1D500] =	vst v63  }
0xb5: {  	_ =	swait.ge [sflag:s16], $0x2780  }
0xb6: {  	[sflag:s16] =	ssyncset.done $0x0  }
0xb7: {  	s25 =	simm.s32 $0x9000;
	[sflag:s16] =	ssyncadd.s32 $0xFFFFD880  }
0xb8: {  	[spmem:s19] =	stream.linear.scatter [tilespmem:s25], [sflag:$0x15], $0x280, $0x38;
	[tilespmem:$0x1D500] =	vst v63  }
.Ltmp3:
0xb9: {  	_ =	swait.ge [sflag:s16], $0x280;
	(pc) =	sbr.rel @p0 .LBB2_11-.Ltmp3, $4  }
0xba: {  	[sflag:s16] =	ssyncset.done $0x0  }
0xbb: {  	[sflag:s16] =	ssyncadd.s32 $0xFFFFFD80  }
0xbc: {  	[bflag:$0x0] =	sbarrier.arrive $0xFFFF  }
0xbd: {  	s10 =	simm.s32 $0x0  }
0xbe: {  	[tilespmem:s15], [sflag:$0x1] =	stream.indirect.gather [hbm4b:s6+s17], $0x80, s10, s17, $0xb8;
	[tilespmem:$0x1D500] =	vst v63  }
0xbf: {  	s1 =	rddreg [dreg:$0x13]  }
0xc0: {  	[tilespmem:s18], [sflag:$0x10] =	stream.linear.gather [hbm4b:s1+s10], $0x80, $0x38;
	[tilespmem:$0x1D500] =	vst v63  }
0xc1: {  	_ = 	snop  }
0xc2: {  	[tilespmem:s26], [sflag:$0x2] =	stream.indirect.gather [hbm4b:s6+s17], $0x80, s17, s17, $0xb8;
	[tilespmem:$0x1D500] =	vst v63  }
0xc3: {  	s20 =	rddreg [dreg:$0x1d];
	s5 =	simm.s32 $0x2800  }
0xc4: {  	[tilespmem:s5], [sflag:$0x11] =	stream.linear.gather [hbm4b:s20+s10], $0x80, $0x38;
	[tilespmem:$0x1D500] =	vst v63  }
0xc5: {  	s21 =	simm.s32 $0x50;
	s24 =	simm.s32 $0x5380  }
0xc6: {  	[tilespmem:s24], [sflag:$0x3] =	stream.indirect.gather [hbm4b:s6+s17], $0x80, s21, s17, $0xb8;
	[tilespmem:$0x1D500] =	vst v63  }
0xc7: {  	s25 =	rddreg [dreg:$0x1e];
	s26 =	simm.s32 $0x2880  }
0xc8: {  	[tilespmem:s26], [sflag:$0x12] =	stream.linear.gather [hbm4b:s25+s10], $0x80, $0x38;
	[tilespmem:$0x1D500] =	vst v63  }
0xc9: {  	s19 =	simm.s32 $0x78;
	s20 =	simm.s32 $0x6780  }
0xca: {  	[tilespmem:s20], [sflag:$0x4] =	stream.indirect.gather [hbm4b:s6+s17], $0x80, s19, s17, $0xb8;
	[tilespmem:$0x1D500] =	vst v63  }
0xcb: {  	s21 =	rddreg [dreg:$0x1f];
	s24 =	simm.s32 $0x2900  }
0xcc: {  	[tilespmem:s24], [sflag:$0x13] =	stream.linear.gather [hbm4b:s21+s10], $0x80, $0x38;
	[tilespmem:$0x1D500] =	vst v63  }
.Ltmp4:
0xcd: {  	_ = 	snop;
	(pc) =	sbr.rel .LBB2_5-.Ltmp4, $4  }
0xce: {  	s25 =	simm.s32 $0xA0;
	s26 =	sld [smem:$0x7FC]  }
0xcf: {  	[tilespmem:s28], [sflag:$0x5] =	stream.indirect.gather [hbm4b:s6+s17], $0x80, s25, s17, $0xb8;
	[tilespmem:$0x1D500] =	vst v63  }
0xd0: {  	s5 =	simm.s32 $0x168;
	s19 =	simm.s32 $0x0  }
0xd1: {  	[tilespmem:s29], [sflag:$0x14] =	stream.linear.gather [hbm4b:s26+s10], $0x80, $0x38;
	[tilespmem:$0x1D500] =	vst v63  }
.LBB2_6:
0xd2: {  	s1 =	simm.s32 $0x8F80;
	s25 =	simm.s32 $0x6  }
0xd3: {  	[spmem:s4] =	stream.indirect.scatter.add.f32 [tilespmem:s1], [sflag:$0xB], $0x1, s18, s17, $0xb8;
	[tilespmem:$0x1D500] =	vst v63  }
0xd4: {  	_ =	swait.ge [sflag:s25], $0x1400  }
0xd5: {  	[sflag:s25] =	ssyncset.done $0x0  }
0xd6: {  	s26 =	simm.s32 $0xB;
	[sflag:s25] =	ssyncadd.s32 $0xFFFFEC00  }
0xd7: {  	_ =	swait.ge [sflag:s26], $0x28  }
0xd8: {  	[sflag:s26] =	ssyncset.done $0x0  }
0xd9: {  	s24 =	simm.s32 $0x3F80;
	[sflag:s26] =	ssyncadd.s32 $0xFFFFFFD8  }
.LBB2_8:
0xda: {  	s20 =	sadd.s32 $0xFFFFFF60, s5;
	s26 =	sadd.s32 $0x280, s10  }
0xdb: {  	[tilespmem:s15], [sflag:$0x1] =	stream.indirect.gather [hbm4b:s6+s17], $0x80, s20, s17, $0xb8;
	[tilespmem:$0x1D500] =	vst v63  }
0xdc: {  	s21 =	sand.u32 $0x1FC00, s26  }
0xdd: {  	s20 =	sand.u32 $0x380, s26;
	s21 =	sadd.s32 s9, s21  }
0xde: {  	s20 =	sor.u32 s20, s21  }
0xdf: {  	s20 =	sshrl.u32 s20, $0x3  }
0xe0: {  	s1 =	simm.s32 $0x0;
	p2 =	por $0x0, $0x0;
	s20 =	sadd.s32 s8, s20  }
0xe1: {  	[tilespmem:s18], [sflag:$0x10] =	stream.linear.gather [hbm4b:s20+s1], $0x80, $0x38;
	[tilespmem:$0x1D500] =	vst v63  }
.LBB2_9:
0xe2: {  	_ =	swait.ge [sflag:s11], $0x1400  }
0xe3: {  	[sflag:s11] =	ssyncset.done $0x0  }
0xe4: {  	[sflag:s11] =	ssyncadd.s32 $0xFFFFEC00  }
0xe5: {  	_ =	swait.ge [sflag:s0], $0x80  }
0xe6: {  	[sflag:s0] =	ssyncset.done $0x0  }
0xe7: {  	s1 =	simm.s32 $0x2800;
	s20 =	simm.s32 @p1 $0x7;
	[sflag:s0] =	ssyncadd.s32 $0xFFFFFF80  }
0xe8: {  	[spmem:s3] =	stream.indirect.scatter.add.f32 [tilespmem:s24], [sflag:$0x7], $0x80, s1, s17, $0xb8;
	[tilespmem:$0x1D500] =	vst v63  }
0xe9: {  	_ =	swait.ge @p1 [sflag:s20], $0x1400  }
0xea: {  	s21 =	simm.s32 @!p1 $0x8F80;
	[sflag:s20] =	ssyncset.done @p1 $0x0  }
0xeb: {  	s24 =	simm.s32 @!p1 $0x2800;
	[sflag:s20] =	ssyncadd.s32 @p1 $0xFFFFEC00;
	s20 =	simm.s32 @!p1 $0x28  }
0xec: {  	[spmem:s4] =	stream.indirect.scatter.add.f32 @!p1 [tilespmem:s21], [sflag:$0xC], $0x1, s24, s20, $0xb8;
	[tilespmem:$0x1D500] =	vst v63  }
0xed: {  	s24 =	simm.s32 @!p1 $0x7  }
0xee: {  	_ =	swait.ge @!p1 [sflag:s24], $0x1400  }
0xef: {  	[sflag:s24] =	ssyncset.done @!p1 $0x0  }
0xf0: {  	[sflag:s24] =	ssyncadd.s32 @!p1 $0xFFFFEC00;
	s24 =	simm.s32 @!p1 $0xC  }
0xf1: {  	_ =	swait.ge @!p1 [sflag:s24], $0x28  }
0xf2: {  	s25 =	sadd.s32 @!p2 $0xFFFFFF88, s5;
	[sflag:s24] =	ssyncset.done @!p1 $0x0  }
0xf3: {  	s26 =	simm.s32 @!p2 $0x3F80;
	[sflag:s24] =	ssyncadd.s32 @!p1 $0xFFFFFFD8;
	s24 =	simm.s32 @!p2 $0x28  }
0xf4: {  	[tilespmem:s26], [sflag:$0x2] =	stream.indirect.gather @!p2 [hbm4b:s6+s24], $0x80, s25, s24, $0xb8;
	[tilespmem:$0x1D500] =	vst v63  }
0xf5: {  	s25 =	sadd.s32 @!p2 $0x300, s10  }
0xf6: {  	s26 =	sand.u32 @!p2 $0x1FC00, s25  }
0xf7: {  	s25 =	sand.u32 @!p2 $0x380, s25;
	s26 =	sadd.s32 @!p2 s9, s26  }
0xf8: {  	s25 =	sor.u32 @!p2 s25, s26  }
0xf9: {  	s25 =	sshrl.u32 @!p2 s25, $0x3  }
0xfa: {  	s1 =	simm.s32 @!p2 $0x2800;
	s26 =	sadd.s32 @!p2 s8, s25;
	s25 =	simm.s32 @!p2 $0x0  }
0xfb: {  	[tilespmem:s1], [sflag:$0x11] =	stream.linear.gather @!p2 [hbm4b:s26+s25], $0x80, $0x38;
	[tilespmem:$0x1D500] =	vst v63  }
0xfc: {  	_ =	swait.ge [sflag:s13], $0x1400  }
0xfd: {  	[sflag:s13] =	ssyncset.done $0x0  }
0xfe: {  	[sflag:s13] =	ssyncadd.s32 $0xFFFFEC00  }
0xff: {  	_ =	swait.ge [sflag:s14], $0x80  }
0x100: {  	[sflag:s14] =	ssyncset.done $0x0  }
0x101: {  	s1 =	simm.s32 $0x5380;
	s26 =	simm.s32 $0x2880;
	[sflag:s14] =	ssyncadd.s32 $0xFFFFFF80  }
0x102: {  	[spmem:s3] =	stream.indirect.scatter.add.f32 [tilespmem:s1], [sflag:$0x8], $0x80, s26, s17, $0xb8;
	[tilespmem:$0x1D500] =	vst v63  }
0x103: {  	s1 =	simm.s32 @p1 $0x8  }
0x104: {  	_ =	swait.ge @p1 [sflag:s1], $0x1400  }
0x105: {  	[sflag:s1] =	ssyncset.done @p1 $0x0  }
0x106: {  	[sflag:s1] =	ssyncadd.s32 @p1 $0xFFFFEC00;
	s1 =	simm.s32 @!p1 $0x2880  }
0x107: {  	[spmem:s4] =	stream.indirect.scatter.add.f32 @!p1 [tilespmem:s21], [sflag:$0xD], $0x1, s1, s20, $0xb8;
	[tilespmem:$0x1D500] =	vst v63  }
0x108: {  	s1 =	simm.s32 @!p1 $0x8  }
0x109: {  	_ =	swait.ge @!p1 [sflag:s1], $0x1400  }
0x10a: {  	[sflag:s1] =	ssyncset.done @!p1 $0x0  }
0x10b: {  	[sflag:s1] =	ssyncadd.s32 @!p1 $0xFFFFEC00;
	s1 =	simm.s32 @!p1 $0xD  }
0x10c: {  	_ =	swait.ge @!p1 [sflag:s1], $0x28  }
0x10d: {  	[sflag:s1] =	ssyncset.done @!p1 $0x0  }
0x10e: {  	s26 =	simm.s32 @!p2 $0x5380;
	[sflag:s1] =	ssyncadd.s32 @!p1 $0xFFFFFFD8;
	s1 =	sadd.s32 @!p2 $0xFFFFFFB0, s5  }
0x10f: {  	[tilespmem:s26], [sflag:$0x3] =	stream.indirect.gather @!p2 [hbm4b:s6+s24], $0x80, s1, s24, $0xb8;
	[tilespmem:$0x1D500] =	vst v63  }
0x110: {  	s1 =	sadd.s32 @!p2 $0x380, s10  }
0x111: {  	s26 =	sand.u32 @!p2 $0x1FC00, s1  }
0x112: {  	s1 =	sand.u32 @!p2 $0x380, s1;
	s26 =	sadd.s32 @!p2 s9, s26  }
0x113: {  	s1 =	sor.u32 @!p2 s1, s26  }
0x114: {  	s1 =	sshrl.u32 @!p2 s1, $0x3  }
0x115: {  	s26 =	simm.s32 @!p2 $0x2880;
	s1 =	sadd.s32 @!p2 s8, s1  }
0x116: {  	[tilespmem:s26], [sflag:$0x12] =	stream.linear.gather @!p2 [hbm4b:s1+s25], $0x80, $0x38;
	[tilespmem:$0x1D500] =	vst v63  }
0x117: {  	_ =	swait.ge [sflag:s23], $0x1400  }
0x118: {  	[sflag:s23] =	ssyncset.done $0x0  }
0x119: {  	[sflag:s23] =	ssyncadd.s32 $0xFFFFEC00  }
0x11a: {  	_ =	swait.ge [sflag:s22], $0x80  }
0x11b: {  	[sflag:s22] =	ssyncset.done $0x0  }
0x11c: {  	s1 =	simm.s32 $0x6780;
	s26 =	simm.s32 $0x2900;
	[sflag:s22] =	ssyncadd.s32 $0xFFFFFF80  }
0x11d: {  	[spmem:s3] =	stream.indirect.scatter.add.f32 [tilespmem:s1], [sflag:$0x9], $0x80, s26, s17, $0xb8;
	[tilespmem:$0x1D500] =	vst v63  }
0x11e: {  	s1 =	simm.s32 @p1 $0x9  }
0x11f: {  	_ =	swait.ge @p1 [sflag:s1], $0x1400  }
0x120: {  	[sflag:s1] =	ssyncset.done @p1 $0x0  }
0x121: {  	[sflag:s1] =	ssyncadd.s32 @p1 $0xFFFFEC00;
	s1 =	simm.s32 @!p1 $0x2900  }
0x122: {  	[spmem:s4] =	stream.indirect.scatter.add.f32 @!p1 [tilespmem:s21], [sflag:$0xE], $0x1, s1, s20, $0xb8;
	[tilespmem:$0x1D500] =	vst v63  }
0x123: {  	s1 =	simm.s32 @!p1 $0x9  }
0x124: {  	_ =	swait.ge @!p1 [sflag:s1], $0x1400  }
0x125: {  	[sflag:s1] =	ssyncset.done @!p1 $0x0  }
0x126: {  	[sflag:s1] =	ssyncadd.s32 @!p1 $0xFFFFEC00;
	s1 =	simm.s32 @!p1 $0xE  }
0x127: {  	_ =	swait.ge @!p1 [sflag:s1], $0x28  }
0x128: {  	[sflag:s1] =	ssyncset.done @!p1 $0x0  }
0x129: {  	s26 =	simm.s32 @!p2 $0x6780;
	[sflag:s1] =	ssyncadd.s32 @!p1 $0xFFFFFFD8;
	s1 =	sadd.s32 @!p2 $0xFFFFFFD8, s5  }
0x12a: {  	[tilespmem:s26], [sflag:$0x4] =	stream.indirect.gather @!p2 [hbm4b:s6+s24], $0x80, s1, s24, $0xb8;
	[tilespmem:$0x1D500] =	vst v63  }
0x12b: {  	s1 =	sadd.s32 @!p2 $0x400, s10  }
0x12c: {  	s1 =	sand.u32 @!p2 $0x1FC00, s1  }
0x12d: {  	s26 =	sand.u32 @!p2 $0x380, s10;
	s1 =	sadd.s32 @!p2 s9, s1  }
0x12e: {  	s1 =	sor.u32 @!p2 s26, s1  }
0x12f: {  	s1 =	sshrl.u32 @!p2 s1, $0x3  }
0x130: {  	s26 =	simm.s32 @!p2 $0x2900;
	s1 =	sadd.s32 @!p2 s8, s1  }
0x131: {  	[tilespmem:s26], [sflag:$0x13] =	stream.linear.gather @!p2 [hbm4b:s1+s25], $0x80, $0x38;
	[tilespmem:$0x1D500] =	vst v63  }
0x132: {  	_ =	swait.ge [sflag:s12], $0x1400  }
0x133: {  	[sflag:s12] =	ssyncset.done $0x0  }
0x134: {  	[sflag:s12] =	ssyncadd.s32 $0xFFFFEC00  }
0x135: {  	_ =	swait.ge [sflag:s2], $0x80  }
0x136: {  	[sflag:s2] =	ssyncset.done $0x0  }
0x137: {  	s1 =	simm.s32 @p1 $0xA;
	[sflag:s2] =	ssyncadd.s32 $0xFFFFFF80  }
0x138: {  	[spmem:s3] =	stream.indirect.scatter.add.f32 [tilespmem:s28], [sflag:$0xA], $0x80, s29, s17, $0xb8;
	[tilespmem:$0x1D500] =	vst v63  }
0x139: {  	_ =	swait.ge @p1 [sflag:s1], $0x1400  }
0x13a: {  	[sflag:s1] =	ssyncset.done @p1 $0x0  }
0x13b: {  	[sflag:s1] =	ssyncadd.s32 @p1 $0xFFFFEC00;
	s1 =	simm.s32 @!p1 $0x2980  }
0x13c: {  	[spmem:s4] =	stream.indirect.scatter.add.f32 @!p1 [tilespmem:s21], [sflag:$0xF], $0x1, s1, s20, $0xb8;
	[tilespmem:$0x1D500] =	vst v63  }
0x13d: {  	s1 =	simm.s32 @!p1 $0xA  }
0x13e: {  	_ =	swait.ge @!p1 [sflag:s1], $0x1400  }
0x13f: {  	[sflag:s1] =	ssyncset.done @!p1 $0x0  }
0x140: {  	[sflag:s1] =	ssyncadd.s32 @!p1 $0xFFFFEC00;
	s1 =	simm.s32 @!p1 $0xF  }
0x141: {  	_ =	swait.ge @!p1 [sflag:s1], $0x28  }
0x142: {  	[sflag:s1] =	ssyncset.done @!p1 $0x0  }
0x143: {  	[sflag:s1] =	ssyncadd.s32 @!p1 $0xFFFFFFD8;
	s1 =	simm.s32 @!p2 $0x7B80  }
0x144: {  	[tilespmem:s1], [sflag:$0x5] =	stream.indirect.gather @!p2 [hbm4b:s6+s24], $0x80, s5, s24, $0xb8;
	[tilespmem:$0x1D500] =	vst v63  }
0x145: {  	s1 =	sadd.s32 @!p2 $0x480, s10;
	s10 =	sadd.s32 $0x280, s10  }
0x146: {  	s20 =	sand.u32 @!p2 $0x1FC00, s1;
	p1 =	seq.s32 s10, $0x7D00  }
.Ltmp5:
0x147: {  	s1 =	sand.u32 @!p2 $0x380, s1;
	s20 =	sadd.s32 @!p2 s9, s20;
	(pc) =	sbr.rel @p1 .LBB2_10-.Ltmp5, $4  }
0x148: {  	s1 =	sor.u32 @!p2 s1, s20  }
0x149: {  	s19 =	sadd.s32 $0x1, s19;
	s1 =	sshrl.u32 @!p2 s1, $0x3  }
0x14a: {  	s5 =	sadd.s32 $0xC8, s5;
	s20 =	simm.s32 @!p2 $0x2980;
	s1 =	sadd.s32 @!p2 s8, s1  }
0x14b: {  	[tilespmem:s20], [sflag:$0x14] =	stream.linear.gather @!p2 [hbm4b:s1+s25], $0x80, $0x38;
	[tilespmem:$0x1D500] =	vst v63  }
.LBB2_5:
0x14c: {  	_ =	swait.ge [sflag:s30], $0x1400  }
0x14d: {  	p1 =	sgt.u32 s19, $0x18;
	[sflag:s30] =	ssyncset.done $0x0  }
.Ltmp6:
0x14e: {  	[sflag:s30] =	ssyncadd.s32 $0xFFFFEC00;
	(pc) =	sbr.rel @!p1 .LBB2_6-.Ltmp6, $4  }
0x14f: {  	_ =	swait.ge [sflag:s31], $0x80  }
0x150: {  	[sflag:s31] =	ssyncset.done $0x0  }
0x151: {  	[sflag:s31] =	ssyncadd.s32 $0xFFFFFF80  }
0x152: {  	[spmem:s3] =	stream.indirect.scatter.add.f32 [tilespmem:s15], [sflag:$0x6], $0x80, s18, s17, $0xb8;
	[tilespmem:$0x1D500] =	vst v63  }
0x153: {  	p3 =	seq.s32 s10, $0x7A80  }
.Ltmp7:
0x154: {  	_ = 	snop;
	(pc) =	sbr.rel @p3 .LBB2_9-.Ltmp7, $4  }
.Ltmp8:
0x155: {  	s1 =	simm.s32 $0x6;
	(pc) =	sbr.rel @!p3 .LBB2_8-.Ltmp8, $4  }
0x156: {  	_ =	swait.ge [sflag:s1], $0x1400  }
0x157: {  	[sflag:s1] =	ssyncset.done $0x0  }
0x158: {  	p2 =	por $0x1, $0x1;
	s24 =	simm.s32 $0x3F80;
	[sflag:s1] =	ssyncadd.s32 $0xFFFFEC00  }
0x159: {  	_ = 	snop  }
.LBB2_11:
0x15a: {  	[tilespmem:s15], [sflag:$0x1] =	stream.indirect.gather [hbm4b:s7+s17], $0x80, s10, s17, $0xb8;
	[tilespmem:$0x1D500] =	vst v63  }
0x15b: {  	s1 =	rddreg [dreg:$0x13]  }
0x15c: {  	[tilespmem:s18], [sflag:$0x10] =	stream.linear.gather [hbm4b:s1+s10], $0x80, $0x38;
	[tilespmem:$0x1D500] =	vst v63  }
0x15d: {  	_ = 	snop  }
0x15e: {  	[tilespmem:s26], [sflag:$0x2] =	stream.indirect.gather [hbm4b:s7+s17], $0x80, s17, s17, $0xb8;
	[tilespmem:$0x1D500] =	vst v63  }
0x15f: {  	s19 =	rddreg [dreg:$0x1d];
	s5 =	simm.s32 $0x2800  }
0x160: {  	[tilespmem:s5], [sflag:$0x11] =	stream.linear.gather [hbm4b:s19+s10], $0x80, $0x38;
	[tilespmem:$0x1D500] =	vst v63  }
0x161: {  	s20 =	simm.s32 $0x50;
	s21 =	simm.s32 $0x5380  }
0x162: {  	[tilespmem:s21], [sflag:$0x3] =	stream.indirect.gather [hbm4b:s7+s17], $0x80, s20, s17, $0xb8;
	[tilespmem:$0x1D500] =	vst v63  }
0x163: {  	s24 =	rddreg [dreg:$0x1e];
	s25 =	simm.s32 $0x2880  }
0x164: {  	[tilespmem:s25], [sflag:$0x12] =	stream.linear.gather [hbm4b:s24+s10], $0x80, $0x38;
	[tilespmem:$0x1D500] =	vst v63  }
0x165: {  	s5 =	simm.s32 $0x78;
	s19 =	simm.s32 $0x6780  }
0x166: {  	[tilespmem:s19], [sflag:$0x4] =	stream.indirect.gather [hbm4b:s7+s17], $0x80, s5, s17, $0xb8;
	[tilespmem:$0x1D500] =	vst v63  }
0x167: {  	s20 =	rddreg [dreg:$0x1f];
	s21 =	simm.s32 $0x2900  }
0x168: {  	[tilespmem:s21], [sflag:$0x13] =	stream.linear.gather [hbm4b:s20+s10], $0x80, $0x38;
	[tilespmem:$0x1D500] =	vst v63  }
0x169: {  	s24 =	simm.s32 $0xA0;
	s25 =	sld [smem:$0x7FC]  }
0x16a: {  	[tilespmem:s28], [sflag:$0x5] =	stream.indirect.gather [hbm4b:s7+s17], $0x80, s24, s17, $0xb8;
	[tilespmem:$0x1D500] =	vst v63  }
0x16b: {  	s5 =	simm.s32 $0xFFFFFF86;
	s19 =	simm.s32 $0x168  }
0x16c: {  	[tilespmem:s29], [sflag:$0x14] =	stream.linear.gather [hbm4b:s25+s10], $0x80, $0x38;
	[tilespmem:$0x1D500] =	vst v63  }
.LBB2_12:
0x16d: {  	_ =	swait.ge [sflag:s30], $0x1400  }
0x16e: {  	[sflag:s30] =	ssyncset.done $0x0  }
0x16f: {  	[sflag:s30] =	ssyncadd.s32 $0xFFFFEC00  }
0x170: {  	s1 =	sadd.s32 $0xFFFFFFFD, s5;
	_ =	swait.ge [sflag:s31], $0x80  }
0x171: {  	p1 =	sgt.u32 s1, $0x7C;
	[sflag:s31] =	ssyncset.done $0x0  }
0x172: {  	s1 =	simm.s32 @p1 $0x6;
	[sflag:s31] =	ssyncadd.s32 $0xFFFFFF80  }
0x173: {  	[spmem:s3] =	stream.indirect.scatter.add.f32 [tilespmem:s15], [sflag:$0x6], $0x80, s18, s17, $0xb8;
	[tilespmem:$0x1D500] =	vst v63  }
0x174: {  	_ =	swait.ge @p1 [sflag:s1], $0x1400  }
0x175: {  	s20 =	simm.s32 @!p1 $0x2780;
	[sflag:s1] =	ssyncset.done @p1 $0x0  }
0x176: {  	s21 =	simm.s32 @!p1 $0x8F80;
	[sflag:s1] =	ssyncadd.s32 @p1 $0xFFFFEC00;
	s1 =	simm.s32 @!p1 $0x28  }
0x177: {  	[spmem:s4] =	stream.indirect.scatter.add.f32 @!p1 [tilespmem:s21], [sflag:$0xB], $0x1, s20, s1, $0xb8;
	[tilespmem:$0x1D500] =	vst v63  }
0x178: {  	s1 =	simm.s32 @!p1 $0x6  }
0x179: {  	_ =	swait.ge @!p1 [sflag:s1], $0x1400  }
0x17a: {  	[sflag:s1] =	ssyncset.done @!p1 $0x0  }
0x17b: {  	[sflag:s1] =	ssyncadd.s32 @!p1 $0xFFFFEC00;
	s1 =	simm.s32 @!p1 $0xB  }
0x17c: {  	_ =	swait.ge @!p1 [sflag:s1], $0x28  }
0x17d: {  	[sflag:s1] =	ssyncset.done @!p1 $0x0  }
0x17e: {  	[sflag:s1] =	ssyncadd.s32 @!p1 $0xFFFFFFD8;
	p1 =	seq.s32 s10, $0x7A80  }
0x17f: {  	s1 =	sadd.s32 @!p1 $0xFFFFFF60, s19;
	s20 =	simm.s32 @!p1 $0x28;
	s21 =	simm.s32 @!p1 $0x2B80  }
0x180: {  	[tilespmem:s21], [sflag:$0x1] =	stream.indirect.gather @!p1 [hbm4b:s7+s20], $0x80, s1, s20, $0xb8;
	[tilespmem:$0x1D500] =	vst v63  }
0x181: {  	s1 =	sadd.s32 @!p1 $0x280, s10  }
0x182: {  	s21 =	sand.u32 @!p1 $0x1FC00, s1  }
0x183: {  	s1 =	sand.u32 @!p1 $0x380, s1;
	s21 =	sadd.s32 @!p1 s9, s21  }
0x184: {  	s1 =	sor.u32 @!p1 s1, s21  }
0x185: {  	s1 =	sshrl.u32 @!p1 s1, $0x3  }
0x186: {  	s24 =	simm.s32 @!p1 $0x2780;
	s21 =	simm.s32 @!p1 $0x0;
	s1 =	sadd.s32 @!p1 s8, s1  }
0x187: {  	[tilespmem:s24], [sflag:$0x10] =	stream.linear.gather @!p1 [hbm4b:s1+s21], $0x80, $0x38;
	[tilespmem:$0x1D500] =	vst v63  }
0x188: {  	_ =	swait.ge [sflag:s11], $0x1400  }
0x189: {  	[sflag:s11] =	ssyncset.done $0x0  }
0x18a: {  	[sflag:s11] =	ssyncadd.s32 $0xFFFFEC00  }
0x18b: {  	s25 =	sadd.s32 $0xFFFFFFFE, s5;
	_ =	swait.ge [sflag:s0], $0x80  }
0x18c: {  	p2 =	sgt.u32 s25, $0x7C;
	[sflag:s0] =	ssyncset.done $0x0  }
0x18d: {  	s24 =	simm.s32 $0x2800;
	s1 =	simm.s32 @p2 $0x7;
	[sflag:s0] =	ssyncadd.s32 $0xFFFFFF80  }
0x18e: {  	[spmem:s3] =	stream.indirect.scatter.add.f32 [tilespmem:s26], [sflag:$0x7], $0x80, s24, s17, $0xb8;
	[tilespmem:$0x1D500] =	vst v63  }
0x18f: {  	_ =	swait.ge @p2 [sflag:s1], $0x1400  }
0x190: {  	s25 =	simm.s32 @!p2 $0x8F80;
	[sflag:s1] =	ssyncset.done @p2 $0x0  }
0x191: {  	s24 =	simm.s32 @!p2 $0x2800;
	[sflag:s1] =	ssyncadd.s32 @p2 $0xFFFFEC00;
	s1 =	simm.s32 @!p2 $0x28  }
0x192: {  	[spmem:s4] =	stream.indirect.scatter.add.f32 @!p2 [tilespmem:s25], [sflag:$0xC], $0x1, s24, s1, $0xb8;
	[tilespmem:$0x1D500] =	vst v63  }
0x193: {  	s1 =	simm.s32 @!p2 $0x7  }
0x194: {  	_ =	swait.ge @!p2 [sflag:s1], $0x1400  }
0x195: {  	[sflag:s1] =	ssyncset.done @!p2 $0x0  }
0x196: {  	[sflag:s1] =	ssyncadd.s32 @!p2 $0xFFFFEC00;
	s1 =	simm.s32 @!p2 $0xC  }
0x197: {  	_ =	swait.ge @!p2 [sflag:s1], $0x28  }
0x198: {  	[sflag:s1] =	ssyncset.done @!p2 $0x0  }
0x199: {  	s24 =	simm.s32 @!p1 $0x3F80;
	[sflag:s1] =	ssyncadd.s32 @!p2 $0xFFFFFFD8;
	s1 =	sadd.s32 @!p1 $0xFFFFFF88, s19  }
0x19a: {  	[tilespmem:s24], [sflag:$0x2] =	stream.indirect.gather @!p1 [hbm4b:s7+s20], $0x80, s1, s20, $0xb8;
	[tilespmem:$0x1D500] =	vst v63  }
0x19b: {  	s1 =	sadd.s32 @!p1 $0x300, s10  }
0x19c: {  	s24 =	sand.u32 @!p1 $0x1FC00, s1  }
0x19d: {  	s1 =	sand.u32 @!p1 $0x380, s1;
	s24 =	sadd.s32 @!p1 s9, s24  }
0x19e: {  	s1 =	sor.u32 @!p1 s1, s24  }
0x19f: {  	s1 =	sshrl.u32 @!p1 s1, $0x3  }
0x1a0: {  	s24 =	simm.s32 @!p1 $0x2800;
	s1 =	sadd.s32 @!p1 s8, s1  }
0x1a1: {  	[tilespmem:s24], [sflag:$0x11] =	stream.linear.gather @!p1 [hbm4b:s1+s21], $0x80, $0x38;
	[tilespmem:$0x1D500] =	vst v63  }
0x1a2: {  	_ =	swait.ge [sflag:s13], $0x1400  }
0x1a3: {  	[sflag:s13] =	ssyncset.done $0x0  }
0x1a4: {  	[sflag:s13] =	ssyncadd.s32 $0xFFFFEC00  }
0x1a5: {  	_ =	swait.ge [sflag:s14], $0x80  }
0x1a6: {  	[sflag:s14] =	ssyncset.done $0x0  }
0x1a7: {  	s25 =	simm.s32 $0x2880;
	s24 =	simm.s32 $0x5380;
	[sflag:s14] =	ssyncadd.s32 $0xFFFFFF80  }
0x1a8: {  	[spmem:s3] =	stream.indirect.scatter.add.f32 [tilespmem:s24], [sflag:$0x8], $0x80, s25, s17, $0xb8;
	[tilespmem:$0x1D500] =	vst v63  }
0x1a9: {  	s25 =	sadd.s32 $0xFFFFFFFF, s5  }
0x1aa: {  	p2 =	sgt.u32 s25, $0x7C  }
0x1ab: {  	s1 =	simm.s32 @p2 $0x8  }
0x1ac: {  	_ =	swait.ge @p2 [sflag:s1], $0x1400  }
0x1ad: {  	s24 =	simm.s32 @!p2 $0x2880;
	[sflag:s1] =	ssyncset.done @p2 $0x0  }
0x1ae: {  	s25 =	simm.s32 @!p2 $0x8F80;
	[sflag:s1] =	ssyncadd.s32 @p2 $0xFFFFEC00;
	s1 =	simm.s32 @!p2 $0x28  }
0x1af: {  	[spmem:s4] =	stream.indirect.scatter.add.f32 @!p2 [tilespmem:s25], [sflag:$0xD], $0x1, s24, s1, $0xb8;
	[tilespmem:$0x1D500] =	vst v63  }
0x1b0: {  	s1 =	simm.s32 @!p2 $0x8  }
0x1b1: {  	_ =	swait.ge @!p2 [sflag:s1], $0x1400  }
0x1b2: {  	[sflag:s1] =	ssyncset.done @!p2 $0x0  }
0x1b3: {  	[sflag:s1] =	ssyncadd.s32 @!p2 $0xFFFFEC00;
	s1 =	simm.s32 @!p2 $0xD  }
0x1b4: {  	_ =	swait.ge @!p2 [sflag:s1], $0x28  }
0x1b5: {  	[sflag:s1] =	ssyncset.done @!p2 $0x0  }
0x1b6: {  	s24 =	simm.s32 @!p1 $0x5380;
	[sflag:s1] =	ssyncadd.s32 @!p2 $0xFFFFFFD8;
	s1 =	sadd.s32 @!p1 $0xFFFFFFB0, s19  }
0x1b7: {  	[tilespmem:s24], [sflag:$0x3] =	stream.indirect.gather @!p1 [hbm4b:s7+s20], $0x80, s1, s20, $0xb8;
	[tilespmem:$0x1D500] =	vst v63  }
0x1b8: {  	s1 =	sadd.s32 @!p1 $0x380, s10  }
0x1b9: {  	s24 =	sand.u32 @!p1 $0x1FC00, s1  }
0x1ba: {  	s1 =	sand.u32 @!p1 $0x380, s1;
	s24 =	sadd.s32 @!p1 s9, s24  }
0x1bb: {  	s1 =	sor.u32 @!p1 s1, s24  }
0x1bc: {  	s1 =	sshrl.u32 @!p1 s1, $0x3  }
0x1bd: {  	s24 =	simm.s32 @!p1 $0x2880;
	s1 =	sadd.s32 @!p1 s8, s1  }
0x1be: {  	[tilespmem:s24], [sflag:$0x12] =	stream.linear.gather @!p1 [hbm4b:s1+s21], $0x80, $0x38;
	[tilespmem:$0x1D500] =	vst v63  }
0x1bf: {  	_ =	swait.ge [sflag:s23], $0x1400  }
0x1c0: {  	[sflag:s23] =	ssyncset.done $0x0  }
0x1c1: {  	[sflag:s23] =	ssyncadd.s32 $0xFFFFEC00  }
0x1c2: {  	_ =	swait.ge [sflag:s22], $0x80  }
0x1c3: {  	s25 =	simm.s32 $0x2900;
	p2 =	sgt.u32 s5, $0x7C;
	[sflag:s22] =	ssyncset.done $0x0  }
0x1c4: {  	s24 =	simm.s32 $0x6780;
	s1 =	simm.s32 @p2 $0x9;
	[sflag:s22] =	ssyncadd.s32 $0xFFFFFF80  }
0x1c5: {  	[spmem:s3] =	stream.indirect.scatter.add.f32 [tilespmem:s24], [sflag:$0x9], $0x80, s25, s17, $0xb8;
	[tilespmem:$0x1D500] =	vst v63  }
0x1c6: {  	_ =	swait.ge @p2 [sflag:s1], $0x1400  }
0x1c7: {  	s24 =	simm.s32 @!p2 $0x2900;
	[sflag:s1] =	ssyncset.done @p2 $0x0  }
0x1c8: {  	s25 =	simm.s32 @!p2 $0x8F80;
	[sflag:s1] =	ssyncadd.s32 @p2 $0xFFFFEC00;
	s1 =	simm.s32 @!p2 $0x28  }
0x1c9: {  	[spmem:s4] =	stream.indirect.scatter.add.f32 @!p2 [tilespmem:s25], [sflag:$0xE], $0x1, s24, s1, $0xb8;
	[tilespmem:$0x1D500] =	vst v63  }
0x1ca: {  	s1 =	simm.s32 @!p2 $0x9  }
0x1cb: {  	_ =	swait.ge @!p2 [sflag:s1], $0x1400  }
0x1cc: {  	[sflag:s1] =	ssyncset.done @!p2 $0x0  }
0x1cd: {  	[sflag:s1] =	ssyncadd.s32 @!p2 $0xFFFFEC00;
	s1 =	simm.s32 @!p2 $0xE  }
0x1ce: {  	_ =	swait.ge @!p2 [sflag:s1], $0x28  }
0x1cf: {  	[sflag:s1] =	ssyncset.done @!p2 $0x0  }
0x1d0: {  	s24 =	simm.s32 @!p1 $0x6780;
	[sflag:s1] =	ssyncadd.s32 @!p2 $0xFFFFFFD8;
	s1 =	sadd.s32 @!p1 $0xFFFFFFD8, s19  }
0x1d1: {  	[tilespmem:s24], [sflag:$0x4] =	stream.indirect.gather @!p1 [hbm4b:s7+s20], $0x80, s1, s20, $0xb8;
	[tilespmem:$0x1D500] =	vst v63  }
0x1d2: {  	s1 =	sadd.s32 @!p1 $0x400, s10  }
0x1d3: {  	s1 =	sand.u32 @!p1 $0x1FC00, s1  }
0x1d4: {  	s20 =	sand.u32 @!p1 $0x380, s10;
	s1 =	sadd.s32 @!p1 s9, s1  }
0x1d5: {  	s1 =	sor.u32 @!p1 s20, s1  }
0x1d6: {  	s1 =	sshrl.u32 @!p1 s1, $0x3  }
0x1d7: {  	s20 =	simm.s32 @!p1 $0x2900;
	s1 =	sadd.s32 @!p1 s8, s1  }
0x1d8: {  	[tilespmem:s20], [sflag:$0x13] =	stream.linear.gather @!p1 [hbm4b:s1+s21], $0x80, $0x38;
	[tilespmem:$0x1D500] =	vst v63  }
0x1d9: {  	_ =	swait.ge [sflag:s12], $0x1400  }
0x1da: {  	[sflag:s12] =	ssyncset.done $0x0  }
0x1db: {  	[sflag:s12] =	ssyncadd.s32 $0xFFFFEC00  }
0x1dc: {  	s25 =	sadd.s32 $0x1, s5;
	_ =	swait.ge [sflag:s2], $0x80  }
0x1dd: {  	p2 =	sgt.u32 s25, $0x7C;
	[sflag:s2] =	ssyncset.done $0x0  }
0x1de: {  	s1 =	simm.s32 @p2 $0xA;
	[sflag:s2] =	ssyncadd.s32 $0xFFFFFF80  }
0x1df: {  	[spmem:s3] =	stream.indirect.scatter.add.f32 [tilespmem:s28], [sflag:$0xA], $0x80, s29, s17, $0xb8;
	[tilespmem:$0x1D500] =	vst v63  }
0x1e0: {  	_ =	swait.ge @p2 [sflag:s1], $0x1400  }
0x1e1: {  	s20 =	simm.s32 @!p2 $0x2980;
	[sflag:s1] =	ssyncset.done @p2 $0x0  }
0x1e2: {  	s21 =	simm.s32 @!p2 $0x8F80;
	[sflag:s1] =	ssyncadd.s32 @p2 $0xFFFFEC00;
	s1 =	simm.s32 @!p2 $0x28  }
0x1e3: {  	[spmem:s4] =	stream.indirect.scatter.add.f32 @!p2 [tilespmem:s21], [sflag:$0xF], $0x1, s20, s1, $0xb8;
	[tilespmem:$0x1D500] =	vst v63  }
0x1e4: {  	s1 =	simm.s32 @!p2 $0xA  }
0x1e5: {  	_ =	swait.ge @!p2 [sflag:s1], $0x1400  }
.Ltmp9:
0x1e6: {  	[sflag:s1] =	ssyncset.done @!p2 $0x0;
	(pc) =	sbr.rel @p1 .LBB2_13-.Ltmp9, $4  }
0x1e7: {  	[sflag:s1] =	ssyncadd.s32 @!p2 $0xFFFFEC00;
	s1 =	simm.s32 @!p2 $0xF  }
0x1e8: {  	_ =	swait.ge @!p2 [sflag:s1], $0x28  }
0x1e9: {  	[sflag:s1] =	ssyncset.done @!p2 $0x0  }
0x1ea: {  	[sflag:s1] =	ssyncadd.s32 @!p2 $0xFFFFFFD8  }
0x1eb: {  	[tilespmem:s28], [sflag:$0x5] =	stream.indirect.gather [hbm4b:s7+s17], $0x80, s19, s17, $0xb8;
	[tilespmem:$0x1D500] =	vst v63  }
0x1ec: {  	s1 =	sadd.s32 $0x480, s10  }
0x1ed: {  	s20 =	sand.u32 $0x1FC00, s1  }
.Ltmp10:
0x1ee: {  	s1 =	sand.u32 $0x380, s1;
	s20 =	sadd.s32 s9, s20;
	(pc) =	sbr.rel .LBB2_12-.Ltmp10, $4  }
0x1ef: {  	s1 =	sor.u32 s1, s20  }
0x1f0: {  	s25 =	simm.s32 $0x0;
	s10 =	sadd.s32 $0x280, s10;
	s1 =	sshrl.u32 s1, $0x3  }
0x1f1: {  	s5 =	sadd.s32 $0x5, s5;
	s19 =	sadd.s32 $0xC8, s19;
	s1 =	sadd.s32 s8, s1  }
0x1f2: {  	[tilespmem:s29], [sflag:$0x14] =	stream.linear.gather [hbm4b:s1+s25], $0x80, $0x38;
	[tilespmem:$0x1D500] =	vst v63  }
.LBB2_10:
.Ltmp11:
0x1f3: {  	(pc) =	sbr.rel .LBB2_14-.Ltmp11, $4  }
0x1f4: {  	_ = 	snop  }
0x1f5: {  	s10 =	rddreg [dreg:$0x1]  }
0x1f6: {  	s5 =	rddreg [dreg:$0x6]  }
0x1f7: {  	s26 =	simm.s32 $0x3F80;
	s20 =	sld [smem:$0x7FB]  }
.LBB2_15:
0x1f8: {  	_ =	sfence.sel $0x180000  }
0x1f9: {  	[bflag:$0x0] =	sbarrier.arrive $0xFFFF  }
0x1fa: {  	_ =	strace $0x90000047  }
0x1fb: {  	s0 =	stileid.u32;
	[bflag:$0x2] =	sbarrier.arrive $0xFFFF  }
0x1fc: {  	p0 =	sne.s32 s0, $0x0;
	s0 =	rddreg [dreg:$0x4]  }
0x1fd: {  	s0 =	sadd.s32 @!p0 $0x100000, s0  }
0x1fe: {  	[sflag:s0] =	ssyncadd.tile.s32 @!p0 $0x1;
	_ =	shalt  }
.Lfunc_end2:
_tile_overlayer_lowered:
.L_overlay_start_2:
0x1ff: {  	(tag) =	ssettag $0x2  }
0x200: {  	s0 =	rddreg [dreg:$0x0];
	s2 =	stileid.u32  }
0x201: {  	s1 =	rddreg [dreg:$0x1];
	p0 =	sne.s32 s2, $0x0  }
0x202: {  	s3 =	rddreg [dreg:$0x2];
	[bflag:$0x3] =	sbarrier.arrive $0xFFFF;
	s2 =	simm.s32 @!p0 $0x1C15  }
0x203: {  	[timem:s3], [sflag:s2] =	dma.local @!p0 [hbm:s0], s1  }
0x204: {  	s0 =	simm.s32 @!p0 $0x15  }
0x205: {  	_ =	swait.ge @!p0 [sflag:s0], s1  }
0x206: {  	s1 =	ssub.s32 @!p0 $0x0, s1;
	[sflag:s0] =	ssyncset.done @!p0 $0x0  }
0x207: {  	[sflag:s0] =	ssyncadd.s32 @!p0 s1  }
0x208: {  	[bflag:$0x3] =	sbarrier.arrive $0xFFFF  }
0x209: {  	_ =	shalt  }

</sc_bundles>
